<compile_context>
chip_gen: v7x
topology: tpu7x:2x2x1
jax: 0.10.2.dev20260603
libtpu: 0.0.44.dev20260713+nightly
codegen_flags: <defaults>
</compile_context>

<pallas_src>
import functools

import jax
import jax.numpy as jnp
from jax import lax
from jax.experimental import pallas as pl
from jax.experimental.pallas import tpu as pltpu
from jax.experimental.pallas import tpu_sc as plsc

N = 20000
B = 16
NOBJ = 32
C = 81
THRESHOLD = 0.5
NEG_POS = 3
AS, AL = 160, 125
CHUNK, NCHUNK = 800, 25

def _match_kernel(db_ref, boxes_ref, labels_ref, locs_ref, tcls_ref, stats_ref,
                  iou_ref):
    dcx = db_ref[0]
    dcy = db_ref[1]
    dw = db_ref[2]
    dh = db_ref[3]
    dx0 = dcx - dw / 2.0
    dy0 = dcy - dh / 2.0
    dx1 = dcx + dw / 2.0
    dy1 = dcy + dh / 2.0
    darea = (dx1 - dx0) * (dy1 - dy0)

    row_ids = jax.lax.broadcasted_iota(jnp.int32, (AS, AL), 0)
    col_ids = jax.lax.broadcasted_iota(jnp.int32, (AS, AL), 1)
    aidx = row_ids * AL + col_ids

    best = jnp.full((AS, AL), -1.0, jnp.float32)
    besti = jnp.zeros((AS, AL), jnp.int32)
    for j in range(NOBJ):
        bx0 = boxes_ref[0, 0, j]
        by0 = boxes_ref[0, 1, j]
        bx1 = boxes_ref[0, 2, j]
        by1 = boxes_ref[0, 3, j]
        barea = (bx1 - bx0) * (by1 - by0)
        ix = jnp.maximum(jnp.minimum(bx1, dx1) - jnp.maximum(bx0, dx0), 0.0)
        iy = jnp.maximum(jnp.minimum(by1, dy1) - jnp.maximum(by0, dy0), 0.0)
        inter = ix * iy
        union = jnp.maximum(barea + darea - inter, 1e-10)
        iou = inter / union
        upd = iou > best
        besti = jnp.where(upd, j, besti)
        best = jnp.where(upd, iou, best)
        iou_ref[j] = iou

    iou_all = iou_ref[...]
    rowmax = jnp.max(iou_all, axis=(1, 2), keepdims=True)
    cand = jnp.where(iou_all == rowmax, aidx[None], N)
    dbj3 = jnp.min(cand, axis=(1, 2), keepdims=True)
    jidx = jax.lax.broadcasted_iota(jnp.int32, (NOBJ, 1, 1), 0)
    fcand = jnp.where(aidx[None] == dbj3, jidx, -1)
    fj = jnp.max(fcand, axis=0)
    o = jnp.where(fj >= 0, fj, besti)
    ovl = jnp.where(fj >= 0, 1.0, best)

    lab = jnp.zeros((AS, AL), jnp.int32)
    gx0 = jnp.zeros((AS, AL), jnp.float32)
    gy0 = jnp.zeros((AS, AL), jnp.float32)
    gx1 = jnp.zeros((AS, AL), jnp.float32)
    gy1 = jnp.zeros((AS, AL), jnp.float32)
    for j in range(NOBJ):
        m = o == j
        lab = jnp.where(m, labels_ref[0, 0, j], lab)
        gx0 = jnp.where(m, boxes_ref[0, 0, j], gx0)
        gy0 = jnp.where(m, boxes_ref[0, 1, j], gy0)
        gx1 = jnp.where(m, boxes_ref[0, 2, j], gx1)
        gy1 = jnp.where(m, boxes_ref[0, 3, j], gy1)
    lab = jnp.where(ovl < THRESHOLD, 0, lab)
    tcls_ref[0] = lab

    pos = lab != 0
    n_pos = jnp.sum(pos.astype(jnp.float32))

    cxt = (gx0 + gx1) / 2.0
    cyt = (gy0 + gy1) / 2.0
    wt = gx1 - gx0
    ht = gy1 - gy0
    g0 = (cxt - dcx) / (dw / 10.0)
    g1 = (cyt - dcy) / (dh / 10.0)
    g2 = jnp.log(jnp.maximum(wt / dw, 1e-8)) * 5.0
    g3 = jnp.log(jnp.maximum(ht / dh, 1e-8)) * 5.0
    sl = jnp.zeros((AS, AL), jnp.float32)
    for c, g in enumerate((g0, g1, g2, g3)):
        ad = jnp.abs(locs_ref[0, c] - g)
        sl = sl + jnp.where(ad < 1.0, 0.5 * ad * ad, ad - 0.5)
    loc_num = jnp.sum(jnp.where(pos, sl, 0.0))

    lane = jax.lax.broadcasted_iota(jnp.int32, (1, 128), 1)
    stats_ref[0] = jnp.where(lane == 0, n_pos, jnp.where(lane == 1, loc_num, 0.0))


def _ce_kernel(cls_ref, lab_ref, neg_ref, stats_ref):
    cls_iota = jax.lax.broadcasted_iota(jnp.int32, (CHUNK, C), 1)
    acc = jnp.float32(0.0)
    for i in range(NCHUNK):
        x = cls_ref[0, pl.ds(i * CHUNK, CHUNK), :]
        lab = lab_ref[0, :, i:i + 1]
        s = jnp.sum(jnp.exp(x), axis=1, keepdims=True)
        tgt = jnp.sum(jnp.where(cls_iota == lab, x, 0.0), axis=1, keepdims=True)
        ce = jnp.log(s) - tgt
        posm = lab != 0
        neg_ref[0, :, i:i + 1] = jnp.where(posm, 0.0, ce)
        acc = acc + jnp.sum(jnp.where(posm, ce, 0.0))
    lane = jax.lax.broadcasted_iota(jnp.int32, (1, 128), 1)
    stats_ref[0] = jnp.where(lane == 0, acc, 0.0)


def _sc_gather16(x, idx):
    return lax.gather(
        x, idx[:, None],
        lax.GatherDimensionNumbers(offset_dims=(), collapsed_slice_dims=(0,),
                                   start_index_map=(0,)),
        (1,), mode=lax.GatherScatterMode.PROMISE_IN_BOUNDS)


def _sc_mine(neg_hbm, stats_hbm, out_hbm, data_v, stats_v, pub_v, all_v, shared):
    c = lax.axis_index("c")
    s = lax.axis_index("s")
    lane = lax.iota(jnp.int32, 16)
    nchunk = N // 16

    def vtree(x, op):
        for kk in (8, 4, 2, 1):
            x = op(x, _sc_gather16(x, lane ^ kk))
        return x

    @pl.when(c == 0)
    def _work():
        pltpu.sync_copy(stats_hbm, stats_v)
        pltpu.sync_copy(neg_hbm.at[s], data_v)
        npos16 = stats_v[0]
        npos_w = vtree(jnp.where(lane == s, npos16, 0.0), jnp.add)
        k = jnp.minimum(jnp.float32(NEG_POS) * npos_w, jnp.float32(N))

        def cmax(i, acc):
            for u in range(25):
                acc = jnp.maximum(acc, data_v[pl.ds(i * 400 + u * 16, 16)])
            return acc

        vmax = vtree(lax.fori_loop(0, nchunk // 25, cmax,
                                   jnp.zeros((16,), jnp.float32)), jnp.maximum)

        def count_ge(mid):
            def chunk(i, acc):
                for u in range(25):
                    acc = acc + jnp.where(
                        data_v[pl.ds(i * 400 + u * 16, 16)] >= mid, 1.0, 0.0)
                return acc
            return vtree(lax.fori_loop(0, nchunk // 25, chunk,
                                       jnp.zeros((16,), jnp.float32)), jnp.add)

        def step(_, carry):
            lo, hi = carry
            mid = 0.5 * (lo + hi)
            good = count_ge(mid) >= k
            return jnp.where(good, mid, lo), jnp.where(good, hi, mid)

        t, _ = lax.fori_loop(0, 31, step,
                             (jnp.zeros((16,), jnp.float32), vmax))

        def chunk2(i, carry):
            sa, ma = carry
            for u in range(25):
                v = data_v[pl.ds(i * 400 + u * 16, 16)]
                gt = v > t
                sa = sa + jnp.where(gt, v, 0.0)
                ma = ma + jnp.where(gt, 1.0, 0.0)
            return sa, ma

        sa, ma = lax.fori_loop(0, nchunk // 25, chunk2,
                               (jnp.zeros((16,), jnp.float32),
                                jnp.zeros((16,), jnp.float32)))
        m = vtree(ma, jnp.add)
        stot = vtree(sa, jnp.add)
        hard = jnp.where(k > 0, stot + (k - m) * t, 0.0)
        pub_v[...] = jnp.where(lane == s, hard, 0.0)
        pltpu.sync_copy(pub_v, shared.at[s])

    plsc.subcore_barrier()

    @pl.when((c == 0) & (s == 0))
    def _agg():
        pltpu.sync_copy(shared, all_v)
        h16 = jnp.zeros((16,), jnp.float32)
        for i in range(16):
            h16 = h16 + all_v[i]
        npos_tot = vtree(stats_v[0], jnp.add)
        loc_num = vtree(stats_v[1], jnp.add)
        conf_pos = vtree(stats_v[2], jnp.add)
        hard_tot = vtree(h16, jnp.add)
        loc_loss = loc_num / jnp.maximum(4.0 * npos_tot, 1.0)
        conf_loss = (hard_tot + conf_pos) / jnp.maximum(npos_tot, 1.0)
        pub_v[...] = jnp.where(lane == 0, loc_loss,
                               jnp.where(lane == 1, conf_loss, 0.0))
        pltpu.sync_copy(pub_v, out_hbm)


@functools.cache
def _sc_mine_call():
    return functools.partial(
        pl.kernel,
        out_type=jax.ShapeDtypeStruct((16,), jnp.float32),
        mesh=plsc.VectorSubcoreMesh(core_axis_name="c", subcore_axis_name="s"),
        scratch_types=[
            pltpu.VMEM((N,), jnp.float32),
            pltpu.VMEM((4, 16), jnp.float32),
            pltpu.VMEM((16,), jnp.float32),
            pltpu.VMEM((16, 16), jnp.float32),
            pltpu.HBM((16, 16), jnp.float32),
        ],
    )(_sc_mine)


@jax.jit
def kernel(locs_pred, cls_pred, boxes, labels, default_boxes):
    db3 = default_boxes.T.reshape(4, AS, AL)
    boxesT = boxes.transpose(0, 2, 1)
    labels3 = labels.reshape(B, 1, NOBJ)
    locsT = locs_pred.transpose(0, 2, 1).reshape(B, 4, AS, AL)

    tcls, stats1 = pl.pallas_call(
        _match_kernel,
        grid=(B,),
        in_specs=[
            pl.BlockSpec((4, AS, AL), lambda i: (0, 0, 0)),
            pl.BlockSpec((1, 4, NOBJ), lambda i: (i, 0, 0), memory_space=pltpu.SMEM),
            pl.BlockSpec((1, 1, NOBJ), lambda i: (i, 0, 0), memory_space=pltpu.SMEM),
            pl.BlockSpec((1, 4, AS, AL), lambda i: (i, 0, 0, 0)),
        ],
        out_specs=[
            pl.BlockSpec((1, AS, AL), lambda i: (i, 0, 0)),
            pl.BlockSpec((1, 1, 128), lambda i: (i, 0, 0)),
        ],
        out_shape=[
            jax.ShapeDtypeStruct((B, AS, AL), jnp.int32),
            jax.ShapeDtypeStruct((B, 1, 128), jnp.float32),
        ],
        scratch_shapes=[pltpu.VMEM((NOBJ, AS, AL), jnp.float32)],
    )(db3, boxesT, labels3, locsT)

    labT = tcls.reshape(B, NCHUNK, CHUNK).transpose(0, 2, 1)

    neg, stats2 = pl.pallas_call(
        _ce_kernel,
        grid=(B,),
        in_specs=[
            pl.BlockSpec((1, N, C), lambda i: (i, 0, 0)),
            pl.BlockSpec((1, CHUNK, NCHUNK), lambda i: (i, 0, 0)),
        ],
        out_specs=[
            pl.BlockSpec((1, CHUNK, NCHUNK), lambda i: (i, 0, 0)),
            pl.BlockSpec((1, 1, 128), lambda i: (i, 0, 0)),
        ],
        out_shape=[
            jax.ShapeDtypeStruct((B, CHUNK, NCHUNK), jnp.float32),
            jax.ShapeDtypeStruct((B, 1, 128), jnp.float32),
        ],
    )(cls_pred, labT)

    negd = neg.reshape(B, N)
    stats_sc = jnp.stack([
        stats1[:, 0, 0], stats1[:, 0, 1], stats2[:, 0, 0],
        jnp.zeros((B,), jnp.float32),
    ])

    out = _sc_mine_call()(negd, stats_sc)
    return (out[0], out[1])

# --- scband reference (transcript-rebuilt; emitter-appended) ---
"""Pipeline reference for scband-multi-box-loss-56676388438094 (READ-ONLY COPY).

The authoritative reference and input builder live on the scoring server;
editing this copy changes nothing except your own understanding.
"""

import jax, jax.numpy as jnp
import numpy as np

N_DEFAULT = 20000
THRESHOLD = 0.5
NEG_POS = 3
ALPHA = 1.0
NUM_CLASSES = 81


def cxcy_to_xy(c):
    return jnp.concatenate([c[:, :2] - c[:, 2:] / 2.0, c[:, :2] + c[:, 2:] / 2.0], axis=1)


def xy_to_cxcy(xy):
    return jnp.concatenate([(xy[:, :2] + xy[:, 2:]) / 2.0, xy[:, 2:] - xy[:, :2]], axis=1)


def encode_bboxes(cxcy, priors_cxcy):
    return jnp.concatenate([
        (cxcy[:, :2] - priors_cxcy[:, :2]) / (priors_cxcy[:, 2:] / 10.0),
        jnp.log(jnp.maximum(cxcy[:, 2:] / priors_cxcy[:, 2:], 1e-8)) * 5.0,
    ], axis=1)


def find_IoU(set1, set2):
    lo = jnp.maximum(set1[:, None, :2], set2[None, :, :2])
    hi = jnp.minimum(set1[:, None, 2:], set2[None, :, 2:])
    inter = jnp.prod(jnp.clip(hi - lo, 0.0, None), axis=2)
    area1 = jnp.prod(set1[:, 2:] - set1[:, :2], axis=1)
    area2 = jnp.prod(set2[:, 2:] - set2[:, :2], axis=1)
    union = area1[:, None] + area2[None, :] - inter
    return inter / jnp.maximum(union, 1e-10)


def setup_inputs(seed: int = 0) -> dict:
    key = jax.random.key(seed)
    kl, kc, kb1, kb2, klab, kd1, kd2 = jax.random.split(key, 7)
    B, N, NOBJ, C = 16, N_DEFAULT, 32, NUM_CLASSES
    locs_pred = jax.random.normal(kl, (B, N, 4), dtype=jnp.float32)
    cls_pred = jax.random.normal(kc, (B, N, C), dtype=jnp.float32)
    centers = jax.random.uniform(kb1, (B, NOBJ, 2), minval=0.2, maxval=0.8)
    sizes = jax.random.uniform(kb2, (B, NOBJ, 2), minval=0.05, maxval=0.3)
    boxes = jnp.concatenate([centers - sizes / 2.0, centers + sizes / 2.0], axis=2).astype(jnp.float32)
    labels = jax.random.randint(klab, (B, NOBJ), 0, C)
    dc = jax.random.uniform(kd1, (N, 2), minval=0.05, maxval=0.95)
    dwh = jax.random.uniform(kd2, (N, 2), minval=0.05, maxval=0.5)
    default_boxes = jnp.concatenate([dc, dwh], axis=1).astype(jnp.float32)
    return {"locs_pred": locs_pred, "cls_pred": cls_pred, "boxes": boxes, "labels": labels, "default_boxes": default_boxes}


def _per_image(boxes_i, labels_i, default_boxes):
    n_obj = boxes_i.shape[0]
    default_xy = cxcy_to_xy(default_boxes)
    overlap = find_IoU(boxes_i, default_xy)
    overlap_each_db = jnp.max(overlap, axis=0)
    object_each_db = jnp.argmax(overlap, axis=0)
    db_each_object = jnp.argmax(overlap, axis=1)
    object_each_db = object_each_db.at[db_each_object].set(jnp.arange(n_obj))
    overlap_each_db = overlap_each_db.at[db_each_object].set(1.0)
    label_each_db = labels_i[object_each_db]
    label_each_db = jnp.where(overlap_each_db < THRESHOLD, 0, label_each_db)
    t_locs = encode_bboxes(xy_to_cxcy(boxes_i[object_each_db]), default_boxes)
    return t_locs, label_each_db


def reference(locs_pred, cls_pred, boxes, labels, default_boxes):
    B, N, C = cls_pred.shape
    t_locs, t_cls = jax.vmap(_per_image, in_axes=(0, 0, None))(boxes, labels, default_boxes)
    pos = t_cls != 0
    n_pos = jnp.sum(pos, axis=1)
    diff = locs_pred - t_locs
    ad = jnp.abs(diff)
    sl1 = jnp.where(ad < 1.0, 0.5 * ad * ad, ad - 0.5)
    denom = jnp.maximum(jnp.sum(n_pos) * 4, 1).astype(jnp.float32)
    loc_loss = jnp.sum(sl1 * pos[..., None].astype(jnp.float32)) / denom
    ce = jax.nn.logsumexp(cls_pred, axis=2) - jnp.take_along_axis(cls_pred, t_cls[..., None], axis=2)[..., 0]
    conf_pos_sum = jnp.sum(jnp.where(pos, ce, 0.0))
    conf_neg = jnp.where(pos, 0.0, ce)
    conf_neg_sorted = jnp.sort(conf_neg, axis=1)[:, ::-1]
    n_hard = NEG_POS * n_pos
    hard_mask = jnp.arange(N)[None, :] < n_hard[:, None]
    conf_hard_sum = jnp.sum(jnp.where(hard_mask, conf_neg_sorted, 0.0))
    conf_loss = (conf_hard_sum + conf_pos_sum) / jnp.maximum(jnp.sum(n_pos), 1).astype(jnp.float32)
    return (ALPHA * loc_loss, conf_loss)

if __name__ == "__main__":
    import jax
    _d = setup_inputs()
    print(jax.jit(kernel)(*tuple(_d.values())))

</pallas_src>

<mosaic_0001>
#map = affine_map<(d0, d1) -> (0, 0)>
#map1 = affine_map<(d0, d1) -> (0)>
module attributes {stable_mosaic.version = 14 : i64} {
  func.func @_sc_mine(%arg0: i32, %arg1: i32, %arg2: memref<16x20000xf32, #tpu.memory_space<hbm>>, %arg3: memref<4x16xf32, #tpu.memory_space<hbm>>, %arg4: memref<16xf32, #tpu.memory_space<hbm>>, %arg5: memref<20000xf32, #tpu.memory_space<vmem>>, %arg6: memref<4x16xf32, #tpu.memory_space<vmem>>, %arg7: memref<16xf32, #tpu.memory_space<vmem>>, %arg8: memref<16x16xf32, #tpu.memory_space<vmem>>, %arg9: memref<16x16xf32, #tpu.memory_space<hbm>>) attributes {dimension_semantics = [#tpu.dimension_semantics<core_parallel>, #tpu.dimension_semantics<subcore_parallel>], iteration_bounds = array<i64: 2, 16>, scalar_prefetch = 0 : i64, scratch_operands = 5 : i64, tpu.core_type = #tpu.core_type<sc_vector_subcore>, window_params = [{transform_indices = #map}, {transform_indices = #map}, {transform_indices = #map1}]} {
    %iota3A = tpu.iota {dimensions = array<i32: 0>} : vector<16xi32>
    %eq3A = arith.constant 0 : i32
    %eq3A_0 = arith.cmpi eq, %arg0, %eq3A : i32
    %convert_element_type3A = arith.extui %eq3A_0 : i1 to i32
    %cond3A = arith.constant 0 : i32
    %cond3A_1 = arith.cmpi ne, %convert_element_type3A, %cond3A : i32
    scf.if %cond3A_1 {
      "tpu.region"() ({
        %run_scoped3A = tpu.sem_alloc : memref<!tpu.dma_semaphore, #tpu.memory_space<semaphore_mem>>
        tpu.enqueue_dma source(%arg3 : memref<4x16xf32, #tpu.memory_space<hbm>>) target(%arg6 : memref<4x16xf32, #tpu.memory_space<vmem>>) target_semaphore(%run_scoped3A : memref<!tpu.dma_semaphore, #tpu.memory_space<semaphore_mem>>)
        tpu.wait_dma2 semaphore(%run_scoped3A : memref<!tpu.dma_semaphore, #tpu.memory_space<semaphore_mem>>) src(%arg3 : memref<4x16xf32, #tpu.memory_space<hbm>>) dst(%arg6 : memref<4x16xf32, #tpu.memory_space<vmem>>)
        tpu.yield
      }) : () -> ()
      "tpu.region"() ({
        %run_scoped3A = tpu.sem_alloc : memref<!tpu.dma_semaphore, #tpu.memory_space<semaphore_mem>>
        %dma_start3A = arith.constant 0 : i32
        %dma_start3A_167 = tpu.memref_slice %arg2[%arg1, %dma_start3A] : memref<16x20000xf32, #tpu.memory_space<hbm>> -> memref<1x20000xf32, #tpu.memory_space<hbm>>
        %dma_start3A_168 = tpu.memref_squeeze %dma_start3A_167 : memref<1x20000xf32, #tpu.memory_space<hbm>> -> memref<20000xf32, #tpu.memory_space<hbm>>
        %dma_start3A_169 = arith.constant 0 : i32
        %dma_start3A_170 = tpu.memref_slice %arg2[%arg1, %dma_start3A_169] : memref<16x20000xf32, #tpu.memory_space<hbm>> -> memref<1x20000xf32, #tpu.memory_space<hbm>>
        %dma_start3A_171 = tpu.memref_squeeze %dma_start3A_170 : memref<1x20000xf32, #tpu.memory_space<hbm>> -> memref<20000xf32, #tpu.memory_space<hbm>>
        tpu.enqueue_dma source(%dma_start3A_171 : memref<20000xf32, #tpu.memory_space<hbm>>) target(%arg5 : memref<20000xf32, #tpu.memory_space<vmem>>) target_semaphore(%run_scoped3A : memref<!tpu.dma_semaphore, #tpu.memory_space<semaphore_mem>>)
        %dma_wait3A = arith.constant 0 : i32
        %dma_wait3A_172 = tpu.memref_slice %arg2[%arg1, %dma_wait3A] : memref<16x20000xf32, #tpu.memory_space<hbm>> -> memref<1x20000xf32, #tpu.memory_space<hbm>>
        %dma_wait3A_173 = tpu.memref_squeeze %dma_wait3A_172 : memref<1x20000xf32, #tpu.memory_space<hbm>> -> memref<20000xf32, #tpu.memory_space<hbm>>
        %dma_wait3A_174 = arith.constant 0 : i32
        %dma_wait3A_175 = tpu.memref_slice %arg2[%arg1, %dma_wait3A_174] : memref<16x20000xf32, #tpu.memory_space<hbm>> -> memref<1x20000xf32, #tpu.memory_space<hbm>>
        %dma_wait3A_176 = tpu.memref_squeeze %dma_wait3A_175 : memref<1x20000xf32, #tpu.memory_space<hbm>> -> memref<20000xf32, #tpu.memory_space<hbm>>
        tpu.wait_dma2 semaphore(%run_scoped3A : memref<!tpu.dma_semaphore, #tpu.memory_space<semaphore_mem>>) src(%dma_wait3A_176 : memref<20000xf32, #tpu.memory_space<hbm>>) dst(%arg5 : memref<20000xf32, #tpu.memory_space<vmem>>)
        tpu.yield
      }) : () -> ()
      %get3A = arith.constant 0 : i32
      %get3A_9 = arith.index_cast %get3A : i32 to index
      %get3A_10 = arith.constant 0 : index
      %get3A_11 = tpu.vector_load %arg6[%get3A_9, %get3A_10] {strides = array<i32>} : memref<4x16xf32, #tpu.memory_space<vmem>>, vector<1x16xf32>,
      %get3A_12 = vector.shape_cast %get3A_11 : vector<1x16xf32> to vector<16xf32>
      %eq3A_13 = vector.broadcast %arg1 : i32 to vector<16xi32>
      %eq3A_14 = arith.cmpi eq, %iota3A, %eq3A_13 : vector<16xi32>
      %jit3A = arith.constant 0.000000e+00 : f32
      %broadcast_in_dim3A = vector.broadcast %jit3A : f32 to vector<16xf32>
      %select_n3A = arith.select %eq3A_14, %get3A_12, %broadcast_in_dim3A : vector<16xi1>, vector<16xf32>
      %xor3A = arith.constant 8 : i32
      %xor3A_15 = vector.broadcast %xor3A : i32 to vector<16xi32>
      %xor3A_16 = arith.xori %iota3A, %xor3A_15 : vector<16xi32>
      %broadcast_in_dim3A_17 = vector.shape_cast %xor3A_16 : vector<16xi32> to vector<16x1xi32>
      %gather3A = vector.shape_cast %broadcast_in_dim3A_17 : vector<16x1xi32> to vector<16xi32>
      %gather3A_18 = tpu.dynamic_gather %select_n3A[%gather3A] in [0] : vector<16xf32>, vector<16xi32> -> vector<16xf32>
      %add3A = arith.addf %select_n3A, %gather3A_18 : vector<16xf32>
      %xor3A_19 = arith.constant 4 : i32
      %xor3A_20 = vector.broadcast %xor3A_19 : i32 to vector<16xi32>
      %xor3A_21 = arith.xori %iota3A, %xor3A_20 : vector<16xi32>
      %broadcast_in_dim3A_22 = vector.shape_cast %xor3A_21 : vector<16xi32> to vector<16x1xi32>
      %gather3A_23 = vector.shape_cast %broadcast_in_dim3A_22 : vector<16x1xi32> to vector<16xi32>
      %gather3A_24 = tpu.dynamic_gather %add3A[%gather3A_23] in [0] : vector<16xf32>, vector<16xi32> -> vector<16xf32>
      %add3A_25 = arith.addf %add3A, %gather3A_24 : vector<16xf32>
      %xor3A_26 = arith.constant 2 : i32
      %xor3A_27 = vector.broadcast %xor3A_26 : i32 to vector<16xi32>
      %xor3A_28 = arith.xori %iota3A, %xor3A_27 : vector<16xi32>
      %broadcast_in_dim3A_29 = vector.shape_cast %xor3A_28 : vector<16xi32> to vector<16x1xi32>
      %gather3A_30 = vector.shape_cast %broadcast_in_dim3A_29 : vector<16x1xi32> to vector<16xi32>
      %gather3A_31 = tpu.dynamic_gather %add3A_25[%gather3A_30] in [0] : vector<16xf32>, vector<16xi32> -> vector<16xf32>
      %add3A_32 = arith.addf %add3A_25, %gather3A_31 : vector<16xf32>
      %xor3A_33 = arith.constant 1 : i32
      %xor3A_34 = vector.broadcast %xor3A_33 : i32 to vector<16xi32>
      %xor3A_35 = arith.xori %iota3A, %xor3A_34 : vector<16xi32>
      %broadcast_in_dim3A_36 = vector.shape_cast %xor3A_35 : vector<16xi32> to vector<16x1xi32>
      %gather3A_37 = vector.shape_cast %broadcast_in_dim3A_36 : vector<16x1xi32> to vector<16xi32>
      %gather3A_38 = tpu.dynamic_gather %add3A_32[%gather3A_37] in [0] : vector<16xf32>, vector<16xi32> -> vector<16xf32>
      %add3A_39 = arith.addf %add3A_32, %gather3A_38 : vector<16xf32>
      %mul3A = arith.constant 3.000000e+00 : f32
      %mul3A_40 = vector.broadcast %mul3A : f32 to vector<16xf32>
      %mul3A_41 = arith.mulf %mul3A_40, %add3A_39 : vector<16xf32>
      %min3A = arith.constant 2.000000e+04 : f32
      %min3A_42 = vector.broadcast %min3A : f32 to vector<16xf32>
      %min3A_43 = arith.minimumf %mul3A_41, %min3A_42 : vector<16xf32>
      %broadcast_in_dim3A_44 = arith.constant 0.000000e+00 : f32
      %broadcast_in_dim3A_45 = vector.broadcast %broadcast_in_dim3A_44 : f32 to vector<16xf32>
      %scan3A = arith.constant 0 : i32
      %scan3A_46 = arith.constant 50 : i32
      %scan3A_47 = arith.addi %scan3A, %scan3A_46 : i32
      %scan3A_48 = arith.constant 1 : i32
      %scan3A_49 = scf.for %scan3A_167 = %scan3A to %scan3A_47 step %scan3A_48 iter_args(%scan3A_168 = %broadcast_in_dim3A_45) -> (vector<16xf32>)  : i32 {
        %mul3A_169 = arith.constant 400 : i32
        %mul3A_170 = arith.muli %scan3A_167, %mul3A_169 : i32
        %add3A_171 = arith.constant 0 : i32
        %add3A_172 = arith.addi %mul3A_170, %add3A_171 : i32
        %get3A_173 = arith.index_cast %add3A_172 : i32 to index
        %get3A_174 = tpu.vector_load %arg5[%get3A_173] {strides = array<i32>} : memref<20000xf32, #tpu.memory_space<vmem>>, vector<16xf32>,
        %get3A_175 = vector.shape_cast %get3A_174 : vector<16xf32> to vector<16xf32>
        %max3A_176 = arith.maximumf %scan3A_168, %get3A_175 : vector<16xf32>
        %mul3A_177 = arith.constant 400 : i32
        %mul3A_178 = arith.muli %scan3A_167, %mul3A_177 : i32
        %add3A_179 = arith.constant 16 : i32
        %add3A_180 = arith.addi %mul3A_178, %add3A_179 : i32
        %get3A_181 = arith.index_cast %add3A_180 : i32 to index
        %get3A_182 = tpu.vector_load %arg5[%get3A_181] {strides = array<i32>} : memref<20000xf32, #tpu.memory_space<vmem>>, vector<16xf32>,
        %get3A_183 = vector.shape_cast %get3A_182 : vector<16xf32> to vector<16xf32>
        %max3A_184 = arith.maximumf %max3A_176, %get3A_183 : vector<16xf32>
        %mul3A_185 = arith.constant 400 : i32
        %mul3A_186 = arith.muli %scan3A_167, %mul3A_185 : i32
        %add3A_187 = arith.constant 32 : i32
        %add3A_188 = arith.addi %mul3A_186, %add3A_187 : i32
        %get3A_189 = arith.index_cast %add3A_188 : i32 to index
        %get3A_190 = tpu.vector_load %arg5[%get3A_189] {strides = array<i32>} : memref<20000xf32, #tpu.memory_space<vmem>>, vector<16xf32>,
        %get3A_191 = vector.shape_cast %get3A_190 : vector<16xf32> to vector<16xf32>
        %max3A_192 = arith.maximumf %max3A_184, %get3A_191 : vector<16xf32>
        %mul3A_193 = arith.constant 400 : i32
        %mul3A_194 = arith.muli %scan3A_167, %mul3A_193 : i32
        %add3A_195 = arith.constant 48 : i32
        %add3A_196 = arith.addi %mul3A_194, %add3A_195 : i32
        %get3A_197 = arith.index_cast %add3A_196 : i32 to index
        %get3A_198 = tpu.vector_load %arg5[%get3A_197] {strides = array<i32>} : memref<20000xf32, #tpu.memory_space<vmem>>, vector<16xf32>,
        %get3A_199 = vector.shape_cast %get3A_198 : vector<16xf32> to vector<16xf32>
        %max3A_200 = arith.maximumf %max3A_192, %get3A_199 : vector<16xf32>
        %mul3A_201 = arith.constant 400 : i32
        %mul3A_202 = arith.muli %scan3A_167, %mul3A_201 : i32
        %add3A_203 = arith.constant 64 : i32
        %add3A_204 = arith.addi %mul3A_202, %add3A_203 : i32
        %get3A_205 = arith.index_cast %add3A_204 : i32 to index
        %get3A_206 = tpu.vector_load %arg5[%get3A_205] {strides = array<i32>} : memref<20000xf32, #tpu.memory_space<vmem>>, vector<16xf32>,
        %get3A_207 = vector.shape_cast %get3A_206 : vector<16xf32> to vector<16xf32>
        %max3A_208 = arith.maximumf %max3A_200, %get3A_207 : vector<16xf32>
        %mul3A_209 = arith.constant 400 : i32
        %mul3A_210 = arith.muli %scan3A_167, %mul3A_209 : i32
        %add3A_211 = arith.constant 80 : i32
        %add3A_212 = arith.addi %mul3A_210, %add3A_211 : i32
        %get3A_213 = arith.index_cast %add3A_212 : i32 to index
        %get3A_214 = tpu.vector_load %arg5[%get3A_213] {strides = array<i32>} : memref<20000xf32, #tpu.memory_space<vmem>>, vector<16xf32>,
        %get3A_215 = vector.shape_cast %get3A_214 : vector<16xf32> to vector<16xf32>
        %max3A_216 = arith.maximumf %max3A_208, %get3A_215 : vector<16xf32>
        %mul3A_217 = arith.constant 400 : i32
        %mul3A_218 = arith.muli %scan3A_167, %mul3A_217 : i32
        %add3A_219 = arith.constant 96 : i32
        %add3A_220 = arith.addi %mul3A_218, %add3A_219 : i32
        %get3A_221 = arith.index_cast %add3A_220 : i32 to index
        %get3A_222 = tpu.vector_load %arg5[%get3A_221] {strides = array<i32>} : memref<20000xf32, #tpu.memory_space<vmem>>, vector<16xf32>,
        %get3A_223 = vector.shape_cast %get3A_222 : vector<16xf32> to vector<16xf32>
        %max3A_224 = arith.maximumf %max3A_216, %get3A_223 : vector<16xf32>
        %mul3A_225 = arith.constant 400 : i32
        %mul3A_226 = arith.muli %scan3A_167, %mul3A_225 : i32
        %add3A_227 = arith.constant 112 : i32
        %add3A_228 = arith.addi %mul3A_226, %add3A_227 : i32
        %get3A_229 = arith.index_cast %add3A_228 : i32 to index
        %get3A_230 = tpu.vector_load %arg5[%get3A_229] {strides = array<i32>} : memref<20000xf32, #tpu.memory_space<vmem>>, vector<16xf32>,
        %get3A_231 = vector.shape_cast %get3A_230 : vector<16xf32> to vector<16xf32>
        %max3A_232 = arith.maximumf %max3A_224, %get3A_231 : vector<16xf32>
        %mul3A_233 = arith.constant 400 : i32
        %mul3A_234 = arith.muli %scan3A_167, %mul3A_233 : i32
        %add3A_235 = arith.constant 128 : i32
        %add3A_236 = arith.addi %mul3A_234, %add3A_235 : i32
        %get3A_237 = arith.index_cast %add3A_236 : i32 to index
        %get3A_238 = tpu.vector_load %arg5[%get3A_237] {strides = array<i32>} : memref<20000xf32, #tpu.memory_space<vmem>>, vector<16xf32>,
        %get3A_239 = vector.shape_cast %get3A_238 : vector<16xf32> to vector<16xf32>
        %max3A_240 = arith.maximumf %max3A_232, %get3A_239 : vector<16xf32>
        %mul3A_241 = arith.constant 400 : i32
        %mul3A_242 = arith.muli %scan3A_167, %mul3A_241 : i32
        %add3A_243 = arith.constant 144 : i32
        %add3A_244 = arith.addi %mul3A_242, %add3A_243 : i32
        %get3A_245 = arith.index_cast %add3A_244 : i32 to index
        %get3A_246 = tpu.vector_load %arg5[%get3A_245] {strides = array<i32>} : memref<20000xf32, #tpu.memory_space<vmem>>, vector<16xf32>,
        %get3A_247 = vector.shape_cast %get3A_246 : vector<16xf32> to vector<16xf32>
        %max3A_248 = arith.maximumf %max3A_240, %get3A_247 : vector<16xf32>
        %mul3A_249 = arith.constant 400 : i32
        %mul3A_250 = arith.muli %scan3A_167, %mul3A_249 : i32
        %add3A_251 = arith.constant 160 : i32
        %add3A_252 = arith.addi %mul3A_250, %add3A_251 : i32
        %get3A_253 = arith.index_cast %add3A_252 : i32 to index
        %get3A_254 = tpu.vector_load %arg5[%get3A_253] {strides = array<i32>} : memref<20000xf32, #tpu.memory_space<vmem>>, vector<16xf32>,
        %get3A_255 = vector.shape_cast %get3A_254 : vector<16xf32> to vector<16xf32>
        %max3A_256 = arith.maximumf %max3A_248, %get3A_255 : vector<16xf32>
        %mul3A_257 = arith.constant 400 : i32
        %mul3A_258 = arith.muli %scan3A_167, %mul3A_257 : i32
        %add3A_259 = arith.constant 176 : i32
        %add3A_260 = arith.addi %mul3A_258, %add3A_259 : i32
        %get3A_261 = arith.index_cast %add3A_260 : i32 to index
        %get3A_262 = tpu.vector_load %arg5[%get3A_261] {strides = array<i32>} : memref<20000xf32, #tpu.memory_space<vmem>>, vector<16xf32>,
        %get3A_263 = vector.shape_cast %get3A_262 : vector<16xf32> to vector<16xf32>
        %max3A_264 = arith.maximumf %max3A_256, %get3A_263 : vector<16xf32>
        %mul3A_265 = arith.constant 400 : i32
        %mul3A_266 = arith.muli %scan3A_167, %mul3A_265 : i32
        %add3A_267 = arith.constant 192 : i32
        %add3A_268 = arith.addi %mul3A_266, %add3A_267 : i32
        %get3A_269 = arith.index_cast %add3A_268 : i32 to index
        %get3A_270 = tpu.vector_load %arg5[%get3A_269] {strides = array<i32>} : memref<20000xf32, #tpu.memory_space<vmem>>, vector<16xf32>,
        %get3A_271 = vector.shape_cast %get3A_270 : vector<16xf32> to vector<16xf32>
        %max3A_272 = arith.maximumf %max3A_264, %get3A_271 : vector<16xf32>
        %mul3A_273 = arith.constant 400 : i32
        %mul3A_274 = arith.muli %scan3A_167, %mul3A_273 : i32
        %add3A_275 = arith.constant 208 : i32
        %add3A_276 = arith.addi %mul3A_274, %add3A_275 : i32
        %get3A_277 = arith.index_cast %add3A_276 : i32 to index
        %get3A_278 = tpu.vector_load %arg5[%get3A_277] {strides = array<i32>} : memref<20000xf32, #tpu.memory_space<vmem>>, vector<16xf32>,
        %get3A_279 = vector.shape_cast %get3A_278 : vector<16xf32> to vector<16xf32>
        %max3A_280 = arith.maximumf %max3A_272, %get3A_279 : vector<16xf32>
        %mul3A_281 = arith.constant 400 : i32
        %mul3A_282 = arith.muli %scan3A_167, %mul3A_281 : i32
        %add3A_283 = arith.constant 224 : i32
        %add3A_284 = arith.addi %mul3A_282, %add3A_283 : i32
        %get3A_285 = arith.index_cast %add3A_284 : i32 to index
        %get3A_286 = tpu.vector_load %arg5[%get3A_285] {strides = array<i32>} : memref<20000xf32, #tpu.memory_space<vmem>>, vector<16xf32>,
        %get3A_287 = vector.shape_cast %get3A_286 : vector<16xf32> to vector<16xf32>
        %max3A_288 = arith.maximumf %max3A_280, %get3A_287 : vector<16xf32>
        %mul3A_289 = arith.constant 400 : i32
        %mul3A_290 = arith.muli %scan3A_167, %mul3A_289 : i32
        %add3A_291 = arith.constant 240 : i32
        %add3A_292 = arith.addi %mul3A_290, %add3A_291 : i32
        %get3A_293 = arith.index_cast %add3A_292 : i32 to index
        %get3A_294 = tpu.vector_load %arg5[%get3A_293] {strides = array<i32>} : memref<20000xf32, #tpu.memory_space<vmem>>, vector<16xf32>,
        %get3A_295 = vector.shape_cast %get3A_294 : vector<16xf32> to vector<16xf32>
        %max3A_296 = arith.maximumf %max3A_288, %get3A_295 : vector<16xf32>
        %mul3A_297 = arith.constant 400 : i32
        %mul3A_298 = arith.muli %scan3A_167, %mul3A_297 : i32
        %add3A_299 = arith.constant 256 : i32
        %add3A_300 = arith.addi %mul3A_298, %add3A_299 : i32
        %get3A_301 = arith.index_cast %add3A_300 : i32 to index
        %get3A_302 = tpu.vector_load %arg5[%get3A_301] {strides = array<i32>} : memref<20000xf32, #tpu.memory_space<vmem>>, vector<16xf32>,
        %get3A_303 = vector.shape_cast %get3A_302 : vector<16xf32> to vector<16xf32>
        %max3A_304 = arith.maximumf %max3A_296, %get3A_303 : vector<16xf32>
        %mul3A_305 = arith.constant 400 : i32
        %mul3A_306 = arith.muli %scan3A_167, %mul3A_305 : i32
        %add3A_307 = arith.constant 272 : i32
        %add3A_308 = arith.addi %mul3A_306, %add3A_307 : i32
        %get3A_309 = arith.index_cast %add3A_308 : i32 to index
        %get3A_310 = tpu.vector_load %arg5[%get3A_309] {strides = array<i32>} : memref<20000xf32, #tpu.memory_space<vmem>>, vector<16xf32>,
        %get3A_311 = vector.shape_cast %get3A_310 : vector<16xf32> to vector<16xf32>
        %max3A_312 = arith.maximumf %max3A_304, %get3A_311 : vector<16xf32>
        %mul3A_313 = arith.constant 400 : i32
        %mul3A_314 = arith.muli %scan3A_167, %mul3A_313 : i32
        %add3A_315 = arith.constant 288 : i32
        %add3A_316 = arith.addi %mul3A_314, %add3A_315 : i32
        %get3A_317 = arith.index_cast %add3A_316 : i32 to index
        %get3A_318 = tpu.vector_load %arg5[%get3A_317] {strides = array<i32>} : memref<20000xf32, #tpu.memory_space<vmem>>, vector<16xf32>,
        %get3A_319 = vector.shape_cast %get3A_318 : vector<16xf32> to vector<16xf32>
        %max3A_320 = arith.maximumf %max3A_312, %get3A_319 : vector<16xf32>
        %mul3A_321 = arith.constant 400 : i32
        %mul3A_322 = arith.muli %scan3A_167, %mul3A_321 : i32
        %add3A_323 = arith.constant 304 : i32
        %add3A_324 = arith.addi %mul3A_322, %add3A_323 : i32
        %get3A_325 = arith.index_cast %add3A_324 : i32 to index
        %get3A_326 = tpu.vector_load %arg5[%get3A_325] {strides = array<i32>} : memref<20000xf32, #tpu.memory_space<vmem>>, vector<16xf32>,
        %get3A_327 = vector.shape_cast %get3A_326 : vector<16xf32> to vector<16xf32>
        %max3A_328 = arith.maximumf %max3A_320, %get3A_327 : vector<16xf32>
        %mul3A_329 = arith.constant 400 : i32
        %mul3A_330 = arith.muli %scan3A_167, %mul3A_329 : i32
        %add3A_331 = arith.constant 320 : i32
        %add3A_332 = arith.addi %mul3A_330, %add3A_331 : i32
        %get3A_333 = arith.index_cast %add3A_332 : i32 to index
        %get3A_334 = tpu.vector_load %arg5[%get3A_333] {strides = array<i32>} : memref<20000xf32, #tpu.memory_space<vmem>>, vector<16xf32>,
        %get3A_335 = vector.shape_cast %get3A_334 : vector<16xf32> to vector<16xf32>
        %max3A_336 = arith.maximumf %max3A_328, %get3A_335 : vector<16xf32>
        %mul3A_337 = arith.constant 400 : i32
        %mul3A_338 = arith.muli %scan3A_167, %mul3A_337 : i32
        %add3A_339 = arith.constant 336 : i32
        %add3A_340 = arith.addi %mul3A_338, %add3A_339 : i32
        %get3A_341 = arith.index_cast %add3A_340 : i32 to index
        %get3A_342 = tpu.vector_load %arg5[%get3A_341] {strides = array<i32>} : memref<20000xf32, #tpu.memory_space<vmem>>, vector<16xf32>,
        %get3A_343 = vector.shape_cast %get3A_342 : vector<16xf32> to vector<16xf32>
        %max3A_344 = arith.maximumf %max3A_336, %get3A_343 : vector<16xf32>
        %mul3A_345 = arith.constant 400 : i32
        %mul3A_346 = arith.muli %scan3A_167, %mul3A_345 : i32
        %add3A_347 = arith.constant 352 : i32
        %add3A_348 = arith.addi %mul3A_346, %add3A_347 : i32
        %get3A_349 = arith.index_cast %add3A_348 : i32 to index
        %get3A_350 = tpu.vector_load %arg5[%get3A_349] {strides = array<i32>} : memref<20000xf32, #tpu.memory_space<vmem>>, vector<16xf32>,
        %get3A_351 = vector.shape_cast %get3A_350 : vector<16xf32> to vector<16xf32>
        %max3A_352 = arith.maximumf %max3A_344, %get3A_351 : vector<16xf32>
        %mul3A_353 = arith.constant 400 : i32
        %mul3A_354 = arith.muli %scan3A_167, %mul3A_353 : i32
        %add3A_355 = arith.constant 368 : i32
        %add3A_356 = arith.addi %mul3A_354, %add3A_355 : i32
        %get3A_357 = arith.index_cast %add3A_356 : i32 to index
        %get3A_358 = tpu.vector_load %arg5[%get3A_357] {strides = array<i32>} : memref<20000xf32, #tpu.memory_space<vmem>>, vector<16xf32>,
        %get3A_359 = vector.shape_cast %get3A_358 : vector<16xf32> to vector<16xf32>
        %max3A_360 = arith.maximumf %max3A_352, %get3A_359 : vector<16xf32>
        %mul3A_361 = arith.constant 400 : i32
        %mul3A_362 = arith.muli %scan3A_167, %mul3A_361 : i32
        %add3A_363 = arith.constant 384 : i32
        %add3A_364 = arith.addi %mul3A_362, %add3A_363 : i32
        %get3A_365 = arith.index_cast %add3A_364 : i32 to index
        %get3A_366 = tpu.vector_load %arg5[%get3A_365] {strides = array<i32>} : memref<20000xf32, #tpu.memory_space<vmem>>, vector<16xf32>,
        %get3A_367 = vector.shape_cast %get3A_366 : vector<16xf32> to vector<16xf32>
        %max3A_368 = arith.maximumf %max3A_360, %get3A_367 : vector<16xf32>
        scf.yield %max3A_368 : vector<16xf32>
      }
      %scan3A_50 = arith.constant 50 : i32
      %xor3A_51 = arith.constant 8 : i32
      %xor3A_52 = vector.broadcast %xor3A_51 : i32 to vector<16xi32>
      %xor3A_53 = arith.xori %iota3A, %xor3A_52 : vector<16xi32>
      %broadcast_in_dim3A_54 = vector.shape_cast %xor3A_53 : vector<16xi32> to vector<16x1xi32>
      %gather3A_55 = vector.shape_cast %broadcast_in_dim3A_54 : vector<16x1xi32> to vector<16xi32>
      %gather3A_56 = tpu.dynamic_gather %scan3A_49[%gather3A_55] in [0] : vector<16xf32>, vector<16xi32> -> vector<16xf32>
      %max3A = arith.maximumf %scan3A_49, %gather3A_56 : vector<16xf32>
      %xor3A_57 = arith.constant 4 : i32
      %xor3A_58 = vector.broadcast %xor3A_57 : i32 to vector<16xi32>
      %xor3A_59 = arith.xori %iota3A, %xor3A_58 : vector<16xi32>
      %broadcast_in_dim3A_60 = vector.shape_cast %xor3A_59 : vector<16xi32> to vector<16x1xi32>
      %gather3A_61 = vector.shape_cast %broadcast_in_dim3A_60 : vector<16x1xi32> to vector<16xi32>
      %gather3A_62 = tpu.dynamic_gather %max3A[%gather3A_61] in [0] : vector<16xf32>, vector<16xi32> -> vector<16xf32>
      %max3A_63 = arith.maximumf %max3A, %gather3A_62 : vector<16xf32>
      %xor3A_64 = arith.constant 2 : i32
      %xor3A_65 = vector.broadcast %xor3A_64 : i32 to vector<16xi32>
      %xor3A_66 = arith.xori %iota3A, %xor3A_65 : vector<16xi32>
      %broadcast_in_dim3A_67 = vector.shape_cast %xor3A_66 : vector<16xi32> to vector<16x1xi32>
      %gather3A_68 = vector.shape_cast %broadcast_in_dim3A_67 : vector<16x1xi32> to vector<16xi32>
      %gather3A_69 = tpu.dynamic_gather %max3A_63[%gather3A_68] in [0] : vector<16xf32>, vector<16xi32> -> vector<16xf32>
      %max3A_70 = arith.maximumf %max3A_63, %gather3A_69 : vector<16xf32>
      %xor3A_71 = arith.constant 1 : i32
      %xor3A_72 = vector.broadcast %xor3A_71 : i32 to vector<16xi32>
      %xor3A_73 = arith.xori %iota3A, %xor3A_72 : vector<16xi32>
      %broadcast_in_dim3A_74 = vector.shape_cast %xor3A_73 : vector<16xi32> to vector<16x1xi32>
      %gather3A_75 = vector.shape_cast %broadcast_in_dim3A_74 : vector<16x1xi32> to vector<16xi32>
      %gather3A_76 = tpu.dynamic_gather %max3A_70[%gather3A_75] in [0] : vector<16xf32>, vector<16xi32> -> vector<16xf32>
      %max3A_77 = arith.maximumf %max3A_70, %gather3A_76 : vector<16xf32>
      %broadcast_in_dim3A_78 = arith.constant 0.000000e+00 : f32
      %broadcast_in_dim3A_79 = vector.broadcast %broadcast_in_dim3A_78 : f32 to vector<16xf32>
      %scan3A_80 = arith.constant 0 : i32
      %scan3A_81 = arith.constant 31 : i32
      %scan3A_82 = arith.addi %scan3A_80, %scan3A_81 : i32
      %scan3A_83 = arith.constant 1 : i32
      %scan3A_84:2 = scf.for %scan3A_167 = %scan3A_80 to %scan3A_82 step %scan3A_83 iter_args(%scan3A_168 = %broadcast_in_dim3A_79, %scan3A_169 = %max3A_77) -> (vector<16xf32>, vector<16xf32>)  : i32 {
        %add3A_170 = arith.addf %scan3A_168, %scan3A_169 : vector<16xf32>
        %mul3A_171 = arith.constant 5.000000e-01 : f32
        %mul3A_172 = vector.broadcast %mul3A_171 : f32 to vector<16xf32>
        %mul3A_173 = arith.mulf %mul3A_172, %add3A_170 : vector<16xf32>
        %broadcast_in_dim3A_174 = arith.constant 0.000000e+00 : f32
        %broadcast_in_dim3A_175 = vector.broadcast %broadcast_in_dim3A_174 : f32 to vector<16xf32>
        %scan3A_176 = arith.constant 0 : i32
        %scan3A_177 = arith.constant 50 : i32
        %scan3A_178 = arith.addi %scan3A_176, %scan3A_177 : i32
        %scan3A_179 = arith.constant 1 : i32
        %scan3A_180 = scf.for %scan3A_212 = %scan3A_176 to %scan3A_178 step %scan3A_179 iter_args(%scan3A_213 = %broadcast_in_dim3A_175) -> (vector<16xf32>)  : i32 {
          %mul3A_214 = arith.constant 400 : i32
          %mul3A_215 = arith.muli %scan3A_212, %mul3A_214 : i32
          %add3A_216 = arith.constant 0 : i32
          %add3A_217 = arith.addi %mul3A_215, %add3A_216 : i32
          %get3A_218 = arith.index_cast %add3A_217 : i32 to index
          %get3A_219 = tpu.vector_load %arg5[%get3A_218] {strides = array<i32>} : memref<20000xf32, #tpu.memory_space<vmem>>, vector<16xf32>,
          %get3A_220 = vector.shape_cast %get3A_219 : vector<16xf32> to vector<16xf32>
          %ge3A_221 = arith.cmpf oge, %get3A_220, %mul3A_173 : vector<16xf32>
          %jit3A_222 = arith.constant 1.000000e+00 : f32
          %jit3A_223 = arith.constant 0.000000e+00 : f32
          %broadcast_in_dim3A_224 = vector.broadcast %jit3A_222 : f32 to vector<16xf32>
          %broadcast_in_dim3A_225 = vector.broadcast %jit3A_223 : f32 to vector<16xf32>
          %select_n3A_226 = arith.select %ge3A_221, %broadcast_in_dim3A_224, %broadcast_in_dim3A_225 : vector<16xi1>, vector<16xf32>
          %add3A_227 = arith.addf %scan3A_213, %select_n3A_226 : vector<16xf32>
          %mul3A_228 = arith.constant 400 : i32
          %mul3A_229 = arith.muli %scan3A_212, %mul3A_228 : i32
          %add3A_230 = arith.constant 16 : i32
          %add3A_231 = arith.addi %mul3A_229, %add3A_230 : i32
          %get3A_232 = arith.index_cast %add3A_231 : i32 to index
          %get3A_233 = tpu.vector_load %arg5[%get3A_232] {strides = array<i32>} : memref<20000xf32, #tpu.memory_space<vmem>>, vector<16xf32>,
          %get3A_234 = vector.shape_cast %get3A_233 : vector<16xf32> to vector<16xf32>
          %ge3A_235 = arith.cmpf oge, %get3A_234, %mul3A_173 : vector<16xf32>
          %jit3A_236 = arith.constant 1.000000e+00 : f32
          %jit3A_237 = arith.constant 0.000000e+00 : f32
          %broadcast_in_dim3A_238 = vector.broadcast %jit3A_236 : f32 to vector<16xf32>
          %broadcast_in_dim3A_239 = vector.broadcast %jit3A_237 : f32 to vector<16xf32>
          %select_n3A_240 = arith.select %ge3A_235, %broadcast_in_dim3A_238, %broadcast_in_dim3A_239 : vector<16xi1>, vector<16xf32>
          %add3A_241 = arith.addf %add3A_227, %select_n3A_240 : vector<16xf32>
          %mul3A_242 = arith.constant 400 : i32
          %mul3A_243 = arith.muli %scan3A_212, %mul3A_242 : i32
          %add3A_244 = arith.constant 32 : i32
          %add3A_245 = arith.addi %mul3A_243, %add3A_244 : i32
          %get3A_246 = arith.index_cast %add3A_245 : i32 to index
          %get3A_247 = tpu.vector_load %arg5[%get3A_246] {strides = array<i32>} : memref<20000xf32, #tpu.memory_space<vmem>>, vector<16xf32>,
          %get3A_248 = vector.shape_cast %get3A_247 : vector<16xf32> to vector<16xf32>
          %ge3A_249 = arith.cmpf oge, %get3A_248, %mul3A_173 : vector<16xf32>
          %jit3A_250 = arith.constant 1.000000e+00 : f32
          %jit3A_251 = arith.constant 0.000000e+00 : f32
          %broadcast_in_dim3A_252 = vector.broadcast %jit3A_250 : f32 to vector<16xf32>
          %broadcast_in_dim3A_253 = vector.broadcast %jit3A_251 : f32 to vector<16xf32>
          %select_n3A_254 = arith.select %ge3A_249, %broadcast_in_dim3A_252, %broadcast_in_dim3A_253 : vector<16xi1>, vector<16xf32>
          %add3A_255 = arith.addf %add3A_241, %select_n3A_254 : vector<16xf32>
          %mul3A_256 = arith.constant 400 : i32
          %mul3A_257 = arith.muli %scan3A_212, %mul3A_256 : i32
          %add3A_258 = arith.constant 48 : i32
          %add3A_259 = arith.addi %mul3A_257, %add3A_258 : i32
          %get3A_260 = arith.index_cast %add3A_259 : i32 to index
          %get3A_261 = tpu.vector_load %arg5[%get3A_260] {strides = array<i32>} : memref<20000xf32, #tpu.memory_space<vmem>>, vector<16xf32>,
          %get3A_262 = vector.shape_cast %get3A_261 : vector<16xf32> to vector<16xf32>
          %ge3A_263 = arith.cmpf oge, %get3A_262, %mul3A_173 : vector<16xf32>
          %jit3A_264 = arith.constant 1.000000e+00 : f32
          %jit3A_265 = arith.constant 0.000000e+00 : f32
          %broadcast_in_dim3A_266 = vector.broadcast %jit3A_264 : f32 to vector<16xf32>
          %broadcast_in_dim3A_267 = vector.broadcast %jit3A_265 : f32 to vector<16xf32>
          %select_n3A_268 = arith.select %ge3A_263, %broadcast_in_dim3A_266, %broadcast_in_dim3A_267 : vector<16xi1>, vector<16xf32>
          %add3A_269 = arith.addf %add3A_255, %select_n3A_268 : vector<16xf32>
          %mul3A_270 = arith.constant 400 : i32
          %mul3A_271 = arith.muli %scan3A_212, %mul3A_270 : i32
          %add3A_272 = arith.constant 64 : i32
          %add3A_273 = arith.addi %mul3A_271, %add3A_272 : i32
          %get3A_274 = arith.index_cast %add3A_273 : i32 to index
          %get3A_275 = tpu.vector_load %arg5[%get3A_274] {strides = array<i32>} : memref<20000xf32, #tpu.memory_space<vmem>>, vector<16xf32>,
          %get3A_276 = vector.shape_cast %get3A_275 : vector<16xf32> to vector<16xf32>
          %ge3A_277 = arith.cmpf oge, %get3A_276, %mul3A_173 : vector<16xf32>
          %jit3A_278 = arith.constant 1.000000e+00 : f32
          %jit3A_279 = arith.constant 0.000000e+00 : f32
          %broadcast_in_dim3A_280 = vector.broadcast %jit3A_278 : f32 to vector<16xf32>
          %broadcast_in_dim3A_281 = vector.broadcast %jit3A_279 : f32 to vector<16xf32>
          %select_n3A_282 = arith.select %ge3A_277, %broadcast_in_dim3A_280, %broadcast_in_dim3A_281 : vector<16xi1>, vector<16xf32>
          %add3A_283 = arith.addf %add3A_269, %select_n3A_282 : vector<16xf32>
          %mul3A_284 = arith.constant 400 : i32
          %mul3A_285 = arith.muli %scan3A_212, %mul3A_284 : i32
          %add3A_286 = arith.constant 80 : i32
          %add3A_287 = arith.addi %mul3A_285, %add3A_286 : i32
          %get3A_288 = arith.index_cast %add3A_287 : i32 to index
          %get3A_289 = tpu.vector_load %arg5[%get3A_288] {strides = array<i32>} : memref<20000xf32, #tpu.memory_space<vmem>>, vector<16xf32>,
          %get3A_290 = vector.shape_cast %get3A_289 : vector<16xf32> to vector<16xf32>
          %ge3A_291 = arith.cmpf oge, %get3A_290, %mul3A_173 : vector<16xf32>
          %jit3A_292 = arith.constant 1.000000e+00 : f32
          %jit3A_293 = arith.constant 0.000000e+00 : f32
          %broadcast_in_dim3A_294 = vector.broadcast %jit3A_292 : f32 to vector<16xf32>
          %broadcast_in_dim3A_295 = vector.broadcast %jit3A_293 : f32 to vector<16xf32>
          %select_n3A_296 = arith.select %ge3A_291, %broadcast_in_dim3A_294, %broadcast_in_dim3A_295 : vector<16xi1>, vector<16xf32>
          %add3A_297 = arith.addf %add3A_283, %select_n3A_296 : vector<16xf32>
          %mul3A_298 = arith.constant 400 : i32
          %mul3A_299 = arith.muli %scan3A_212, %mul3A_298 : i32
          %add3A_300 = arith.constant 96 : i32
          %add3A_301 = arith.addi %mul3A_299, %add3A_300 : i32
          %get3A_302 = arith.index_cast %add3A_301 : i32 to index
          %get3A_303 = tpu.vector_load %arg5[%get3A_302] {strides = array<i32>} : memref<20000xf32, #tpu.memory_space<vmem>>, vector<16xf32>,
          %get3A_304 = vector.shape_cast %get3A_303 : vector<16xf32> to vector<16xf32>
          %ge3A_305 = arith.cmpf oge, %get3A_304, %mul3A_173 : vector<16xf32>
          %jit3A_306 = arith.constant 1.000000e+00 : f32
          %jit3A_307 = arith.constant 0.000000e+00 : f32
          %broadcast_in_dim3A_308 = vector.broadcast %jit3A_306 : f32 to vector<16xf32>
          %broadcast_in_dim3A_309 = vector.broadcast %jit3A_307 : f32 to vector<16xf32>
          %select_n3A_310 = arith.select %ge3A_305, %broadcast_in_dim3A_308, %broadcast_in_dim3A_309 : vector<16xi1>, vector<16xf32>
          %add3A_311 = arith.addf %add3A_297, %select_n3A_310 : vector<16xf32>
          %mul3A_312 = arith.constant 400 : i32
          %mul3A_313 = arith.muli %scan3A_212, %mul3A_312 : i32
          %add3A_314 = arith.constant 112 : i32
          %add3A_315 = arith.addi %mul3A_313, %add3A_314 : i32
          %get3A_316 = arith.index_cast %add3A_315 : i32 to index
          %get3A_317 = tpu.vector_load %arg5[%get3A_316] {strides = array<i32>} : memref<20000xf32, #tpu.memory_space<vmem>>, vector<16xf32>,
          %get3A_318 = vector.shape_cast %get3A_317 : vector<16xf32> to vector<16xf32>
          %ge3A_319 = arith.cmpf oge, %get3A_318, %mul3A_173 : vector<16xf32>
          %jit3A_320 = arith.constant 1.000000e+00 : f32
          %jit3A_321 = arith.constant 0.000000e+00 : f32
          %broadcast_in_dim3A_322 = vector.broadcast %jit3A_320 : f32 to vector<16xf32>
          %broadcast_in_dim3A_323 = vector.broadcast %jit3A_321 : f32 to vector<16xf32>
          %select_n3A_324 = arith.select %ge3A_319, %broadcast_in_dim3A_322, %broadcast_in_dim3A_323 : vector<16xi1>, vector<16xf32>
          %add3A_325 = arith.addf %add3A_311, %select_n3A_324 : vector<16xf32>
          %mul3A_326 = arith.constant 400 : i32
          %mul3A_327 = arith.muli %scan3A_212, %mul3A_326 : i32
          %add3A_328 = arith.constant 128 : i32
          %add3A_329 = arith.addi %mul3A_327, %add3A_328 : i32
          %get3A_330 = arith.index_cast %add3A_329 : i32 to index
          %get3A_331 = tpu.vector_load %arg5[%get3A_330] {strides = array<i32>} : memref<20000xf32, #tpu.memory_space<vmem>>, vector<16xf32>,
          %get3A_332 = vector.shape_cast %get3A_331 : vector<16xf32> to vector<16xf32>
          %ge3A_333 = arith.cmpf oge, %get3A_332, %mul3A_173 : vector<16xf32>
          %jit3A_334 = arith.constant 1.000000e+00 : f32
          %jit3A_335 = arith.constant 0.000000e+00 : f32
          %broadcast_in_dim3A_336 = vector.broadcast %jit3A_334 : f32 to vector<16xf32>
          %broadcast_in_dim3A_337 = vector.broadcast %jit3A_335 : f32 to vector<16xf32>
          %select_n3A_338 = arith.select %ge3A_333, %broadcast_in_dim3A_336, %broadcast_in_dim3A_337 : vector<16xi1>, vector<16xf32>
          %add3A_339 = arith.addf %add3A_325, %select_n3A_338 : vector<16xf32>
          %mul3A_340 = arith.constant 400 : i32
          %mul3A_341 = arith.muli %scan3A_212, %mul3A_340 : i32
          %add3A_342 = arith.constant 144 : i32
          %add3A_343 = arith.addi %mul3A_341, %add3A_342 : i32
          %get3A_344 = arith.index_cast %add3A_343 : i32 to index
          %get3A_345 = tpu.vector_load %arg5[%get3A_344] {strides = array<i32>} : memref<20000xf32, #tpu.memory_space<vmem>>, vector<16xf32>,
          %get3A_346 = vector.shape_cast %get3A_345 : vector<16xf32> to vector<16xf32>
          %ge3A_347 = arith.cmpf oge, %get3A_346, %mul3A_173 : vector<16xf32>
          %jit3A_348 = arith.constant 1.000000e+00 : f32
          %jit3A_349 = arith.constant 0.000000e+00 : f32
          %broadcast_in_dim3A_350 = vector.broadcast %jit3A_348 : f32 to vector<16xf32>
          %broadcast_in_dim3A_351 = vector.broadcast %jit3A_349 : f32 to vector<16xf32>
          %select_n3A_352 = arith.select %ge3A_347, %broadcast_in_dim3A_350, %broadcast_in_dim3A_351 : vector<16xi1>, vector<16xf32>
          %add3A_353 = arith.addf %add3A_339, %select_n3A_352 : vector<16xf32>
          %mul3A_354 = arith.constant 400 : i32
          %mul3A_355 = arith.muli %scan3A_212, %mul3A_354 : i32
          %add3A_356 = arith.constant 160 : i32
          %add3A_357 = arith.addi %mul3A_355, %add3A_356 : i32
          %get3A_358 = arith.index_cast %add3A_357 : i32 to index
          %get3A_359 = tpu.vector_load %arg5[%get3A_358] {strides = array<i32>} : memref<20000xf32, #tpu.memory_space<vmem>>, vector<16xf32>,
          %get3A_360 = vector.shape_cast %get3A_359 : vector<16xf32> to vector<16xf32>
          %ge3A_361 = arith.cmpf oge, %get3A_360, %mul3A_173 : vector<16xf32>
          %jit3A_362 = arith.constant 1.000000e+00 : f32
          %jit3A_363 = arith.constant 0.000000e+00 : f32
          %broadcast_in_dim3A_364 = vector.broadcast %jit3A_362 : f32 to vector<16xf32>
          %broadcast_in_dim3A_365 = vector.broadcast %jit3A_363 : f32 to vector<16xf32>
          %select_n3A_366 = arith.select %ge3A_361, %broadcast_in_dim3A_364, %broadcast_in_dim3A_365 : vector<16xi1>, vector<16xf32>
          %add3A_367 = arith.addf %add3A_353, %select_n3A_366 : vector<16xf32>
          %mul3A_368 = arith.constant 400 : i32
          %mul3A_369 = arith.muli %scan3A_212, %mul3A_368 : i32
          %add3A_370 = arith.constant 176 : i32
          %add3A_371 = arith.addi %mul3A_369, %add3A_370 : i32
          %get3A_372 = arith.index_cast %add3A_371 : i32 to index
          %get3A_373 = tpu.vector_load %arg5[%get3A_372] {strides = array<i32>} : memref<20000xf32, #tpu.memory_space<vmem>>, vector<16xf32>,
          %get3A_374 = vector.shape_cast %get3A_373 : vector<16xf32> to vector<16xf32>
          %ge3A_375 = arith.cmpf oge, %get3A_374, %mul3A_173 : vector<16xf32>
          %jit3A_376 = arith.constant 1.000000e+00 : f32
          %jit3A_377 = arith.constant 0.000000e+00 : f32
          %broadcast_in_dim3A_378 = vector.broadcast %jit3A_376 : f32 to vector<16xf32>
          %broadcast_in_dim3A_379 = vector.broadcast %jit3A_377 : f32 to vector<16xf32>
          %select_n3A_380 = arith.select %ge3A_375, %broadcast_in_dim3A_378, %broadcast_in_dim3A_379 : vector<16xi1>, vector<16xf32>
          %add3A_381 = arith.addf %add3A_367, %select_n3A_380 : vector<16xf32>
          %mul3A_382 = arith.constant 400 : i32
          %mul3A_383 = arith.muli %scan3A_212, %mul3A_382 : i32
          %add3A_384 = arith.constant 192 : i32
          %add3A_385 = arith.addi %mul3A_383, %add3A_384 : i32
          %get3A_386 = arith.index_cast %add3A_385 : i32 to index
          %get3A_387 = tpu.vector_load %arg5[%get3A_386] {strides = array<i32>} : memref<20000xf32, #tpu.memory_space<vmem>>, vector<16xf32>,
          %get3A_388 = vector.shape_cast %get3A_387 : vector<16xf32> to vector<16xf32>
          %ge3A_389 = arith.cmpf oge, %get3A_388, %mul3A_173 : vector<16xf32>
          %jit3A_390 = arith.constant 1.000000e+00 : f32
          %jit3A_391 = arith.constant 0.000000e+00 : f32
          %broadcast_in_dim3A_392 = vector.broadcast %jit3A_390 : f32 to vector<16xf32>
          %broadcast_in_dim3A_393 = vector.broadcast %jit3A_391 : f32 to vector<16xf32>
          %select_n3A_394 = arith.select %ge3A_389, %broadcast_in_dim3A_392, %broadcast_in_dim3A_393 : vector<16xi1>, vector<16xf32>
          %add3A_395 = arith.addf %add3A_381, %select_n3A_394 : vector<16xf32>
          %mul3A_396 = arith.constant 400 : i32
          %mul3A_397 = arith.muli %scan3A_212, %mul3A_396 : i32
          %add3A_398 = arith.constant 208 : i32
          %add3A_399 = arith.addi %mul3A_397, %add3A_398 : i32
          %get3A_400 = arith.index_cast %add3A_399 : i32 to index
          %get3A_401 = tpu.vector_load %arg5[%get3A_400] {strides = array<i32>} : memref<20000xf32, #tpu.memory_space<vmem>>, vector<16xf32>,
          %get3A_402 = vector.shape_cast %get3A_401 : vector<16xf32> to vector<16xf32>
          %ge3A_403 = arith.cmpf oge, %get3A_402, %mul3A_173 : vector<16xf32>
          %jit3A_404 = arith.constant 1.000000e+00 : f32
          %jit3A_405 = arith.constant 0.000000e+00 : f32
          %broadcast_in_dim3A_406 = vector.broadcast %jit3A_404 : f32 to vector<16xf32>
          %broadcast_in_dim3A_407 = vector.broadcast %jit3A_405 : f32 to vector<16xf32>
          %select_n3A_408 = arith.select %ge3A_403, %broadcast_in_dim3A_406, %broadcast_in_dim3A_407 : vector<16xi1>, vector<16xf32>
          %add3A_409 = arith.addf %add3A_395, %select_n3A_408 : vector<16xf32>
          %mul3A_410 = arith.constant 400 : i32
          %mul3A_411 = arith.muli %scan3A_212, %mul3A_410 : i32
          %add3A_412 = arith.constant 224 : i32
          %add3A_413 = arith.addi %mul3A_411, %add3A_412 : i32
          %get3A_414 = arith.index_cast %add3A_413 : i32 to index
          %get3A_415 = tpu.vector_load %arg5[%get3A_414] {strides = array<i32>} : memref<20000xf32, #tpu.memory_space<vmem>>, vector<16xf32>,
          %get3A_416 = vector.shape_cast %get3A_415 : vector<16xf32> to vector<16xf32>
          %ge3A_417 = arith.cmpf oge, %get3A_416, %mul3A_173 : vector<16xf32>
          %jit3A_418 = arith.constant 1.000000e+00 : f32
          %jit3A_419 = arith.constant 0.000000e+00 : f32
          %broadcast_in_dim3A_420 = vector.broadcast %jit3A_418 : f32 to vector<16xf32>
          %broadcast_in_dim3A_421 = vector.broadcast %jit3A_419 : f32 to vector<16xf32>
          %select_n3A_422 = arith.select %ge3A_417, %broadcast_in_dim3A_420, %broadcast_in_dim3A_421 : vector<16xi1>, vector<16xf32>
          %add3A_423 = arith.addf %add3A_409, %select_n3A_422 : vector<16xf32>
          %mul3A_424 = arith.constant 400 : i32
          %mul3A_425 = arith.muli %scan3A_212, %mul3A_424 : i32
          %add3A_426 = arith.constant 240 : i32
          %add3A_427 = arith.addi %mul3A_425, %add3A_426 : i32
          %get3A_428 = arith.index_cast %add3A_427 : i32 to index
          %get3A_429 = tpu.vector_load %arg5[%get3A_428] {strides = array<i32>} : memref<20000xf32, #tpu.memory_space<vmem>>, vector<16xf32>,
          %get3A_430 = vector.shape_cast %get3A_429 : vector<16xf32> to vector<16xf32>
          %ge3A_431 = arith.cmpf oge, %get3A_430, %mul3A_173 : vector<16xf32>
          %jit3A_432 = arith.constant 1.000000e+00 : f32
          %jit3A_433 = arith.constant 0.000000e+00 : f32
          %broadcast_in_dim3A_434 = vector.broadcast %jit3A_432 : f32 to vector<16xf32>
          %broadcast_in_dim3A_435 = vector.broadcast %jit3A_433 : f32 to vector<16xf32>
          %select_n3A_436 = arith.select %ge3A_431, %broadcast_in_dim3A_434, %broadcast_in_dim3A_435 : vector<16xi1>, vector<16xf32>
          %add3A_437 = arith.addf %add3A_423, %select_n3A_436 : vector<16xf32>
          %mul3A_438 = arith.constant 400 : i32
          %mul3A_439 = arith.muli %scan3A_212, %mul3A_438 : i32
          %add3A_440 = arith.constant 256 : i32
          %add3A_441 = arith.addi %mul3A_439, %add3A_440 : i32
          %get3A_442 = arith.index_cast %add3A_441 : i32 to index
          %get3A_443 = tpu.vector_load %arg5[%get3A_442] {strides = array<i32>} : memref<20000xf32, #tpu.memory_space<vmem>>, vector<16xf32>,
          %get3A_444 = vector.shape_cast %get3A_443 : vector<16xf32> to vector<16xf32>
          %ge3A_445 = arith.cmpf oge, %get3A_444, %mul3A_173 : vector<16xf32>
          %jit3A_446 = arith.constant 1.000000e+00 : f32
          %jit3A_447 = arith.constant 0.000000e+00 : f32
          %broadcast_in_dim3A_448 = vector.broadcast %jit3A_446 : f32 to vector<16xf32>
          %broadcast_in_dim3A_449 = vector.broadcast %jit3A_447 : f32 to vector<16xf32>
          %select_n3A_450 = arith.select %ge3A_445, %broadcast_in_dim3A_448, %broadcast_in_dim3A_449 : vector<16xi1>, vector<16xf32>
          %add3A_451 = arith.addf %add3A_437, %select_n3A_450 : vector<16xf32>
          %mul3A_452 = arith.constant 400 : i32
          %mul3A_453 = arith.muli %scan3A_212, %mul3A_452 : i32
          %add3A_454 = arith.constant 272 : i32
          %add3A_455 = arith.addi %mul3A_453, %add3A_454 : i32
          %get3A_456 = arith.index_cast %add3A_455 : i32 to index
          %get3A_457 = tpu.vector_load %arg5[%get3A_456] {strides = array<i32>} : memref<20000xf32, #tpu.memory_space<vmem>>, vector<16xf32>,
          %get3A_458 = vector.shape_cast %get3A_457 : vector<16xf32> to vector<16xf32>
          %ge3A_459 = arith.cmpf oge, %get3A_458, %mul3A_173 : vector<16xf32>
          %jit3A_460 = arith.constant 1.000000e+00 : f32
          %jit3A_461 = arith.constant 0.000000e+00 : f32
          %broadcast_in_dim3A_462 = vector.broadcast %jit3A_460 : f32 to vector<16xf32>
          %broadcast_in_dim3A_463 = vector.broadcast %jit3A_461 : f32 to vector<16xf32>
          %select_n3A_464 = arith.select %ge3A_459, %broadcast_in_dim3A_462, %broadcast_in_dim3A_463 : vector<16xi1>, vector<16xf32>
          %add3A_465 = arith.addf %add3A_451, %select_n3A_464 : vector<16xf32>
          %mul3A_466 = arith.constant 400 : i32
          %mul3A_467 = arith.muli %scan3A_212, %mul3A_466 : i32
          %add3A_468 = arith.constant 288 : i32
          %add3A_469 = arith.addi %mul3A_467, %add3A_468 : i32
          %get3A_470 = arith.index_cast %add3A_469 : i32 to index
          %get3A_471 = tpu.vector_load %arg5[%get3A_470] {strides = array<i32>} : memref<20000xf32, #tpu.memory_space<vmem>>, vector<16xf32>,
          %get3A_472 = vector.shape_cast %get3A_471 : vector<16xf32> to vector<16xf32>
          %ge3A_473 = arith.cmpf oge, %get3A_472, %mul3A_173 : vector<16xf32>
          %jit3A_474 = arith.constant 1.000000e+00 : f32
          %jit3A_475 = arith.constant 0.000000e+00 : f32
          %broadcast_in_dim3A_476 = vector.broadcast %jit3A_474 : f32 to vector<16xf32>
          %broadcast_in_dim3A_477 = vector.broadcast %jit3A_475 : f32 to vector<16xf32>
          %select_n3A_478 = arith.select %ge3A_473, %broadcast_in_dim3A_476, %broadcast_in_dim3A_477 : vector<16xi1>, vector<16xf32>
          %add3A_479 = arith.addf %add3A_465, %select_n3A_478 : vector<16xf32>
          %mul3A_480 = arith.constant 400 : i32
          %mul3A_481 = arith.muli %scan3A_212, %mul3A_480 : i32
          %add3A_482 = arith.constant 304 : i32
          %add3A_483 = arith.addi %mul3A_481, %add3A_482 : i32
          %get3A_484 = arith.index_cast %add3A_483 : i32 to index
          %get3A_485 = tpu.vector_load %arg5[%get3A_484] {strides = array<i32>} : memref<20000xf32, #tpu.memory_space<vmem>>, vector<16xf32>,
          %get3A_486 = vector.shape_cast %get3A_485 : vector<16xf32> to vector<16xf32>
          %ge3A_487 = arith.cmpf oge, %get3A_486, %mul3A_173 : vector<16xf32>
          %jit3A_488 = arith.constant 1.000000e+00 : f32
          %jit3A_489 = arith.constant 0.000000e+00 : f32
          %broadcast_in_dim3A_490 = vector.broadcast %jit3A_488 : f32 to vector<16xf32>
          %broadcast_in_dim3A_491 = vector.broadcast %jit3A_489 : f32 to vector<16xf32>
          %select_n3A_492 = arith.select %ge3A_487, %broadcast_in_dim3A_490, %broadcast_in_dim3A_491 : vector<16xi1>, vector<16xf32>
          %add3A_493 = arith.addf %add3A_479, %select_n3A_492 : vector<16xf32>
          %mul3A_494 = arith.constant 400 : i32
          %mul3A_495 = arith.muli %scan3A_212, %mul3A_494 : i32
          %add3A_496 = arith.constant 320 : i32
          %add3A_497 = arith.addi %mul3A_495, %add3A_496 : i32
          %get3A_498 = arith.index_cast %add3A_497 : i32 to index
          %get3A_499 = tpu.vector_load %arg5[%get3A_498] {strides = array<i32>} : memref<20000xf32, #tpu.memory_space<vmem>>, vector<16xf32>,
          %get3A_500 = vector.shape_cast %get3A_499 : vector<16xf32> to vector<16xf32>
          %ge3A_501 = arith.cmpf oge, %get3A_500, %mul3A_173 : vector<16xf32>
          %jit3A_502 = arith.constant 1.000000e+00 : f32
          %jit3A_503 = arith.constant 0.000000e+00 : f32
          %broadcast_in_dim3A_504 = vector.broadcast %jit3A_502 : f32 to vector<16xf32>
          %broadcast_in_dim3A_505 = vector.broadcast %jit3A_503 : f32 to vector<16xf32>
          %select_n3A_506 = arith.select %ge3A_501, %broadcast_in_dim3A_504, %broadcast_in_dim3A_505 : vector<16xi1>, vector<16xf32>
          %add3A_507 = arith.addf %add3A_493, %select_n3A_506 : vector<16xf32>
          %mul3A_508 = arith.constant 400 : i32
          %mul3A_509 = arith.muli %scan3A_212, %mul3A_508 : i32
          %add3A_510 = arith.constant 336 : i32
          %add3A_511 = arith.addi %mul3A_509, %add3A_510 : i32
          %get3A_512 = arith.index_cast %add3A_511 : i32 to index
          %get3A_513 = tpu.vector_load %arg5[%get3A_512] {strides = array<i32>} : memref<20000xf32, #tpu.memory_space<vmem>>, vector<16xf32>,
          %get3A_514 = vector.shape_cast %get3A_513 : vector<16xf32> to vector<16xf32>
          %ge3A_515 = arith.cmpf oge, %get3A_514, %mul3A_173 : vector<16xf32>
          %jit3A_516 = arith.constant 1.000000e+00 : f32
          %jit3A_517 = arith.constant 0.000000e+00 : f32
          %broadcast_in_dim3A_518 = vector.broadcast %jit3A_516 : f32 to vector<16xf32>
          %broadcast_in_dim3A_519 = vector.broadcast %jit3A_517 : f32 to vector<16xf32>
          %select_n3A_520 = arith.select %ge3A_515, %broadcast_in_dim3A_518, %broadcast_in_dim3A_519 : vector<16xi1>, vector<16xf32>
          %add3A_521 = arith.addf %add3A_507, %select_n3A_520 : vector<16xf32>
          %mul3A_522 = arith.constant 400 : i32
          %mul3A_523 = arith.muli %scan3A_212, %mul3A_522 : i32
          %add3A_524 = arith.constant 352 : i32
          %add3A_525 = arith.addi %mul3A_523, %add3A_524 : i32
          %get3A_526 = arith.index_cast %add3A_525 : i32 to index
          %get3A_527 = tpu.vector_load %arg5[%get3A_526] {strides = array<i32>} : memref<20000xf32, #tpu.memory_space<vmem>>, vector<16xf32>,
          %get3A_528 = vector.shape_cast %get3A_527 : vector<16xf32> to vector<16xf32>
          %ge3A_529 = arith.cmpf oge, %get3A_528, %mul3A_173 : vector<16xf32>
          %jit3A_530 = arith.constant 1.000000e+00 : f32
          %jit3A_531 = arith.constant 0.000000e+00 : f32
          %broadcast_in_dim3A_532 = vector.broadcast %jit3A_530 : f32 to vector<16xf32>
          %broadcast_in_dim3A_533 = vector.broadcast %jit3A_531 : f32 to vector<16xf32>
          %select_n3A_534 = arith.select %ge3A_529, %broadcast_in_dim3A_532, %broadcast_in_dim3A_533 : vector<16xi1>, vector<16xf32>
          %add3A_535 = arith.addf %add3A_521, %select_n3A_534 : vector<16xf32>
          %mul3A_536 = arith.constant 400 : i32
          %mul3A_537 = arith.muli %scan3A_212, %mul3A_536 : i32
          %add3A_538 = arith.constant 368 : i32
          %add3A_539 = arith.addi %mul3A_537, %add3A_538 : i32
          %get3A_540 = arith.index_cast %add3A_539 : i32 to index
          %get3A_541 = tpu.vector_load %arg5[%get3A_540] {strides = array<i32>} : memref<20000xf32, #tpu.memory_space<vmem>>, vector<16xf32>,
          %get3A_542 = vector.shape_cast %get3A_541 : vector<16xf32> to vector<16xf32>
          %ge3A_543 = arith.cmpf oge, %get3A_542, %mul3A_173 : vector<16xf32>
          %jit3A_544 = arith.constant 1.000000e+00 : f32
          %jit3A_545 = arith.constant 0.000000e+00 : f32
          %broadcast_in_dim3A_546 = vector.broadcast %jit3A_544 : f32 to vector<16xf32>
          %broadcast_in_dim3A_547 = vector.broadcast %jit3A_545 : f32 to vector<16xf32>
          %select_n3A_548 = arith.select %ge3A_543, %broadcast_in_dim3A_546, %broadcast_in_dim3A_547 : vector<16xi1>, vector<16xf32>
          %add3A_549 = arith.addf %add3A_535, %select_n3A_548 : vector<16xf32>
          %mul3A_550 = arith.constant 400 : i32
          %mul3A_551 = arith.muli %scan3A_212, %mul3A_550 : i32
          %add3A_552 = arith.constant 384 : i32
          %add3A_553 = arith.addi %mul3A_551, %add3A_552 : i32
          %get3A_554 = arith.index_cast %add3A_553 : i32 to index
          %get3A_555 = tpu.vector_load %arg5[%get3A_554] {strides = array<i32>} : memref<20000xf32, #tpu.memory_space<vmem>>, vector<16xf32>,
          %get3A_556 = vector.shape_cast %get3A_555 : vector<16xf32> to vector<16xf32>
          %ge3A_557 = arith.cmpf oge, %get3A_556, %mul3A_173 : vector<16xf32>
          %jit3A_558 = arith.constant 1.000000e+00 : f32
          %jit3A_559 = arith.constant 0.000000e+00 : f32
          %broadcast_in_dim3A_560 = vector.broadcast %jit3A_558 : f32 to vector<16xf32>
          %broadcast_in_dim3A_561 = vector.broadcast %jit3A_559 : f32 to vector<16xf32>
          %select_n3A_562 = arith.select %ge3A_557, %broadcast_in_dim3A_560, %broadcast_in_dim3A_561 : vector<16xi1>, vector<16xf32>
          %add3A_563 = arith.addf %add3A_549, %select_n3A_562 : vector<16xf32>
          scf.yield %add3A_563 : vector<16xf32>
        }
        %scan3A_181 = arith.constant 50 : i32
        %xor3A_182 = arith.constant 8 : i32
        %xor3A_183 = vector.broadcast %xor3A_182 : i32 to vector<16xi32>
        %xor3A_184 = arith.xori %iota3A, %xor3A_183 : vector<16xi32>
        %broadcast_in_dim3A_185 = vector.shape_cast %xor3A_184 : vector<16xi32> to vector<16x1xi32>
        %gather3A_186 = vector.shape_cast %broadcast_in_dim3A_185 : vector<16x1xi32> to vector<16xi32>
        %gather3A_187 = tpu.dynamic_gather %scan3A_180[%gather3A_186] in [0] : vector<16xf32>, vector<16xi32> -> vector<16xf32>
        %add3A_188 = arith.addf %scan3A_180, %gather3A_187 : vector<16xf32>
        %xor3A_189 = arith.constant 4 : i32
        %xor3A_190 = vector.broadcast %xor3A_189 : i32 to vector<16xi32>
        %xor3A_191 = arith.xori %iota3A, %xor3A_190 : vector<16xi32>
        %broadcast_in_dim3A_192 = vector.shape_cast %xor3A_191 : vector<16xi32> to vector<16x1xi32>
        %gather3A_193 = vector.shape_cast %broadcast_in_dim3A_192 : vector<16x1xi32> to vector<16xi32>
        %gather3A_194 = tpu.dynamic_gather %add3A_188[%gather3A_193] in [0] : vector<16xf32>, vector<16xi32> -> vector<16xf32>
        %add3A_195 = arith.addf %add3A_188, %gather3A_194 : vector<16xf32>
        %xor3A_196 = arith.constant 2 : i32
        %xor3A_197 = vector.broadcast %xor3A_196 : i32 to vector<16xi32>
        %xor3A_198 = arith.xori %iota3A, %xor3A_197 : vector<16xi32>
        %broadcast_in_dim3A_199 = vector.shape_cast %xor3A_198 : vector<16xi32> to vector<16x1xi32>
        %gather3A_200 = vector.shape_cast %broadcast_in_dim3A_199 : vector<16x1xi32> to vector<16xi32>
        %gather3A_201 = tpu.dynamic_gather %add3A_195[%gather3A_200] in [0] : vector<16xf32>, vector<16xi32> -> vector<16xf32>
        %add3A_202 = arith.addf %add3A_195, %gather3A_201 : vector<16xf32>
        %xor3A_203 = arith.constant 1 : i32
        %xor3A_204 = vector.broadcast %xor3A_203 : i32 to vector<16xi32>
        %xor3A_205 = arith.xori %iota3A, %xor3A_204 : vector<16xi32>
        %broadcast_in_dim3A_206 = vector.shape_cast %xor3A_205 : vector<16xi32> to vector<16x1xi32>
        %gather3A_207 = vector.shape_cast %broadcast_in_dim3A_206 : vector<16x1xi32> to vector<16xi32>
        %gather3A_208 = tpu.dynamic_gather %add3A_202[%gather3A_207] in [0] : vector<16xf32>, vector<16xi32> -> vector<16xf32>
        %add3A_209 = arith.addf %add3A_202, %gather3A_208 : vector<16xf32>
        %ge3A = arith.cmpf oge, %add3A_209, %min3A_43 : vector<16xf32>
        %select_n3A_210 = arith.select %ge3A, %mul3A_173, %scan3A_168 : vector<16xi1>, vector<16xf32>
        %select_n3A_211 = arith.select %ge3A, %scan3A_169, %mul3A_173 : vector<16xi1>, vector<16xf32>
        scf.yield %select_n3A_210, %select_n3A_211 : vector<16xf32>, vector<16xf32>
      }
      %scan3A_85 = arith.constant 31 : i32
      %broadcast_in_dim3A_86 = arith.constant 0.000000e+00 : f32
      %broadcast_in_dim3A_87 = vector.broadcast %broadcast_in_dim3A_86 : f32 to vector<16xf32>
      %broadcast_in_dim3A_88 = arith.constant 0.000000e+00 : f32
      %broadcast_in_dim3A_89 = vector.broadcast %broadcast_in_dim3A_88 : f32 to vector<16xf32>
      %scan3A_90 = arith.constant 0 : i32
      %scan3A_91 = arith.constant 50 : i32
      %scan3A_92 = arith.addi %scan3A_90, %scan3A_91 : i32
      %scan3A_93 = arith.constant 1 : i32
      %scan3A_94:2 = scf.for %scan3A_167 = %scan3A_90 to %scan3A_92 step %scan3A_93 iter_args(%scan3A_168 = %broadcast_in_dim3A_87, %scan3A_169 = %broadcast_in_dim3A_89) -> (vector<16xf32>, vector<16xf32>)  : i32 {
        %mul3A_170 = arith.constant 400 : i32
        %mul3A_171 = arith.muli %scan3A_167, %mul3A_170 : i32
        %add3A_172 = arith.constant 0 : i32
        %add3A_173 = arith.addi %mul3A_171, %add3A_172 : i32
        %get3A_174 = arith.index_cast %add3A_173 : i32 to index
        %get3A_175 = tpu.vector_load %arg5[%get3A_174] {strides = array<i32>} : memref<20000xf32, #tpu.memory_space<vmem>>, vector<16xf32>,
        %get3A_176 = vector.shape_cast %get3A_175 : vector<16xf32> to vector<16xf32>
        %gt3A_177 = arith.cmpf ogt, %get3A_176, %scan3A_84#0 : vector<16xf32>
        %jit3A_178 = arith.constant 0.000000e+00 : f32
        %broadcast_in_dim3A_179 = vector.broadcast %jit3A_178 : f32 to vector<16xf32>
        %select_n3A_180 = arith.select %gt3A_177, %get3A_176, %broadcast_in_dim3A_179 : vector<16xi1>, vector<16xf32>
        %add3A_181 = arith.addf %scan3A_168, %select_n3A_180 : vector<16xf32>
        %jit3A_182 = arith.constant 1.000000e+00 : f32
        %jit3A_183 = arith.constant 0.000000e+00 : f32
        %broadcast_in_dim3A_184 = vector.broadcast %jit3A_182 : f32 to vector<16xf32>
        %broadcast_in_dim3A_185 = vector.broadcast %jit3A_183 : f32 to vector<16xf32>
        %select_n3A_186 = arith.select %gt3A_177, %broadcast_in_dim3A_184, %broadcast_in_dim3A_185 : vector<16xi1>, vector<16xf32>
        %add3A_187 = arith.addf %scan3A_169, %select_n3A_186 : vector<16xf32>
        %mul3A_188 = arith.constant 400 : i32
        %mul3A_189 = arith.muli %scan3A_167, %mul3A_188 : i32
        %add3A_190 = arith.constant 16 : i32
        %add3A_191 = arith.addi %mul3A_189, %add3A_190 : i32
        %get3A_192 = arith.index_cast %add3A_191 : i32 to index
        %get3A_193 = tpu.vector_load %arg5[%get3A_192] {strides = array<i32>} : memref<20000xf32, #tpu.memory_space<vmem>>, vector<16xf32>,
        %get3A_194 = vector.shape_cast %get3A_193 : vector<16xf32> to vector<16xf32>
        %gt3A_195 = arith.cmpf ogt, %get3A_194, %scan3A_84#0 : vector<16xf32>
        %jit3A_196 = arith.constant 0.000000e+00 : f32
        %broadcast_in_dim3A_197 = vector.broadcast %jit3A_196 : f32 to vector<16xf32>
        %select_n3A_198 = arith.select %gt3A_195, %get3A_194, %broadcast_in_dim3A_197 : vector<16xi1>, vector<16xf32>
        %add3A_199 = arith.addf %add3A_181, %select_n3A_198 : vector<16xf32>
        %jit3A_200 = arith.constant 1.000000e+00 : f32
        %jit3A_201 = arith.constant 0.000000e+00 : f32
        %broadcast_in_dim3A_202 = vector.broadcast %jit3A_200 : f32 to vector<16xf32>
        %broadcast_in_dim3A_203 = vector.broadcast %jit3A_201 : f32 to vector<16xf32>
        %select_n3A_204 = arith.select %gt3A_195, %broadcast_in_dim3A_202, %broadcast_in_dim3A_203 : vector<16xi1>, vector<16xf32>
        %add3A_205 = arith.addf %add3A_187, %select_n3A_204 : vector<16xf32>
        %mul3A_206 = arith.constant 400 : i32
        %mul3A_207 = arith.muli %scan3A_167, %mul3A_206 : i32
        %add3A_208 = arith.constant 32 : i32
        %add3A_209 = arith.addi %mul3A_207, %add3A_208 : i32
        %get3A_210 = arith.index_cast %add3A_209 : i32 to index
        %get3A_211 = tpu.vector_load %arg5[%get3A_210] {strides = array<i32>} : memref<20000xf32, #tpu.memory_space<vmem>>, vector<16xf32>,
        %get3A_212 = vector.shape_cast %get3A_211 : vector<16xf32> to vector<16xf32>
        %gt3A_213 = arith.cmpf ogt, %get3A_212, %scan3A_84#0 : vector<16xf32>
        %jit3A_214 = arith.constant 0.000000e+00 : f32
        %broadcast_in_dim3A_215 = vector.broadcast %jit3A_214 : f32 to vector<16xf32>
        %select_n3A_216 = arith.select %gt3A_213, %get3A_212, %broadcast_in_dim3A_215 : vector<16xi1>, vector<16xf32>
        %add3A_217 = arith.addf %add3A_199, %select_n3A_216 : vector<16xf32>
        %jit3A_218 = arith.constant 1.000000e+00 : f32
        %jit3A_219 = arith.constant 0.000000e+00 : f32
        %broadcast_in_dim3A_220 = vector.broadcast %jit3A_218 : f32 to vector<16xf32>
        %broadcast_in_dim3A_221 = vector.broadcast %jit3A_219 : f32 to vector<16xf32>
        %select_n3A_222 = arith.select %gt3A_213, %broadcast_in_dim3A_220, %broadcast_in_dim3A_221 : vector<16xi1>, vector<16xf32>
        %add3A_223 = arith.addf %add3A_205, %select_n3A_222 : vector<16xf32>
        %mul3A_224 = arith.constant 400 : i32
        %mul3A_225 = arith.muli %scan3A_167, %mul3A_224 : i32
        %add3A_226 = arith.constant 48 : i32
        %add3A_227 = arith.addi %mul3A_225, %add3A_226 : i32
        %get3A_228 = arith.index_cast %add3A_227 : i32 to index
        %get3A_229 = tpu.vector_load %arg5[%get3A_228] {strides = array<i32>} : memref<20000xf32, #tpu.memory_space<vmem>>, vector<16xf32>,
        %get3A_230 = vector.shape_cast %get3A_229 : vector<16xf32> to vector<16xf32>
        %gt3A_231 = arith.cmpf ogt, %get3A_230, %scan3A_84#0 : vector<16xf32>
        %jit3A_232 = arith.constant 0.000000e+00 : f32
        %broadcast_in_dim3A_233 = vector.broadcast %jit3A_232 : f32 to vector<16xf32>
        %select_n3A_234 = arith.select %gt3A_231, %get3A_230, %broadcast_in_dim3A_233 : vector<16xi1>, vector<16xf32>
        %add3A_235 = arith.addf %add3A_217, %select_n3A_234 : vector<16xf32>
        %jit3A_236 = arith.constant 1.000000e+00 : f32
        %jit3A_237 = arith.constant 0.000000e+00 : f32
        %broadcast_in_dim3A_238 = vector.broadcast %jit3A_236 : f32 to vector<16xf32>
        %broadcast_in_dim3A_239 = vector.broadcast %jit3A_237 : f32 to vector<16xf32>
        %select_n3A_240 = arith.select %gt3A_231, %broadcast_in_dim3A_238, %broadcast_in_dim3A_239 : vector<16xi1>, vector<16xf32>
        %add3A_241 = arith.addf %add3A_223, %select_n3A_240 : vector<16xf32>
        %mul3A_242 = arith.constant 400 : i32
        %mul3A_243 = arith.muli %scan3A_167, %mul3A_242 : i32
        %add3A_244 = arith.constant 64 : i32
        %add3A_245 = arith.addi %mul3A_243, %add3A_244 : i32
        %get3A_246 = arith.index_cast %add3A_245 : i32 to index
        %get3A_247 = tpu.vector_load %arg5[%get3A_246] {strides = array<i32>} : memref<20000xf32, #tpu.memory_space<vmem>>, vector<16xf32>,
        %get3A_248 = vector.shape_cast %get3A_247 : vector<16xf32> to vector<16xf32>
        %gt3A_249 = arith.cmpf ogt, %get3A_248, %scan3A_84#0 : vector<16xf32>
        %jit3A_250 = arith.constant 0.000000e+00 : f32
        %broadcast_in_dim3A_251 = vector.broadcast %jit3A_250 : f32 to vector<16xf32>
        %select_n3A_252 = arith.select %gt3A_249, %get3A_248, %broadcast_in_dim3A_251 : vector<16xi1>, vector<16xf32>
        %add3A_253 = arith.addf %add3A_235, %select_n3A_252 : vector<16xf32>
        %jit3A_254 = arith.constant 1.000000e+00 : f32
        %jit3A_255 = arith.constant 0.000000e+00 : f32
        %broadcast_in_dim3A_256 = vector.broadcast %jit3A_254 : f32 to vector<16xf32>
        %broadcast_in_dim3A_257 = vector.broadcast %jit3A_255 : f32 to vector<16xf32>
        %select_n3A_258 = arith.select %gt3A_249, %broadcast_in_dim3A_256, %broadcast_in_dim3A_257 : vector<16xi1>, vector<16xf32>
        %add3A_259 = arith.addf %add3A_241, %select_n3A_258 : vector<16xf32>
        %mul3A_260 = arith.constant 400 : i32
        %mul3A_261 = arith.muli %scan3A_167, %mul3A_260 : i32
        %add3A_262 = arith.constant 80 : i32
        %add3A_263 = arith.addi %mul3A_261, %add3A_262 : i32
        %get3A_264 = arith.index_cast %add3A_263 : i32 to index
        %get3A_265 = tpu.vector_load %arg5[%get3A_264] {strides = array<i32>} : memref<20000xf32, #tpu.memory_space<vmem>>, vector<16xf32>,
        %get3A_266 = vector.shape_cast %get3A_265 : vector<16xf32> to vector<16xf32>
        %gt3A_267 = arith.cmpf ogt, %get3A_266, %scan3A_84#0 : vector<16xf32>
        %jit3A_268 = arith.constant 0.000000e+00 : f32
        %broadcast_in_dim3A_269 = vector.broadcast %jit3A_268 : f32 to vector<16xf32>
        %select_n3A_270 = arith.select %gt3A_267, %get3A_266, %broadcast_in_dim3A_269 : vector<16xi1>, vector<16xf32>
        %add3A_271 = arith.addf %add3A_253, %select_n3A_270 : vector<16xf32>
        %jit3A_272 = arith.constant 1.000000e+00 : f32
        %jit3A_273 = arith.constant 0.000000e+00 : f32
        %broadcast_in_dim3A_274 = vector.broadcast %jit3A_272 : f32 to vector<16xf32>
        %broadcast_in_dim3A_275 = vector.broadcast %jit3A_273 : f32 to vector<16xf32>
        %select_n3A_276 = arith.select %gt3A_267, %broadcast_in_dim3A_274, %broadcast_in_dim3A_275 : vector<16xi1>, vector<16xf32>
        %add3A_277 = arith.addf %add3A_259, %select_n3A_276 : vector<16xf32>
        %mul3A_278 = arith.constant 400 : i32
        %mul3A_279 = arith.muli %scan3A_167, %mul3A_278 : i32
        %add3A_280 = arith.constant 96 : i32
        %add3A_281 = arith.addi %mul3A_279, %add3A_280 : i32
        %get3A_282 = arith.index_cast %add3A_281 : i32 to index
        %get3A_283 = tpu.vector_load %arg5[%get3A_282] {strides = array<i32>} : memref<20000xf32, #tpu.memory_space<vmem>>, vector<16xf32>,
        %get3A_284 = vector.shape_cast %get3A_283 : vector<16xf32> to vector<16xf32>
        %gt3A_285 = arith.cmpf ogt, %get3A_284, %scan3A_84#0 : vector<16xf32>
        %jit3A_286 = arith.constant 0.000000e+00 : f32
        %broadcast_in_dim3A_287 = vector.broadcast %jit3A_286 : f32 to vector<16xf32>
        %select_n3A_288 = arith.select %gt3A_285, %get3A_284, %broadcast_in_dim3A_287 : vector<16xi1>, vector<16xf32>
        %add3A_289 = arith.addf %add3A_271, %select_n3A_288 : vector<16xf32>
        %jit3A_290 = arith.constant 1.000000e+00 : f32
        %jit3A_291 = arith.constant 0.000000e+00 : f32
        %broadcast_in_dim3A_292 = vector.broadcast %jit3A_290 : f32 to vector<16xf32>
        %broadcast_in_dim3A_293 = vector.broadcast %jit3A_291 : f32 to vector<16xf32>
        %select_n3A_294 = arith.select %gt3A_285, %broadcast_in_dim3A_292, %broadcast_in_dim3A_293 : vector<16xi1>, vector<16xf32>
        %add3A_295 = arith.addf %add3A_277, %select_n3A_294 : vector<16xf32>
        %mul3A_296 = arith.constant 400 : i32
        %mul3A_297 = arith.muli %scan3A_167, %mul3A_296 : i32
        %add3A_298 = arith.constant 112 : i32
        %add3A_299 = arith.addi %mul3A_297, %add3A_298 : i32
        %get3A_300 = arith.index_cast %add3A_299 : i32 to index
        %get3A_301 = tpu.vector_load %arg5[%get3A_300] {strides = array<i32>} : memref<20000xf32, #tpu.memory_space<vmem>>, vector<16xf32>,
        %get3A_302 = vector.shape_cast %get3A_301 : vector<16xf32> to vector<16xf32>
        %gt3A_303 = arith.cmpf ogt, %get3A_302, %scan3A_84#0 : vector<16xf32>
        %jit3A_304 = arith.constant 0.000000e+00 : f32
        %broadcast_in_dim3A_305 = vector.broadcast %jit3A_304 : f32 to vector<16xf32>
        %select_n3A_306 = arith.select %gt3A_303, %get3A_302, %broadcast_in_dim3A_305 : vector<16xi1>, vector<16xf32>
        %add3A_307 = arith.addf %add3A_289, %select_n3A_306 : vector<16xf32>
        %jit3A_308 = arith.constant 1.000000e+00 : f32
        %jit3A_309 = arith.constant 0.000000e+00 : f32
        %broadcast_in_dim3A_310 = vector.broadcast %jit3A_308 : f32 to vector<16xf32>
        %broadcast_in_dim3A_311 = vector.broadcast %jit3A_309 : f32 to vector<16xf32>
        %select_n3A_312 = arith.select %gt3A_303, %broadcast_in_dim3A_310, %broadcast_in_dim3A_311 : vector<16xi1>, vector<16xf32>
        %add3A_313 = arith.addf %add3A_295, %select_n3A_312 : vector<16xf32>
        %mul3A_314 = arith.constant 400 : i32
        %mul3A_315 = arith.muli %scan3A_167, %mul3A_314 : i32
        %add3A_316 = arith.constant 128 : i32
        %add3A_317 = arith.addi %mul3A_315, %add3A_316 : i32
        %get3A_318 = arith.index_cast %add3A_317 : i32 to index
        %get3A_319 = tpu.vector_load %arg5[%get3A_318] {strides = array<i32>} : memref<20000xf32, #tpu.memory_space<vmem>>, vector<16xf32>,
        %get3A_320 = vector.shape_cast %get3A_319 : vector<16xf32> to vector<16xf32>
        %gt3A_321 = arith.cmpf ogt, %get3A_320, %scan3A_84#0 : vector<16xf32>
        %jit3A_322 = arith.constant 0.000000e+00 : f32
        %broadcast_in_dim3A_323 = vector.broadcast %jit3A_322 : f32 to vector<16xf32>
        %select_n3A_324 = arith.select %gt3A_321, %get3A_320, %broadcast_in_dim3A_323 : vector<16xi1>, vector<16xf32>
        %add3A_325 = arith.addf %add3A_307, %select_n3A_324 : vector<16xf32>
        %jit3A_326 = arith.constant 1.000000e+00 : f32
        %jit3A_327 = arith.constant 0.000000e+00 : f32
        %broadcast_in_dim3A_328 = vector.broadcast %jit3A_326 : f32 to vector<16xf32>
        %broadcast_in_dim3A_329 = vector.broadcast %jit3A_327 : f32 to vector<16xf32>
        %select_n3A_330 = arith.select %gt3A_321, %broadcast_in_dim3A_328, %broadcast_in_dim3A_329 : vector<16xi1>, vector<16xf32>
        %add3A_331 = arith.addf %add3A_313, %select_n3A_330 : vector<16xf32>
        %mul3A_332 = arith.constant 400 : i32
        %mul3A_333 = arith.muli %scan3A_167, %mul3A_332 : i32
        %add3A_334 = arith.constant 144 : i32
        %add3A_335 = arith.addi %mul3A_333, %add3A_334 : i32
        %get3A_336 = arith.index_cast %add3A_335 : i32 to index
        %get3A_337 = tpu.vector_load %arg5[%get3A_336] {strides = array<i32>} : memref<20000xf32, #tpu.memory_space<vmem>>, vector<16xf32>,
        %get3A_338 = vector.shape_cast %get3A_337 : vector<16xf32> to vector<16xf32>
        %gt3A_339 = arith.cmpf ogt, %get3A_338, %scan3A_84#0 : vector<16xf32>
        %jit3A_340 = arith.constant 0.000000e+00 : f32
        %broadcast_in_dim3A_341 = vector.broadcast %jit3A_340 : f32 to vector<16xf32>
        %select_n3A_342 = arith.select %gt3A_339, %get3A_338, %broadcast_in_dim3A_341 : vector<16xi1>, vector<16xf32>
        %add3A_343 = arith.addf %add3A_325, %select_n3A_342 : vector<16xf32>
        %jit3A_344 = arith.constant 1.000000e+00 : f32
        %jit3A_345 = arith.constant 0.000000e+00 : f32
        %broadcast_in_dim3A_346 = vector.broadcast %jit3A_344 : f32 to vector<16xf32>
        %broadcast_in_dim3A_347 = vector.broadcast %jit3A_345 : f32 to vector<16xf32>
        %select_n3A_348 = arith.select %gt3A_339, %broadcast_in_dim3A_346, %broadcast_in_dim3A_347 : vector<16xi1>, vector<16xf32>
        %add3A_349 = arith.addf %add3A_331, %select_n3A_348 : vector<16xf32>
        %mul3A_350 = arith.constant 400 : i32
        %mul3A_351 = arith.muli %scan3A_167, %mul3A_350 : i32
        %add3A_352 = arith.constant 160 : i32
        %add3A_353 = arith.addi %mul3A_351, %add3A_352 : i32
        %get3A_354 = arith.index_cast %add3A_353 : i32 to index
        %get3A_355 = tpu.vector_load %arg5[%get3A_354] {strides = array<i32>} : memref<20000xf32, #tpu.memory_space<vmem>>, vector<16xf32>,
        %get3A_356 = vector.shape_cast %get3A_355 : vector<16xf32> to vector<16xf32>
        %gt3A_357 = arith.cmpf ogt, %get3A_356, %scan3A_84#0 : vector<16xf32>
        %jit3A_358 = arith.constant 0.000000e+00 : f32
        %broadcast_in_dim3A_359 = vector.broadcast %jit3A_358 : f32 to vector<16xf32>
        %select_n3A_360 = arith.select %gt3A_357, %get3A_356, %broadcast_in_dim3A_359 : vector<16xi1>, vector<16xf32>
        %add3A_361 = arith.addf %add3A_343, %select_n3A_360 : vector<16xf32>
        %jit3A_362 = arith.constant 1.000000e+00 : f32
        %jit3A_363 = arith.constant 0.000000e+00 : f32
        %broadcast_in_dim3A_364 = vector.broadcast %jit3A_362 : f32 to vector<16xf32>
        %broadcast_in_dim3A_365 = vector.broadcast %jit3A_363 : f32 to vector<16xf32>
        %select_n3A_366 = arith.select %gt3A_357, %broadcast_in_dim3A_364, %broadcast_in_dim3A_365 : vector<16xi1>, vector<16xf32>
        %add3A_367 = arith.addf %add3A_349, %select_n3A_366 : vector<16xf32>
        %mul3A_368 = arith.constant 400 : i32
        %mul3A_369 = arith.muli %scan3A_167, %mul3A_368 : i32
        %add3A_370 = arith.constant 176 : i32
        %add3A_371 = arith.addi %mul3A_369, %add3A_370 : i32
        %get3A_372 = arith.index_cast %add3A_371 : i32 to index
        %get3A_373 = tpu.vector_load %arg5[%get3A_372] {strides = array<i32>} : memref<20000xf32, #tpu.memory_space<vmem>>, vector<16xf32>,
        %get3A_374 = vector.shape_cast %get3A_373 : vector<16xf32> to vector<16xf32>
        %gt3A_375 = arith.cmpf ogt, %get3A_374, %scan3A_84#0 : vector<16xf32>
        %jit3A_376 = arith.constant 0.000000e+00 : f32
        %broadcast_in_dim3A_377 = vector.broadcast %jit3A_376 : f32 to vector<16xf32>
        %select_n3A_378 = arith.select %gt3A_375, %get3A_374, %broadcast_in_dim3A_377 : vector<16xi1>, vector<16xf32>
        %add3A_379 = arith.addf %add3A_361, %select_n3A_378 : vector<16xf32>
        %jit3A_380 = arith.constant 1.000000e+00 : f32
        %jit3A_381 = arith.constant 0.000000e+00 : f32
        %broadcast_in_dim3A_382 = vector.broadcast %jit3A_380 : f32 to vector<16xf32>
        %broadcast_in_dim3A_383 = vector.broadcast %jit3A_381 : f32 to vector<16xf32>
        %select_n3A_384 = arith.select %gt3A_375, %broadcast_in_dim3A_382, %broadcast_in_dim3A_383 : vector<16xi1>, vector<16xf32>
        %add3A_385 = arith.addf %add3A_367, %select_n3A_384 : vector<16xf32>
        %mul3A_386 = arith.constant 400 : i32
        %mul3A_387 = arith.muli %scan3A_167, %mul3A_386 : i32
        %add3A_388 = arith.constant 192 : i32
        %add3A_389 = arith.addi %mul3A_387, %add3A_388 : i32
        %get3A_390 = arith.index_cast %add3A_389 : i32 to index
        %get3A_391 = tpu.vector_load %arg5[%get3A_390] {strides = array<i32>} : memref<20000xf32, #tpu.memory_space<vmem>>, vector<16xf32>,
        %get3A_392 = vector.shape_cast %get3A_391 : vector<16xf32> to vector<16xf32>
        %gt3A_393 = arith.cmpf ogt, %get3A_392, %scan3A_84#0 : vector<16xf32>
        %jit3A_394 = arith.constant 0.000000e+00 : f32
        %broadcast_in_dim3A_395 = vector.broadcast %jit3A_394 : f32 to vector<16xf32>
        %select_n3A_396 = arith.select %gt3A_393, %get3A_392, %broadcast_in_dim3A_395 : vector<16xi1>, vector<16xf32>
        %add3A_397 = arith.addf %add3A_379, %select_n3A_396 : vector<16xf32>
        %jit3A_398 = arith.constant 1.000000e+00 : f32
        %jit3A_399 = arith.constant 0.000000e+00 : f32
        %broadcast_in_dim3A_400 = vector.broadcast %jit3A_398 : f32 to vector<16xf32>
        %broadcast_in_dim3A_401 = vector.broadcast %jit3A_399 : f32 to vector<16xf32>
        %select_n3A_402 = arith.select %gt3A_393, %broadcast_in_dim3A_400, %broadcast_in_dim3A_401 : vector<16xi1>, vector<16xf32>
        %add3A_403 = arith.addf %add3A_385, %select_n3A_402 : vector<16xf32>
        %mul3A_404 = arith.constant 400 : i32
        %mul3A_405 = arith.muli %scan3A_167, %mul3A_404 : i32
        %add3A_406 = arith.constant 208 : i32
        %add3A_407 = arith.addi %mul3A_405, %add3A_406 : i32
        %get3A_408 = arith.index_cast %add3A_407 : i32 to index
        %get3A_409 = tpu.vector_load %arg5[%get3A_408] {strides = array<i32>} : memref<20000xf32, #tpu.memory_space<vmem>>, vector<16xf32>,
        %get3A_410 = vector.shape_cast %get3A_409 : vector<16xf32> to vector<16xf32>
        %gt3A_411 = arith.cmpf ogt, %get3A_410, %scan3A_84#0 : vector<16xf32>
        %jit3A_412 = arith.constant 0.000000e+00 : f32
        %broadcast_in_dim3A_413 = vector.broadcast %jit3A_412 : f32 to vector<16xf32>
        %select_n3A_414 = arith.select %gt3A_411, %get3A_410, %broadcast_in_dim3A_413 : vector<16xi1>, vector<16xf32>
        %add3A_415 = arith.addf %add3A_397, %select_n3A_414 : vector<16xf32>
        %jit3A_416 = arith.constant 1.000000e+00 : f32
        %jit3A_417 = arith.constant 0.000000e+00 : f32
        %broadcast_in_dim3A_418 = vector.broadcast %jit3A_416 : f32 to vector<16xf32>
        %broadcast_in_dim3A_419 = vector.broadcast %jit3A_417 : f32 to vector<16xf32>
        %select_n3A_420 = arith.select %gt3A_411, %broadcast_in_dim3A_418, %broadcast_in_dim3A_419 : vector<16xi1>, vector<16xf32>
        %add3A_421 = arith.addf %add3A_403, %select_n3A_420 : vector<16xf32>
        %mul3A_422 = arith.constant 400 : i32
        %mul3A_423 = arith.muli %scan3A_167, %mul3A_422 : i32
        %add3A_424 = arith.constant 224 : i32
        %add3A_425 = arith.addi %mul3A_423, %add3A_424 : i32
        %get3A_426 = arith.index_cast %add3A_425 : i32 to index
        %get3A_427 = tpu.vector_load %arg5[%get3A_426] {strides = array<i32>} : memref<20000xf32, #tpu.memory_space<vmem>>, vector<16xf32>,
        %get3A_428 = vector.shape_cast %get3A_427 : vector<16xf32> to vector<16xf32>
        %gt3A_429 = arith.cmpf ogt, %get3A_428, %scan3A_84#0 : vector<16xf32>
        %jit3A_430 = arith.constant 0.000000e+00 : f32
        %broadcast_in_dim3A_431 = vector.broadcast %jit3A_430 : f32 to vector<16xf32>
        %select_n3A_432 = arith.select %gt3A_429, %get3A_428, %broadcast_in_dim3A_431 : vector<16xi1>, vector<16xf32>
        %add3A_433 = arith.addf %add3A_415, %select_n3A_432 : vector<16xf32>
        %jit3A_434 = arith.constant 1.000000e+00 : f32
        %jit3A_435 = arith.constant 0.000000e+00 : f32
        %broadcast_in_dim3A_436 = vector.broadcast %jit3A_434 : f32 to vector<16xf32>
        %broadcast_in_dim3A_437 = vector.broadcast %jit3A_435 : f32 to vector<16xf32>
        %select_n3A_438 = arith.select %gt3A_429, %broadcast_in_dim3A_436, %broadcast_in_dim3A_437 : vector<16xi1>, vector<16xf32>
        %add3A_439 = arith.addf %add3A_421, %select_n3A_438 : vector<16xf32>
        %mul3A_440 = arith.constant 400 : i32
        %mul3A_441 = arith.muli %scan3A_167, %mul3A_440 : i32
        %add3A_442 = arith.constant 240 : i32
        %add3A_443 = arith.addi %mul3A_441, %add3A_442 : i32
        %get3A_444 = arith.index_cast %add3A_443 : i32 to index
        %get3A_445 = tpu.vector_load %arg5[%get3A_444] {strides = array<i32>} : memref<20000xf32, #tpu.memory_space<vmem>>, vector<16xf32>,
        %get3A_446 = vector.shape_cast %get3A_445 : vector<16xf32> to vector<16xf32>
        %gt3A_447 = arith.cmpf ogt, %get3A_446, %scan3A_84#0 : vector<16xf32>
        %jit3A_448 = arith.constant 0.000000e+00 : f32
        %broadcast_in_dim3A_449 = vector.broadcast %jit3A_448 : f32 to vector<16xf32>
        %select_n3A_450 = arith.select %gt3A_447, %get3A_446, %broadcast_in_dim3A_449 : vector<16xi1>, vector<16xf32>
        %add3A_451 = arith.addf %add3A_433, %select_n3A_450 : vector<16xf32>
        %jit3A_452 = arith.constant 1.000000e+00 : f32
        %jit3A_453 = arith.constant 0.000000e+00 : f32
        %broadcast_in_dim3A_454 = vector.broadcast %jit3A_452 : f32 to vector<16xf32>
        %broadcast_in_dim3A_455 = vector.broadcast %jit3A_453 : f32 to vector<16xf32>
        %select_n3A_456 = arith.select %gt3A_447, %broadcast_in_dim3A_454, %broadcast_in_dim3A_455 : vector<16xi1>, vector<16xf32>
        %add3A_457 = arith.addf %add3A_439, %select_n3A_456 : vector<16xf32>
        %mul3A_458 = arith.constant 400 : i32
        %mul3A_459 = arith.muli %scan3A_167, %mul3A_458 : i32
        %add3A_460 = arith.constant 256 : i32
        %add3A_461 = arith.addi %mul3A_459, %add3A_460 : i32
        %get3A_462 = arith.index_cast %add3A_461 : i32 to index
        %get3A_463 = tpu.vector_load %arg5[%get3A_462] {strides = array<i32>} : memref<20000xf32, #tpu.memory_space<vmem>>, vector<16xf32>,
        %get3A_464 = vector.shape_cast %get3A_463 : vector<16xf32> to vector<16xf32>
        %gt3A_465 = arith.cmpf ogt, %get3A_464, %scan3A_84#0 : vector<16xf32>
        %jit3A_466 = arith.constant 0.000000e+00 : f32
        %broadcast_in_dim3A_467 = vector.broadcast %jit3A_466 : f32 to vector<16xf32>
        %select_n3A_468 = arith.select %gt3A_465, %get3A_464, %broadcast_in_dim3A_467 : vector<16xi1>, vector<16xf32>
        %add3A_469 = arith.addf %add3A_451, %select_n3A_468 : vector<16xf32>
        %jit3A_470 = arith.constant 1.000000e+00 : f32
        %jit3A_471 = arith.constant 0.000000e+00 : f32
        %broadcast_in_dim3A_472 = vector.broadcast %jit3A_470 : f32 to vector<16xf32>
        %broadcast_in_dim3A_473 = vector.broadcast %jit3A_471 : f32 to vector<16xf32>
        %select_n3A_474 = arith.select %gt3A_465, %broadcast_in_dim3A_472, %broadcast_in_dim3A_473 : vector<16xi1>, vector<16xf32>
        %add3A_475 = arith.addf %add3A_457, %select_n3A_474 : vector<16xf32>
        %mul3A_476 = arith.constant 400 : i32
        %mul3A_477 = arith.muli %scan3A_167, %mul3A_476 : i32
        %add3A_478 = arith.constant 272 : i32
        %add3A_479 = arith.addi %mul3A_477, %add3A_478 : i32
        %get3A_480 = arith.index_cast %add3A_479 : i32 to index
        %get3A_481 = tpu.vector_load %arg5[%get3A_480] {strides = array<i32>} : memref<20000xf32, #tpu.memory_space<vmem>>, vector<16xf32>,
        %get3A_482 = vector.shape_cast %get3A_481 : vector<16xf32> to vector<16xf32>
        %gt3A_483 = arith.cmpf ogt, %get3A_482, %scan3A_84#0 : vector<16xf32>
        %jit3A_484 = arith.constant 0.000000e+00 : f32
        %broadcast_in_dim3A_485 = vector.broadcast %jit3A_484 : f32 to vector<16xf32>
        %select_n3A_486 = arith.select %gt3A_483, %get3A_482, %broadcast_in_dim3A_485 : vector<16xi1>, vector<16xf32>
        %add3A_487 = arith.addf %add3A_469, %select_n3A_486 : vector<16xf32>
        %jit3A_488 = arith.constant 1.000000e+00 : f32
        %jit3A_489 = arith.constant 0.000000e+00 : f32
        %broadcast_in_dim3A_490 = vector.broadcast %jit3A_488 : f32 to vector<16xf32>
        %broadcast_in_dim3A_491 = vector.broadcast %jit3A_489 : f32 to vector<16xf32>
        %select_n3A_492 = arith.select %gt3A_483, %broadcast_in_dim3A_490, %broadcast_in_dim3A_491 : vector<16xi1>, vector<16xf32>
        %add3A_493 = arith.addf %add3A_475, %select_n3A_492 : vector<16xf32>
        %mul3A_494 = arith.constant 400 : i32
        %mul3A_495 = arith.muli %scan3A_167, %mul3A_494 : i32
        %add3A_496 = arith.constant 288 : i32
        %add3A_497 = arith.addi %mul3A_495, %add3A_496 : i32
        %get3A_498 = arith.index_cast %add3A_497 : i32 to index
        %get3A_499 = tpu.vector_load %arg5[%get3A_498] {strides = array<i32>} : memref<20000xf32, #tpu.memory_space<vmem>>, vector<16xf32>,
        %get3A_500 = vector.shape_cast %get3A_499 : vector<16xf32> to vector<16xf32>
        %gt3A_501 = arith.cmpf ogt, %get3A_500, %scan3A_84#0 : vector<16xf32>
        %jit3A_502 = arith.constant 0.000000e+00 : f32
        %broadcast_in_dim3A_503 = vector.broadcast %jit3A_502 : f32 to vector<16xf32>
        %select_n3A_504 = arith.select %gt3A_501, %get3A_500, %broadcast_in_dim3A_503 : vector<16xi1>, vector<16xf32>
        %add3A_505 = arith.addf %add3A_487, %select_n3A_504 : vector<16xf32>
        %jit3A_506 = arith.constant 1.000000e+00 : f32
        %jit3A_507 = arith.constant 0.000000e+00 : f32
        %broadcast_in_dim3A_508 = vector.broadcast %jit3A_506 : f32 to vector<16xf32>
        %broadcast_in_dim3A_509 = vector.broadcast %jit3A_507 : f32 to vector<16xf32>
        %select_n3A_510 = arith.select %gt3A_501, %broadcast_in_dim3A_508, %broadcast_in_dim3A_509 : vector<16xi1>, vector<16xf32>
        %add3A_511 = arith.addf %add3A_493, %select_n3A_510 : vector<16xf32>
        %mul3A_512 = arith.constant 400 : i32
        %mul3A_513 = arith.muli %scan3A_167, %mul3A_512 : i32
        %add3A_514 = arith.constant 304 : i32
        %add3A_515 = arith.addi %mul3A_513, %add3A_514 : i32
        %get3A_516 = arith.index_cast %add3A_515 : i32 to index
        %get3A_517 = tpu.vector_load %arg5[%get3A_516] {strides = array<i32>} : memref<20000xf32, #tpu.memory_space<vmem>>, vector<16xf32>,
        %get3A_518 = vector.shape_cast %get3A_517 : vector<16xf32> to vector<16xf32>
        %gt3A_519 = arith.cmpf ogt, %get3A_518, %scan3A_84#0 : vector<16xf32>
        %jit3A_520 = arith.constant 0.000000e+00 : f32
        %broadcast_in_dim3A_521 = vector.broadcast %jit3A_520 : f32 to vector<16xf32>
        %select_n3A_522 = arith.select %gt3A_519, %get3A_518, %broadcast_in_dim3A_521 : vector<16xi1>, vector<16xf32>
        %add3A_523 = arith.addf %add3A_505, %select_n3A_522 : vector<16xf32>
        %jit3A_524 = arith.constant 1.000000e+00 : f32
        %jit3A_525 = arith.constant 0.000000e+00 : f32
        %broadcast_in_dim3A_526 = vector.broadcast %jit3A_524 : f32 to vector<16xf32>
        %broadcast_in_dim3A_527 = vector.broadcast %jit3A_525 : f32 to vector<16xf32>
        %select_n3A_528 = arith.select %gt3A_519, %broadcast_in_dim3A_526, %broadcast_in_dim3A_527 : vector<16xi1>, vector<16xf32>
        %add3A_529 = arith.addf %add3A_511, %select_n3A_528 : vector<16xf32>
        %mul3A_530 = arith.constant 400 : i32
        %mul3A_531 = arith.muli %scan3A_167, %mul3A_530 : i32
        %add3A_532 = arith.constant 320 : i32
        %add3A_533 = arith.addi %mul3A_531, %add3A_532 : i32
        %get3A_534 = arith.index_cast %add3A_533 : i32 to index
        %get3A_535 = tpu.vector_load %arg5[%get3A_534] {strides = array<i32>} : memref<20000xf32, #tpu.memory_space<vmem>>, vector<16xf32>,
        %get3A_536 = vector.shape_cast %get3A_535 : vector<16xf32> to vector<16xf32>
        %gt3A_537 = arith.cmpf ogt, %get3A_536, %scan3A_84#0 : vector<16xf32>
        %jit3A_538 = arith.constant 0.000000e+00 : f32
        %broadcast_in_dim3A_539 = vector.broadcast %jit3A_538 : f32 to vector<16xf32>
        %select_n3A_540 = arith.select %gt3A_537, %get3A_536, %broadcast_in_dim3A_539 : vector<16xi1>, vector<16xf32>
        %add3A_541 = arith.addf %add3A_523, %select_n3A_540 : vector<16xf32>
        %jit3A_542 = arith.constant 1.000000e+00 : f32
        %jit3A_543 = arith.constant 0.000000e+00 : f32
        %broadcast_in_dim3A_544 = vector.broadcast %jit3A_542 : f32 to vector<16xf32>
        %broadcast_in_dim3A_545 = vector.broadcast %jit3A_543 : f32 to vector<16xf32>
        %select_n3A_546 = arith.select %gt3A_537, %broadcast_in_dim3A_544, %broadcast_in_dim3A_545 : vector<16xi1>, vector<16xf32>
        %add3A_547 = arith.addf %add3A_529, %select_n3A_546 : vector<16xf32>
        %mul3A_548 = arith.constant 400 : i32
        %mul3A_549 = arith.muli %scan3A_167, %mul3A_548 : i32
        %add3A_550 = arith.constant 336 : i32
        %add3A_551 = arith.addi %mul3A_549, %add3A_550 : i32
        %get3A_552 = arith.index_cast %add3A_551 : i32 to index
        %get3A_553 = tpu.vector_load %arg5[%get3A_552] {strides = array<i32>} : memref<20000xf32, #tpu.memory_space<vmem>>, vector<16xf32>,
        %get3A_554 = vector.shape_cast %get3A_553 : vector<16xf32> to vector<16xf32>
        %gt3A_555 = arith.cmpf ogt, %get3A_554, %scan3A_84#0 : vector<16xf32>
        %jit3A_556 = arith.constant 0.000000e+00 : f32
        %broadcast_in_dim3A_557 = vector.broadcast %jit3A_556 : f32 to vector<16xf32>
        %select_n3A_558 = arith.select %gt3A_555, %get3A_554, %broadcast_in_dim3A_557 : vector<16xi1>, vector<16xf32>
        %add3A_559 = arith.addf %add3A_541, %select_n3A_558 : vector<16xf32>
        %jit3A_560 = arith.constant 1.000000e+00 : f32
        %jit3A_561 = arith.constant 0.000000e+00 : f32
        %broadcast_in_dim3A_562 = vector.broadcast %jit3A_560 : f32 to vector<16xf32>
        %broadcast_in_dim3A_563 = vector.broadcast %jit3A_561 : f32 to vector<16xf32>
        %select_n3A_564 = arith.select %gt3A_555, %broadcast_in_dim3A_562, %broadcast_in_dim3A_563 : vector<16xi1>, vector<16xf32>
        %add3A_565 = arith.addf %add3A_547, %select_n3A_564 : vector<16xf32>
        %mul3A_566 = arith.constant 400 : i32
        %mul3A_567 = arith.muli %scan3A_167, %mul3A_566 : i32
        %add3A_568 = arith.constant 352 : i32
        %add3A_569 = arith.addi %mul3A_567, %add3A_568 : i32
        %get3A_570 = arith.index_cast %add3A_569 : i32 to index
        %get3A_571 = tpu.vector_load %arg5[%get3A_570] {strides = array<i32>} : memref<20000xf32, #tpu.memory_space<vmem>>, vector<16xf32>,
        %get3A_572 = vector.shape_cast %get3A_571 : vector<16xf32> to vector<16xf32>
        %gt3A_573 = arith.cmpf ogt, %get3A_572, %scan3A_84#0 : vector<16xf32>
        %jit3A_574 = arith.constant 0.000000e+00 : f32
        %broadcast_in_dim3A_575 = vector.broadcast %jit3A_574 : f32 to vector<16xf32>
        %select_n3A_576 = arith.select %gt3A_573, %get3A_572, %broadcast_in_dim3A_575 : vector<16xi1>, vector<16xf32>
        %add3A_577 = arith.addf %add3A_559, %select_n3A_576 : vector<16xf32>
        %jit3A_578 = arith.constant 1.000000e+00 : f32
        %jit3A_579 = arith.constant 0.000000e+00 : f32
        %broadcast_in_dim3A_580 = vector.broadcast %jit3A_578 : f32 to vector<16xf32>
        %broadcast_in_dim3A_581 = vector.broadcast %jit3A_579 : f32 to vector<16xf32>
        %select_n3A_582 = arith.select %gt3A_573, %broadcast_in_dim3A_580, %broadcast_in_dim3A_581 : vector<16xi1>, vector<16xf32>
        %add3A_583 = arith.addf %add3A_565, %select_n3A_582 : vector<16xf32>
        %mul3A_584 = arith.constant 400 : i32
        %mul3A_585 = arith.muli %scan3A_167, %mul3A_584 : i32
        %add3A_586 = arith.constant 368 : i32
        %add3A_587 = arith.addi %mul3A_585, %add3A_586 : i32
        %get3A_588 = arith.index_cast %add3A_587 : i32 to index
        %get3A_589 = tpu.vector_load %arg5[%get3A_588] {strides = array<i32>} : memref<20000xf32, #tpu.memory_space<vmem>>, vector<16xf32>,
        %get3A_590 = vector.shape_cast %get3A_589 : vector<16xf32> to vector<16xf32>
        %gt3A_591 = arith.cmpf ogt, %get3A_590, %scan3A_84#0 : vector<16xf32>
        %jit3A_592 = arith.constant 0.000000e+00 : f32
        %broadcast_in_dim3A_593 = vector.broadcast %jit3A_592 : f32 to vector<16xf32>
        %select_n3A_594 = arith.select %gt3A_591, %get3A_590, %broadcast_in_dim3A_593 : vector<16xi1>, vector<16xf32>
        %add3A_595 = arith.addf %add3A_577, %select_n3A_594 : vector<16xf32>
        %jit3A_596 = arith.constant 1.000000e+00 : f32
        %jit3A_597 = arith.constant 0.000000e+00 : f32
        %broadcast_in_dim3A_598 = vector.broadcast %jit3A_596 : f32 to vector<16xf32>
        %broadcast_in_dim3A_599 = vector.broadcast %jit3A_597 : f32 to vector<16xf32>
        %select_n3A_600 = arith.select %gt3A_591, %broadcast_in_dim3A_598, %broadcast_in_dim3A_599 : vector<16xi1>, vector<16xf32>
        %add3A_601 = arith.addf %add3A_583, %select_n3A_600 : vector<16xf32>
        %mul3A_602 = arith.constant 400 : i32
        %mul3A_603 = arith.muli %scan3A_167, %mul3A_602 : i32
        %add3A_604 = arith.constant 384 : i32
        %add3A_605 = arith.addi %mul3A_603, %add3A_604 : i32
        %get3A_606 = arith.index_cast %add3A_605 : i32 to index
        %get3A_607 = tpu.vector_load %arg5[%get3A_606] {strides = array<i32>} : memref<20000xf32, #tpu.memory_space<vmem>>, vector<16xf32>,
        %get3A_608 = vector.shape_cast %get3A_607 : vector<16xf32> to vector<16xf32>
        %gt3A_609 = arith.cmpf ogt, %get3A_608, %scan3A_84#0 : vector<16xf32>
        %jit3A_610 = arith.constant 0.000000e+00 : f32
        %broadcast_in_dim3A_611 = vector.broadcast %jit3A_610 : f32 to vector<16xf32>
        %select_n3A_612 = arith.select %gt3A_609, %get3A_608, %broadcast_in_dim3A_611 : vector<16xi1>, vector<16xf32>
        %add3A_613 = arith.addf %add3A_595, %select_n3A_612 : vector<16xf32>
        %jit3A_614 = arith.constant 1.000000e+00 : f32
        %jit3A_615 = arith.constant 0.000000e+00 : f32
        %broadcast_in_dim3A_616 = vector.broadcast %jit3A_614 : f32 to vector<16xf32>
        %broadcast_in_dim3A_617 = vector.broadcast %jit3A_615 : f32 to vector<16xf32>
        %select_n3A_618 = arith.select %gt3A_609, %broadcast_in_dim3A_616, %broadcast_in_dim3A_617 : vector<16xi1>, vector<16xf32>
        %add3A_619 = arith.addf %add3A_601, %select_n3A_618 : vector<16xf32>
        scf.yield %add3A_613, %add3A_619 : vector<16xf32>, vector<16xf32>
      }
      %scan3A_95 = arith.constant 50 : i32
      %xor3A_96 = arith.constant 8 : i32
      %xor3A_97 = vector.broadcast %xor3A_96 : i32 to vector<16xi32>
      %xor3A_98 = arith.xori %iota3A, %xor3A_97 : vector<16xi32>
      %broadcast_in_dim3A_99 = vector.shape_cast %xor3A_98 : vector<16xi32> to vector<16x1xi32>
      %gather3A_100 = vector.shape_cast %broadcast_in_dim3A_99 : vector<16x1xi32> to vector<16xi32>
      %gather3A_101 = tpu.dynamic_gather %scan3A_94#1[%gather3A_100] in [0] : vector<16xf32>, vector<16xi32> -> vector<16xf32>
      %add3A_102 = arith.addf %scan3A_94#1, %gather3A_101 : vector<16xf32>
      %xor3A_103 = arith.constant 4 : i32
      %xor3A_104 = vector.broadcast %xor3A_103 : i32 to vector<16xi32>
      %xor3A_105 = arith.xori %iota3A, %xor3A_104 : vector<16xi32>
      %broadcast_in_dim3A_106 = vector.shape_cast %xor3A_105 : vector<16xi32> to vector<16x1xi32>
      %gather3A_107 = vector.shape_cast %broadcast_in_dim3A_106 : vector<16x1xi32> to vector<16xi32>
      %gather3A_108 = tpu.dynamic_gather %add3A_102[%gather3A_107] in [0] : vector<16xf32>, vector<16xi32> -> vector<16xf32>
      %add3A_109 = arith.addf %add3A_102, %gather3A_108 : vector<16xf32>
      %xor3A_110 = arith.constant 2 : i32
      %xor3A_111 = vector.broadcast %xor3A_110 : i32 to vector<16xi32>
      %xor3A_112 = arith.xori %iota3A, %xor3A_111 : vector<16xi32>
      %broadcast_in_dim3A_113 = vector.shape_cast %xor3A_112 : vector<16xi32> to vector<16x1xi32>
      %gather3A_114 = vector.shape_cast %broadcast_in_dim3A_113 : vector<16x1xi32> to vector<16xi32>
      %gather3A_115 = tpu.dynamic_gather %add3A_109[%gather3A_114] in [0] : vector<16xf32>, vector<16xi32> -> vector<16xf32>
      %add3A_116 = arith.addf %add3A_109, %gather3A_115 : vector<16xf32>
      %xor3A_117 = arith.constant 1 : i32
      %xor3A_118 = vector.broadcast %xor3A_117 : i32 to vector<16xi32>
      %xor3A_119 = arith.xori %iota3A, %xor3A_118 : vector<16xi32>
      %broadcast_in_dim3A_120 = vector.shape_cast %xor3A_119 : vector<16xi32> to vector<16x1xi32>
      %gather3A_121 = vector.shape_cast %broadcast_in_dim3A_120 : vector<16x1xi32> to vector<16xi32>
      %gather3A_122 = tpu.dynamic_gather %add3A_116[%gather3A_121] in [0] : vector<16xf32>, vector<16xi32> -> vector<16xf32>
      %add3A_123 = arith.addf %add3A_116, %gather3A_122 : vector<16xf32>
      %xor3A_124 = arith.constant 8 : i32
      %xor3A_125 = vector.broadcast %xor3A_124 : i32 to vector<16xi32>
      %xor3A_126 = arith.xori %iota3A, %xor3A_125 : vector<16xi32>
      %broadcast_in_dim3A_127 = vector.shape_cast %xor3A_126 : vector<16xi32> to vector<16x1xi32>
      %gather3A_128 = vector.shape_cast %broadcast_in_dim3A_127 : vector<16x1xi32> to vector<16xi32>
      %gather3A_129 = tpu.dynamic_gather %scan3A_94#0[%gather3A_128] in [0] : vector<16xf32>, vector<16xi32> -> vector<16xf32>
      %add3A_130 = arith.addf %scan3A_94#0, %gather3A_129 : vector<16xf32>
      %xor3A_131 = arith.constant 4 : i32
      %xor3A_132 = vector.broadcast %xor3A_131 : i32 to vector<16xi32>
      %xor3A_133 = arith.xori %iota3A, %xor3A_132 : vector<16xi32>
      %broadcast_in_dim3A_134 = vector.shape_cast %xor3A_133 : vector<16xi32> to vector<16x1xi32>
      %gather3A_135 = vector.shape_cast %broadcast_in_dim3A_134 : vector<16x1xi32> to vector<16xi32>
      %gather3A_136 = tpu.dynamic_gather %add3A_130[%gather3A_135] in [0] : vector<16xf32>, vector<16xi32> -> vector<16xf32>
      %add3A_137 = arith.addf %add3A_130, %gather3A_136 : vector<16xf32>
      %xor3A_138 = arith.constant 2 : i32
      %xor3A_139 = vector.broadcast %xor3A_138 : i32 to vector<16xi32>
      %xor3A_140 = arith.xori %iota3A, %xor3A_139 : vector<16xi32>
      %broadcast_in_dim3A_141 = vector.shape_cast %xor3A_140 : vector<16xi32> to vector<16x1xi32>
      %gather3A_142 = vector.shape_cast %broadcast_in_dim3A_141 : vector<16x1xi32> to vector<16xi32>
      %gather3A_143 = tpu.dynamic_gather %add3A_137[%gather3A_142] in [0] : vector<16xf32>, vector<16xi32> -> vector<16xf32>
      %add3A_144 = arith.addf %add3A_137, %gather3A_143 : vector<16xf32>
      %xor3A_145 = arith.constant 1 : i32
      %xor3A_146 = vector.broadcast %xor3A_145 : i32 to vector<16xi32>
      %xor3A_147 = arith.xori %iota3A, %xor3A_146 : vector<16xi32>
      %broadcast_in_dim3A_148 = vector.shape_cast %xor3A_147 : vector<16xi32> to vector<16x1xi32>
      %gather3A_149 = vector.shape_cast %broadcast_in_dim3A_148 : vector<16x1xi32> to vector<16xi32>
      %gather3A_150 = tpu.dynamic_gather %add3A_144[%gather3A_149] in [0] : vector<16xf32>, vector<16xi32> -> vector<16xf32>
      %add3A_151 = arith.addf %add3A_144, %gather3A_150 : vector<16xf32>
      %gt3A = arith.constant 0.000000e+00 : f32
      %gt3A_152 = vector.broadcast %gt3A : f32 to vector<16xf32>
      %gt3A_153 = arith.cmpf ogt, %min3A_43, %gt3A_152 : vector<16xf32>
      %sub3A = arith.subf %min3A_43, %add3A_123 : vector<16xf32>
      %mul3A_154 = arith.mulf %sub3A, %scan3A_84#0 : vector<16xf32>
      %add3A_155 = arith.addf %add3A_151, %mul3A_154 : vector<16xf32>
      %jit3A_156 = arith.constant 0.000000e+00 : f32
      %broadcast_in_dim3A_157 = vector.broadcast %jit3A_156 : f32 to vector<16xf32>
      %select_n3A_158 = arith.select %gt3A_153, %add3A_155, %broadcast_in_dim3A_157 : vector<16xi1>, vector<16xf32>
      %eq3A_159 = vector.broadcast %arg1 : i32 to vector<16xi32>
      %eq3A_160 = arith.cmpi eq, %iota3A, %eq3A_159 : vector<16xi32>
      %jit3A_161 = arith.constant 0.000000e+00 : f32
      %broadcast_in_dim3A_162 = vector.broadcast %jit3A_161 : f32 to vector<16xf32>
      %select_n3A_163 = arith.select %eq3A_160, %select_n3A_158, %broadcast_in_dim3A_162 : vector<16xi1>, vector<16xf32>
      %swap3A = arith.constant 0 : index
      %swap3A_164 = tpu.vector_load %arg7[%swap3A] {strides = array<i32>} : memref<16xf32, #tpu.memory_space<vmem>>, vector<16xf32>,
      %swap3A_165 = vector.shape_cast %swap3A_164 : vector<16xf32> to vector<16xf32>
      %swap3A_166 = vector.shape_cast %select_n3A_163 : vector<16xf32> to vector<16xf32>
      tpu.vector_store %arg7[%swap3A], %swap3A_166 {strides = array<i32>} : memref<16xf32, #tpu.memory_space<vmem>>, vector<16xf32>,
      "tpu.region"() ({
        %run_scoped3A = tpu.sem_alloc : memref<!tpu.dma_semaphore, #tpu.memory_space<semaphore_mem>>
        %dma_start3A = arith.constant 0 : i32
        %dma_start3A_167 = tpu.memref_slice %arg9[%arg1, %dma_start3A] : memref<16x16xf32, #tpu.memory_space<hbm>> -> memref<1x16xf32, #tpu.memory_space<hbm>>
        %dma_start3A_168 = tpu.memref_squeeze %dma_start3A_167 : memref<1x16xf32, #tpu.memory_space<hbm>> -> memref<16xf32, #tpu.memory_space<hbm>>
        %dma_start3A_169 = arith.constant 0 : i32
        %dma_start3A_170 = tpu.memref_slice %arg9[%arg1, %dma_start3A_169] : memref<16x16xf32, #tpu.memory_space<hbm>> -> memref<1x16xf32, #tpu.memory_space<hbm>>
        %dma_start3A_171 = tpu.memref_squeeze %dma_start3A_170 : memref<1x16xf32, #tpu.memory_space<hbm>> -> memref<16xf32, #tpu.memory_space<hbm>>
        tpu.enqueue_dma source(%arg7 : memref<16xf32, #tpu.memory_space<vmem>>) target(%dma_start3A_171 : memref<16xf32, #tpu.memory_space<hbm>>) target_semaphore(%run_scoped3A : memref<!tpu.dma_semaphore, #tpu.memory_space<semaphore_mem>>)
        %dma_wait3A = arith.constant 0 : i32
        %dma_wait3A_172 = tpu.memref_slice %arg9[%arg1, %dma_wait3A] : memref<16x16xf32, #tpu.memory_space<hbm>> -> memref<1x16xf32, #tpu.memory_space<hbm>>
        %dma_wait3A_173 = tpu.memref_squeeze %dma_wait3A_172 : memref<1x16xf32, #tpu.memory_space<hbm>> -> memref<16xf32, #tpu.memory_space<hbm>>
        %dma_wait3A_174 = arith.constant 0 : i32
        %dma_wait3A_175 = tpu.memref_slice %arg9[%arg1, %dma_wait3A_174] : memref<16x16xf32, #tpu.memory_space<hbm>> -> memref<1x16xf32, #tpu.memory_space<hbm>>
        %dma_wait3A_176 = tpu.memref_squeeze %dma_wait3A_175 : memref<1x16xf32, #tpu.memory_space<hbm>> -> memref<16xf32, #tpu.memory_space<hbm>>
        tpu.wait_dma2 semaphore(%run_scoped3A : memref<!tpu.dma_semaphore, #tpu.memory_space<semaphore_mem>>) src(%arg7 : memref<16xf32, #tpu.memory_space<vmem>>) dst(%dma_wait3A_176 : memref<16xf32, #tpu.memory_space<hbm>>)
        tpu.yield
      }) : () -> ()
    } else {
    }
    %barrier3A = arith.constant 0 : index
    tpu.barrier barrier_id(%barrier3A)
    %eq3A_2 = arith.constant 0 : i32
    %eq3A_3 = arith.cmpi eq, %arg0, %eq3A_2 : i32
    %eq3A_4 = arith.constant 0 : i32
    %eq3A_5 = arith.cmpi eq, %arg1, %eq3A_4 : i32
    %and3A = arith.andi %eq3A_3, %eq3A_5 : i1
    %convert_element_type3A_6 = arith.extui %and3A : i1 to i32
    %cond3A_7 = arith.constant 0 : i32
    %cond3A_8 = arith.cmpi ne, %convert_element_type3A_6, %cond3A_7 : i32
    scf.if %cond3A_8 {
      "tpu.region"() ({
        %run_scoped3A = tpu.sem_alloc : memref<!tpu.dma_semaphore, #tpu.memory_space<semaphore_mem>>
        tpu.enqueue_dma source(%arg9 : memref<16x16xf32, #tpu.memory_space<hbm>>) target(%arg8 : memref<16x16xf32, #tpu.memory_space<vmem>>) target_semaphore(%run_scoped3A : memref<!tpu.dma_semaphore, #tpu.memory_space<semaphore_mem>>)
        tpu.wait_dma2 semaphore(%run_scoped3A : memref<!tpu.dma_semaphore, #tpu.memory_space<semaphore_mem>>) src(%arg9 : memref<16x16xf32, #tpu.memory_space<hbm>>) dst(%arg8 : memref<16x16xf32, #tpu.memory_space<vmem>>)
        tpu.yield
      }) : () -> ()
      %broadcast_in_dim3A = arith.constant 0.000000e+00 : f32
      %broadcast_in_dim3A_9 = vector.broadcast %broadcast_in_dim3A : f32 to vector<16xf32>
      %get3A = arith.constant 0 : i32
      %get3A_10 = arith.index_cast %get3A : i32 to index
      %get3A_11 = arith.constant 0 : index
      %get3A_12 = tpu.vector_load %arg8[%get3A_10, %get3A_11] {strides = array<i32>} : memref<16x16xf32, #tpu.memory_space<vmem>>, vector<1x16xf32>,
      %get3A_13 = vector.shape_cast %get3A_12 : vector<1x16xf32> to vector<16xf32>
      %add3A = arith.addf %broadcast_in_dim3A_9, %get3A_13 : vector<16xf32>
      %get3A_14 = arith.constant 1 : i32
      %get3A_15 = arith.index_cast %get3A_14 : i32 to index
      %get3A_16 = arith.constant 0 : index
      %get3A_17 = tpu.vector_load %arg8[%get3A_15, %get3A_16] {strides = array<i32>} : memref<16x16xf32, #tpu.memory_space<vmem>>, vector<1x16xf32>,
      %get3A_18 = vector.shape_cast %get3A_17 : vector<1x16xf32> to vector<16xf32>
      %add3A_19 = arith.addf %add3A, %get3A_18 : vector<16xf32>
      %get3A_20 = arith.constant 2 : i32
      %get3A_21 = arith.index_cast %get3A_20 : i32 to index
      %get3A_22 = arith.constant 0 : index
      %get3A_23 = tpu.vector_load %arg8[%get3A_21, %get3A_22] {strides = array<i32>} : memref<16x16xf32, #tpu.memory_space<vmem>>, vector<1x16xf32>,
      %get3A_24 = vector.shape_cast %get3A_23 : vector<1x16xf32> to vector<16xf32>
      %add3A_25 = arith.addf %add3A_19, %get3A_24 : vector<16xf32>
      %get3A_26 = arith.constant 3 : i32
      %get3A_27 = arith.index_cast %get3A_26 : i32 to index
      %get3A_28 = arith.constant 0 : index
      %get3A_29 = tpu.vector_load %arg8[%get3A_27, %get3A_28] {strides = array<i32>} : memref<16x16xf32, #tpu.memory_space<vmem>>, vector<1x16xf32>,
      %get3A_30 = vector.shape_cast %get3A_29 : vector<1x16xf32> to vector<16xf32>
      %add3A_31 = arith.addf %add3A_25, %get3A_30 : vector<16xf32>
      %get3A_32 = arith.constant 4 : i32
      %get3A_33 = arith.index_cast %get3A_32 : i32 to index
      %get3A_34 = arith.constant 0 : index
      %get3A_35 = tpu.vector_load %arg8[%get3A_33, %get3A_34] {strides = array<i32>} : memref<16x16xf32, #tpu.memory_space<vmem>>, vector<1x16xf32>,
      %get3A_36 = vector.shape_cast %get3A_35 : vector<1x16xf32> to vector<16xf32>
      %add3A_37 = arith.addf %add3A_31, %get3A_36 : vector<16xf32>
      %get3A_38 = arith.constant 5 : i32
      %get3A_39 = arith.index_cast %get3A_38 : i32 to index
      %get3A_40 = arith.constant 0 : index
      %get3A_41 = tpu.vector_load %arg8[%get3A_39, %get3A_40] {strides = array<i32>} : memref<16x16xf32, #tpu.memory_space<vmem>>, vector<1x16xf32>,
      %get3A_42 = vector.shape_cast %get3A_41 : vector<1x16xf32> to vector<16xf32>
      %add3A_43 = arith.addf %add3A_37, %get3A_42 : vector<16xf32>
      %get3A_44 = arith.constant 6 : i32
      %get3A_45 = arith.index_cast %get3A_44 : i32 to index
      %get3A_46 = arith.constant 0 : index
      %get3A_47 = tpu.vector_load %arg8[%get3A_45, %get3A_46] {strides = array<i32>} : memref<16x16xf32, #tpu.memory_space<vmem>>, vector<1x16xf32>,
      %get3A_48 = vector.shape_cast %get3A_47 : vector<1x16xf32> to vector<16xf32>
      %add3A_49 = arith.addf %add3A_43, %get3A_48 : vector<16xf32>
      %get3A_50 = arith.constant 7 : i32
      %get3A_51 = arith.index_cast %get3A_50 : i32 to index
      %get3A_52 = arith.constant 0 : index
      %get3A_53 = tpu.vector_load %arg8[%get3A_51, %get3A_52] {strides = array<i32>} : memref<16x16xf32, #tpu.memory_space<vmem>>, vector<1x16xf32>,
      %get3A_54 = vector.shape_cast %get3A_53 : vector<1x16xf32> to vector<16xf32>
      %add3A_55 = arith.addf %add3A_49, %get3A_54 : vector<16xf32>
      %get3A_56 = arith.constant 8 : i32
      %get3A_57 = arith.index_cast %get3A_56 : i32 to index
      %get3A_58 = arith.constant 0 : index
      %get3A_59 = tpu.vector_load %arg8[%get3A_57, %get3A_58] {strides = array<i32>} : memref<16x16xf32, #tpu.memory_space<vmem>>, vector<1x16xf32>,
      %get3A_60 = vector.shape_cast %get3A_59 : vector<1x16xf32> to vector<16xf32>
      %add3A_61 = arith.addf %add3A_55, %get3A_60 : vector<16xf32>
      %get3A_62 = arith.constant 9 : i32
      %get3A_63 = arith.index_cast %get3A_62 : i32 to index
      %get3A_64 = arith.constant 0 : index
      %get3A_65 = tpu.vector_load %arg8[%get3A_63, %get3A_64] {strides = array<i32>} : memref<16x16xf32, #tpu.memory_space<vmem>>, vector<1x16xf32>,
      %get3A_66 = vector.shape_cast %get3A_65 : vector<1x16xf32> to vector<16xf32>
      %add3A_67 = arith.addf %add3A_61, %get3A_66 : vector<16xf32>
      %get3A_68 = arith.constant 10 : i32
      %get3A_69 = arith.index_cast %get3A_68 : i32 to index
      %get3A_70 = arith.constant 0 : index
      %get3A_71 = tpu.vector_load %arg8[%get3A_69, %get3A_70] {strides = array<i32>} : memref<16x16xf32, #tpu.memory_space<vmem>>, vector<1x16xf32>,
      %get3A_72 = vector.shape_cast %get3A_71 : vector<1x16xf32> to vector<16xf32>
      %add3A_73 = arith.addf %add3A_67, %get3A_72 : vector<16xf32>
      %get3A_74 = arith.constant 11 : i32
      %get3A_75 = arith.index_cast %get3A_74 : i32 to index
      %get3A_76 = arith.constant 0 : index
      %get3A_77 = tpu.vector_load %arg8[%get3A_75, %get3A_76] {strides = array<i32>} : memref<16x16xf32, #tpu.memory_space<vmem>>, vector<1x16xf32>,
      %get3A_78 = vector.shape_cast %get3A_77 : vector<1x16xf32> to vector<16xf32>
      %add3A_79 = arith.addf %add3A_73, %get3A_78 : vector<16xf32>
      %get3A_80 = arith.constant 12 : i32
      %get3A_81 = arith.index_cast %get3A_80 : i32 to index
      %get3A_82 = arith.constant 0 : index
      %get3A_83 = tpu.vector_load %arg8[%get3A_81, %get3A_82] {strides = array<i32>} : memref<16x16xf32, #tpu.memory_space<vmem>>, vector<1x16xf32>,
      %get3A_84 = vector.shape_cast %get3A_83 : vector<1x16xf32> to vector<16xf32>
      %add3A_85 = arith.addf %add3A_79, %get3A_84 : vector<16xf32>
      %get3A_86 = arith.constant 13 : i32
      %get3A_87 = arith.index_cast %get3A_86 : i32 to index
      %get3A_88 = arith.constant 0 : index
      %get3A_89 = tpu.vector_load %arg8[%get3A_87, %get3A_88] {strides = array<i32>} : memref<16x16xf32, #tpu.memory_space<vmem>>, vector<1x16xf32>,
      %get3A_90 = vector.shape_cast %get3A_89 : vector<1x16xf32> to vector<16xf32>
      %add3A_91 = arith.addf %add3A_85, %get3A_90 : vector<16xf32>
      %get3A_92 = arith.constant 14 : i32
      %get3A_93 = arith.index_cast %get3A_92 : i32 to index
      %get3A_94 = arith.constant 0 : index
      %get3A_95 = tpu.vector_load %arg8[%get3A_93, %get3A_94] {strides = array<i32>} : memref<16x16xf32, #tpu.memory_space<vmem>>, vector<1x16xf32>,
      %get3A_96 = vector.shape_cast %get3A_95 : vector<1x16xf32> to vector<16xf32>
      %add3A_97 = arith.addf %add3A_91, %get3A_96 : vector<16xf32>
      %get3A_98 = arith.constant 15 : i32
      %get3A_99 = arith.index_cast %get3A_98 : i32 to index
      %get3A_100 = arith.constant 0 : index
      %get3A_101 = tpu.vector_load %arg8[%get3A_99, %get3A_100] {strides = array<i32>} : memref<16x16xf32, #tpu.memory_space<vmem>>, vector<1x16xf32>,
      %get3A_102 = vector.shape_cast %get3A_101 : vector<1x16xf32> to vector<16xf32>
      %add3A_103 = arith.addf %add3A_97, %get3A_102 : vector<16xf32>
      %get3A_104 = arith.constant 0 : i32
      %get3A_105 = arith.index_cast %get3A_104 : i32 to index
      %get3A_106 = arith.constant 0 : index
      %get3A_107 = tpu.vector_load %arg6[%get3A_105, %get3A_106] {strides = array<i32>} : memref<4x16xf32, #tpu.memory_space<vmem>>, vector<1x16xf32>,
      %get3A_108 = vector.shape_cast %get3A_107 : vector<1x16xf32> to vector<16xf32>
      %xor3A = arith.constant 8 : i32
      %xor3A_109 = vector.broadcast %xor3A : i32 to vector<16xi32>
      %xor3A_110 = arith.xori %iota3A, %xor3A_109 : vector<16xi32>
      %broadcast_in_dim3A_111 = vector.shape_cast %xor3A_110 : vector<16xi32> to vector<16x1xi32>
      %gather3A = vector.shape_cast %broadcast_in_dim3A_111 : vector<16x1xi32> to vector<16xi32>
      %gather3A_112 = tpu.dynamic_gather %get3A_108[%gather3A] in [0] : vector<16xf32>, vector<16xi32> -> vector<16xf32>
      %add3A_113 = arith.addf %get3A_108, %gather3A_112 : vector<16xf32>
      %xor3A_114 = arith.constant 4 : i32
      %xor3A_115 = vector.broadcast %xor3A_114 : i32 to vector<16xi32>
      %xor3A_116 = arith.xori %iota3A, %xor3A_115 : vector<16xi32>
      %broadcast_in_dim3A_117 = vector.shape_cast %xor3A_116 : vector<16xi32> to vector<16x1xi32>
      %gather3A_118 = vector.shape_cast %broadcast_in_dim3A_117 : vector<16x1xi32> to vector<16xi32>
      %gather3A_119 = tpu.dynamic_gather %add3A_113[%gather3A_118] in [0] : vector<16xf32>, vector<16xi32> -> vector<16xf32>
      %add3A_120 = arith.addf %add3A_113, %gather3A_119 : vector<16xf32>
      %xor3A_121 = arith.constant 2 : i32
      %xor3A_122 = vector.broadcast %xor3A_121 : i32 to vector<16xi32>
      %xor3A_123 = arith.xori %iota3A, %xor3A_122 : vector<16xi32>
      %broadcast_in_dim3A_124 = vector.shape_cast %xor3A_123 : vector<16xi32> to vector<16x1xi32>
      %gather3A_125 = vector.shape_cast %broadcast_in_dim3A_124 : vector<16x1xi32> to vector<16xi32>
      %gather3A_126 = tpu.dynamic_gather %add3A_120[%gather3A_125] in [0] : vector<16xf32>, vector<16xi32> -> vector<16xf32>
      %add3A_127 = arith.addf %add3A_120, %gather3A_126 : vector<16xf32>
      %xor3A_128 = arith.constant 1 : i32
      %xor3A_129 = vector.broadcast %xor3A_128 : i32 to vector<16xi32>
      %xor3A_130 = arith.xori %iota3A, %xor3A_129 : vector<16xi32>
      %broadcast_in_dim3A_131 = vector.shape_cast %xor3A_130 : vector<16xi32> to vector<16x1xi32>
      %gather3A_132 = vector.shape_cast %broadcast_in_dim3A_131 : vector<16x1xi32> to vector<16xi32>
      %gather3A_133 = tpu.dynamic_gather %add3A_127[%gather3A_132] in [0] : vector<16xf32>, vector<16xi32> -> vector<16xf32>
      %add3A_134 = arith.addf %add3A_127, %gather3A_133 : vector<16xf32>
      %get3A_135 = arith.constant 1 : i32
      %get3A_136 = arith.index_cast %get3A_135 : i32 to index
      %get3A_137 = arith.constant 0 : index
      %get3A_138 = tpu.vector_load %arg6[%get3A_136, %get3A_137] {strides = array<i32>} : memref<4x16xf32, #tpu.memory_space<vmem>>, vector<1x16xf32>,
      %get3A_139 = vector.shape_cast %get3A_138 : vector<1x16xf32> to vector<16xf32>
      %xor3A_140 = arith.constant 8 : i32
      %xor3A_141 = vector.broadcast %xor3A_140 : i32 to vector<16xi32>
      %xor3A_142 = arith.xori %iota3A, %xor3A_141 : vector<16xi32>
      %broadcast_in_dim3A_143 = vector.shape_cast %xor3A_142 : vector<16xi32> to vector<16x1xi32>
      %gather3A_144 = vector.shape_cast %broadcast_in_dim3A_143 : vector<16x1xi32> to vector<16xi32>
      %gather3A_145 = tpu.dynamic_gather %get3A_139[%gather3A_144] in [0] : vector<16xf32>, vector<16xi32> -> vector<16xf32>
      %add3A_146 = arith.addf %get3A_139, %gather3A_145 : vector<16xf32>
      %xor3A_147 = arith.constant 4 : i32
      %xor3A_148 = vector.broadcast %xor3A_147 : i32 to vector<16xi32>
      %xor3A_149 = arith.xori %iota3A, %xor3A_148 : vector<16xi32>
      %broadcast_in_dim3A_150 = vector.shape_cast %xor3A_149 : vector<16xi32> to vector<16x1xi32>
      %gather3A_151 = vector.shape_cast %broadcast_in_dim3A_150 : vector<16x1xi32> to vector<16xi32>
      %gather3A_152 = tpu.dynamic_gather %add3A_146[%gather3A_151] in [0] : vector<16xf32>, vector<16xi32> -> vector<16xf32>
      %add3A_153 = arith.addf %add3A_146, %gather3A_152 : vector<16xf32>
      %xor3A_154 = arith.constant 2 : i32
      %xor3A_155 = vector.broadcast %xor3A_154 : i32 to vector<16xi32>
      %xor3A_156 = arith.xori %iota3A, %xor3A_155 : vector<16xi32>
      %broadcast_in_dim3A_157 = vector.shape_cast %xor3A_156 : vector<16xi32> to vector<16x1xi32>
      %gather3A_158 = vector.shape_cast %broadcast_in_dim3A_157 : vector<16x1xi32> to vector<16xi32>
      %gather3A_159 = tpu.dynamic_gather %add3A_153[%gather3A_158] in [0] : vector<16xf32>, vector<16xi32> -> vector<16xf32>
      %add3A_160 = arith.addf %add3A_153, %gather3A_159 : vector<16xf32>
      %xor3A_161 = arith.constant 1 : i32
      %xor3A_162 = vector.broadcast %xor3A_161 : i32 to vector<16xi32>
      %xor3A_163 = arith.xori %iota3A, %xor3A_162 : vector<16xi32>
      %broadcast_in_dim3A_164 = vector.shape_cast %xor3A_163 : vector<16xi32> to vector<16x1xi32>
      %gather3A_165 = vector.shape_cast %broadcast_in_dim3A_164 : vector<16x1xi32> to vector<16xi32>
      %gather3A_166 = tpu.dynamic_gather %add3A_160[%gather3A_165] in [0] : vector<16xf32>, vector<16xi32> -> vector<16xf32>
      %add3A_167 = arith.addf %add3A_160, %gather3A_166 : vector<16xf32>
      %get3A_168 = arith.constant 2 : i32
      %get3A_169 = arith.index_cast %get3A_168 : i32 to index
      %get3A_170 = arith.constant 0 : index
      %get3A_171 = tpu.vector_load %arg6[%get3A_169, %get3A_170] {strides = array<i32>} : memref<4x16xf32, #tpu.memory_space<vmem>>, vector<1x16xf32>,
      %get3A_172 = vector.shape_cast %get3A_171 : vector<1x16xf32> to vector<16xf32>
      %xor3A_173 = arith.constant 8 : i32
      %xor3A_174 = vector.broadcast %xor3A_173 : i32 to vector<16xi32>
      %xor3A_175 = arith.xori %iota3A, %xor3A_174 : vector<16xi32>
      %broadcast_in_dim3A_176 = vector.shape_cast %xor3A_175 : vector<16xi32> to vector<16x1xi32>
      %gather3A_177 = vector.shape_cast %broadcast_in_dim3A_176 : vector<16x1xi32> to vector<16xi32>
      %gather3A_178 = tpu.dynamic_gather %get3A_172[%gather3A_177] in [0] : vector<16xf32>, vector<16xi32> -> vector<16xf32>
      %add3A_179 = arith.addf %get3A_172, %gather3A_178 : vector<16xf32>
      %xor3A_180 = arith.constant 4 : i32
      %xor3A_181 = vector.broadcast %xor3A_180 : i32 to vector<16xi32>
      %xor3A_182 = arith.xori %iota3A, %xor3A_181 : vector<16xi32>
      %broadcast_in_dim3A_183 = vector.shape_cast %xor3A_182 : vector<16xi32> to vector<16x1xi32>
      %gather3A_184 = vector.shape_cast %broadcast_in_dim3A_183 : vector<16x1xi32> to vector<16xi32>
      %gather3A_185 = tpu.dynamic_gather %add3A_179[%gather3A_184] in [0] : vector<16xf32>, vector<16xi32> -> vector<16xf32>
      %add3A_186 = arith.addf %add3A_179, %gather3A_185 : vector<16xf32>
      %xor3A_187 = arith.constant 2 : i32
      %xor3A_188 = vector.broadcast %xor3A_187 : i32 to vector<16xi32>
      %xor3A_189 = arith.xori %iota3A, %xor3A_188 : vector<16xi32>
      %broadcast_in_dim3A_190 = vector.shape_cast %xor3A_189 : vector<16xi32> to vector<16x1xi32>
      %gather3A_191 = vector.shape_cast %broadcast_in_dim3A_190 : vector<16x1xi32> to vector<16xi32>
      %gather3A_192 = tpu.dynamic_gather %add3A_186[%gather3A_191] in [0] : vector<16xf32>, vector<16xi32> -> vector<16xf32>
      %add3A_193 = arith.addf %add3A_186, %gather3A_192 : vector<16xf32>
      %xor3A_194 = arith.constant 1 : i32
      %xor3A_195 = vector.broadcast %xor3A_194 : i32 to vector<16xi32>
      %xor3A_196 = arith.xori %iota3A, %xor3A_195 : vector<16xi32>
      %broadcast_in_dim3A_197 = vector.shape_cast %xor3A_196 : vector<16xi32> to vector<16x1xi32>
      %gather3A_198 = vector.shape_cast %broadcast_in_dim3A_197 : vector<16x1xi32> to vector<16xi32>
      %gather3A_199 = tpu.dynamic_gather %add3A_193[%gather3A_198] in [0] : vector<16xf32>, vector<16xi32> -> vector<16xf32>
      %add3A_200 = arith.addf %add3A_193, %gather3A_199 : vector<16xf32>
      %xor3A_201 = arith.constant 8 : i32
      %xor3A_202 = vector.broadcast %xor3A_201 : i32 to vector<16xi32>
      %xor3A_203 = arith.xori %iota3A, %xor3A_202 : vector<16xi32>
      %broadcast_in_dim3A_204 = vector.shape_cast %xor3A_203 : vector<16xi32> to vector<16x1xi32>
      %gather3A_205 = vector.shape_cast %broadcast_in_dim3A_204 : vector<16x1xi32> to vector<16xi32>
      %gather3A_206 = tpu.dynamic_gather %add3A_103[%gather3A_205] in [0] : vector<16xf32>, vector<16xi32> -> vector<16xf32>
      %add3A_207 = arith.addf %add3A_103, %gather3A_206 : vector<16xf32>
      %xor3A_208 = arith.constant 4 : i32
      %xor3A_209 = vector.broadcast %xor3A_208 : i32 to vector<16xi32>
      %xor3A_210 = arith.xori %iota3A, %xor3A_209 : vector<16xi32>
      %broadcast_in_dim3A_211 = vector.shape_cast %xor3A_210 : vector<16xi32> to vector<16x1xi32>
      %gather3A_212 = vector.shape_cast %broadcast_in_dim3A_211 : vector<16x1xi32> to vector<16xi32>
      %gather3A_213 = tpu.dynamic_gather %add3A_207[%gather3A_212] in [0] : vector<16xf32>, vector<16xi32> -> vector<16xf32>
      %add3A_214 = arith.addf %add3A_207, %gather3A_213 : vector<16xf32>
      %xor3A_215 = arith.constant 2 : i32
      %xor3A_216 = vector.broadcast %xor3A_215 : i32 to vector<16xi32>
      %xor3A_217 = arith.xori %iota3A, %xor3A_216 : vector<16xi32>
      %broadcast_in_dim3A_218 = vector.shape_cast %xor3A_217 : vector<16xi32> to vector<16x1xi32>
      %gather3A_219 = vector.shape_cast %broadcast_in_dim3A_218 : vector<16x1xi32> to vector<16xi32>
      %gather3A_220 = tpu.dynamic_gather %add3A_214[%gather3A_219] in [0] : vector<16xf32>, vector<16xi32> -> vector<16xf32>
      %add3A_221 = arith.addf %add3A_214, %gather3A_220 : vector<16xf32>
      %xor3A_222 = arith.constant 1 : i32
      %xor3A_223 = vector.broadcast %xor3A_222 : i32 to vector<16xi32>
      %xor3A_224 = arith.xori %iota3A, %xor3A_223 : vector<16xi32>
      %broadcast_in_dim3A_225 = vector.shape_cast %xor3A_224 : vector<16xi32> to vector<16x1xi32>
      %gather3A_226 = vector.shape_cast %broadcast_in_dim3A_225 : vector<16x1xi32> to vector<16xi32>
      %gather3A_227 = tpu.dynamic_gather %add3A_221[%gather3A_226] in [0] : vector<16xf32>, vector<16xi32> -> vector<16xf32>
      %add3A_228 = arith.addf %add3A_221, %gather3A_227 : vector<16xf32>
      %mul3A = arith.constant 4.000000e+00 : f32
      %mul3A_229 = vector.broadcast %mul3A : f32 to vector<16xf32>
      %mul3A_230 = arith.mulf %mul3A_229, %add3A_134 : vector<16xf32>
      %max3A = arith.constant 1.000000e+00 : f32
      %max3A_231 = vector.broadcast %max3A : f32 to vector<16xf32>
      %max3A_232 = arith.maximumf %mul3A_230, %max3A_231 : vector<16xf32>
      %div3A = arith.divf %add3A_167, %max3A_232 : vector<16xf32>
      %add3A_233 = arith.addf %add3A_228, %add3A_200 : vector<16xf32>
      %max3A_234 = arith.constant 1.000000e+00 : f32
      %max3A_235 = vector.broadcast %max3A_234 : f32 to vector<16xf32>
      %max3A_236 = arith.maximumf %add3A_134, %max3A_235 : vector<16xf32>
      %div3A_237 = arith.divf %add3A_233, %max3A_236 : vector<16xf32>
      %eq3A_238 = arith.constant 0 : i32
      %eq3A_239 = vector.broadcast %eq3A_238 : i32 to vector<16xi32>
      %eq3A_240 = arith.cmpi eq, %iota3A, %eq3A_239 : vector<16xi32>
      %eq3A_241 = arith.constant 1 : i32
      %eq3A_242 = vector.broadcast %eq3A_241 : i32 to vector<16xi32>
      %eq3A_243 = arith.cmpi eq, %iota3A, %eq3A_242 : vector<16xi32>
      %jit3A = arith.constant 0.000000e+00 : f32
      %broadcast_in_dim3A_244 = vector.broadcast %jit3A : f32 to vector<16xf32>
      %select_n3A = arith.select %eq3A_243, %div3A_237, %broadcast_in_dim3A_244 : vector<16xi1>, vector<16xf32>
      %select_n3A_245 = arith.select %eq3A_240, %div3A, %select_n3A : vector<16xi1>, vector<16xf32>
      %swap3A = arith.constant 0 : index
      %swap3A_246 = tpu.vector_load %arg7[%swap3A] {strides = array<i32>} : memref<16xf32, #tpu.memory_space<vmem>>, vector<16xf32>,
      %swap3A_247 = vector.shape_cast %swap3A_246 : vector<16xf32> to vector<16xf32>
      %swap3A_248 = vector.shape_cast %select_n3A_245 : vector<16xf32> to vector<16xf32>
      tpu.vector_store %arg7[%swap3A], %swap3A_248 {strides = array<i32>} : memref<16xf32, #tpu.memory_space<vmem>>, vector<16xf32>,
      "tpu.region"() ({
        %run_scoped3A = tpu.sem_alloc : memref<!tpu.dma_semaphore, #tpu.memory_space<semaphore_mem>>
        tpu.enqueue_dma source(%arg7 : memref<16xf32, #tpu.memory_space<vmem>>) target(%arg4 : memref<16xf32, #tpu.memory_space<hbm>>) target_semaphore(%run_scoped3A : memref<!tpu.dma_semaphore, #tpu.memory_space<semaphore_mem>>)
        tpu.wait_dma2 semaphore(%run_scoped3A : memref<!tpu.dma_semaphore, #tpu.memory_space<semaphore_mem>>) src(%arg7 : memref<16xf32, #tpu.memory_space<vmem>>) dst(%arg4 : memref<16xf32, #tpu.memory_space<hbm>>)
        tpu.yield
      }) : () -> ()
    } else {
    }
    return
  }
}

module attributes {stable_mosaic.version = 14 : i64} {
  func.func @_match_kernel(%arg0: i32, %arg1: memref<4x160x125xf32, #tpu.memory_space<vmem>>, %arg2: memref<1x4x32xf32, #tpu.memory_space<smem>>, %arg3: memref<1x1x32xi32, #tpu.memory_space<smem>>, %arg4: memref<1x4x160x125xf32, #tpu.memory_space<vmem>>, %arg5: memref<1x160x125xi32, #tpu.memory_space<vmem>>, %arg6: memref<1x1x128xf32, #tpu.memory_space<vmem>>, %arg7: memref<32x160x125xf32, #tpu.memory_space<vmem>>) attributes {dimension_semantics = [#tpu.dimension_semantics<arbitrary>], iteration_bounds = array<i64: 16>, scalar_prefetch = 0 : i64, scratch_operands = 1 : i64, tpu.core_type = #tpu.core_type<tc>, window_params = [{pipeline_mode = #tpu.pipeline_mode<synchronous>, transform_indices = @transform_0, window_bounds = array<i64: 4, 160, 125>}, {transform_indices = @transform_1, window_bounds = array<i64: 1, 4, 32>}, {transform_indices = @transform_2, window_bounds = array<i64: 1, 1, 32>}, {transform_indices = @transform_3, window_bounds = array<i64: 1, 4, 160, 125>}, {transform_indices = @transform_4, window_bounds = array<i64: 1, 160, 125>}, {transform_indices = @transform_5, window_bounds = array<i64: 1, 1, 128>}]} {
    %get3A = arith.constant 0 : index
    %get3A_0 = arith.constant 0 : index
    %get3A_1 = arith.constant 0 : index
    %get3A_2 = vector.load %arg1[%get3A, %get3A_0, %get3A_1] : memref<4x160x125xf32, #tpu.memory_space<vmem>>, vector<1x160x125xf32>
    %get3A_3 = vector.shape_cast %get3A_2 : vector<1x160x125xf32> to vector<160x125xf32>
    %get3A_4 = arith.constant 1 : index
    %get3A_5 = arith.constant 0 : index
    %get3A_6 = arith.constant 0 : index
    %get3A_7 = vector.load %arg1[%get3A_4, %get3A_5, %get3A_6] : memref<4x160x125xf32, #tpu.memory_space<vmem>>, vector<1x160x125xf32>
    %get3A_8 = vector.shape_cast %get3A_7 : vector<1x160x125xf32> to vector<160x125xf32>
    %get3A_9 = arith.constant 2 : index
    %get3A_10 = arith.constant 0 : index
    %get3A_11 = arith.constant 0 : index
    %get3A_12 = vector.load %arg1[%get3A_9, %get3A_10, %get3A_11] : memref<4x160x125xf32, #tpu.memory_space<vmem>>, vector<1x160x125xf32>
    %get3A_13 = vector.shape_cast %get3A_12 : vector<1x160x125xf32> to vector<160x125xf32>
    %get3A_14 = arith.constant 3 : index
    %get3A_15 = arith.constant 0 : index
    %get3A_16 = arith.constant 0 : index
    %get3A_17 = vector.load %arg1[%get3A_14, %get3A_15, %get3A_16] : memref<4x160x125xf32, #tpu.memory_space<vmem>>, vector<1x160x125xf32>
    %get3A_18 = vector.shape_cast %get3A_17 : vector<1x160x125xf32> to vector<160x125xf32>
    %div3A = arith.constant 2.000000e+00 : f32
    %div3A_19 = vector.broadcast %div3A : f32 to vector<160x125xf32>
    %div3A_20 = arith.divf %get3A_13, %div3A_19 : vector<160x125xf32>
    %sub3A = arith.subf %get3A_3, %div3A_20 : vector<160x125xf32>
    %div3A_21 = arith.constant 2.000000e+00 : f32
    %div3A_22 = vector.broadcast %div3A_21 : f32 to vector<160x125xf32>
    %div3A_23 = arith.divf %get3A_18, %div3A_22 : vector<160x125xf32>
    %sub3A_24 = arith.subf %get3A_8, %div3A_23 : vector<160x125xf32>
    %div3A_25 = arith.constant 2.000000e+00 : f32
    %div3A_26 = vector.broadcast %div3A_25 : f32 to vector<160x125xf32>
    %div3A_27 = arith.divf %get3A_13, %div3A_26 : vector<160x125xf32>
    %add3A = arith.addf %get3A_3, %div3A_27 : vector<160x125xf32>
    %div3A_28 = arith.constant 2.000000e+00 : f32
    %div3A_29 = vector.broadcast %div3A_28 : f32 to vector<160x125xf32>
    %div3A_30 = arith.divf %get3A_18, %div3A_29 : vector<160x125xf32>
    %add3A_31 = arith.addf %get3A_8, %div3A_30 : vector<160x125xf32>
    %sub3A_32 = arith.subf %add3A, %sub3A : vector<160x125xf32>
    %sub3A_33 = arith.subf %add3A_31, %sub3A_24 : vector<160x125xf32>
    %mul3A = arith.mulf %sub3A_32, %sub3A_33 : vector<160x125xf32>
    %iota3A = tpu.iota {dimensions = array<i32: 0>} : vector<160x125xi32>
    %iota3A_34 = tpu.iota {dimensions = array<i32: 1>} : vector<160x125xi32>
    %mul3A_35 = arith.constant 125 : i32
    %mul3A_36 = vector.broadcast %mul3A_35 : i32 to vector<160x125xi32>
    %mul3A_37 = arith.muli %iota3A, %mul3A_36 : vector<160x125xi32>
    %add3A_38 = arith.addi %mul3A_37, %iota3A_34 : vector<160x125xi32>
    %broadcast_in_dim3A = arith.constant -1.000000e+00 : f32
    %broadcast_in_dim3A_39 = vector.broadcast %broadcast_in_dim3A : f32 to vector<160x125xf32>
    %broadcast_in_dim3A_40 = arith.constant 0 : i32
    %broadcast_in_dim3A_41 = vector.broadcast %broadcast_in_dim3A_40 : i32 to vector<160x125xi32>
    %get3A_42 = arith.constant 0 : index
    %get3A_43 = arith.constant 0 : index
    %get3A_44 = arith.constant 0 : index
    %get3A_45 = memref.load %arg2[%get3A_42, %get3A_43, %get3A_44] : memref<1x4x32xf32, #tpu.memory_space<smem>>
    %get3A_46 = arith.constant 0 : index
    %get3A_47 = arith.constant 1 : index
    %get3A_48 = arith.constant 0 : index
    %get3A_49 = memref.load %arg2[%get3A_46, %get3A_47, %get3A_48] : memref<1x4x32xf32, #tpu.memory_space<smem>>
    %get3A_50 = arith.constant 0 : index
    %get3A_51 = arith.constant 2 : index
    %get3A_52 = arith.constant 0 : index
    %get3A_53 = memref.load %arg2[%get3A_50, %get3A_51, %get3A_52] : memref<1x4x32xf32, #tpu.memory_space<smem>>
    %get3A_54 = arith.constant 0 : index
    %get3A_55 = arith.constant 3 : index
    %get3A_56 = arith.constant 0 : index
    %get3A_57 = memref.load %arg2[%get3A_54, %get3A_55, %get3A_56] : memref<1x4x32xf32, #tpu.memory_space<smem>>
    %sub3A_58 = arith.subf %get3A_53, %get3A_45 : f32
    %sub3A_59 = arith.subf %get3A_57, %get3A_49 : f32
    %mul3A_60 = arith.mulf %sub3A_58, %sub3A_59 : f32
    %min3A = vector.broadcast %get3A_53 : f32 to vector<160x125xf32>
    %min3A_61 = arith.minimumf %min3A, %add3A : vector<160x125xf32>
    %max3A = vector.broadcast %get3A_45 : f32 to vector<160x125xf32>
    %max3A_62 = arith.maximumf %max3A, %sub3A : vector<160x125xf32>
    %sub3A_63 = arith.subf %min3A_61, %max3A_62 : vector<160x125xf32>
    %max3A_64 = arith.constant 0.000000e+00 : f32
    %max3A_65 = vector.broadcast %max3A_64 : f32 to vector<160x125xf32>
    %max3A_66 = arith.maximumf %sub3A_63, %max3A_65 : vector<160x125xf32>
    %min3A_67 = vector.broadcast %get3A_57 : f32 to vector<160x125xf32>
    %min3A_68 = arith.minimumf %min3A_67, %add3A_31 : vector<160x125xf32>
    %max3A_69 = vector.broadcast %get3A_49 : f32 to vector<160x125xf32>
    %max3A_70 = arith.maximumf %max3A_69, %sub3A_24 : vector<160x125xf32>
    %sub3A_71 = arith.subf %min3A_68, %max3A_70 : vector<160x125xf32>
    %max3A_72 = arith.constant 0.000000e+00 : f32
    %max3A_73 = vector.broadcast %max3A_72 : f32 to vector<160x125xf32>
    %max3A_74 = arith.maximumf %sub3A_71, %max3A_73 : vector<160x125xf32>
    %mul3A_75 = arith.mulf %max3A_66, %max3A_74 : vector<160x125xf32>
    %add3A_76 = vector.broadcast %mul3A_60 : f32 to vector<160x125xf32>
    %add3A_77 = arith.addf %add3A_76, %mul3A : vector<160x125xf32>
    %sub3A_78 = arith.subf %add3A_77, %mul3A_75 : vector<160x125xf32>
    %max3A_79 = arith.constant 1.000000e-10 : f32
    %max3A_80 = vector.broadcast %max3A_79 : f32 to vector<160x125xf32>
    %max3A_81 = arith.maximumf %sub3A_78, %max3A_80 : vector<160x125xf32>
    %div3A_82 = arith.divf %mul3A_75, %max3A_81 : vector<160x125xf32>
    %gt3A = arith.cmpf ogt, %div3A_82, %broadcast_in_dim3A_39 : vector<160x125xf32>
    %jit3A = arith.constant 0 : i32
    %broadcast_in_dim3A_83 = vector.broadcast %jit3A : i32 to vector<160x125xi32>
    %select_n3A = arith.select %gt3A, %broadcast_in_dim3A_83, %broadcast_in_dim3A_41 : vector<160x125xi1>, vector<160x125xi32>
    %select_n3A_84 = arith.select %gt3A, %div3A_82, %broadcast_in_dim3A_39 : vector<160x125xi1>, vector<160x125xf32>
    %swap3A = arith.constant 0 : index
    %swap3A_85 = arith.constant 0 : index
    %swap3A_86 = arith.constant 0 : index
    %swap3A_87 = vector.load %arg7[%swap3A, %swap3A_85, %swap3A_86] : memref<32x160x125xf32, #tpu.memory_space<vmem>>, vector<1x160x125xf32>
    %swap3A_88 = vector.shape_cast %swap3A_87 : vector<1x160x125xf32> to vector<160x125xf32>
    %swap3A_89 = vector.shape_cast %div3A_82 : vector<160x125xf32> to vector<1x160x125xf32>
    tpu.vector_store %arg7[%swap3A, %swap3A_85, %swap3A_86], %swap3A_89 {strides = array<i32>} : memref<32x160x125xf32, #tpu.memory_space<vmem>>, vector<1x160x125xf32>,
    %get3A_90 = arith.constant 0 : index
    %get3A_91 = arith.constant 0 : index
    %get3A_92 = arith.constant 1 : index
    %get3A_93 = memref.load %arg2[%get3A_90, %get3A_91, %get3A_92] : memref<1x4x32xf32, #tpu.memory_space<smem>>
    %get3A_94 = arith.constant 0 : index
    %get3A_95 = arith.constant 1 : index
    %get3A_96 = arith.constant 1 : index
    %get3A_97 = memref.load %arg2[%get3A_94, %get3A_95, %get3A_96] : memref<1x4x32xf32, #tpu.memory_space<smem>>
    %get3A_98 = arith.constant 0 : index
    %get3A_99 = arith.constant 2 : index
    %get3A_100 = arith.constant 1 : index
    %get3A_101 = memref.load %arg2[%get3A_98, %get3A_99, %get3A_100] : memref<1x4x32xf32, #tpu.memory_space<smem>>
    %get3A_102 = arith.constant 0 : index
    %get3A_103 = arith.constant 3 : index
    %get3A_104 = arith.constant 1 : index
    %get3A_105 = memref.load %arg2[%get3A_102, %get3A_103, %get3A_104] : memref<1x4x32xf32, #tpu.memory_space<smem>>
    %sub3A_106 = arith.subf %get3A_101, %get3A_93 : f32
    %sub3A_107 = arith.subf %get3A_105, %get3A_97 : f32
    %mul3A_108 = arith.mulf %sub3A_106, %sub3A_107 : f32
    %min3A_109 = vector.broadcast %get3A_101 : f32 to vector<160x125xf32>
    %min3A_110 = arith.minimumf %min3A_109, %add3A : vector<160x125xf32>
    %max3A_111 = vector.broadcast %get3A_93 : f32 to vector<160x125xf32>
    %max3A_112 = arith.maximumf %max3A_111, %sub3A : vector<160x125xf32>
    %sub3A_113 = arith.subf %min3A_110, %max3A_112 : vector<160x125xf32>
    %max3A_114 = arith.constant 0.000000e+00 : f32
    %max3A_115 = vector.broadcast %max3A_114 : f32 to vector<160x125xf32>
    %max3A_116 = arith.maximumf %sub3A_113, %max3A_115 : vector<160x125xf32>
    %min3A_117 = vector.broadcast %get3A_105 : f32 to vector<160x125xf32>
    %min3A_118 = arith.minimumf %min3A_117, %add3A_31 : vector<160x125xf32>
    %max3A_119 = vector.broadcast %get3A_97 : f32 to vector<160x125xf32>
    %max3A_120 = arith.maximumf %max3A_119, %sub3A_24 : vector<160x125xf32>
    %sub3A_121 = arith.subf %min3A_118, %max3A_120 : vector<160x125xf32>
    %max3A_122 = arith.constant 0.000000e+00 : f32
    %max3A_123 = vector.broadcast %max3A_122 : f32 to vector<160x125xf32>
    %max3A_124 = arith.maximumf %sub3A_121, %max3A_123 : vector<160x125xf32>
    %mul3A_125 = arith.mulf %max3A_116, %max3A_124 : vector<160x125xf32>
    %add3A_126 = vector.broadcast %mul3A_108 : f32 to vector<160x125xf32>
    %add3A_127 = arith.addf %add3A_126, %mul3A : vector<160x125xf32>
    %sub3A_128 = arith.subf %add3A_127, %mul3A_125 : vector<160x125xf32>
    %max3A_129 = arith.constant 1.000000e-10 : f32
    %max3A_130 = vector.broadcast %max3A_129 : f32 to vector<160x125xf32>
    %max3A_131 = arith.maximumf %sub3A_128, %max3A_130 : vector<160x125xf32>
    %div3A_132 = arith.divf %mul3A_125, %max3A_131 : vector<160x125xf32>
    %gt3A_133 = arith.cmpf ogt, %div3A_132, %select_n3A_84 : vector<160x125xf32>
    %jit3A_134 = arith.constant 1 : i32
    %broadcast_in_dim3A_135 = vector.broadcast %jit3A_134 : i32 to vector<160x125xi32>
    %select_n3A_136 = arith.select %gt3A_133, %broadcast_in_dim3A_135, %select_n3A : vector<160x125xi1>, vector<160x125xi32>
    %select_n3A_137 = arith.select %gt3A_133, %div3A_132, %select_n3A_84 : vector<160x125xi1>, vector<160x125xf32>
    %swap3A_138 = arith.constant 1 : index
    %swap3A_139 = arith.constant 0 : index
    %swap3A_140 = arith.constant 0 : index
    %swap3A_141 = vector.load %arg7[%swap3A_138, %swap3A_139, %swap3A_140] : memref<32x160x125xf32, #tpu.memory_space<vmem>>, vector<1x160x125xf32>
    %swap3A_142 = vector.shape_cast %swap3A_141 : vector<1x160x125xf32> to vector<160x125xf32>
    %swap3A_143 = vector.shape_cast %div3A_132 : vector<160x125xf32> to vector<1x160x125xf32>
    tpu.vector_store %arg7[%swap3A_138, %swap3A_139, %swap3A_140], %swap3A_143 {strides = array<i32>} : memref<32x160x125xf32, #tpu.memory_space<vmem>>, vector<1x160x125xf32>,
    %get3A_144 = arith.constant 0 : index
    %get3A_145 = arith.constant 0 : index
    %get3A_146 = arith.constant 2 : index
    %get3A_147 = memref.load %arg2[%get3A_144, %get3A_145, %get3A_146] : memref<1x4x32xf32, #tpu.memory_space<smem>>
    %get3A_148 = arith.constant 0 : index
    %get3A_149 = arith.constant 1 : index
    %get3A_150 = arith.constant 2 : index
    %get3A_151 = memref.load %arg2[%get3A_148, %get3A_149, %get3A_150] : memref<1x4x32xf32, #tpu.memory_space<smem>>
    %get3A_152 = arith.constant 0 : index
    %get3A_153 = arith.constant 2 : index
    %get3A_154 = arith.constant 2 : index
    %get3A_155 = memref.load %arg2[%get3A_152, %get3A_153, %get3A_154] : memref<1x4x32xf32, #tpu.memory_space<smem>>
    %get3A_156 = arith.constant 0 : index
    %get3A_157 = arith.constant 3 : index
    %get3A_158 = arith.constant 2 : index
    %get3A_159 = memref.load %arg2[%get3A_156, %get3A_157, %get3A_158] : memref<1x4x32xf32, #tpu.memory_space<smem>>
    %sub3A_160 = arith.subf %get3A_155, %get3A_147 : f32
    %sub3A_161 = arith.subf %get3A_159, %get3A_151 : f32
    %mul3A_162 = arith.mulf %sub3A_160, %sub3A_161 : f32
    %min3A_163 = vector.broadcast %get3A_155 : f32 to vector<160x125xf32>
    %min3A_164 = arith.minimumf %min3A_163, %add3A : vector<160x125xf32>
    %max3A_165 = vector.broadcast %get3A_147 : f32 to vector<160x125xf32>
    %max3A_166 = arith.maximumf %max3A_165, %sub3A : vector<160x125xf32>
    %sub3A_167 = arith.subf %min3A_164, %max3A_166 : vector<160x125xf32>
    %max3A_168 = arith.constant 0.000000e+00 : f32
    %max3A_169 = vector.broadcast %max3A_168 : f32 to vector<160x125xf32>
    %max3A_170 = arith.maximumf %sub3A_167, %max3A_169 : vector<160x125xf32>
    %min3A_171 = vector.broadcast %get3A_159 : f32 to vector<160x125xf32>
    %min3A_172 = arith.minimumf %min3A_171, %add3A_31 : vector<160x125xf32>
    %max3A_173 = vector.broadcast %get3A_151 : f32 to vector<160x125xf32>
    %max3A_174 = arith.maximumf %max3A_173, %sub3A_24 : vector<160x125xf32>
    %sub3A_175 = arith.subf %min3A_172, %max3A_174 : vector<160x125xf32>
    %max3A_176 = arith.constant 0.000000e+00 : f32
    %max3A_177 = vector.broadcast %max3A_176 : f32 to vector<160x125xf32>
    %max3A_178 = arith.maximumf %sub3A_175, %max3A_177 : vector<160x125xf32>
    %mul3A_179 = arith.mulf %max3A_170, %max3A_178 : vector<160x125xf32>
    %add3A_180 = vector.broadcast %mul3A_162 : f32 to vector<160x125xf32>
    %add3A_181 = arith.addf %add3A_180, %mul3A : vector<160x125xf32>
    %sub3A_182 = arith.subf %add3A_181, %mul3A_179 : vector<160x125xf32>
    %max3A_183 = arith.constant 1.000000e-10 : f32
    %max3A_184 = vector.broadcast %max3A_183 : f32 to vector<160x125xf32>
    %max3A_185 = arith.maximumf %sub3A_182, %max3A_184 : vector<160x125xf32>
    %div3A_186 = arith.divf %mul3A_179, %max3A_185 : vector<160x125xf32>
    %gt3A_187 = arith.cmpf ogt, %div3A_186, %select_n3A_137 : vector<160x125xf32>
    %jit3A_188 = arith.constant 2 : i32
    %broadcast_in_dim3A_189 = vector.broadcast %jit3A_188 : i32 to vector<160x125xi32>
    %select_n3A_190 = arith.select %gt3A_187, %broadcast_in_dim3A_189, %select_n3A_136 : vector<160x125xi1>, vector<160x125xi32>
    %select_n3A_191 = arith.select %gt3A_187, %div3A_186, %select_n3A_137 : vector<160x125xi1>, vector<160x125xf32>
    %swap3A_192 = arith.constant 2 : index
    %swap3A_193 = arith.constant 0 : index
    %swap3A_194 = arith.constant 0 : index
    %swap3A_195 = vector.load %arg7[%swap3A_192, %swap3A_193, %swap3A_194] : memref<32x160x125xf32, #tpu.memory_space<vmem>>, vector<1x160x125xf32>
    %swap3A_196 = vector.shape_cast %swap3A_195 : vector<1x160x125xf32> to vector<160x125xf32>
    %swap3A_197 = vector.shape_cast %div3A_186 : vector<160x125xf32> to vector<1x160x125xf32>
    tpu.vector_store %arg7[%swap3A_192, %swap3A_193, %swap3A_194], %swap3A_197 {strides = array<i32>} : memref<32x160x125xf32, #tpu.memory_space<vmem>>, vector<1x160x125xf32>,
    %get3A_198 = arith.constant 0 : index
    %get3A_199 = arith.constant 0 : index
    %get3A_200 = arith.constant 3 : index
    %get3A_201 = memref.load %arg2[%get3A_198, %get3A_199, %get3A_200] : memref<1x4x32xf32, #tpu.memory_space<smem>>
    %get3A_202 = arith.constant 0 : index
    %get3A_203 = arith.constant 1 : index
    %get3A_204 = arith.constant 3 : index
    %get3A_205 = memref.load %arg2[%get3A_202, %get3A_203, %get3A_204] : memref<1x4x32xf32, #tpu.memory_space<smem>>
    %get3A_206 = arith.constant 0 : index
    %get3A_207 = arith.constant 2 : index
    %get3A_208 = arith.constant 3 : index
    %get3A_209 = memref.load %arg2[%get3A_206, %get3A_207, %get3A_208] : memref<1x4x32xf32, #tpu.memory_space<smem>>
    %get3A_210 = arith.constant 0 : index
    %get3A_211 = arith.constant 3 : index
    %get3A_212 = arith.constant 3 : index
    %get3A_213 = memref.load %arg2[%get3A_210, %get3A_211, %get3A_212] : memref<1x4x32xf32, #tpu.memory_space<smem>>
    %sub3A_214 = arith.subf %get3A_209, %get3A_201 : f32
    %sub3A_215 = arith.subf %get3A_213, %get3A_205 : f32
    %mul3A_216 = arith.mulf %sub3A_214, %sub3A_215 : f32
    %min3A_217 = vector.broadcast %get3A_209 : f32 to vector<160x125xf32>
    %min3A_218 = arith.minimumf %min3A_217, %add3A : vector<160x125xf32>
    %max3A_219 = vector.broadcast %get3A_201 : f32 to vector<160x125xf32>
    %max3A_220 = arith.maximumf %max3A_219, %sub3A : vector<160x125xf32>
    %sub3A_221 = arith.subf %min3A_218, %max3A_220 : vector<160x125xf32>
    %max3A_222 = arith.constant 0.000000e+00 : f32
    %max3A_223 = vector.broadcast %max3A_222 : f32 to vector<160x125xf32>
    %max3A_224 = arith.maximumf %sub3A_221, %max3A_223 : vector<160x125xf32>
    %min3A_225 = vector.broadcast %get3A_213 : f32 to vector<160x125xf32>
    %min3A_226 = arith.minimumf %min3A_225, %add3A_31 : vector<160x125xf32>
    %max3A_227 = vector.broadcast %get3A_205 : f32 to vector<160x125xf32>
    %max3A_228 = arith.maximumf %max3A_227, %sub3A_24 : vector<160x125xf32>
    %sub3A_229 = arith.subf %min3A_226, %max3A_228 : vector<160x125xf32>
    %max3A_230 = arith.constant 0.000000e+00 : f32
    %max3A_231 = vector.broadcast %max3A_230 : f32 to vector<160x125xf32>
    %max3A_232 = arith.maximumf %sub3A_229, %max3A_231 : vector<160x125xf32>
    %mul3A_233 = arith.mulf %max3A_224, %max3A_232 : vector<160x125xf32>
    %add3A_234 = vector.broadcast %mul3A_216 : f32 to vector<160x125xf32>
    %add3A_235 = arith.addf %add3A_234, %mul3A : vector<160x125xf32>
    %sub3A_236 = arith.subf %add3A_235, %mul3A_233 : vector<160x125xf32>
    %max3A_237 = arith.constant 1.000000e-10 : f32
    %max3A_238 = vector.broadcast %max3A_237 : f32 to vector<160x125xf32>
    %max3A_239 = arith.maximumf %sub3A_236, %max3A_238 : vector<160x125xf32>
    %div3A_240 = arith.divf %mul3A_233, %max3A_239 : vector<160x125xf32>
    %gt3A_241 = arith.cmpf ogt, %div3A_240, %select_n3A_191 : vector<160x125xf32>
    %jit3A_242 = arith.constant 3 : i32
    %broadcast_in_dim3A_243 = vector.broadcast %jit3A_242 : i32 to vector<160x125xi32>
    %select_n3A_244 = arith.select %gt3A_241, %broadcast_in_dim3A_243, %select_n3A_190 : vector<160x125xi1>, vector<160x125xi32>
    %select_n3A_245 = arith.select %gt3A_241, %div3A_240, %select_n3A_191 : vector<160x125xi1>, vector<160x125xf32>
    %swap3A_246 = arith.constant 3 : index
    %swap3A_247 = arith.constant 0 : index
    %swap3A_248 = arith.constant 0 : index
    %swap3A_249 = vector.load %arg7[%swap3A_246, %swap3A_247, %swap3A_248] : memref<32x160x125xf32, #tpu.memory_space<vmem>>, vector<1x160x125xf32>
    %swap3A_250 = vector.shape_cast %swap3A_249 : vector<1x160x125xf32> to vector<160x125xf32>
    %swap3A_251 = vector.shape_cast %div3A_240 : vector<160x125xf32> to vector<1x160x125xf32>
    tpu.vector_store %arg7[%swap3A_246, %swap3A_247, %swap3A_248], %swap3A_251 {strides = array<i32>} : memref<32x160x125xf32, #tpu.memory_space<vmem>>, vector<1x160x125xf32>,
    %get3A_252 = arith.constant 0 : index
    %get3A_253 = arith.constant 0 : index
    %get3A_254 = arith.constant 4 : index
    %get3A_255 = memref.load %arg2[%get3A_252, %get3A_253, %get3A_254] : memref<1x4x32xf32, #tpu.memory_space<smem>>
    %get3A_256 = arith.constant 0 : index
    %get3A_257 = arith.constant 1 : index
    %get3A_258 = arith.constant 4 : index
    %get3A_259 = memref.load %arg2[%get3A_256, %get3A_257, %get3A_258] : memref<1x4x32xf32, #tpu.memory_space<smem>>
    %get3A_260 = arith.constant 0 : index
    %get3A_261 = arith.constant 2 : index
    %get3A_262 = arith.constant 4 : index
    %get3A_263 = memref.load %arg2[%get3A_260, %get3A_261, %get3A_262] : memref<1x4x32xf32, #tpu.memory_space<smem>>
    %get3A_264 = arith.constant 0 : index
    %get3A_265 = arith.constant 3 : index
    %get3A_266 = arith.constant 4 : index
    %get3A_267 = memref.load %arg2[%get3A_264, %get3A_265, %get3A_266] : memref<1x4x32xf32, #tpu.memory_space<smem>>
    %sub3A_268 = arith.subf %get3A_263, %get3A_255 : f32
    %sub3A_269 = arith.subf %get3A_267, %get3A_259 : f32
    %mul3A_270 = arith.mulf %sub3A_268, %sub3A_269 : f32
    %min3A_271 = vector.broadcast %get3A_263 : f32 to vector<160x125xf32>
    %min3A_272 = arith.minimumf %min3A_271, %add3A : vector<160x125xf32>
    %max3A_273 = vector.broadcast %get3A_255 : f32 to vector<160x125xf32>
    %max3A_274 = arith.maximumf %max3A_273, %sub3A : vector<160x125xf32>
    %sub3A_275 = arith.subf %min3A_272, %max3A_274 : vector<160x125xf32>
    %max3A_276 = arith.constant 0.000000e+00 : f32
    %max3A_277 = vector.broadcast %max3A_276 : f32 to vector<160x125xf32>
    %max3A_278 = arith.maximumf %sub3A_275, %max3A_277 : vector<160x125xf32>
    %min3A_279 = vector.broadcast %get3A_267 : f32 to vector<160x125xf32>
    %min3A_280 = arith.minimumf %min3A_279, %add3A_31 : vector<160x125xf32>
    %max3A_281 = vector.broadcast %get3A_259 : f32 to vector<160x125xf32>
    %max3A_282 = arith.maximumf %max3A_281, %sub3A_24 : vector<160x125xf32>
    %sub3A_283 = arith.subf %min3A_280, %max3A_282 : vector<160x125xf32>
    %max3A_284 = arith.constant 0.000000e+00 : f32
    %max3A_285 = vector.broadcast %max3A_284 : f32 to vector<160x125xf32>
    %max3A_286 = arith.maximumf %sub3A_283, %max3A_285 : vector<160x125xf32>
    %mul3A_287 = arith.mulf %max3A_278, %max3A_286 : vector<160x125xf32>
    %add3A_288 = vector.broadcast %mul3A_270 : f32 to vector<160x125xf32>
    %add3A_289 = arith.addf %add3A_288, %mul3A : vector<160x125xf32>
    %sub3A_290 = arith.subf %add3A_289, %mul3A_287 : vector<160x125xf32>
    %max3A_291 = arith.constant 1.000000e-10 : f32
    %max3A_292 = vector.broadcast %max3A_291 : f32 to vector<160x125xf32>
    %max3A_293 = arith.maximumf %sub3A_290, %max3A_292 : vector<160x125xf32>
    %div3A_294 = arith.divf %mul3A_287, %max3A_293 : vector<160x125xf32>
    %gt3A_295 = arith.cmpf ogt, %div3A_294, %select_n3A_245 : vector<160x125xf32>
    %jit3A_296 = arith.constant 4 : i32
    %broadcast_in_dim3A_297 = vector.broadcast %jit3A_296 : i32 to vector<160x125xi32>
    %select_n3A_298 = arith.select %gt3A_295, %broadcast_in_dim3A_297, %select_n3A_244 : vector<160x125xi1>, vector<160x125xi32>
    %select_n3A_299 = arith.select %gt3A_295, %div3A_294, %select_n3A_245 : vector<160x125xi1>, vector<160x125xf32>
    %swap3A_300 = arith.constant 4 : index
    %swap3A_301 = arith.constant 0 : index
    %swap3A_302 = arith.constant 0 : index
    %swap3A_303 = vector.load %arg7[%swap3A_300, %swap3A_301, %swap3A_302] : memref<32x160x125xf32, #tpu.memory_space<vmem>>, vector<1x160x125xf32>
    %swap3A_304 = vector.shape_cast %swap3A_303 : vector<1x160x125xf32> to vector<160x125xf32>
    %swap3A_305 = vector.shape_cast %div3A_294 : vector<160x125xf32> to vector<1x160x125xf32>
    tpu.vector_store %arg7[%swap3A_300, %swap3A_301, %swap3A_302], %swap3A_305 {strides = array<i32>} : memref<32x160x125xf32, #tpu.memory_space<vmem>>, vector<1x160x125xf32>,
    %get3A_306 = arith.constant 0 : index
    %get3A_307 = arith.constant 0 : index
    %get3A_308 = arith.constant 5 : index
    %get3A_309 = memref.load %arg2[%get3A_306, %get3A_307, %get3A_308] : memref<1x4x32xf32, #tpu.memory_space<smem>>
    %get3A_310 = arith.constant 0 : index
    %get3A_311 = arith.constant 1 : index
    %get3A_312 = arith.constant 5 : index
    %get3A_313 = memref.load %arg2[%get3A_310, %get3A_311, %get3A_312] : memref<1x4x32xf32, #tpu.memory_space<smem>>
    %get3A_314 = arith.constant 0 : index
    %get3A_315 = arith.constant 2 : index
    %get3A_316 = arith.constant 5 : index
    %get3A_317 = memref.load %arg2[%get3A_314, %get3A_315, %get3A_316] : memref<1x4x32xf32, #tpu.memory_space<smem>>
    %get3A_318 = arith.constant 0 : index
    %get3A_319 = arith.constant 3 : index
    %get3A_320 = arith.constant 5 : index
    %get3A_321 = memref.load %arg2[%get3A_318, %get3A_319, %get3A_320] : memref<1x4x32xf32, #tpu.memory_space<smem>>
    %sub3A_322 = arith.subf %get3A_317, %get3A_309 : f32
    %sub3A_323 = arith.subf %get3A_321, %get3A_313 : f32
    %mul3A_324 = arith.mulf %sub3A_322, %sub3A_323 : f32
    %min3A_325 = vector.broadcast %get3A_317 : f32 to vector<160x125xf32>
    %min3A_326 = arith.minimumf %min3A_325, %add3A : vector<160x125xf32>
    %max3A_327 = vector.broadcast %get3A_309 : f32 to vector<160x125xf32>
    %max3A_328 = arith.maximumf %max3A_327, %sub3A : vector<160x125xf32>
    %sub3A_329 = arith.subf %min3A_326, %max3A_328 : vector<160x125xf32>
    %max3A_330 = arith.constant 0.000000e+00 : f32
    %max3A_331 = vector.broadcast %max3A_330 : f32 to vector<160x125xf32>
    %max3A_332 = arith.maximumf %sub3A_329, %max3A_331 : vector<160x125xf32>
    %min3A_333 = vector.broadcast %get3A_321 : f32 to vector<160x125xf32>
    %min3A_334 = arith.minimumf %min3A_333, %add3A_31 : vector<160x125xf32>
    %max3A_335 = vector.broadcast %get3A_313 : f32 to vector<160x125xf32>
    %max3A_336 = arith.maximumf %max3A_335, %sub3A_24 : vector<160x125xf32>
    %sub3A_337 = arith.subf %min3A_334, %max3A_336 : vector<160x125xf32>
    %max3A_338 = arith.constant 0.000000e+00 : f32
    %max3A_339 = vector.broadcast %max3A_338 : f32 to vector<160x125xf32>
    %max3A_340 = arith.maximumf %sub3A_337, %max3A_339 : vector<160x125xf32>
    %mul3A_341 = arith.mulf %max3A_332, %max3A_340 : vector<160x125xf32>
    %add3A_342 = vector.broadcast %mul3A_324 : f32 to vector<160x125xf32>
    %add3A_343 = arith.addf %add3A_342, %mul3A : vector<160x125xf32>
    %sub3A_344 = arith.subf %add3A_343, %mul3A_341 : vector<160x125xf32>
    %max3A_345 = arith.constant 1.000000e-10 : f32
    %max3A_346 = vector.broadcast %max3A_345 : f32 to vector<160x125xf32>
    %max3A_347 = arith.maximumf %sub3A_344, %max3A_346 : vector<160x125xf32>
    %div3A_348 = arith.divf %mul3A_341, %max3A_347 : vector<160x125xf32>
    %gt3A_349 = arith.cmpf ogt, %div3A_348, %select_n3A_299 : vector<160x125xf32>
    %jit3A_350 = arith.constant 5 : i32
    %broadcast_in_dim3A_351 = vector.broadcast %jit3A_350 : i32 to vector<160x125xi32>
    %select_n3A_352 = arith.select %gt3A_349, %broadcast_in_dim3A_351, %select_n3A_298 : vector<160x125xi1>, vector<160x125xi32>
    %select_n3A_353 = arith.select %gt3A_349, %div3A_348, %select_n3A_299 : vector<160x125xi1>, vector<160x125xf32>
    %swap3A_354 = arith.constant 5 : index
    %swap3A_355 = arith.constant 0 : index
    %swap3A_356 = arith.constant 0 : index
    %swap3A_357 = vector.load %arg7[%swap3A_354, %swap3A_355, %swap3A_356] : memref<32x160x125xf32, #tpu.memory_space<vmem>>, vector<1x160x125xf32>
    %swap3A_358 = vector.shape_cast %swap3A_357 : vector<1x160x125xf32> to vector<160x125xf32>
    %swap3A_359 = vector.shape_cast %div3A_348 : vector<160x125xf32> to vector<1x160x125xf32>
    tpu.vector_store %arg7[%swap3A_354, %swap3A_355, %swap3A_356], %swap3A_359 {strides = array<i32>} : memref<32x160x125xf32, #tpu.memory_space<vmem>>, vector<1x160x125xf32>,
    %get3A_360 = arith.constant 0 : index
    %get3A_361 = arith.constant 0 : index
    %get3A_362 = arith.constant 6 : index
    %get3A_363 = memref.load %arg2[%get3A_360, %get3A_361, %get3A_362] : memref<1x4x32xf32, #tpu.memory_space<smem>>
    %get3A_364 = arith.constant 0 : index
    %get3A_365 = arith.constant 1 : index
    %get3A_366 = arith.constant 6 : index
    %get3A_367 = memref.load %arg2[%get3A_364, %get3A_365, %get3A_366] : memref<1x4x32xf32, #tpu.memory_space<smem>>
    %get3A_368 = arith.constant 0 : index
    %get3A_369 = arith.constant 2 : index
    %get3A_370 = arith.constant 6 : index
    %get3A_371 = memref.load %arg2[%get3A_368, %get3A_369, %get3A_370] : memref<1x4x32xf32, #tpu.memory_space<smem>>
    %get3A_372 = arith.constant 0 : index
    %get3A_373 = arith.constant 3 : index
    %get3A_374 = arith.constant 6 : index
    %get3A_375 = memref.load %arg2[%get3A_372, %get3A_373, %get3A_374] : memref<1x4x32xf32, #tpu.memory_space<smem>>
    %sub3A_376 = arith.subf %get3A_371, %get3A_363 : f32
    %sub3A_377 = arith.subf %get3A_375, %get3A_367 : f32
    %mul3A_378 = arith.mulf %sub3A_376, %sub3A_377 : f32
    %min3A_379 = vector.broadcast %get3A_371 : f32 to vector<160x125xf32>
    %min3A_380 = arith.minimumf %min3A_379, %add3A : vector<160x125xf32>
    %max3A_381 = vector.broadcast %get3A_363 : f32 to vector<160x125xf32>
    %max3A_382 = arith.maximumf %max3A_381, %sub3A : vector<160x125xf32>
    %sub3A_383 = arith.subf %min3A_380, %max3A_382 : vector<160x125xf32>
    %max3A_384 = arith.constant 0.000000e+00 : f32
    %max3A_385 = vector.broadcast %max3A_384 : f32 to vector<160x125xf32>
    %max3A_386 = arith.maximumf %sub3A_383, %max3A_385 : vector<160x125xf32>
    %min3A_387 = vector.broadcast %get3A_375 : f32 to vector<160x125xf32>
    %min3A_388 = arith.minimumf %min3A_387, %add3A_31 : vector<160x125xf32>
    %max3A_389 = vector.broadcast %get3A_367 : f32 to vector<160x125xf32>
    %max3A_390 = arith.maximumf %max3A_389, %sub3A_24 : vector<160x125xf32>
    %sub3A_391 = arith.subf %min3A_388, %max3A_390 : vector<160x125xf32>
    %max3A_392 = arith.constant 0.000000e+00 : f32
    %max3A_393 = vector.broadcast %max3A_392 : f32 to vector<160x125xf32>
    %max3A_394 = arith.maximumf %sub3A_391, %max3A_393 : vector<160x125xf32>
    %mul3A_395 = arith.mulf %max3A_386, %max3A_394 : vector<160x125xf32>
    %add3A_396 = vector.broadcast %mul3A_378 : f32 to vector<160x125xf32>
    %add3A_397 = arith.addf %add3A_396, %mul3A : vector<160x125xf32>
    %sub3A_398 = arith.subf %add3A_397, %mul3A_395 : vector<160x125xf32>
    %max3A_399 = arith.constant 1.000000e-10 : f32
    %max3A_400 = vector.broadcast %max3A_399 : f32 to vector<160x125xf32>
    %max3A_401 = arith.maximumf %sub3A_398, %max3A_400 : vector<160x125xf32>
    %div3A_402 = arith.divf %mul3A_395, %max3A_401 : vector<160x125xf32>
    %gt3A_403 = arith.cmpf ogt, %div3A_402, %select_n3A_353 : vector<160x125xf32>
    %jit3A_404 = arith.constant 6 : i32
    %broadcast_in_dim3A_405 = vector.broadcast %jit3A_404 : i32 to vector<160x125xi32>
    %select_n3A_406 = arith.select %gt3A_403, %broadcast_in_dim3A_405, %select_n3A_352 : vector<160x125xi1>, vector<160x125xi32>
    %select_n3A_407 = arith.select %gt3A_403, %div3A_402, %select_n3A_353 : vector<160x125xi1>, vector<160x125xf32>
    %swap3A_408 = arith.constant 6 : index
    %swap3A_409 = arith.constant 0 : index
    %swap3A_410 = arith.constant 0 : index
    %swap3A_411 = vector.load %arg7[%swap3A_408, %swap3A_409, %swap3A_410] : memref<32x160x125xf32, #tpu.memory_space<vmem>>, vector<1x160x125xf32>
    %swap3A_412 = vector.shape_cast %swap3A_411 : vector<1x160x125xf32> to vector<160x125xf32>
    %swap3A_413 = vector.shape_cast %div3A_402 : vector<160x125xf32> to vector<1x160x125xf32>
    tpu.vector_store %arg7[%swap3A_408, %swap3A_409, %swap3A_410], %swap3A_413 {strides = array<i32>} : memref<32x160x125xf32, #tpu.memory_space<vmem>>, vector<1x160x125xf32>,
    %get3A_414 = arith.constant 0 : index
    %get3A_415 = arith.constant 0 : index
    %get3A_416 = arith.constant 7 : index
    %get3A_417 = memref.load %arg2[%get3A_414, %get3A_415, %get3A_416] : memref<1x4x32xf32, #tpu.memory_space<smem>>
    %get3A_418 = arith.constant 0 : index
    %get3A_419 = arith.constant 1 : index
    %get3A_420 = arith.constant 7 : index
    %get3A_421 = memref.load %arg2[%get3A_418, %get3A_419, %get3A_420] : memref<1x4x32xf32, #tpu.memory_space<smem>>
    %get3A_422 = arith.constant 0 : index
    %get3A_423 = arith.constant 2 : index
    %get3A_424 = arith.constant 7 : index
    %get3A_425 = memref.load %arg2[%get3A_422, %get3A_423, %get3A_424] : memref<1x4x32xf32, #tpu.memory_space<smem>>
    %get3A_426 = arith.constant 0 : index
    %get3A_427 = arith.constant 3 : index
    %get3A_428 = arith.constant 7 : index
    %get3A_429 = memref.load %arg2[%get3A_426, %get3A_427, %get3A_428] : memref<1x4x32xf32, #tpu.memory_space<smem>>
    %sub3A_430 = arith.subf %get3A_425, %get3A_417 : f32
    %sub3A_431 = arith.subf %get3A_429, %get3A_421 : f32
    %mul3A_432 = arith.mulf %sub3A_430, %sub3A_431 : f32
    %min3A_433 = vector.broadcast %get3A_425 : f32 to vector<160x125xf32>
    %min3A_434 = arith.minimumf %min3A_433, %add3A : vector<160x125xf32>
    %max3A_435 = vector.broadcast %get3A_417 : f32 to vector<160x125xf32>
    %max3A_436 = arith.maximumf %max3A_435, %sub3A : vector<160x125xf32>
    %sub3A_437 = arith.subf %min3A_434, %max3A_436 : vector<160x125xf32>
    %max3A_438 = arith.constant 0.000000e+00 : f32
    %max3A_439 = vector.broadcast %max3A_438 : f32 to vector<160x125xf32>
    %max3A_440 = arith.maximumf %sub3A_437, %max3A_439 : vector<160x125xf32>
    %min3A_441 = vector.broadcast %get3A_429 : f32 to vector<160x125xf32>
    %min3A_442 = arith.minimumf %min3A_441, %add3A_31 : vector<160x125xf32>
    %max3A_443 = vector.broadcast %get3A_421 : f32 to vector<160x125xf32>
    %max3A_444 = arith.maximumf %max3A_443, %sub3A_24 : vector<160x125xf32>
    %sub3A_445 = arith.subf %min3A_442, %max3A_444 : vector<160x125xf32>
    %max3A_446 = arith.constant 0.000000e+00 : f32
    %max3A_447 = vector.broadcast %max3A_446 : f32 to vector<160x125xf32>
    %max3A_448 = arith.maximumf %sub3A_445, %max3A_447 : vector<160x125xf32>
    %mul3A_449 = arith.mulf %max3A_440, %max3A_448 : vector<160x125xf32>
    %add3A_450 = vector.broadcast %mul3A_432 : f32 to vector<160x125xf32>
    %add3A_451 = arith.addf %add3A_450, %mul3A : vector<160x125xf32>
    %sub3A_452 = arith.subf %add3A_451, %mul3A_449 : vector<160x125xf32>
    %max3A_453 = arith.constant 1.000000e-10 : f32
    %max3A_454 = vector.broadcast %max3A_453 : f32 to vector<160x125xf32>
    %max3A_455 = arith.maximumf %sub3A_452, %max3A_454 : vector<160x125xf32>
    %div3A_456 = arith.divf %mul3A_449, %max3A_455 : vector<160x125xf32>
    %gt3A_457 = arith.cmpf ogt, %div3A_456, %select_n3A_407 : vector<160x125xf32>
    %jit3A_458 = arith.constant 7 : i32
    %broadcast_in_dim3A_459 = vector.broadcast %jit3A_458 : i32 to vector<160x125xi32>
    %select_n3A_460 = arith.select %gt3A_457, %broadcast_in_dim3A_459, %select_n3A_406 : vector<160x125xi1>, vector<160x125xi32>
    %select_n3A_461 = arith.select %gt3A_457, %div3A_456, %select_n3A_407 : vector<160x125xi1>, vector<160x125xf32>
    %swap3A_462 = arith.constant 7 : index
    %swap3A_463 = arith.constant 0 : index
    %swap3A_464 = arith.constant 0 : index
    %swap3A_465 = vector.load %arg7[%swap3A_462, %swap3A_463, %swap3A_464] : memref<32x160x125xf32, #tpu.memory_space<vmem>>, vector<1x160x125xf32>
    %swap3A_466 = vector.shape_cast %swap3A_465 : vector<1x160x125xf32> to vector<160x125xf32>
    %swap3A_467 = vector.shape_cast %div3A_456 : vector<160x125xf32> to vector<1x160x125xf32>
    tpu.vector_store %arg7[%swap3A_462, %swap3A_463, %swap3A_464], %swap3A_467 {strides = array<i32>} : memref<32x160x125xf32, #tpu.memory_space<vmem>>, vector<1x160x125xf32>,
    %get3A_468 = arith.constant 0 : index
    %get3A_469 = arith.constant 0 : index
    %get3A_470 = arith.constant 8 : index
    %get3A_471 = memref.load %arg2[%get3A_468, %get3A_469, %get3A_470] : memref<1x4x32xf32, #tpu.memory_space<smem>>
    %get3A_472 = arith.constant 0 : index
    %get3A_473 = arith.constant 1 : index
    %get3A_474 = arith.constant 8 : index
    %get3A_475 = memref.load %arg2[%get3A_472, %get3A_473, %get3A_474] : memref<1x4x32xf32, #tpu.memory_space<smem>>
    %get3A_476 = arith.constant 0 : index
    %get3A_477 = arith.constant 2 : index
    %get3A_478 = arith.constant 8 : index
    %get3A_479 = memref.load %arg2[%get3A_476, %get3A_477, %get3A_478] : memref<1x4x32xf32, #tpu.memory_space<smem>>
    %get3A_480 = arith.constant 0 : index
    %get3A_481 = arith.constant 3 : index
    %get3A_482 = arith.constant 8 : index
    %get3A_483 = memref.load %arg2[%get3A_480, %get3A_481, %get3A_482] : memref<1x4x32xf32, #tpu.memory_space<smem>>
    %sub3A_484 = arith.subf %get3A_479, %get3A_471 : f32
    %sub3A_485 = arith.subf %get3A_483, %get3A_475 : f32
    %mul3A_486 = arith.mulf %sub3A_484, %sub3A_485 : f32
    %min3A_487 = vector.broadcast %get3A_479 : f32 to vector<160x125xf32>
    %min3A_488 = arith.minimumf %min3A_487, %add3A : vector<160x125xf32>
    %max3A_489 = vector.broadcast %get3A_471 : f32 to vector<160x125xf32>
    %max3A_490 = arith.maximumf %max3A_489, %sub3A : vector<160x125xf32>
    %sub3A_491 = arith.subf %min3A_488, %max3A_490 : vector<160x125xf32>
    %max3A_492 = arith.constant 0.000000e+00 : f32
    %max3A_493 = vector.broadcast %max3A_492 : f32 to vector<160x125xf32>
    %max3A_494 = arith.maximumf %sub3A_491, %max3A_493 : vector<160x125xf32>
    %min3A_495 = vector.broadcast %get3A_483 : f32 to vector<160x125xf32>
    %min3A_496 = arith.minimumf %min3A_495, %add3A_31 : vector<160x125xf32>
    %max3A_497 = vector.broadcast %get3A_475 : f32 to vector<160x125xf32>
    %max3A_498 = arith.maximumf %max3A_497, %sub3A_24 : vector<160x125xf32>
    %sub3A_499 = arith.subf %min3A_496, %max3A_498 : vector<160x125xf32>
    %max3A_500 = arith.constant 0.000000e+00 : f32
    %max3A_501 = vector.broadcast %max3A_500 : f32 to vector<160x125xf32>
    %max3A_502 = arith.maximumf %sub3A_499, %max3A_501 : vector<160x125xf32>
    %mul3A_503 = arith.mulf %max3A_494, %max3A_502 : vector<160x125xf32>
    %add3A_504 = vector.broadcast %mul3A_486 : f32 to vector<160x125xf32>
    %add3A_505 = arith.addf %add3A_504, %mul3A : vector<160x125xf32>
    %sub3A_506 = arith.subf %add3A_505, %mul3A_503 : vector<160x125xf32>
    %max3A_507 = arith.constant 1.000000e-10 : f32
    %max3A_508 = vector.broadcast %max3A_507 : f32 to vector<160x125xf32>
    %max3A_509 = arith.maximumf %sub3A_506, %max3A_508 : vector<160x125xf32>
    %div3A_510 = arith.divf %mul3A_503, %max3A_509 : vector<160x125xf32>
    %gt3A_511 = arith.cmpf ogt, %div3A_510, %select_n3A_461 : vector<160x125xf32>
    %jit3A_512 = arith.constant 8 : i32
    %broadcast_in_dim3A_513 = vector.broadcast %jit3A_512 : i32 to vector<160x125xi32>
    %select_n3A_514 = arith.select %gt3A_511, %broadcast_in_dim3A_513, %select_n3A_460 : vector<160x125xi1>, vector<160x125xi32>
    %select_n3A_515 = arith.select %gt3A_511, %div3A_510, %select_n3A_461 : vector<160x125xi1>, vector<160x125xf32>
    %swap3A_516 = arith.constant 8 : index
    %swap3A_517 = arith.constant 0 : index
    %swap3A_518 = arith.constant 0 : index
    %swap3A_519 = vector.load %arg7[%swap3A_516, %swap3A_517, %swap3A_518] : memref<32x160x125xf32, #tpu.memory_space<vmem>>, vector<1x160x125xf32>
    %swap3A_520 = vector.shape_cast %swap3A_519 : vector<1x160x125xf32> to vector<160x125xf32>
    %swap3A_521 = vector.shape_cast %div3A_510 : vector<160x125xf32> to vector<1x160x125xf32>
    tpu.vector_store %arg7[%swap3A_516, %swap3A_517, %swap3A_518], %swap3A_521 {strides = array<i32>} : memref<32x160x125xf32, #tpu.memory_space<vmem>>, vector<1x160x125xf32>,
    %get3A_522 = arith.constant 0 : index
    %get3A_523 = arith.constant 0 : index
    %get3A_524 = arith.constant 9 : index
    %get3A_525 = memref.load %arg2[%get3A_522, %get3A_523, %get3A_524] : memref<1x4x32xf32, #tpu.memory_space<smem>>
    %get3A_526 = arith.constant 0 : index
    %get3A_527 = arith.constant 1 : index
    %get3A_528 = arith.constant 9 : index
    %get3A_529 = memref.load %arg2[%get3A_526, %get3A_527, %get3A_528] : memref<1x4x32xf32, #tpu.memory_space<smem>>
    %get3A_530 = arith.constant 0 : index
    %get3A_531 = arith.constant 2 : index
    %get3A_532 = arith.constant 9 : index
    %get3A_533 = memref.load %arg2[%get3A_530, %get3A_531, %get3A_532] : memref<1x4x32xf32, #tpu.memory_space<smem>>
    %get3A_534 = arith.constant 0 : index
    %get3A_535 = arith.constant 3 : index
    %get3A_536 = arith.constant 9 : index
    %get3A_537 = memref.load %arg2[%get3A_534, %get3A_535, %get3A_536] : memref<1x4x32xf32, #tpu.memory_space<smem>>
    %sub3A_538 = arith.subf %get3A_533, %get3A_525 : f32
    %sub3A_539 = arith.subf %get3A_537, %get3A_529 : f32
    %mul3A_540 = arith.mulf %sub3A_538, %sub3A_539 : f32
    %min3A_541 = vector.broadcast %get3A_533 : f32 to vector<160x125xf32>
    %min3A_542 = arith.minimumf %min3A_541, %add3A : vector<160x125xf32>
    %max3A_543 = vector.broadcast %get3A_525 : f32 to vector<160x125xf32>
    %max3A_544 = arith.maximumf %max3A_543, %sub3A : vector<160x125xf32>
    %sub3A_545 = arith.subf %min3A_542, %max3A_544 : vector<160x125xf32>
    %max3A_546 = arith.constant 0.000000e+00 : f32
    %max3A_547 = vector.broadcast %max3A_546 : f32 to vector<160x125xf32>
    %max3A_548 = arith.maximumf %sub3A_545, %max3A_547 : vector<160x125xf32>
    %min3A_549 = vector.broadcast %get3A_537 : f32 to vector<160x125xf32>
    %min3A_550 = arith.minimumf %min3A_549, %add3A_31 : vector<160x125xf32>
    %max3A_551 = vector.broadcast %get3A_529 : f32 to vector<160x125xf32>
    %max3A_552 = arith.maximumf %max3A_551, %sub3A_24 : vector<160x125xf32>
    %sub3A_553 = arith.subf %min3A_550, %max3A_552 : vector<160x125xf32>
    %max3A_554 = arith.constant 0.000000e+00 : f32
    %max3A_555 = vector.broadcast %max3A_554 : f32 to vector<160x125xf32>
    %max3A_556 = arith.maximumf %sub3A_553, %max3A_555 : vector<160x125xf32>
    %mul3A_557 = arith.mulf %max3A_548, %max3A_556 : vector<160x125xf32>
    %add3A_558 = vector.broadcast %mul3A_540 : f32 to vector<160x125xf32>
    %add3A_559 = arith.addf %add3A_558, %mul3A : vector<160x125xf32>
    %sub3A_560 = arith.subf %add3A_559, %mul3A_557 : vector<160x125xf32>
    %max3A_561 = arith.constant 1.000000e-10 : f32
    %max3A_562 = vector.broadcast %max3A_561 : f32 to vector<160x125xf32>
    %max3A_563 = arith.maximumf %sub3A_560, %max3A_562 : vector<160x125xf32>
    %div3A_564 = arith.divf %mul3A_557, %max3A_563 : vector<160x125xf32>
    %gt3A_565 = arith.cmpf ogt, %div3A_564, %select_n3A_515 : vector<160x125xf32>
    %jit3A_566 = arith.constant 9 : i32
    %broadcast_in_dim3A_567 = vector.broadcast %jit3A_566 : i32 to vector<160x125xi32>
    %select_n3A_568 = arith.select %gt3A_565, %broadcast_in_dim3A_567, %select_n3A_514 : vector<160x125xi1>, vector<160x125xi32>
    %select_n3A_569 = arith.select %gt3A_565, %div3A_564, %select_n3A_515 : vector<160x125xi1>, vector<160x125xf32>
    %swap3A_570 = arith.constant 9 : index
    %swap3A_571 = arith.constant 0 : index
    %swap3A_572 = arith.constant 0 : index
    %swap3A_573 = vector.load %arg7[%swap3A_570, %swap3A_571, %swap3A_572] : memref<32x160x125xf32, #tpu.memory_space<vmem>>, vector<1x160x125xf32>
    %swap3A_574 = vector.shape_cast %swap3A_573 : vector<1x160x125xf32> to vector<160x125xf32>
    %swap3A_575 = vector.shape_cast %div3A_564 : vector<160x125xf32> to vector<1x160x125xf32>
    tpu.vector_store %arg7[%swap3A_570, %swap3A_571, %swap3A_572], %swap3A_575 {strides = array<i32>} : memref<32x160x125xf32, #tpu.memory_space<vmem>>, vector<1x160x125xf32>,
    %get3A_576 = arith.constant 0 : index
    %get3A_577 = arith.constant 0 : index
    %get3A_578 = arith.constant 10 : index
    %get3A_579 = memref.load %arg2[%get3A_576, %get3A_577, %get3A_578] : memref<1x4x32xf32, #tpu.memory_space<smem>>
    %get3A_580 = arith.constant 0 : index
    %get3A_581 = arith.constant 1 : index
    %get3A_582 = arith.constant 10 : index
    %get3A_583 = memref.load %arg2[%get3A_580, %get3A_581, %get3A_582] : memref<1x4x32xf32, #tpu.memory_space<smem>>
    %get3A_584 = arith.constant 0 : index
    %get3A_585 = arith.constant 2 : index
    %get3A_586 = arith.constant 10 : index
    %get3A_587 = memref.load %arg2[%get3A_584, %get3A_585, %get3A_586] : memref<1x4x32xf32, #tpu.memory_space<smem>>
    %get3A_588 = arith.constant 0 : index
    %get3A_589 = arith.constant 3 : index
    %get3A_590 = arith.constant 10 : index
    %get3A_591 = memref.load %arg2[%get3A_588, %get3A_589, %get3A_590] : memref<1x4x32xf32, #tpu.memory_space<smem>>
    %sub3A_592 = arith.subf %get3A_587, %get3A_579 : f32
    %sub3A_593 = arith.subf %get3A_591, %get3A_583 : f32
    %mul3A_594 = arith.mulf %sub3A_592, %sub3A_593 : f32
    %min3A_595 = vector.broadcast %get3A_587 : f32 to vector<160x125xf32>
    %min3A_596 = arith.minimumf %min3A_595, %add3A : vector<160x125xf32>
    %max3A_597 = vector.broadcast %get3A_579 : f32 to vector<160x125xf32>
    %max3A_598 = arith.maximumf %max3A_597, %sub3A : vector<160x125xf32>
    %sub3A_599 = arith.subf %min3A_596, %max3A_598 : vector<160x125xf32>
    %max3A_600 = arith.constant 0.000000e+00 : f32
    %max3A_601 = vector.broadcast %max3A_600 : f32 to vector<160x125xf32>
    %max3A_602 = arith.maximumf %sub3A_599, %max3A_601 : vector<160x125xf32>
    %min3A_603 = vector.broadcast %get3A_591 : f32 to vector<160x125xf32>
    %min3A_604 = arith.minimumf %min3A_603, %add3A_31 : vector<160x125xf32>
    %max3A_605 = vector.broadcast %get3A_583 : f32 to vector<160x125xf32>
    %max3A_606 = arith.maximumf %max3A_605, %sub3A_24 : vector<160x125xf32>
    %sub3A_607 = arith.subf %min3A_604, %max3A_606 : vector<160x125xf32>
    %max3A_608 = arith.constant 0.000000e+00 : f32
    %max3A_609 = vector.broadcast %max3A_608 : f32 to vector<160x125xf32>
    %max3A_610 = arith.maximumf %sub3A_607, %max3A_609 : vector<160x125xf32>
    %mul3A_611 = arith.mulf %max3A_602, %max3A_610 : vector<160x125xf32>
    %add3A_612 = vector.broadcast %mul3A_594 : f32 to vector<160x125xf32>
    %add3A_613 = arith.addf %add3A_612, %mul3A : vector<160x125xf32>
    %sub3A_614 = arith.subf %add3A_613, %mul3A_611 : vector<160x125xf32>
    %max3A_615 = arith.constant 1.000000e-10 : f32
    %max3A_616 = vector.broadcast %max3A_615 : f32 to vector<160x125xf32>
    %max3A_617 = arith.maximumf %sub3A_614, %max3A_616 : vector<160x125xf32>
    %div3A_618 = arith.divf %mul3A_611, %max3A_617 : vector<160x125xf32>
    %gt3A_619 = arith.cmpf ogt, %div3A_618, %select_n3A_569 : vector<160x125xf32>
    %jit3A_620 = arith.constant 10 : i32
    %broadcast_in_dim3A_621 = vector.broadcast %jit3A_620 : i32 to vector<160x125xi32>
    %select_n3A_622 = arith.select %gt3A_619, %broadcast_in_dim3A_621, %select_n3A_568 : vector<160x125xi1>, vector<160x125xi32>
    %select_n3A_623 = arith.select %gt3A_619, %div3A_618, %select_n3A_569 : vector<160x125xi1>, vector<160x125xf32>
    %swap3A_624 = arith.constant 10 : index
    %swap3A_625 = arith.constant 0 : index
    %swap3A_626 = arith.constant 0 : index
    %swap3A_627 = vector.load %arg7[%swap3A_624, %swap3A_625, %swap3A_626] : memref<32x160x125xf32, #tpu.memory_space<vmem>>, vector<1x160x125xf32>
    %swap3A_628 = vector.shape_cast %swap3A_627 : vector<1x160x125xf32> to vector<160x125xf32>
    %swap3A_629 = vector.shape_cast %div3A_618 : vector<160x125xf32> to vector<1x160x125xf32>
    tpu.vector_store %arg7[%swap3A_624, %swap3A_625, %swap3A_626], %swap3A_629 {strides = array<i32>} : memref<32x160x125xf32, #tpu.memory_space<vmem>>, vector<1x160x125xf32>,
    %get3A_630 = arith.constant 0 : index
    %get3A_631 = arith.constant 0 : index
    %get3A_632 = arith.constant 11 : index
    %get3A_633 = memref.load %arg2[%get3A_630, %get3A_631, %get3A_632] : memref<1x4x32xf32, #tpu.memory_space<smem>>
    %get3A_634 = arith.constant 0 : index
    %get3A_635 = arith.constant 1 : index
    %get3A_636 = arith.constant 11 : index
    %get3A_637 = memref.load %arg2[%get3A_634, %get3A_635, %get3A_636] : memref<1x4x32xf32, #tpu.memory_space<smem>>
    %get3A_638 = arith.constant 0 : index
    %get3A_639 = arith.constant 2 : index
    %get3A_640 = arith.constant 11 : index
    %get3A_641 = memref.load %arg2[%get3A_638, %get3A_639, %get3A_640] : memref<1x4x32xf32, #tpu.memory_space<smem>>
    %get3A_642 = arith.constant 0 : index
    %get3A_643 = arith.constant 3 : index
    %get3A_644 = arith.constant 11 : index
    %get3A_645 = memref.load %arg2[%get3A_642, %get3A_643, %get3A_644] : memref<1x4x32xf32, #tpu.memory_space<smem>>
    %sub3A_646 = arith.subf %get3A_641, %get3A_633 : f32
    %sub3A_647 = arith.subf %get3A_645, %get3A_637 : f32
    %mul3A_648 = arith.mulf %sub3A_646, %sub3A_647 : f32
    %min3A_649 = vector.broadcast %get3A_641 : f32 to vector<160x125xf32>
    %min3A_650 = arith.minimumf %min3A_649, %add3A : vector<160x125xf32>
    %max3A_651 = vector.broadcast %get3A_633 : f32 to vector<160x125xf32>
    %max3A_652 = arith.maximumf %max3A_651, %sub3A : vector<160x125xf32>
    %sub3A_653 = arith.subf %min3A_650, %max3A_652 : vector<160x125xf32>
    %max3A_654 = arith.constant 0.000000e+00 : f32
    %max3A_655 = vector.broadcast %max3A_654 : f32 to vector<160x125xf32>
    %max3A_656 = arith.maximumf %sub3A_653, %max3A_655 : vector<160x125xf32>
    %min3A_657 = vector.broadcast %get3A_645 : f32 to vector<160x125xf32>
    %min3A_658 = arith.minimumf %min3A_657, %add3A_31 : vector<160x125xf32>
    %max3A_659 = vector.broadcast %get3A_637 : f32 to vector<160x125xf32>
    %max3A_660 = arith.maximumf %max3A_659, %sub3A_24 : vector<160x125xf32>
    %sub3A_661 = arith.subf %min3A_658, %max3A_660 : vector<160x125xf32>
    %max3A_662 = arith.constant 0.000000e+00 : f32
    %max3A_663 = vector.broadcast %max3A_662 : f32 to vector<160x125xf32>
    %max3A_664 = arith.maximumf %sub3A_661, %max3A_663 : vector<160x125xf32>
    %mul3A_665 = arith.mulf %max3A_656, %max3A_664 : vector<160x125xf32>
    %add3A_666 = vector.broadcast %mul3A_648 : f32 to vector<160x125xf32>
    %add3A_667 = arith.addf %add3A_666, %mul3A : vector<160x125xf32>
    %sub3A_668 = arith.subf %add3A_667, %mul3A_665 : vector<160x125xf32>
    %max3A_669 = arith.constant 1.000000e-10 : f32
    %max3A_670 = vector.broadcast %max3A_669 : f32 to vector<160x125xf32>
    %max3A_671 = arith.maximumf %sub3A_668, %max3A_670 : vector<160x125xf32>
    %div3A_672 = arith.divf %mul3A_665, %max3A_671 : vector<160x125xf32>
    %gt3A_673 = arith.cmpf ogt, %div3A_672, %select_n3A_623 : vector<160x125xf32>
    %jit3A_674 = arith.constant 11 : i32
    %broadcast_in_dim3A_675 = vector.broadcast %jit3A_674 : i32 to vector<160x125xi32>
    %select_n3A_676 = arith.select %gt3A_673, %broadcast_in_dim3A_675, %select_n3A_622 : vector<160x125xi1>, vector<160x125xi32>
    %select_n3A_677 = arith.select %gt3A_673, %div3A_672, %select_n3A_623 : vector<160x125xi1>, vector<160x125xf32>
    %swap3A_678 = arith.constant 11 : index
    %swap3A_679 = arith.constant 0 : index
    %swap3A_680 = arith.constant 0 : index
    %swap3A_681 = vector.load %arg7[%swap3A_678, %swap3A_679, %swap3A_680] : memref<32x160x125xf32, #tpu.memory_space<vmem>>, vector<1x160x125xf32>
    %swap3A_682 = vector.shape_cast %swap3A_681 : vector<1x160x125xf32> to vector<160x125xf32>
    %swap3A_683 = vector.shape_cast %div3A_672 : vector<160x125xf32> to vector<1x160x125xf32>
    tpu.vector_store %arg7[%swap3A_678, %swap3A_679, %swap3A_680], %swap3A_683 {strides = array<i32>} : memref<32x160x125xf32, #tpu.memory_space<vmem>>, vector<1x160x125xf32>,
    %get3A_684 = arith.constant 0 : index
    %get3A_685 = arith.constant 0 : index
    %get3A_686 = arith.constant 12 : index
    %get3A_687 = memref.load %arg2[%get3A_684, %get3A_685, %get3A_686] : memref<1x4x32xf32, #tpu.memory_space<smem>>
    %get3A_688 = arith.constant 0 : index
    %get3A_689 = arith.constant 1 : index
    %get3A_690 = arith.constant 12 : index
    %get3A_691 = memref.load %arg2[%get3A_688, %get3A_689, %get3A_690] : memref<1x4x32xf32, #tpu.memory_space<smem>>
    %get3A_692 = arith.constant 0 : index
    %get3A_693 = arith.constant 2 : index
    %get3A_694 = arith.constant 12 : index
    %get3A_695 = memref.load %arg2[%get3A_692, %get3A_693, %get3A_694] : memref<1x4x32xf32, #tpu.memory_space<smem>>
    %get3A_696 = arith.constant 0 : index
    %get3A_697 = arith.constant 3 : index
    %get3A_698 = arith.constant 12 : index
    %get3A_699 = memref.load %arg2[%get3A_696, %get3A_697, %get3A_698] : memref<1x4x32xf32, #tpu.memory_space<smem>>
    %sub3A_700 = arith.subf %get3A_695, %get3A_687 : f32
    %sub3A_701 = arith.subf %get3A_699, %get3A_691 : f32
    %mul3A_702 = arith.mulf %sub3A_700, %sub3A_701 : f32
    %min3A_703 = vector.broadcast %get3A_695 : f32 to vector<160x125xf32>
    %min3A_704 = arith.minimumf %min3A_703, %add3A : vector<160x125xf32>
    %max3A_705 = vector.broadcast %get3A_687 : f32 to vector<160x125xf32>
    %max3A_706 = arith.maximumf %max3A_705, %sub3A : vector<160x125xf32>
    %sub3A_707 = arith.subf %min3A_704, %max3A_706 : vector<160x125xf32>
    %max3A_708 = arith.constant 0.000000e+00 : f32
    %max3A_709 = vector.broadcast %max3A_708 : f32 to vector<160x125xf32>
    %max3A_710 = arith.maximumf %sub3A_707, %max3A_709 : vector<160x125xf32>
    %min3A_711 = vector.broadcast %get3A_699 : f32 to vector<160x125xf32>
    %min3A_712 = arith.minimumf %min3A_711, %add3A_31 : vector<160x125xf32>
    %max3A_713 = vector.broadcast %get3A_691 : f32 to vector<160x125xf32>
    %max3A_714 = arith.maximumf %max3A_713, %sub3A_24 : vector<160x125xf32>
    %sub3A_715 = arith.subf %min3A_712, %max3A_714 : vector<160x125xf32>
    %max3A_716 = arith.constant 0.000000e+00 : f32
    %max3A_717 = vector.broadcast %max3A_716 : f32 to vector<160x125xf32>
    %max3A_718 = arith.maximumf %sub3A_715, %max3A_717 : vector<160x125xf32>
    %mul3A_719 = arith.mulf %max3A_710, %max3A_718 : vector<160x125xf32>
    %add3A_720 = vector.broadcast %mul3A_702 : f32 to vector<160x125xf32>
    %add3A_721 = arith.addf %add3A_720, %mul3A : vector<160x125xf32>
    %sub3A_722 = arith.subf %add3A_721, %mul3A_719 : vector<160x125xf32>
    %max3A_723 = arith.constant 1.000000e-10 : f32
    %max3A_724 = vector.broadcast %max3A_723 : f32 to vector<160x125xf32>
    %max3A_725 = arith.maximumf %sub3A_722, %max3A_724 : vector<160x125xf32>
    %div3A_726 = arith.divf %mul3A_719, %max3A_725 : vector<160x125xf32>
    %gt3A_727 = arith.cmpf ogt, %div3A_726, %select_n3A_677 : vector<160x125xf32>
    %jit3A_728 = arith.constant 12 : i32
    %broadcast_in_dim3A_729 = vector.broadcast %jit3A_728 : i32 to vector<160x125xi32>
    %select_n3A_730 = arith.select %gt3A_727, %broadcast_in_dim3A_729, %select_n3A_676 : vector<160x125xi1>, vector<160x125xi32>
    %select_n3A_731 = arith.select %gt3A_727, %div3A_726, %select_n3A_677 : vector<160x125xi1>, vector<160x125xf32>
    %swap3A_732 = arith.constant 12 : index
    %swap3A_733 = arith.constant 0 : index
    %swap3A_734 = arith.constant 0 : index
    %swap3A_735 = vector.load %arg7[%swap3A_732, %swap3A_733, %swap3A_734] : memref<32x160x125xf32, #tpu.memory_space<vmem>>, vector<1x160x125xf32>
    %swap3A_736 = vector.shape_cast %swap3A_735 : vector<1x160x125xf32> to vector<160x125xf32>
    %swap3A_737 = vector.shape_cast %div3A_726 : vector<160x125xf32> to vector<1x160x125xf32>
    tpu.vector_store %arg7[%swap3A_732, %swap3A_733, %swap3A_734], %swap3A_737 {strides = array<i32>} : memref<32x160x125xf32, #tpu.memory_space<vmem>>, vector<1x160x125xf32>,
    %get3A_738 = arith.constant 0 : index
    %get3A_739 = arith.constant 0 : index
    %get3A_740 = arith.constant 13 : index
    %get3A_741 = memref.load %arg2[%get3A_738, %get3A_739, %get3A_740] : memref<1x4x32xf32, #tpu.memory_space<smem>>
    %get3A_742 = arith.constant 0 : index
    %get3A_743 = arith.constant 1 : index
    %get3A_744 = arith.constant 13 : index
    %get3A_745 = memref.load %arg2[%get3A_742, %get3A_743, %get3A_744] : memref<1x4x32xf32, #tpu.memory_space<smem>>
    %get3A_746 = arith.constant 0 : index
    %get3A_747 = arith.constant 2 : index
    %get3A_748 = arith.constant 13 : index
    %get3A_749 = memref.load %arg2[%get3A_746, %get3A_747, %get3A_748] : memref<1x4x32xf32, #tpu.memory_space<smem>>
    %get3A_750 = arith.constant 0 : index
    %get3A_751 = arith.constant 3 : index
    %get3A_752 = arith.constant 13 : index
    %get3A_753 = memref.load %arg2[%get3A_750, %get3A_751, %get3A_752] : memref<1x4x32xf32, #tpu.memory_space<smem>>
    %sub3A_754 = arith.subf %get3A_749, %get3A_741 : f32
    %sub3A_755 = arith.subf %get3A_753, %get3A_745 : f32
    %mul3A_756 = arith.mulf %sub3A_754, %sub3A_755 : f32
    %min3A_757 = vector.broadcast %get3A_749 : f32 to vector<160x125xf32>
    %min3A_758 = arith.minimumf %min3A_757, %add3A : vector<160x125xf32>
    %max3A_759 = vector.broadcast %get3A_741 : f32 to vector<160x125xf32>
    %max3A_760 = arith.maximumf %max3A_759, %sub3A : vector<160x125xf32>
    %sub3A_761 = arith.subf %min3A_758, %max3A_760 : vector<160x125xf32>
    %max3A_762 = arith.constant 0.000000e+00 : f32
    %max3A_763 = vector.broadcast %max3A_762 : f32 to vector<160x125xf32>
    %max3A_764 = arith.maximumf %sub3A_761, %max3A_763 : vector<160x125xf32>
    %min3A_765 = vector.broadcast %get3A_753 : f32 to vector<160x125xf32>
    %min3A_766 = arith.minimumf %min3A_765, %add3A_31 : vector<160x125xf32>
    %max3A_767 = vector.broadcast %get3A_745 : f32 to vector<160x125xf32>
    %max3A_768 = arith.maximumf %max3A_767, %sub3A_24 : vector<160x125xf32>
    %sub3A_769 = arith.subf %min3A_766, %max3A_768 : vector<160x125xf32>
    %max3A_770 = arith.constant 0.000000e+00 : f32
    %max3A_771 = vector.broadcast %max3A_770 : f32 to vector<160x125xf32>
    %max3A_772 = arith.maximumf %sub3A_769, %max3A_771 : vector<160x125xf32>
    %mul3A_773 = arith.mulf %max3A_764, %max3A_772 : vector<160x125xf32>
    %add3A_774 = vector.broadcast %mul3A_756 : f32 to vector<160x125xf32>
    %add3A_775 = arith.addf %add3A_774, %mul3A : vector<160x125xf32>
    %sub3A_776 = arith.subf %add3A_775, %mul3A_773 : vector<160x125xf32>
    %max3A_777 = arith.constant 1.000000e-10 : f32
    %max3A_778 = vector.broadcast %max3A_777 : f32 to vector<160x125xf32>
    %max3A_779 = arith.maximumf %sub3A_776, %max3A_778 : vector<160x125xf32>
    %div3A_780 = arith.divf %mul3A_773, %max3A_779 : vector<160x125xf32>
    %gt3A_781 = arith.cmpf ogt, %div3A_780, %select_n3A_731 : vector<160x125xf32>
    %jit3A_782 = arith.constant 13 : i32
    %broadcast_in_dim3A_783 = vector.broadcast %jit3A_782 : i32 to vector<160x125xi32>
    %select_n3A_784 = arith.select %gt3A_781, %broadcast_in_dim3A_783, %select_n3A_730 : vector<160x125xi1>, vector<160x125xi32>
    %select_n3A_785 = arith.select %gt3A_781, %div3A_780, %select_n3A_731 : vector<160x125xi1>, vector<160x125xf32>
    %swap3A_786 = arith.constant 13 : index
    %swap3A_787 = arith.constant 0 : index
    %swap3A_788 = arith.constant 0 : index
    %swap3A_789 = vector.load %arg7[%swap3A_786, %swap3A_787, %swap3A_788] : memref<32x160x125xf32, #tpu.memory_space<vmem>>, vector<1x160x125xf32>
    %swap3A_790 = vector.shape_cast %swap3A_789 : vector<1x160x125xf32> to vector<160x125xf32>
    %swap3A_791 = vector.shape_cast %div3A_780 : vector<160x125xf32> to vector<1x160x125xf32>
    tpu.vector_store %arg7[%swap3A_786, %swap3A_787, %swap3A_788], %swap3A_791 {strides = array<i32>} : memref<32x160x125xf32, #tpu.memory_space<vmem>>, vector<1x160x125xf32>,
    %get3A_792 = arith.constant 0 : index
    %get3A_793 = arith.constant 0 : index
    %get3A_794 = arith.constant 14 : index
    %get3A_795 = memref.load %arg2[%get3A_792, %get3A_793, %get3A_794] : memref<1x4x32xf32, #tpu.memory_space<smem>>
    %get3A_796 = arith.constant 0 : index
    %get3A_797 = arith.constant 1 : index
    %get3A_798 = arith.constant 14 : index
    %get3A_799 = memref.load %arg2[%get3A_796, %get3A_797, %get3A_798] : memref<1x4x32xf32, #tpu.memory_space<smem>>
    %get3A_800 = arith.constant 0 : index
    %get3A_801 = arith.constant 2 : index
    %get3A_802 = arith.constant 14 : index
    %get3A_803 = memref.load %arg2[%get3A_800, %get3A_801, %get3A_802] : memref<1x4x32xf32, #tpu.memory_space<smem>>
    %get3A_804 = arith.constant 0 : index
    %get3A_805 = arith.constant 3 : index
    %get3A_806 = arith.constant 14 : index
    %get3A_807 = memref.load %arg2[%get3A_804, %get3A_805, %get3A_806] : memref<1x4x32xf32, #tpu.memory_space<smem>>
    %sub3A_808 = arith.subf %get3A_803, %get3A_795 : f32
    %sub3A_809 = arith.subf %get3A_807, %get3A_799 : f32
    %mul3A_810 = arith.mulf %sub3A_808, %sub3A_809 : f32
    %min3A_811 = vector.broadcast %get3A_803 : f32 to vector<160x125xf32>
    %min3A_812 = arith.minimumf %min3A_811, %add3A : vector<160x125xf32>
    %max3A_813 = vector.broadcast %get3A_795 : f32 to vector<160x125xf32>
    %max3A_814 = arith.maximumf %max3A_813, %sub3A : vector<160x125xf32>
    %sub3A_815 = arith.subf %min3A_812, %max3A_814 : vector<160x125xf32>
    %max3A_816 = arith.constant 0.000000e+00 : f32
    %max3A_817 = vector.broadcast %max3A_816 : f32 to vector<160x125xf32>
    %max3A_818 = arith.maximumf %sub3A_815, %max3A_817 : vector<160x125xf32>
    %min3A_819 = vector.broadcast %get3A_807 : f32 to vector<160x125xf32>
    %min3A_820 = arith.minimumf %min3A_819, %add3A_31 : vector<160x125xf32>
    %max3A_821 = vector.broadcast %get3A_799 : f32 to vector<160x125xf32>
    %max3A_822 = arith.maximumf %max3A_821, %sub3A_24 : vector<160x125xf32>
    %sub3A_823 = arith.subf %min3A_820, %max3A_822 : vector<160x125xf32>
    %max3A_824 = arith.constant 0.000000e+00 : f32
    %max3A_825 = vector.broadcast %max3A_824 : f32 to vector<160x125xf32>
    %max3A_826 = arith.maximumf %sub3A_823, %max3A_825 : vector<160x125xf32>
    %mul3A_827 = arith.mulf %max3A_818, %max3A_826 : vector<160x125xf32>
    %add3A_828 = vector.broadcast %mul3A_810 : f32 to vector<160x125xf32>
    %add3A_829 = arith.addf %add3A_828, %mul3A : vector<160x125xf32>
    %sub3A_830 = arith.subf %add3A_829, %mul3A_827 : vector<160x125xf32>
    %max3A_831 = arith.constant 1.000000e-10 : f32
    %max3A_832 = vector.broadcast %max3A_831 : f32 to vector<160x125xf32>
    %max3A_833 = arith.maximumf %sub3A_830, %max3A_832 : vector<160x125xf32>
    %div3A_834 = arith.divf %mul3A_827, %max3A_833 : vector<160x125xf32>
    %gt3A_835 = arith.cmpf ogt, %div3A_834, %select_n3A_785 : vector<160x125xf32>
    %jit3A_836 = arith.constant 14 : i32
    %broadcast_in_dim3A_837 = vector.broadcast %jit3A_836 : i32 to vector<160x125xi32>
    %select_n3A_838 = arith.select %gt3A_835, %broadcast_in_dim3A_837, %select_n3A_784 : vector<160x125xi1>, vector<160x125xi32>
    %select_n3A_839 = arith.select %gt3A_835, %div3A_834, %select_n3A_785 : vector<160x125xi1>, vector<160x125xf32>
    %swap3A_840 = arith.constant 14 : index
    %swap3A_841 = arith.constant 0 : index
    %swap3A_842 = arith.constant 0 : index
    %swap3A_843 = vector.load %arg7[%swap3A_840, %swap3A_841, %swap3A_842] : memref<32x160x125xf32, #tpu.memory_space<vmem>>, vector<1x160x125xf32>
    %swap3A_844 = vector.shape_cast %swap3A_843 : vector<1x160x125xf32> to vector<160x125xf32>
    %swap3A_845 = vector.shape_cast %div3A_834 : vector<160x125xf32> to vector<1x160x125xf32>
    tpu.vector_store %arg7[%swap3A_840, %swap3A_841, %swap3A_842], %swap3A_845 {strides = array<i32>} : memref<32x160x125xf32, #tpu.memory_space<vmem>>, vector<1x160x125xf32>,
    %get3A_846 = arith.constant 0 : index
    %get3A_847 = arith.constant 0 : index
    %get3A_848 = arith.constant 15 : index
    %get3A_849 = memref.load %arg2[%get3A_846, %get3A_847, %get3A_848] : memref<1x4x32xf32, #tpu.memory_space<smem>>
    %get3A_850 = arith.constant 0 : index
    %get3A_851 = arith.constant 1 : index
    %get3A_852 = arith.constant 15 : index
    %get3A_853 = memref.load %arg2[%get3A_850, %get3A_851, %get3A_852] : memref<1x4x32xf32, #tpu.memory_space<smem>>
    %get3A_854 = arith.constant 0 : index
    %get3A_855 = arith.constant 2 : index
    %get3A_856 = arith.constant 15 : index
    %get3A_857 = memref.load %arg2[%get3A_854, %get3A_855, %get3A_856] : memref<1x4x32xf32, #tpu.memory_space<smem>>
    %get3A_858 = arith.constant 0 : index
    %get3A_859 = arith.constant 3 : index
    %get3A_860 = arith.constant 15 : index
    %get3A_861 = memref.load %arg2[%get3A_858, %get3A_859, %get3A_860] : memref<1x4x32xf32, #tpu.memory_space<smem>>
    %sub3A_862 = arith.subf %get3A_857, %get3A_849 : f32
    %sub3A_863 = arith.subf %get3A_861, %get3A_853 : f32
    %mul3A_864 = arith.mulf %sub3A_862, %sub3A_863 : f32
    %min3A_865 = vector.broadcast %get3A_857 : f32 to vector<160x125xf32>
    %min3A_866 = arith.minimumf %min3A_865, %add3A : vector<160x125xf32>
    %max3A_867 = vector.broadcast %get3A_849 : f32 to vector<160x125xf32>
    %max3A_868 = arith.maximumf %max3A_867, %sub3A : vector<160x125xf32>
    %sub3A_869 = arith.subf %min3A_866, %max3A_868 : vector<160x125xf32>
    %max3A_870 = arith.constant 0.000000e+00 : f32
    %max3A_871 = vector.broadcast %max3A_870 : f32 to vector<160x125xf32>
    %max3A_872 = arith.maximumf %sub3A_869, %max3A_871 : vector<160x125xf32>
    %min3A_873 = vector.broadcast %get3A_861 : f32 to vector<160x125xf32>
    %min3A_874 = arith.minimumf %min3A_873, %add3A_31 : vector<160x125xf32>
    %max3A_875 = vector.broadcast %get3A_853 : f32 to vector<160x125xf32>
    %max3A_876 = arith.maximumf %max3A_875, %sub3A_24 : vector<160x125xf32>
    %sub3A_877 = arith.subf %min3A_874, %max3A_876 : vector<160x125xf32>
    %max3A_878 = arith.constant 0.000000e+00 : f32
    %max3A_879 = vector.broadcast %max3A_878 : f32 to vector<160x125xf32>
    %max3A_880 = arith.maximumf %sub3A_877, %max3A_879 : vector<160x125xf32>
    %mul3A_881 = arith.mulf %max3A_872, %max3A_880 : vector<160x125xf32>
    %add3A_882 = vector.broadcast %mul3A_864 : f32 to vector<160x125xf32>
    %add3A_883 = arith.addf %add3A_882, %mul3A : vector<160x125xf32>
    %sub3A_884 = arith.subf %add3A_883, %mul3A_881 : vector<160x125xf32>
    %max3A_885 = arith.constant 1.000000e-10 : f32
    %max3A_886 = vector.broadcast %max3A_885 : f32 to vector<160x125xf32>
    %max3A_887 = arith.maximumf %sub3A_884, %max3A_886 : vector<160x125xf32>
    %div3A_888 = arith.divf %mul3A_881, %max3A_887 : vector<160x125xf32>
    %gt3A_889 = arith.cmpf ogt, %div3A_888, %select_n3A_839 : vector<160x125xf32>
    %jit3A_890 = arith.constant 15 : i32
    %broadcast_in_dim3A_891 = vector.broadcast %jit3A_890 : i32 to vector<160x125xi32>
    %select_n3A_892 = arith.select %gt3A_889, %broadcast_in_dim3A_891, %select_n3A_838 : vector<160x125xi1>, vector<160x125xi32>
    %select_n3A_893 = arith.select %gt3A_889, %div3A_888, %select_n3A_839 : vector<160x125xi1>, vector<160x125xf32>
    %swap3A_894 = arith.constant 15 : index
    %swap3A_895 = arith.constant 0 : index
    %swap3A_896 = arith.constant 0 : index
    %swap3A_897 = vector.load %arg7[%swap3A_894, %swap3A_895, %swap3A_896] : memref<32x160x125xf32, #tpu.memory_space<vmem>>, vector<1x160x125xf32>
    %swap3A_898 = vector.shape_cast %swap3A_897 : vector<1x160x125xf32> to vector<160x125xf32>
    %swap3A_899 = vector.shape_cast %div3A_888 : vector<160x125xf32> to vector<1x160x125xf32>
    tpu.vector_store %arg7[%swap3A_894, %swap3A_895, %swap3A_896], %swap3A_899 {strides = array<i32>} : memref<32x160x125xf32, #tpu.memory_space<vmem>>, vector<1x160x125xf32>,
    %get3A_900 = arith.constant 0 : index
    %get3A_901 = arith.constant 0 : index
    %get3A_902 = arith.constant 16 : index
    %get3A_903 = memref.load %arg2[%get3A_900, %get3A_901, %get3A_902] : memref<1x4x32xf32, #tpu.memory_space<smem>>
    %get3A_904 = arith.constant 0 : index
    %get3A_905 = arith.constant 1 : index
    %get3A_906 = arith.constant 16 : index
    %get3A_907 = memref.load %arg2[%get3A_904, %get3A_905, %get3A_906] : memref<1x4x32xf32, #tpu.memory_space<smem>>
    %get3A_908 = arith.constant 0 : index
    %get3A_909 = arith.constant 2 : index
    %get3A_910 = arith.constant 16 : index
    %get3A_911 = memref.load %arg2[%get3A_908, %get3A_909, %get3A_910] : memref<1x4x32xf32, #tpu.memory_space<smem>>
    %get3A_912 = arith.constant 0 : index
    %get3A_913 = arith.constant 3 : index
    %get3A_914 = arith.constant 16 : index
    %get3A_915 = memref.load %arg2[%get3A_912, %get3A_913, %get3A_914] : memref<1x4x32xf32, #tpu.memory_space<smem>>
    %sub3A_916 = arith.subf %get3A_911, %get3A_903 : f32
    %sub3A_917 = arith.subf %get3A_915, %get3A_907 : f32
    %mul3A_918 = arith.mulf %sub3A_916, %sub3A_917 : f32
    %min3A_919 = vector.broadcast %get3A_911 : f32 to vector<160x125xf32>
    %min3A_920 = arith.minimumf %min3A_919, %add3A : vector<160x125xf32>
    %max3A_921 = vector.broadcast %get3A_903 : f32 to vector<160x125xf32>
    %max3A_922 = arith.maximumf %max3A_921, %sub3A : vector<160x125xf32>
    %sub3A_923 = arith.subf %min3A_920, %max3A_922 : vector<160x125xf32>
    %max3A_924 = arith.constant 0.000000e+00 : f32
    %max3A_925 = vector.broadcast %max3A_924 : f32 to vector<160x125xf32>
    %max3A_926 = arith.maximumf %sub3A_923, %max3A_925 : vector<160x125xf32>
    %min3A_927 = vector.broadcast %get3A_915 : f32 to vector<160x125xf32>
    %min3A_928 = arith.minimumf %min3A_927, %add3A_31 : vector<160x125xf32>
    %max3A_929 = vector.broadcast %get3A_907 : f32 to vector<160x125xf32>
    %max3A_930 = arith.maximumf %max3A_929, %sub3A_24 : vector<160x125xf32>
    %sub3A_931 = arith.subf %min3A_928, %max3A_930 : vector<160x125xf32>
    %max3A_932 = arith.constant 0.000000e+00 : f32
    %max3A_933 = vector.broadcast %max3A_932 : f32 to vector<160x125xf32>
    %max3A_934 = arith.maximumf %sub3A_931, %max3A_933 : vector<160x125xf32>
    %mul3A_935 = arith.mulf %max3A_926, %max3A_934 : vector<160x125xf32>
    %add3A_936 = vector.broadcast %mul3A_918 : f32 to vector<160x125xf32>
    %add3A_937 = arith.addf %add3A_936, %mul3A : vector<160x125xf32>
    %sub3A_938 = arith.subf %add3A_937, %mul3A_935 : vector<160x125xf32>
    %max3A_939 = arith.constant 1.000000e-10 : f32
    %max3A_940 = vector.broadcast %max3A_939 : f32 to vector<160x125xf32>
    %max3A_941 = arith.maximumf %sub3A_938, %max3A_940 : vector<160x125xf32>
    %div3A_942 = arith.divf %mul3A_935, %max3A_941 : vector<160x125xf32>
    %gt3A_943 = arith.cmpf ogt, %div3A_942, %select_n3A_893 : vector<160x125xf32>
    %jit3A_944 = arith.constant 16 : i32
    %broadcast_in_dim3A_945 = vector.broadcast %jit3A_944 : i32 to vector<160x125xi32>
    %select_n3A_946 = arith.select %gt3A_943, %broadcast_in_dim3A_945, %select_n3A_892 : vector<160x125xi1>, vector<160x125xi32>
    %select_n3A_947 = arith.select %gt3A_943, %div3A_942, %select_n3A_893 : vector<160x125xi1>, vector<160x125xf32>
    %swap3A_948 = arith.constant 16 : index
    %swap3A_949 = arith.constant 0 : index
    %swap3A_950 = arith.constant 0 : index
    %swap3A_951 = vector.load %arg7[%swap3A_948, %swap3A_949, %swap3A_950] : memref<32x160x125xf32, #tpu.memory_space<vmem>>, vector<1x160x125xf32>
    %swap3A_952 = vector.shape_cast %swap3A_951 : vector<1x160x125xf32> to vector<160x125xf32>
    %swap3A_953 = vector.shape_cast %div3A_942 : vector<160x125xf32> to vector<1x160x125xf32>
    tpu.vector_store %arg7[%swap3A_948, %swap3A_949, %swap3A_950], %swap3A_953 {strides = array<i32>} : memref<32x160x125xf32, #tpu.memory_space<vmem>>, vector<1x160x125xf32>,
    %get3A_954 = arith.constant 0 : index
    %get3A_955 = arith.constant 0 : index
    %get3A_956 = arith.constant 17 : index
    %get3A_957 = memref.load %arg2[%get3A_954, %get3A_955, %get3A_956] : memref<1x4x32xf32, #tpu.memory_space<smem>>
    %get3A_958 = arith.constant 0 : index
    %get3A_959 = arith.constant 1 : index
    %get3A_960 = arith.constant 17 : index
    %get3A_961 = memref.load %arg2[%get3A_958, %get3A_959, %get3A_960] : memref<1x4x32xf32, #tpu.memory_space<smem>>
    %get3A_962 = arith.constant 0 : index
    %get3A_963 = arith.constant 2 : index
    %get3A_964 = arith.constant 17 : index
    %get3A_965 = memref.load %arg2[%get3A_962, %get3A_963, %get3A_964] : memref<1x4x32xf32, #tpu.memory_space<smem>>
    %get3A_966 = arith.constant 0 : index
    %get3A_967 = arith.constant 3 : index
    %get3A_968 = arith.constant 17 : index
    %get3A_969 = memref.load %arg2[%get3A_966, %get3A_967, %get3A_968] : memref<1x4x32xf32, #tpu.memory_space<smem>>
    %sub3A_970 = arith.subf %get3A_965, %get3A_957 : f32
    %sub3A_971 = arith.subf %get3A_969, %get3A_961 : f32
    %mul3A_972 = arith.mulf %sub3A_970, %sub3A_971 : f32
    %min3A_973 = vector.broadcast %get3A_965 : f32 to vector<160x125xf32>
    %min3A_974 = arith.minimumf %min3A_973, %add3A : vector<160x125xf32>
    %max3A_975 = vector.broadcast %get3A_957 : f32 to vector<160x125xf32>
    %max3A_976 = arith.maximumf %max3A_975, %sub3A : vector<160x125xf32>
    %sub3A_977 = arith.subf %min3A_974, %max3A_976 : vector<160x125xf32>
    %max3A_978 = arith.constant 0.000000e+00 : f32
    %max3A_979 = vector.broadcast %max3A_978 : f32 to vector<160x125xf32>
    %max3A_980 = arith.maximumf %sub3A_977, %max3A_979 : vector<160x125xf32>
    %min3A_981 = vector.broadcast %get3A_969 : f32 to vector<160x125xf32>
    %min3A_982 = arith.minimumf %min3A_981, %add3A_31 : vector<160x125xf32>
    %max3A_983 = vector.broadcast %get3A_961 : f32 to vector<160x125xf32>
    %max3A_984 = arith.maximumf %max3A_983, %sub3A_24 : vector<160x125xf32>
    %sub3A_985 = arith.subf %min3A_982, %max3A_984 : vector<160x125xf32>
    %max3A_986 = arith.constant 0.000000e+00 : f32
    %max3A_987 = vector.broadcast %max3A_986 : f32 to vector<160x125xf32>
    %max3A_988 = arith.maximumf %sub3A_985, %max3A_987 : vector<160x125xf32>
    %mul3A_989 = arith.mulf %max3A_980, %max3A_988 : vector<160x125xf32>
    %add3A_990 = vector.broadcast %mul3A_972 : f32 to vector<160x125xf32>
    %add3A_991 = arith.addf %add3A_990, %mul3A : vector<160x125xf32>
    %sub3A_992 = arith.subf %add3A_991, %mul3A_989 : vector<160x125xf32>
    %max3A_993 = arith.constant 1.000000e-10 : f32
    %max3A_994 = vector.broadcast %max3A_993 : f32 to vector<160x125xf32>
    %max3A_995 = arith.maximumf %sub3A_992, %max3A_994 : vector<160x125xf32>
    %div3A_996 = arith.divf %mul3A_989, %max3A_995 : vector<160x125xf32>
    %gt3A_997 = arith.cmpf ogt, %div3A_996, %select_n3A_947 : vector<160x125xf32>
    %jit3A_998 = arith.constant 17 : i32
    %broadcast_in_dim3A_999 = vector.broadcast %jit3A_998 : i32 to vector<160x125xi32>
    %select_n3A_1000 = arith.select %gt3A_997, %broadcast_in_dim3A_999, %select_n3A_946 : vector<160x125xi1>, vector<160x125xi32>
    %select_n3A_1001 = arith.select %gt3A_997, %div3A_996, %select_n3A_947 : vector<160x125xi1>, vector<160x125xf32>
    %swap3A_1002 = arith.constant 17 : index
    %swap3A_1003 = arith.constant 0 : index
    %swap3A_1004 = arith.constant 0 : index
    %swap3A_1005 = vector.load %arg7[%swap3A_1002, %swap3A_1003, %swap3A_1004] : memref<32x160x125xf32, #tpu.memory_space<vmem>>, vector<1x160x125xf32>
    %swap3A_1006 = vector.shape_cast %swap3A_1005 : vector<1x160x125xf32> to vector<160x125xf32>
    %swap3A_1007 = vector.shape_cast %div3A_996 : vector<160x125xf32> to vector<1x160x125xf32>
    tpu.vector_store %arg7[%swap3A_1002, %swap3A_1003, %swap3A_1004], %swap3A_1007 {strides = array<i32>} : memref<32x160x125xf32, #tpu.memory_space<vmem>>, vector<1x160x125xf32>,
    %get3A_1008 = arith.constant 0 : index
    %get3A_1009 = arith.constant 0 : index
    %get3A_1010 = arith.constant 18 : index
    %get3A_1011 = memref.load %arg2[%get3A_1008, %get3A_1009, %get3A_1010] : memref<1x4x32xf32, #tpu.memory_space<smem>>
    %get3A_1012 = arith.constant 0 : index
    %get3A_1013 = arith.constant 1 : index
    %get3A_1014 = arith.constant 18 : index
    %get3A_1015 = memref.load %arg2[%get3A_1012, %get3A_1013, %get3A_1014] : memref<1x4x32xf32, #tpu.memory_space<smem>>
    %get3A_1016 = arith.constant 0 : index
    %get3A_1017 = arith.constant 2 : index
    %get3A_1018 = arith.constant 18 : index
    %get3A_1019 = memref.load %arg2[%get3A_1016, %get3A_1017, %get3A_1018] : memref<1x4x32xf32, #tpu.memory_space<smem>>
    %get3A_1020 = arith.constant 0 : index
    %get3A_1021 = arith.constant 3 : index
    %get3A_1022 = arith.constant 18 : index
    %get3A_1023 = memref.load %arg2[%get3A_1020, %get3A_1021, %get3A_1022] : memref<1x4x32xf32, #tpu.memory_space<smem>>
    %sub3A_1024 = arith.subf %get3A_1019, %get3A_1011 : f32
    %sub3A_1025 = arith.subf %get3A_1023, %get3A_1015 : f32
    %mul3A_1026 = arith.mulf %sub3A_1024, %sub3A_1025 : f32
    %min3A_1027 = vector.broadcast %get3A_1019 : f32 to vector<160x125xf32>
    %min3A_1028 = arith.minimumf %min3A_1027, %add3A : vector<160x125xf32>
    %max3A_1029 = vector.broadcast %get3A_1011 : f32 to vector<160x125xf32>
    %max3A_1030 = arith.maximumf %max3A_1029, %sub3A : vector<160x125xf32>
    %sub3A_1031 = arith.subf %min3A_1028, %max3A_1030 : vector<160x125xf32>
    %max3A_1032 = arith.constant 0.000000e+00 : f32
    %max3A_1033 = vector.broadcast %max3A_1032 : f32 to vector<160x125xf32>
    %max3A_1034 = arith.maximumf %sub3A_1031, %max3A_1033 : vector<160x125xf32>
    %min3A_1035 = vector.broadcast %get3A_1023 : f32 to vector<160x125xf32>
    %min3A_1036 = arith.minimumf %min3A_1035, %add3A_31 : vector<160x125xf32>
    %max3A_1037 = vector.broadcast %get3A_1015 : f32 to vector<160x125xf32>
    %max3A_1038 = arith.maximumf %max3A_1037, %sub3A_24 : vector<160x125xf32>
    %sub3A_1039 = arith.subf %min3A_1036, %max3A_1038 : vector<160x125xf32>
    %max3A_1040 = arith.constant 0.000000e+00 : f32
    %max3A_1041 = vector.broadcast %max3A_1040 : f32 to vector<160x125xf32>
    %max3A_1042 = arith.maximumf %sub3A_1039, %max3A_1041 : vector<160x125xf32>
    %mul3A_1043 = arith.mulf %max3A_1034, %max3A_1042 : vector<160x125xf32>
    %add3A_1044 = vector.broadcast %mul3A_1026 : f32 to vector<160x125xf32>
    %add3A_1045 = arith.addf %add3A_1044, %mul3A : vector<160x125xf32>
    %sub3A_1046 = arith.subf %add3A_1045, %mul3A_1043 : vector<160x125xf32>
    %max3A_1047 = arith.constant 1.000000e-10 : f32
    %max3A_1048 = vector.broadcast %max3A_1047 : f32 to vector<160x125xf32>
    %max3A_1049 = arith.maximumf %sub3A_1046, %max3A_1048 : vector<160x125xf32>
    %div3A_1050 = arith.divf %mul3A_1043, %max3A_1049 : vector<160x125xf32>
    %gt3A_1051 = arith.cmpf ogt, %div3A_1050, %select_n3A_1001 : vector<160x125xf32>
    %jit3A_1052 = arith.constant 18 : i32
    %broadcast_in_dim3A_1053 = vector.broadcast %jit3A_1052 : i32 to vector<160x125xi32>
    %select_n3A_1054 = arith.select %gt3A_1051, %broadcast_in_dim3A_1053, %select_n3A_1000 : vector<160x125xi1>, vector<160x125xi32>
    %select_n3A_1055 = arith.select %gt3A_1051, %div3A_1050, %select_n3A_1001 : vector<160x125xi1>, vector<160x125xf32>
    %swap3A_1056 = arith.constant 18 : index
    %swap3A_1057 = arith.constant 0 : index
    %swap3A_1058 = arith.constant 0 : index
    %swap3A_1059 = vector.load %arg7[%swap3A_1056, %swap3A_1057, %swap3A_1058] : memref<32x160x125xf32, #tpu.memory_space<vmem>>, vector<1x160x125xf32>
    %swap3A_1060 = vector.shape_cast %swap3A_1059 : vector<1x160x125xf32> to vector<160x125xf32>
    %swap3A_1061 = vector.shape_cast %div3A_1050 : vector<160x125xf32> to vector<1x160x125xf32>
    tpu.vector_store %arg7[%swap3A_1056, %swap3A_1057, %swap3A_1058], %swap3A_1061 {strides = array<i32>} : memref<32x160x125xf32, #tpu.memory_space<vmem>>, vector<1x160x125xf32>,
    %get3A_1062 = arith.constant 0 : index
    %get3A_1063 = arith.constant 0 : index
    %get3A_1064 = arith.constant 19 : index
    %get3A_1065 = memref.load %arg2[%get3A_1062, %get3A_1063, %get3A_1064] : memref<1x4x32xf32, #tpu.memory_space<smem>>
    %get3A_1066 = arith.constant 0 : index
    %get3A_1067 = arith.constant 1 : index
    %get3A_1068 = arith.constant 19 : index
    %get3A_1069 = memref.load %arg2[%get3A_1066, %get3A_1067, %get3A_1068] : memref<1x4x32xf32, #tpu.memory_space<smem>>
    %get3A_1070 = arith.constant 0 : index
    %get3A_1071 = arith.constant 2 : index
    %get3A_1072 = arith.constant 19 : index
    %get3A_1073 = memref.load %arg2[%get3A_1070, %get3A_1071, %get3A_1072] : memref<1x4x32xf32, #tpu.memory_space<smem>>
    %get3A_1074 = arith.constant 0 : index
    %get3A_1075 = arith.constant 3 : index
    %get3A_1076 = arith.constant 19 : index
    %get3A_1077 = memref.load %arg2[%get3A_1074, %get3A_1075, %get3A_1076] : memref<1x4x32xf32, #tpu.memory_space<smem>>
    %sub3A_1078 = arith.subf %get3A_1073, %get3A_1065 : f32
    %sub3A_1079 = arith.subf %get3A_1077, %get3A_1069 : f32
    %mul3A_1080 = arith.mulf %sub3A_1078, %sub3A_1079 : f32
    %min3A_1081 = vector.broadcast %get3A_1073 : f32 to vector<160x125xf32>
    %min3A_1082 = arith.minimumf %min3A_1081, %add3A : vector<160x125xf32>
    %max3A_1083 = vector.broadcast %get3A_1065 : f32 to vector<160x125xf32>
    %max3A_1084 = arith.maximumf %max3A_1083, %sub3A : vector<160x125xf32>
    %sub3A_1085 = arith.subf %min3A_1082, %max3A_1084 : vector<160x125xf32>
    %max3A_1086 = arith.constant 0.000000e+00 : f32
    %max3A_1087 = vector.broadcast %max3A_1086 : f32 to vector<160x125xf32>
    %max3A_1088 = arith.maximumf %sub3A_1085, %max3A_1087 : vector<160x125xf32>
    %min3A_1089 = vector.broadcast %get3A_1077 : f32 to vector<160x125xf32>
    %min3A_1090 = arith.minimumf %min3A_1089, %add3A_31 : vector<160x125xf32>
    %max3A_1091 = vector.broadcast %get3A_1069 : f32 to vector<160x125xf32>
    %max3A_1092 = arith.maximumf %max3A_1091, %sub3A_24 : vector<160x125xf32>
    %sub3A_1093 = arith.subf %min3A_1090, %max3A_1092 : vector<160x125xf32>
    %max3A_1094 = arith.constant 0.000000e+00 : f32
    %max3A_1095 = vector.broadcast %max3A_1094 : f32 to vector<160x125xf32>
    %max3A_1096 = arith.maximumf %sub3A_1093, %max3A_1095 : vector<160x125xf32>
    %mul3A_1097 = arith.mulf %max3A_1088, %max3A_1096 : vector<160x125xf32>
    %add3A_1098 = vector.broadcast %mul3A_1080 : f32 to vector<160x125xf32>
    %add3A_1099 = arith.addf %add3A_1098, %mul3A : vector<160x125xf32>
    %sub3A_1100 = arith.subf %add3A_1099, %mul3A_1097 : vector<160x125xf32>
    %max3A_1101 = arith.constant 1.000000e-10 : f32
    %max3A_1102 = vector.broadcast %max3A_1101 : f32 to vector<160x125xf32>
    %max3A_1103 = arith.maximumf %sub3A_1100, %max3A_1102 : vector<160x125xf32>
    %div3A_1104 = arith.divf %mul3A_1097, %max3A_1103 : vector<160x125xf32>
    %gt3A_1105 = arith.cmpf ogt, %div3A_1104, %select_n3A_1055 : vector<160x125xf32>
    %jit3A_1106 = arith.constant 19 : i32
    %broadcast_in_dim3A_1107 = vector.broadcast %jit3A_1106 : i32 to vector<160x125xi32>
    %select_n3A_1108 = arith.select %gt3A_1105, %broadcast_in_dim3A_1107, %select_n3A_1054 : vector<160x125xi1>, vector<160x125xi32>
    %select_n3A_1109 = arith.select %gt3A_1105, %div3A_1104, %select_n3A_1055 : vector<160x125xi1>, vector<160x125xf32>
    %swap3A_1110 = arith.constant 19 : index
    %swap3A_1111 = arith.constant 0 : index
    %swap3A_1112 = arith.constant 0 : index
    %swap3A_1113 = vector.load %arg7[%swap3A_1110, %swap3A_1111, %swap3A_1112] : memref<32x160x125xf32, #tpu.memory_space<vmem>>, vector<1x160x125xf32>
    %swap3A_1114 = vector.shape_cast %swap3A_1113 : vector<1x160x125xf32> to vector<160x125xf32>
    %swap3A_1115 = vector.shape_cast %div3A_1104 : vector<160x125xf32> to vector<1x160x125xf32>
    tpu.vector_store %arg7[%swap3A_1110, %swap3A_1111, %swap3A_1112], %swap3A_1115 {strides = array<i32>} : memref<32x160x125xf32, #tpu.memory_space<vmem>>, vector<1x160x125xf32>,
    %get3A_1116 = arith.constant 0 : index
    %get3A_1117 = arith.constant 0 : index
    %get3A_1118 = arith.constant 20 : index
    %get3A_1119 = memref.load %arg2[%get3A_1116, %get3A_1117, %get3A_1118] : memref<1x4x32xf32, #tpu.memory_space<smem>>
    %get3A_1120 = arith.constant 0 : index
    %get3A_1121 = arith.constant 1 : index
    %get3A_1122 = arith.constant 20 : index
    %get3A_1123 = memref.load %arg2[%get3A_1120, %get3A_1121, %get3A_1122] : memref<1x4x32xf32, #tpu.memory_space<smem>>
    %get3A_1124 = arith.constant 0 : index
    %get3A_1125 = arith.constant 2 : index
    %get3A_1126 = arith.constant 20 : index
    %get3A_1127 = memref.load %arg2[%get3A_1124, %get3A_1125, %get3A_1126] : memref<1x4x32xf32, #tpu.memory_space<smem>>
    %get3A_1128 = arith.constant 0 : index
    %get3A_1129 = arith.constant 3 : index
    %get3A_1130 = arith.constant 20 : index
    %get3A_1131 = memref.load %arg2[%get3A_1128, %get3A_1129, %get3A_1130] : memref<1x4x32xf32, #tpu.memory_space<smem>>
    %sub3A_1132 = arith.subf %get3A_1127, %get3A_1119 : f32
    %sub3A_1133 = arith.subf %get3A_1131, %get3A_1123 : f32
    %mul3A_1134 = arith.mulf %sub3A_1132, %sub3A_1133 : f32
    %min3A_1135 = vector.broadcast %get3A_1127 : f32 to vector<160x125xf32>
    %min3A_1136 = arith.minimumf %min3A_1135, %add3A : vector<160x125xf32>
    %max3A_1137 = vector.broadcast %get3A_1119 : f32 to vector<160x125xf32>
    %max3A_1138 = arith.maximumf %max3A_1137, %sub3A : vector<160x125xf32>
    %sub3A_1139 = arith.subf %min3A_1136, %max3A_1138 : vector<160x125xf32>
    %max3A_1140 = arith.constant 0.000000e+00 : f32
    %max3A_1141 = vector.broadcast %max3A_1140 : f32 to vector<160x125xf32>
    %max3A_1142 = arith.maximumf %sub3A_1139, %max3A_1141 : vector<160x125xf32>
    %min3A_1143 = vector.broadcast %get3A_1131 : f32 to vector<160x125xf32>
    %min3A_1144 = arith.minimumf %min3A_1143, %add3A_31 : vector<160x125xf32>
    %max3A_1145 = vector.broadcast %get3A_1123 : f32 to vector<160x125xf32>
    %max3A_1146 = arith.maximumf %max3A_1145, %sub3A_24 : vector<160x125xf32>
    %sub3A_1147 = arith.subf %min3A_1144, %max3A_1146 : vector<160x125xf32>
    %max3A_1148 = arith.constant 0.000000e+00 : f32
    %max3A_1149 = vector.broadcast %max3A_1148 : f32 to vector<160x125xf32>
    %max3A_1150 = arith.maximumf %sub3A_1147, %max3A_1149 : vector<160x125xf32>
    %mul3A_1151 = arith.mulf %max3A_1142, %max3A_1150 : vector<160x125xf32>
    %add3A_1152 = vector.broadcast %mul3A_1134 : f32 to vector<160x125xf32>
    %add3A_1153 = arith.addf %add3A_1152, %mul3A : vector<160x125xf32>
    %sub3A_1154 = arith.subf %add3A_1153, %mul3A_1151 : vector<160x125xf32>
    %max3A_1155 = arith.constant 1.000000e-10 : f32
    %max3A_1156 = vector.broadcast %max3A_1155 : f32 to vector<160x125xf32>
    %max3A_1157 = arith.maximumf %sub3A_1154, %max3A_1156 : vector<160x125xf32>
    %div3A_1158 = arith.divf %mul3A_1151, %max3A_1157 : vector<160x125xf32>
    %gt3A_1159 = arith.cmpf ogt, %div3A_1158, %select_n3A_1109 : vector<160x125xf32>
    %jit3A_1160 = arith.constant 20 : i32
    %broadcast_in_dim3A_1161 = vector.broadcast %jit3A_1160 : i32 to vector<160x125xi32>
    %select_n3A_1162 = arith.select %gt3A_1159, %broadcast_in_dim3A_1161, %select_n3A_1108 : vector<160x125xi1>, vector<160x125xi32>
    %select_n3A_1163 = arith.select %gt3A_1159, %div3A_1158, %select_n3A_1109 : vector<160x125xi1>, vector<160x125xf32>
    %swap3A_1164 = arith.constant 20 : index
    %swap3A_1165 = arith.constant 0 : index
    %swap3A_1166 = arith.constant 0 : index
    %swap3A_1167 = vector.load %arg7[%swap3A_1164, %swap3A_1165, %swap3A_1166] : memref<32x160x125xf32, #tpu.memory_space<vmem>>, vector<1x160x125xf32>
    %swap3A_1168 = vector.shape_cast %swap3A_1167 : vector<1x160x125xf32> to vector<160x125xf32>
    %swap3A_1169 = vector.shape_cast %div3A_1158 : vector<160x125xf32> to vector<1x160x125xf32>
    tpu.vector_store %arg7[%swap3A_1164, %swap3A_1165, %swap3A_1166], %swap3A_1169 {strides = array<i32>} : memref<32x160x125xf32, #tpu.memory_space<vmem>>, vector<1x160x125xf32>,
    %get3A_1170 = arith.constant 0 : index
    %get3A_1171 = arith.constant 0 : index
    %get3A_1172 = arith.constant 21 : index
    %get3A_1173 = memref.load %arg2[%get3A_1170, %get3A_1171, %get3A_1172] : memref<1x4x32xf32, #tpu.memory_space<smem>>
    %get3A_1174 = arith.constant 0 : index
    %get3A_1175 = arith.constant 1 : index
    %get3A_1176 = arith.constant 21 : index
    %get3A_1177 = memref.load %arg2[%get3A_1174, %get3A_1175, %get3A_1176] : memref<1x4x32xf32, #tpu.memory_space<smem>>
    %get3A_1178 = arith.constant 0 : index
    %get3A_1179 = arith.constant 2 : index
    %get3A_1180 = arith.constant 21 : index
    %get3A_1181 = memref.load %arg2[%get3A_1178, %get3A_1179, %get3A_1180] : memref<1x4x32xf32, #tpu.memory_space<smem>>
    %get3A_1182 = arith.constant 0 : index
    %get3A_1183 = arith.constant 3 : index
    %get3A_1184 = arith.constant 21 : index
    %get3A_1185 = memref.load %arg2[%get3A_1182, %get3A_1183, %get3A_1184] : memref<1x4x32xf32, #tpu.memory_space<smem>>
    %sub3A_1186 = arith.subf %get3A_1181, %get3A_1173 : f32
    %sub3A_1187 = arith.subf %get3A_1185, %get3A_1177 : f32
    %mul3A_1188 = arith.mulf %sub3A_1186, %sub3A_1187 : f32
    %min3A_1189 = vector.broadcast %get3A_1181 : f32 to vector<160x125xf32>
    %min3A_1190 = arith.minimumf %min3A_1189, %add3A : vector<160x125xf32>
    %max3A_1191 = vector.broadcast %get3A_1173 : f32 to vector<160x125xf32>
    %max3A_1192 = arith.maximumf %max3A_1191, %sub3A : vector<160x125xf32>
    %sub3A_1193 = arith.subf %min3A_1190, %max3A_1192 : vector<160x125xf32>
    %max3A_1194 = arith.constant 0.000000e+00 : f32
    %max3A_1195 = vector.broadcast %max3A_1194 : f32 to vector<160x125xf32>
    %max3A_1196 = arith.maximumf %sub3A_1193, %max3A_1195 : vector<160x125xf32>
    %min3A_1197 = vector.broadcast %get3A_1185 : f32 to vector<160x125xf32>
    %min3A_1198 = arith.minimumf %min3A_1197, %add3A_31 : vector<160x125xf32>
    %max3A_1199 = vector.broadcast %get3A_1177 : f32 to vector<160x125xf32>
    %max3A_1200 = arith.maximumf %max3A_1199, %sub3A_24 : vector<160x125xf32>
    %sub3A_1201 = arith.subf %min3A_1198, %max3A_1200 : vector<160x125xf32>
    %max3A_1202 = arith.constant 0.000000e+00 : f32
    %max3A_1203 = vector.broadcast %max3A_1202 : f32 to vector<160x125xf32>
    %max3A_1204 = arith.maximumf %sub3A_1201, %max3A_1203 : vector<160x125xf32>
    %mul3A_1205 = arith.mulf %max3A_1196, %max3A_1204 : vector<160x125xf32>
    %add3A_1206 = vector.broadcast %mul3A_1188 : f32 to vector<160x125xf32>
    %add3A_1207 = arith.addf %add3A_1206, %mul3A : vector<160x125xf32>
    %sub3A_1208 = arith.subf %add3A_1207, %mul3A_1205 : vector<160x125xf32>
    %max3A_1209 = arith.constant 1.000000e-10 : f32
    %max3A_1210 = vector.broadcast %max3A_1209 : f32 to vector<160x125xf32>
    %max3A_1211 = arith.maximumf %sub3A_1208, %max3A_1210 : vector<160x125xf32>
    %div3A_1212 = arith.divf %mul3A_1205, %max3A_1211 : vector<160x125xf32>
    %gt3A_1213 = arith.cmpf ogt, %div3A_1212, %select_n3A_1163 : vector<160x125xf32>
    %jit3A_1214 = arith.constant 21 : i32
    %broadcast_in_dim3A_1215 = vector.broadcast %jit3A_1214 : i32 to vector<160x125xi32>
    %select_n3A_1216 = arith.select %gt3A_1213, %broadcast_in_dim3A_1215, %select_n3A_1162 : vector<160x125xi1>, vector<160x125xi32>
    %select_n3A_1217 = arith.select %gt3A_1213, %div3A_1212, %select_n3A_1163 : vector<160x125xi1>, vector<160x125xf32>
    %swap3A_1218 = arith.constant 21 : index
    %swap3A_1219 = arith.constant 0 : index
    %swap3A_1220 = arith.constant 0 : index
    %swap3A_1221 = vector.load %arg7[%swap3A_1218, %swap3A_1219, %swap3A_1220] : memref<32x160x125xf32, #tpu.memory_space<vmem>>, vector<1x160x125xf32>
    %swap3A_1222 = vector.shape_cast %swap3A_1221 : vector<1x160x125xf32> to vector<160x125xf32>
    %swap3A_1223 = vector.shape_cast %div3A_1212 : vector<160x125xf32> to vector<1x160x125xf32>
    tpu.vector_store %arg7[%swap3A_1218, %swap3A_1219, %swap3A_1220], %swap3A_1223 {strides = array<i32>} : memref<32x160x125xf32, #tpu.memory_space<vmem>>, vector<1x160x125xf32>,
    %get3A_1224 = arith.constant 0 : index
    %get3A_1225 = arith.constant 0 : index
    %get3A_1226 = arith.constant 22 : index
    %get3A_1227 = memref.load %arg2[%get3A_1224, %get3A_1225, %get3A_1226] : memref<1x4x32xf32, #tpu.memory_space<smem>>
    %get3A_1228 = arith.constant 0 : index
    %get3A_1229 = arith.constant 1 : index
    %get3A_1230 = arith.constant 22 : index
    %get3A_1231 = memref.load %arg2[%get3A_1228, %get3A_1229, %get3A_1230] : memref<1x4x32xf32, #tpu.memory_space<smem>>
    %get3A_1232 = arith.constant 0 : index
    %get3A_1233 = arith.constant 2 : index
    %get3A_1234 = arith.constant 22 : index
    %get3A_1235 = memref.load %arg2[%get3A_1232, %get3A_1233, %get3A_1234] : memref<1x4x32xf32, #tpu.memory_space<smem>>
    %get3A_1236 = arith.constant 0 : index
    %get3A_1237 = arith.constant 3 : index
    %get3A_1238 = arith.constant 22 : index
    %get3A_1239 = memref.load %arg2[%get3A_1236, %get3A_1237, %get3A_1238] : memref<1x4x32xf32, #tpu.memory_space<smem>>
    %sub3A_1240 = arith.subf %get3A_1235, %get3A_1227 : f32
    %sub3A_1241 = arith.subf %get3A_1239, %get3A_1231 : f32
    %mul3A_1242 = arith.mulf %sub3A_1240, %sub3A_1241 : f32
    %min3A_1243 = vector.broadcast %get3A_1235 : f32 to vector<160x125xf32>
    %min3A_1244 = arith.minimumf %min3A_1243, %add3A : vector<160x125xf32>
    %max3A_1245 = vector.broadcast %get3A_1227 : f32 to vector<160x125xf32>
    %max3A_1246 = arith.maximumf %max3A_1245, %sub3A : vector<160x125xf32>
    %sub3A_1247 = arith.subf %min3A_1244, %max3A_1246 : vector<160x125xf32>
    %max3A_1248 = arith.constant 0.000000e+00 : f32
    %max3A_1249 = vector.broadcast %max3A_1248 : f32 to vector<160x125xf32>
    %max3A_1250 = arith.maximumf %sub3A_1247, %max3A_1249 : vector<160x125xf32>
    %min3A_1251 = vector.broadcast %get3A_1239 : f32 to vector<160x125xf32>
    %min3A_1252 = arith.minimumf %min3A_1251, %add3A_31 : vector<160x125xf32>
    %max3A_1253 = vector.broadcast %get3A_1231 : f32 to vector<160x125xf32>
    %max3A_1254 = arith.maximumf %max3A_1253, %sub3A_24 : vector<160x125xf32>
    %sub3A_1255 = arith.subf %min3A_1252, %max3A_1254 : vector<160x125xf32>
    %max3A_1256 = arith.constant 0.000000e+00 : f32
    %max3A_1257 = vector.broadcast %max3A_1256 : f32 to vector<160x125xf32>
    %max3A_1258 = arith.maximumf %sub3A_1255, %max3A_1257 : vector<160x125xf32>
    %mul3A_1259 = arith.mulf %max3A_1250, %max3A_1258 : vector<160x125xf32>
    %add3A_1260 = vector.broadcast %mul3A_1242 : f32 to vector<160x125xf32>
    %add3A_1261 = arith.addf %add3A_1260, %mul3A : vector<160x125xf32>
    %sub3A_1262 = arith.subf %add3A_1261, %mul3A_1259 : vector<160x125xf32>
    %max3A_1263 = arith.constant 1.000000e-10 : f32
    %max3A_1264 = vector.broadcast %max3A_1263 : f32 to vector<160x125xf32>
    %max3A_1265 = arith.maximumf %sub3A_1262, %max3A_1264 : vector<160x125xf32>
    %div3A_1266 = arith.divf %mul3A_1259, %max3A_1265 : vector<160x125xf32>
    %gt3A_1267 = arith.cmpf ogt, %div3A_1266, %select_n3A_1217 : vector<160x125xf32>
    %jit3A_1268 = arith.constant 22 : i32
    %broadcast_in_dim3A_1269 = vector.broadcast %jit3A_1268 : i32 to vector<160x125xi32>
    %select_n3A_1270 = arith.select %gt3A_1267, %broadcast_in_dim3A_1269, %select_n3A_1216 : vector<160x125xi1>, vector<160x125xi32>
    %select_n3A_1271 = arith.select %gt3A_1267, %div3A_1266, %select_n3A_1217 : vector<160x125xi1>, vector<160x125xf32>
    %swap3A_1272 = arith.constant 22 : index
    %swap3A_1273 = arith.constant 0 : index
    %swap3A_1274 = arith.constant 0 : index
    %swap3A_1275 = vector.load %arg7[%swap3A_1272, %swap3A_1273, %swap3A_1274] : memref<32x160x125xf32, #tpu.memory_space<vmem>>, vector<1x160x125xf32>
    %swap3A_1276 = vector.shape_cast %swap3A_1275 : vector<1x160x125xf32> to vector<160x125xf32>
    %swap3A_1277 = vector.shape_cast %div3A_1266 : vector<160x125xf32> to vector<1x160x125xf32>
    tpu.vector_store %arg7[%swap3A_1272, %swap3A_1273, %swap3A_1274], %swap3A_1277 {strides = array<i32>} : memref<32x160x125xf32, #tpu.memory_space<vmem>>, vector<1x160x125xf32>,
    %get3A_1278 = arith.constant 0 : index
    %get3A_1279 = arith.constant 0 : index
    %get3A_1280 = arith.constant 23 : index
    %get3A_1281 = memref.load %arg2[%get3A_1278, %get3A_1279, %get3A_1280] : memref<1x4x32xf32, #tpu.memory_space<smem>>
    %get3A_1282 = arith.constant 0 : index
    %get3A_1283 = arith.constant 1 : index
    %get3A_1284 = arith.constant 23 : index
    %get3A_1285 = memref.load %arg2[%get3A_1282, %get3A_1283, %get3A_1284] : memref<1x4x32xf32, #tpu.memory_space<smem>>
    %get3A_1286 = arith.constant 0 : index
    %get3A_1287 = arith.constant 2 : index
    %get3A_1288 = arith.constant 23 : index
    %get3A_1289 = memref.load %arg2[%get3A_1286, %get3A_1287, %get3A_1288] : memref<1x4x32xf32, #tpu.memory_space<smem>>
    %get3A_1290 = arith.constant 0 : index
    %get3A_1291 = arith.constant 3 : index
    %get3A_1292 = arith.constant 23 : index
    %get3A_1293 = memref.load %arg2[%get3A_1290, %get3A_1291, %get3A_1292] : memref<1x4x32xf32, #tpu.memory_space<smem>>
    %sub3A_1294 = arith.subf %get3A_1289, %get3A_1281 : f32
    %sub3A_1295 = arith.subf %get3A_1293, %get3A_1285 : f32
    %mul3A_1296 = arith.mulf %sub3A_1294, %sub3A_1295 : f32
    %min3A_1297 = vector.broadcast %get3A_1289 : f32 to vector<160x125xf32>
    %min3A_1298 = arith.minimumf %min3A_1297, %add3A : vector<160x125xf32>
    %max3A_1299 = vector.broadcast %get3A_1281 : f32 to vector<160x125xf32>
    %max3A_1300 = arith.maximumf %max3A_1299, %sub3A : vector<160x125xf32>
    %sub3A_1301 = arith.subf %min3A_1298, %max3A_1300 : vector<160x125xf32>
    %max3A_1302 = arith.constant 0.000000e+00 : f32
    %max3A_1303 = vector.broadcast %max3A_1302 : f32 to vector<160x125xf32>
    %max3A_1304 = arith.maximumf %sub3A_1301, %max3A_1303 : vector<160x125xf32>
    %min3A_1305 = vector.broadcast %get3A_1293 : f32 to vector<160x125xf32>
    %min3A_1306 = arith.minimumf %min3A_1305, %add3A_31 : vector<160x125xf32>
    %max3A_1307 = vector.broadcast %get3A_1285 : f32 to vector<160x125xf32>
    %max3A_1308 = arith.maximumf %max3A_1307, %sub3A_24 : vector<160x125xf32>
    %sub3A_1309 = arith.subf %min3A_1306, %max3A_1308 : vector<160x125xf32>
    %max3A_1310 = arith.constant 0.000000e+00 : f32
    %max3A_1311 = vector.broadcast %max3A_1310 : f32 to vector<160x125xf32>
    %max3A_1312 = arith.maximumf %sub3A_1309, %max3A_1311 : vector<160x125xf32>
    %mul3A_1313 = arith.mulf %max3A_1304, %max3A_1312 : vector<160x125xf32>
    %add3A_1314 = vector.broadcast %mul3A_1296 : f32 to vector<160x125xf32>
    %add3A_1315 = arith.addf %add3A_1314, %mul3A : vector<160x125xf32>
    %sub3A_1316 = arith.subf %add3A_1315, %mul3A_1313 : vector<160x125xf32>
    %max3A_1317 = arith.constant 1.000000e-10 : f32
    %max3A_1318 = vector.broadcast %max3A_1317 : f32 to vector<160x125xf32>
    %max3A_1319 = arith.maximumf %sub3A_1316, %max3A_1318 : vector<160x125xf32>
    %div3A_1320 = arith.divf %mul3A_1313, %max3A_1319 : vector<160x125xf32>
    %gt3A_1321 = arith.cmpf ogt, %div3A_1320, %select_n3A_1271 : vector<160x125xf32>
    %jit3A_1322 = arith.constant 23 : i32
    %broadcast_in_dim3A_1323 = vector.broadcast %jit3A_1322 : i32 to vector<160x125xi32>
    %select_n3A_1324 = arith.select %gt3A_1321, %broadcast_in_dim3A_1323, %select_n3A_1270 : vector<160x125xi1>, vector<160x125xi32>
    %select_n3A_1325 = arith.select %gt3A_1321, %div3A_1320, %select_n3A_1271 : vector<160x125xi1>, vector<160x125xf32>
    %swap3A_1326 = arith.constant 23 : index
    %swap3A_1327 = arith.constant 0 : index
    %swap3A_1328 = arith.constant 0 : index
    %swap3A_1329 = vector.load %arg7[%swap3A_1326, %swap3A_1327, %swap3A_1328] : memref<32x160x125xf32, #tpu.memory_space<vmem>>, vector<1x160x125xf32>
    %swap3A_1330 = vector.shape_cast %swap3A_1329 : vector<1x160x125xf32> to vector<160x125xf32>
    %swap3A_1331 = vector.shape_cast %div3A_1320 : vector<160x125xf32> to vector<1x160x125xf32>
    tpu.vector_store %arg7[%swap3A_1326, %swap3A_1327, %swap3A_1328], %swap3A_1331 {strides = array<i32>} : memref<32x160x125xf32, #tpu.memory_space<vmem>>, vector<1x160x125xf32>,
    %get3A_1332 = arith.constant 0 : index
    %get3A_1333 = arith.constant 0 : index
    %get3A_1334 = arith.constant 24 : index
    %get3A_1335 = memref.load %arg2[%get3A_1332, %get3A_1333, %get3A_1334] : memref<1x4x32xf32, #tpu.memory_space<smem>>
    %get3A_1336 = arith.constant 0 : index
    %get3A_1337 = arith.constant 1 : index
    %get3A_1338 = arith.constant 24 : index
    %get3A_1339 = memref.load %arg2[%get3A_1336, %get3A_1337, %get3A_1338] : memref<1x4x32xf32, #tpu.memory_space<smem>>
    %get3A_1340 = arith.constant 0 : index
    %get3A_1341 = arith.constant 2 : index
    %get3A_1342 = arith.constant 24 : index
    %get3A_1343 = memref.load %arg2[%get3A_1340, %get3A_1341, %get3A_1342] : memref<1x4x32xf32, #tpu.memory_space<smem>>
    %get3A_1344 = arith.constant 0 : index
    %get3A_1345 = arith.constant 3 : index
    %get3A_1346 = arith.constant 24 : index
    %get3A_1347 = memref.load %arg2[%get3A_1344, %get3A_1345, %get3A_1346] : memref<1x4x32xf32, #tpu.memory_space<smem>>
    %sub3A_1348 = arith.subf %get3A_1343, %get3A_1335 : f32
    %sub3A_1349 = arith.subf %get3A_1347, %get3A_1339 : f32
    %mul3A_1350 = arith.mulf %sub3A_1348, %sub3A_1349 : f32
    %min3A_1351 = vector.broadcast %get3A_1343 : f32 to vector<160x125xf32>
    %min3A_1352 = arith.minimumf %min3A_1351, %add3A : vector<160x125xf32>
    %max3A_1353 = vector.broadcast %get3A_1335 : f32 to vector<160x125xf32>
    %max3A_1354 = arith.maximumf %max3A_1353, %sub3A : vector<160x125xf32>
    %sub3A_1355 = arith.subf %min3A_1352, %max3A_1354 : vector<160x125xf32>
    %max3A_1356 = arith.constant 0.000000e+00 : f32
    %max3A_1357 = vector.broadcast %max3A_1356 : f32 to vector<160x125xf32>
    %max3A_1358 = arith.maximumf %sub3A_1355, %max3A_1357 : vector<160x125xf32>
    %min3A_1359 = vector.broadcast %get3A_1347 : f32 to vector<160x125xf32>
    %min3A_1360 = arith.minimumf %min3A_1359, %add3A_31 : vector<160x125xf32>
    %max3A_1361 = vector.broadcast %get3A_1339 : f32 to vector<160x125xf32>
    %max3A_1362 = arith.maximumf %max3A_1361, %sub3A_24 : vector<160x125xf32>
    %sub3A_1363 = arith.subf %min3A_1360, %max3A_1362 : vector<160x125xf32>
    %max3A_1364 = arith.constant 0.000000e+00 : f32
    %max3A_1365 = vector.broadcast %max3A_1364 : f32 to vector<160x125xf32>
    %max3A_1366 = arith.maximumf %sub3A_1363, %max3A_1365 : vector<160x125xf32>
    %mul3A_1367 = arith.mulf %max3A_1358, %max3A_1366 : vector<160x125xf32>
    %add3A_1368 = vector.broadcast %mul3A_1350 : f32 to vector<160x125xf32>
    %add3A_1369 = arith.addf %add3A_1368, %mul3A : vector<160x125xf32>
    %sub3A_1370 = arith.subf %add3A_1369, %mul3A_1367 : vector<160x125xf32>
    %max3A_1371 = arith.constant 1.000000e-10 : f32
    %max3A_1372 = vector.broadcast %max3A_1371 : f32 to vector<160x125xf32>
    %max3A_1373 = arith.maximumf %sub3A_1370, %max3A_1372 : vector<160x125xf32>
    %div3A_1374 = arith.divf %mul3A_1367, %max3A_1373 : vector<160x125xf32>
    %gt3A_1375 = arith.cmpf ogt, %div3A_1374, %select_n3A_1325 : vector<160x125xf32>
    %jit3A_1376 = arith.constant 24 : i32
    %broadcast_in_dim3A_1377 = vector.broadcast %jit3A_1376 : i32 to vector<160x125xi32>
    %select_n3A_1378 = arith.select %gt3A_1375, %broadcast_in_dim3A_1377, %select_n3A_1324 : vector<160x125xi1>, vector<160x125xi32>
    %select_n3A_1379 = arith.select %gt3A_1375, %div3A_1374, %select_n3A_1325 : vector<160x125xi1>, vector<160x125xf32>
    %swap3A_1380 = arith.constant 24 : index
    %swap3A_1381 = arith.constant 0 : index
    %swap3A_1382 = arith.constant 0 : index
    %swap3A_1383 = vector.load %arg7[%swap3A_1380, %swap3A_1381, %swap3A_1382] : memref<32x160x125xf32, #tpu.memory_space<vmem>>, vector<1x160x125xf32>
    %swap3A_1384 = vector.shape_cast %swap3A_1383 : vector<1x160x125xf32> to vector<160x125xf32>
    %swap3A_1385 = vector.shape_cast %div3A_1374 : vector<160x125xf32> to vector<1x160x125xf32>
    tpu.vector_store %arg7[%swap3A_1380, %swap3A_1381, %swap3A_1382], %swap3A_1385 {strides = array<i32>} : memref<32x160x125xf32, #tpu.memory_space<vmem>>, vector<1x160x125xf32>,
    %get3A_1386 = arith.constant 0 : index
    %get3A_1387 = arith.constant 0 : index
    %get3A_1388 = arith.constant 25 : index
    %get3A_1389 = memref.load %arg2[%get3A_1386, %get3A_1387, %get3A_1388] : memref<1x4x32xf32, #tpu.memory_space<smem>>
    %get3A_1390 = arith.constant 0 : index
    %get3A_1391 = arith.constant 1 : index
    %get3A_1392 = arith.constant 25 : index
    %get3A_1393 = memref.load %arg2[%get3A_1390, %get3A_1391, %get3A_1392] : memref<1x4x32xf32, #tpu.memory_space<smem>>
    %get3A_1394 = arith.constant 0 : index
    %get3A_1395 = arith.constant 2 : index
    %get3A_1396 = arith.constant 25 : index
    %get3A_1397 = memref.load %arg2[%get3A_1394, %get3A_1395, %get3A_1396] : memref<1x4x32xf32, #tpu.memory_space<smem>>
    %get3A_1398 = arith.constant 0 : index
    %get3A_1399 = arith.constant 3 : index
    %get3A_1400 = arith.constant 25 : index
    %get3A_1401 = memref.load %arg2[%get3A_1398, %get3A_1399, %get3A_1400] : memref<1x4x32xf32, #tpu.memory_space<smem>>
    %sub3A_1402 = arith.subf %get3A_1397, %get3A_1389 : f32
    %sub3A_1403 = arith.subf %get3A_1401, %get3A_1393 : f32
    %mul3A_1404 = arith.mulf %sub3A_1402, %sub3A_1403 : f32
    %min3A_1405 = vector.broadcast %get3A_1397 : f32 to vector<160x125xf32>
    %min3A_1406 = arith.minimumf %min3A_1405, %add3A : vector<160x125xf32>
    %max3A_1407 = vector.broadcast %get3A_1389 : f32 to vector<160x125xf32>
    %max3A_1408 = arith.maximumf %max3A_1407, %sub3A : vector<160x125xf32>
    %sub3A_1409 = arith.subf %min3A_1406, %max3A_1408 : vector<160x125xf32>
    %max3A_1410 = arith.constant 0.000000e+00 : f32
    %max3A_1411 = vector.broadcast %max3A_1410 : f32 to vector<160x125xf32>
    %max3A_1412 = arith.maximumf %sub3A_1409, %max3A_1411 : vector<160x125xf32>
    %min3A_1413 = vector.broadcast %get3A_1401 : f32 to vector<160x125xf32>
    %min3A_1414 = arith.minimumf %min3A_1413, %add3A_31 : vector<160x125xf32>
    %max3A_1415 = vector.broadcast %get3A_1393 : f32 to vector<160x125xf32>
    %max3A_1416 = arith.maximumf %max3A_1415, %sub3A_24 : vector<160x125xf32>
    %sub3A_1417 = arith.subf %min3A_1414, %max3A_1416 : vector<160x125xf32>
    %max3A_1418 = arith.constant 0.000000e+00 : f32
    %max3A_1419 = vector.broadcast %max3A_1418 : f32 to vector<160x125xf32>
    %max3A_1420 = arith.maximumf %sub3A_1417, %max3A_1419 : vector<160x125xf32>
    %mul3A_1421 = arith.mulf %max3A_1412, %max3A_1420 : vector<160x125xf32>
    %add3A_1422 = vector.broadcast %mul3A_1404 : f32 to vector<160x125xf32>
    %add3A_1423 = arith.addf %add3A_1422, %mul3A : vector<160x125xf32>
    %sub3A_1424 = arith.subf %add3A_1423, %mul3A_1421 : vector<160x125xf32>
    %max3A_1425 = arith.constant 1.000000e-10 : f32
    %max3A_1426 = vector.broadcast %max3A_1425 : f32 to vector<160x125xf32>
    %max3A_1427 = arith.maximumf %sub3A_1424, %max3A_1426 : vector<160x125xf32>
    %div3A_1428 = arith.divf %mul3A_1421, %max3A_1427 : vector<160x125xf32>
    %gt3A_1429 = arith.cmpf ogt, %div3A_1428, %select_n3A_1379 : vector<160x125xf32>
    %jit3A_1430 = arith.constant 25 : i32
    %broadcast_in_dim3A_1431 = vector.broadcast %jit3A_1430 : i32 to vector<160x125xi32>
    %select_n3A_1432 = arith.select %gt3A_1429, %broadcast_in_dim3A_1431, %select_n3A_1378 : vector<160x125xi1>, vector<160x125xi32>
    %select_n3A_1433 = arith.select %gt3A_1429, %div3A_1428, %select_n3A_1379 : vector<160x125xi1>, vector<160x125xf32>
    %swap3A_1434 = arith.constant 25 : index
    %swap3A_1435 = arith.constant 0 : index
    %swap3A_1436 = arith.constant 0 : index
    %swap3A_1437 = vector.load %arg7[%swap3A_1434, %swap3A_1435, %swap3A_1436] : memref<32x160x125xf32, #tpu.memory_space<vmem>>, vector<1x160x125xf32>
    %swap3A_1438 = vector.shape_cast %swap3A_1437 : vector<1x160x125xf32> to vector<160x125xf32>
    %swap3A_1439 = vector.shape_cast %div3A_1428 : vector<160x125xf32> to vector<1x160x125xf32>
    tpu.vector_store %arg7[%swap3A_1434, %swap3A_1435, %swap3A_1436], %swap3A_1439 {strides = array<i32>} : memref<32x160x125xf32, #tpu.memory_space<vmem>>, vector<1x160x125xf32>,
    %get3A_1440 = arith.constant 0 : index
    %get3A_1441 = arith.constant 0 : index
    %get3A_1442 = arith.constant 26 : index
    %get3A_1443 = memref.load %arg2[%get3A_1440, %get3A_1441, %get3A_1442] : memref<1x4x32xf32, #tpu.memory_space<smem>>
    %get3A_1444 = arith.constant 0 : index
    %get3A_1445 = arith.constant 1 : index
    %get3A_1446 = arith.constant 26 : index
    %get3A_1447 = memref.load %arg2[%get3A_1444, %get3A_1445, %get3A_1446] : memref<1x4x32xf32, #tpu.memory_space<smem>>
    %get3A_1448 = arith.constant 0 : index
    %get3A_1449 = arith.constant 2 : index
    %get3A_1450 = arith.constant 26 : index
    %get3A_1451 = memref.load %arg2[%get3A_1448, %get3A_1449, %get3A_1450] : memref<1x4x32xf32, #tpu.memory_space<smem>>
    %get3A_1452 = arith.constant 0 : index
    %get3A_1453 = arith.constant 3 : index
    %get3A_1454 = arith.constant 26 : index
    %get3A_1455 = memref.load %arg2[%get3A_1452, %get3A_1453, %get3A_1454] : memref<1x4x32xf32, #tpu.memory_space<smem>>
    %sub3A_1456 = arith.subf %get3A_1451, %get3A_1443 : f32
    %sub3A_1457 = arith.subf %get3A_1455, %get3A_1447 : f32
    %mul3A_1458 = arith.mulf %sub3A_1456, %sub3A_1457 : f32
    %min3A_1459 = vector.broadcast %get3A_1451 : f32 to vector<160x125xf32>
    %min3A_1460 = arith.minimumf %min3A_1459, %add3A : vector<160x125xf32>
    %max3A_1461 = vector.broadcast %get3A_1443 : f32 to vector<160x125xf32>
    %max3A_1462 = arith.maximumf %max3A_1461, %sub3A : vector<160x125xf32>
    %sub3A_1463 = arith.subf %min3A_1460, %max3A_1462 : vector<160x125xf32>
    %max3A_1464 = arith.constant 0.000000e+00 : f32
    %max3A_1465 = vector.broadcast %max3A_1464 : f32 to vector<160x125xf32>
    %max3A_1466 = arith.maximumf %sub3A_1463, %max3A_1465 : vector<160x125xf32>
    %min3A_1467 = vector.broadcast %get3A_1455 : f32 to vector<160x125xf32>
    %min3A_1468 = arith.minimumf %min3A_1467, %add3A_31 : vector<160x125xf32>
    %max3A_1469 = vector.broadcast %get3A_1447 : f32 to vector<160x125xf32>
    %max3A_1470 = arith.maximumf %max3A_1469, %sub3A_24 : vector<160x125xf32>
    %sub3A_1471 = arith.subf %min3A_1468, %max3A_1470 : vector<160x125xf32>
    %max3A_1472 = arith.constant 0.000000e+00 : f32
    %max3A_1473 = vector.broadcast %max3A_1472 : f32 to vector<160x125xf32>
    %max3A_1474 = arith.maximumf %sub3A_1471, %max3A_1473 : vector<160x125xf32>
    %mul3A_1475 = arith.mulf %max3A_1466, %max3A_1474 : vector<160x125xf32>
    %add3A_1476 = vector.broadcast %mul3A_1458 : f32 to vector<160x125xf32>
    %add3A_1477 = arith.addf %add3A_1476, %mul3A : vector<160x125xf32>
    %sub3A_1478 = arith.subf %add3A_1477, %mul3A_1475 : vector<160x125xf32>
    %max3A_1479 = arith.constant 1.000000e-10 : f32
    %max3A_1480 = vector.broadcast %max3A_1479 : f32 to vector<160x125xf32>
    %max3A_1481 = arith.maximumf %sub3A_1478, %max3A_1480 : vector<160x125xf32>
    %div3A_1482 = arith.divf %mul3A_1475, %max3A_1481 : vector<160x125xf32>
    %gt3A_1483 = arith.cmpf ogt, %div3A_1482, %select_n3A_1433 : vector<160x125xf32>
    %jit3A_1484 = arith.constant 26 : i32
    %broadcast_in_dim3A_1485 = vector.broadcast %jit3A_1484 : i32 to vector<160x125xi32>
    %select_n3A_1486 = arith.select %gt3A_1483, %broadcast_in_dim3A_1485, %select_n3A_1432 : vector<160x125xi1>, vector<160x125xi32>
    %select_n3A_1487 = arith.select %gt3A_1483, %div3A_1482, %select_n3A_1433 : vector<160x125xi1>, vector<160x125xf32>
    %swap3A_1488 = arith.constant 26 : index
    %swap3A_1489 = arith.constant 0 : index
    %swap3A_1490 = arith.constant 0 : index
    %swap3A_1491 = vector.load %arg7[%swap3A_1488, %swap3A_1489, %swap3A_1490] : memref<32x160x125xf32, #tpu.memory_space<vmem>>, vector<1x160x125xf32>
    %swap3A_1492 = vector.shape_cast %swap3A_1491 : vector<1x160x125xf32> to vector<160x125xf32>
    %swap3A_1493 = vector.shape_cast %div3A_1482 : vector<160x125xf32> to vector<1x160x125xf32>
    tpu.vector_store %arg7[%swap3A_1488, %swap3A_1489, %swap3A_1490], %swap3A_1493 {strides = array<i32>} : memref<32x160x125xf32, #tpu.memory_space<vmem>>, vector<1x160x125xf32>,
    %get3A_1494 = arith.constant 0 : index
    %get3A_1495 = arith.constant 0 : index
    %get3A_1496 = arith.constant 27 : index
    %get3A_1497 = memref.load %arg2[%get3A_1494, %get3A_1495, %get3A_1496] : memref<1x4x32xf32, #tpu.memory_space<smem>>
    %get3A_1498 = arith.constant 0 : index
    %get3A_1499 = arith.constant 1 : index
    %get3A_1500 = arith.constant 27 : index
    %get3A_1501 = memref.load %arg2[%get3A_1498, %get3A_1499, %get3A_1500] : memref<1x4x32xf32, #tpu.memory_space<smem>>
    %get3A_1502 = arith.constant 0 : index
    %get3A_1503 = arith.constant 2 : index
    %get3A_1504 = arith.constant 27 : index
    %get3A_1505 = memref.load %arg2[%get3A_1502, %get3A_1503, %get3A_1504] : memref<1x4x32xf32, #tpu.memory_space<smem>>
    %get3A_1506 = arith.constant 0 : index
    %get3A_1507 = arith.constant 3 : index
    %get3A_1508 = arith.constant 27 : index
    %get3A_1509 = memref.load %arg2[%get3A_1506, %get3A_1507, %get3A_1508] : memref<1x4x32xf32, #tpu.memory_space<smem>>
    %sub3A_1510 = arith.subf %get3A_1505, %get3A_1497 : f32
    %sub3A_1511 = arith.subf %get3A_1509, %get3A_1501 : f32
    %mul3A_1512 = arith.mulf %sub3A_1510, %sub3A_1511 : f32
    %min3A_1513 = vector.broadcast %get3A_1505 : f32 to vector<160x125xf32>
    %min3A_1514 = arith.minimumf %min3A_1513, %add3A : vector<160x125xf32>
    %max3A_1515 = vector.broadcast %get3A_1497 : f32 to vector<160x125xf32>
    %max3A_1516 = arith.maximumf %max3A_1515, %sub3A : vector<160x125xf32>
    %sub3A_1517 = arith.subf %min3A_1514, %max3A_1516 : vector<160x125xf32>
    %max3A_1518 = arith.constant 0.000000e+00 : f32
    %max3A_1519 = vector.broadcast %max3A_1518 : f32 to vector<160x125xf32>
    %max3A_1520 = arith.maximumf %sub3A_1517, %max3A_1519 : vector<160x125xf32>
    %min3A_1521 = vector.broadcast %get3A_1509 : f32 to vector<160x125xf32>
    %min3A_1522 = arith.minimumf %min3A_1521, %add3A_31 : vector<160x125xf32>
    %max3A_1523 = vector.broadcast %get3A_1501 : f32 to vector<160x125xf32>
    %max3A_1524 = arith.maximumf %max3A_1523, %sub3A_24 : vector<160x125xf32>
    %sub3A_1525 = arith.subf %min3A_1522, %max3A_1524 : vector<160x125xf32>
    %max3A_1526 = arith.constant 0.000000e+00 : f32
    %max3A_1527 = vector.broadcast %max3A_1526 : f32 to vector<160x125xf32>
    %max3A_1528 = arith.maximumf %sub3A_1525, %max3A_1527 : vector<160x125xf32>
    %mul3A_1529 = arith.mulf %max3A_1520, %max3A_1528 : vector<160x125xf32>
    %add3A_1530 = vector.broadcast %mul3A_1512 : f32 to vector<160x125xf32>
    %add3A_1531 = arith.addf %add3A_1530, %mul3A : vector<160x125xf32>
    %sub3A_1532 = arith.subf %add3A_1531, %mul3A_1529 : vector<160x125xf32>
    %max3A_1533 = arith.constant 1.000000e-10 : f32
    %max3A_1534 = vector.broadcast %max3A_1533 : f32 to vector<160x125xf32>
    %max3A_1535 = arith.maximumf %sub3A_1532, %max3A_1534 : vector<160x125xf32>
    %div3A_1536 = arith.divf %mul3A_1529, %max3A_1535 : vector<160x125xf32>
    %gt3A_1537 = arith.cmpf ogt, %div3A_1536, %select_n3A_1487 : vector<160x125xf32>
    %jit3A_1538 = arith.constant 27 : i32
    %broadcast_in_dim3A_1539 = vector.broadcast %jit3A_1538 : i32 to vector<160x125xi32>
    %select_n3A_1540 = arith.select %gt3A_1537, %broadcast_in_dim3A_1539, %select_n3A_1486 : vector<160x125xi1>, vector<160x125xi32>
    %select_n3A_1541 = arith.select %gt3A_1537, %div3A_1536, %select_n3A_1487 : vector<160x125xi1>, vector<160x125xf32>
    %swap3A_1542 = arith.constant 27 : index
    %swap3A_1543 = arith.constant 0 : index
    %swap3A_1544 = arith.constant 0 : index
    %swap3A_1545 = vector.load %arg7[%swap3A_1542, %swap3A_1543, %swap3A_1544] : memref<32x160x125xf32, #tpu.memory_space<vmem>>, vector<1x160x125xf32>
    %swap3A_1546 = vector.shape_cast %swap3A_1545 : vector<1x160x125xf32> to vector<160x125xf32>
    %swap3A_1547 = vector.shape_cast %div3A_1536 : vector<160x125xf32> to vector<1x160x125xf32>
    tpu.vector_store %arg7[%swap3A_1542, %swap3A_1543, %swap3A_1544], %swap3A_1547 {strides = array<i32>} : memref<32x160x125xf32, #tpu.memory_space<vmem>>, vector<1x160x125xf32>,
    %get3A_1548 = arith.constant 0 : index
    %get3A_1549 = arith.constant 0 : index
    %get3A_1550 = arith.constant 28 : index
    %get3A_1551 = memref.load %arg2[%get3A_1548, %get3A_1549, %get3A_1550] : memref<1x4x32xf32, #tpu.memory_space<smem>>
    %get3A_1552 = arith.constant 0 : index
    %get3A_1553 = arith.constant 1 : index
    %get3A_1554 = arith.constant 28 : index
    %get3A_1555 = memref.load %arg2[%get3A_1552, %get3A_1553, %get3A_1554] : memref<1x4x32xf32, #tpu.memory_space<smem>>
    %get3A_1556 = arith.constant 0 : index
    %get3A_1557 = arith.constant 2 : index
    %get3A_1558 = arith.constant 28 : index
    %get3A_1559 = memref.load %arg2[%get3A_1556, %get3A_1557, %get3A_1558] : memref<1x4x32xf32, #tpu.memory_space<smem>>
    %get3A_1560 = arith.constant 0 : index
    %get3A_1561 = arith.constant 3 : index
    %get3A_1562 = arith.constant 28 : index
    %get3A_1563 = memref.load %arg2[%get3A_1560, %get3A_1561, %get3A_1562] : memref<1x4x32xf32, #tpu.memory_space<smem>>
    %sub3A_1564 = arith.subf %get3A_1559, %get3A_1551 : f32
    %sub3A_1565 = arith.subf %get3A_1563, %get3A_1555 : f32
    %mul3A_1566 = arith.mulf %sub3A_1564, %sub3A_1565 : f32
    %min3A_1567 = vector.broadcast %get3A_1559 : f32 to vector<160x125xf32>
    %min3A_1568 = arith.minimumf %min3A_1567, %add3A : vector<160x125xf32>
    %max3A_1569 = vector.broadcast %get3A_1551 : f32 to vector<160x125xf32>
    %max3A_1570 = arith.maximumf %max3A_1569, %sub3A : vector<160x125xf32>
    %sub3A_1571 = arith.subf %min3A_1568, %max3A_1570 : vector<160x125xf32>
    %max3A_1572 = arith.constant 0.000000e+00 : f32
    %max3A_1573 = vector.broadcast %max3A_1572 : f32 to vector<160x125xf32>
    %max3A_1574 = arith.maximumf %sub3A_1571, %max3A_1573 : vector<160x125xf32>
    %min3A_1575 = vector.broadcast %get3A_1563 : f32 to vector<160x125xf32>
    %min3A_1576 = arith.minimumf %min3A_1575, %add3A_31 : vector<160x125xf32>
    %max3A_1577 = vector.broadcast %get3A_1555 : f32 to vector<160x125xf32>
    %max3A_1578 = arith.maximumf %max3A_1577, %sub3A_24 : vector<160x125xf32>
    %sub3A_1579 = arith.subf %min3A_1576, %max3A_1578 : vector<160x125xf32>
    %max3A_1580 = arith.constant 0.000000e+00 : f32
    %max3A_1581 = vector.broadcast %max3A_1580 : f32 to vector<160x125xf32>
    %max3A_1582 = arith.maximumf %sub3A_1579, %max3A_1581 : vector<160x125xf32>
    %mul3A_1583 = arith.mulf %max3A_1574, %max3A_1582 : vector<160x125xf32>
    %add3A_1584 = vector.broadcast %mul3A_1566 : f32 to vector<160x125xf32>
    %add3A_1585 = arith.addf %add3A_1584, %mul3A : vector<160x125xf32>
    %sub3A_1586 = arith.subf %add3A_1585, %mul3A_1583 : vector<160x125xf32>
    %max3A_1587 = arith.constant 1.000000e-10 : f32
    %max3A_1588 = vector.broadcast %max3A_1587 : f32 to vector<160x125xf32>
    %max3A_1589 = arith.maximumf %sub3A_1586, %max3A_1588 : vector<160x125xf32>
    %div3A_1590 = arith.divf %mul3A_1583, %max3A_1589 : vector<160x125xf32>
    %gt3A_1591 = arith.cmpf ogt, %div3A_1590, %select_n3A_1541 : vector<160x125xf32>
    %jit3A_1592 = arith.constant 28 : i32
    %broadcast_in_dim3A_1593 = vector.broadcast %jit3A_1592 : i32 to vector<160x125xi32>
    %select_n3A_1594 = arith.select %gt3A_1591, %broadcast_in_dim3A_1593, %select_n3A_1540 : vector<160x125xi1>, vector<160x125xi32>
    %select_n3A_1595 = arith.select %gt3A_1591, %div3A_1590, %select_n3A_1541 : vector<160x125xi1>, vector<160x125xf32>
    %swap3A_1596 = arith.constant 28 : index
    %swap3A_1597 = arith.constant 0 : index
    %swap3A_1598 = arith.constant 0 : index
    %swap3A_1599 = vector.load %arg7[%swap3A_1596, %swap3A_1597, %swap3A_1598] : memref<32x160x125xf32, #tpu.memory_space<vmem>>, vector<1x160x125xf32>
    %swap3A_1600 = vector.shape_cast %swap3A_1599 : vector<1x160x125xf32> to vector<160x125xf32>
    %swap3A_1601 = vector.shape_cast %div3A_1590 : vector<160x125xf32> to vector<1x160x125xf32>
    tpu.vector_store %arg7[%swap3A_1596, %swap3A_1597, %swap3A_1598], %swap3A_1601 {strides = array<i32>} : memref<32x160x125xf32, #tpu.memory_space<vmem>>, vector<1x160x125xf32>,
    %get3A_1602 = arith.constant 0 : index
    %get3A_1603 = arith.constant 0 : index
    %get3A_1604 = arith.constant 29 : index
    %get3A_1605 = memref.load %arg2[%get3A_1602, %get3A_1603, %get3A_1604] : memref<1x4x32xf32, #tpu.memory_space<smem>>
    %get3A_1606 = arith.constant 0 : index
    %get3A_1607 = arith.constant 1 : index
    %get3A_1608 = arith.constant 29 : index
    %get3A_1609 = memref.load %arg2[%get3A_1606, %get3A_1607, %get3A_1608] : memref<1x4x32xf32, #tpu.memory_space<smem>>
    %get3A_1610 = arith.constant 0 : index
    %get3A_1611 = arith.constant 2 : index
    %get3A_1612 = arith.constant 29 : index
    %get3A_1613 = memref.load %arg2[%get3A_1610, %get3A_1611, %get3A_1612] : memref<1x4x32xf32, #tpu.memory_space<smem>>
    %get3A_1614 = arith.constant 0 : index
    %get3A_1615 = arith.constant 3 : index
    %get3A_1616 = arith.constant 29 : index
    %get3A_1617 = memref.load %arg2[%get3A_1614, %get3A_1615, %get3A_1616] : memref<1x4x32xf32, #tpu.memory_space<smem>>
    %sub3A_1618 = arith.subf %get3A_1613, %get3A_1605 : f32
    %sub3A_1619 = arith.subf %get3A_1617, %get3A_1609 : f32
    %mul3A_1620 = arith.mulf %sub3A_1618, %sub3A_1619 : f32
    %min3A_1621 = vector.broadcast %get3A_1613 : f32 to vector<160x125xf32>
    %min3A_1622 = arith.minimumf %min3A_1621, %add3A : vector<160x125xf32>
    %max3A_1623 = vector.broadcast %get3A_1605 : f32 to vector<160x125xf32>
    %max3A_1624 = arith.maximumf %max3A_1623, %sub3A : vector<160x125xf32>
    %sub3A_1625 = arith.subf %min3A_1622, %max3A_1624 : vector<160x125xf32>
    %max3A_1626 = arith.constant 0.000000e+00 : f32
    %max3A_1627 = vector.broadcast %max3A_1626 : f32 to vector<160x125xf32>
    %max3A_1628 = arith.maximumf %sub3A_1625, %max3A_1627 : vector<160x125xf32>
    %min3A_1629 = vector.broadcast %get3A_1617 : f32 to vector<160x125xf32>
    %min3A_1630 = arith.minimumf %min3A_1629, %add3A_31 : vector<160x125xf32>
    %max3A_1631 = vector.broadcast %get3A_1609 : f32 to vector<160x125xf32>
    %max3A_1632 = arith.maximumf %max3A_1631, %sub3A_24 : vector<160x125xf32>
    %sub3A_1633 = arith.subf %min3A_1630, %max3A_1632 : vector<160x125xf32>
    %max3A_1634 = arith.constant 0.000000e+00 : f32
    %max3A_1635 = vector.broadcast %max3A_1634 : f32 to vector<160x125xf32>
    %max3A_1636 = arith.maximumf %sub3A_1633, %max3A_1635 : vector<160x125xf32>
    %mul3A_1637 = arith.mulf %max3A_1628, %max3A_1636 : vector<160x125xf32>
    %add3A_1638 = vector.broadcast %mul3A_1620 : f32 to vector<160x125xf32>
    %add3A_1639 = arith.addf %add3A_1638, %mul3A : vector<160x125xf32>
    %sub3A_1640 = arith.subf %add3A_1639, %mul3A_1637 : vector<160x125xf32>
    %max3A_1641 = arith.constant 1.000000e-10 : f32
    %max3A_1642 = vector.broadcast %max3A_1641 : f32 to vector<160x125xf32>
    %max3A_1643 = arith.maximumf %sub3A_1640, %max3A_1642 : vector<160x125xf32>
    %div3A_1644 = arith.divf %mul3A_1637, %max3A_1643 : vector<160x125xf32>
    %gt3A_1645 = arith.cmpf ogt, %div3A_1644, %select_n3A_1595 : vector<160x125xf32>
    %jit3A_1646 = arith.constant 29 : i32
    %broadcast_in_dim3A_1647 = vector.broadcast %jit3A_1646 : i32 to vector<160x125xi32>
    %select_n3A_1648 = arith.select %gt3A_1645, %broadcast_in_dim3A_1647, %select_n3A_1594 : vector<160x125xi1>, vector<160x125xi32>
    %select_n3A_1649 = arith.select %gt3A_1645, %div3A_1644, %select_n3A_1595 : vector<160x125xi1>, vector<160x125xf32>
    %swap3A_1650 = arith.constant 29 : index
    %swap3A_1651 = arith.constant 0 : index
    %swap3A_1652 = arith.constant 0 : index
    %swap3A_1653 = vector.load %arg7[%swap3A_1650, %swap3A_1651, %swap3A_1652] : memref<32x160x125xf32, #tpu.memory_space<vmem>>, vector<1x160x125xf32>
    %swap3A_1654 = vector.shape_cast %swap3A_1653 : vector<1x160x125xf32> to vector<160x125xf32>
    %swap3A_1655 = vector.shape_cast %div3A_1644 : vector<160x125xf32> to vector<1x160x125xf32>
    tpu.vector_store %arg7[%swap3A_1650, %swap3A_1651, %swap3A_1652], %swap3A_1655 {strides = array<i32>} : memref<32x160x125xf32, #tpu.memory_space<vmem>>, vector<1x160x125xf32>,
    %get3A_1656 = arith.constant 0 : index
    %get3A_1657 = arith.constant 0 : index
    %get3A_1658 = arith.constant 30 : index
    %get3A_1659 = memref.load %arg2[%get3A_1656, %get3A_1657, %get3A_1658] : memref<1x4x32xf32, #tpu.memory_space<smem>>
    %get3A_1660 = arith.constant 0 : index
    %get3A_1661 = arith.constant 1 : index
    %get3A_1662 = arith.constant 30 : index
    %get3A_1663 = memref.load %arg2[%get3A_1660, %get3A_1661, %get3A_1662] : memref<1x4x32xf32, #tpu.memory_space<smem>>
    %get3A_1664 = arith.constant 0 : index
    %get3A_1665 = arith.constant 2 : index
    %get3A_1666 = arith.constant 30 : index
    %get3A_1667 = memref.load %arg2[%get3A_1664, %get3A_1665, %get3A_1666] : memref<1x4x32xf32, #tpu.memory_space<smem>>
    %get3A_1668 = arith.constant 0 : index
    %get3A_1669 = arith.constant 3 : index
    %get3A_1670 = arith.constant 30 : index
    %get3A_1671 = memref.load %arg2[%get3A_1668, %get3A_1669, %get3A_1670] : memref<1x4x32xf32, #tpu.memory_space<smem>>
    %sub3A_1672 = arith.subf %get3A_1667, %get3A_1659 : f32
    %sub3A_1673 = arith.subf %get3A_1671, %get3A_1663 : f32
    %mul3A_1674 = arith.mulf %sub3A_1672, %sub3A_1673 : f32
    %min3A_1675 = vector.broadcast %get3A_1667 : f32 to vector<160x125xf32>
    %min3A_1676 = arith.minimumf %min3A_1675, %add3A : vector<160x125xf32>
    %max3A_1677 = vector.broadcast %get3A_1659 : f32 to vector<160x125xf32>
    %max3A_1678 = arith.maximumf %max3A_1677, %sub3A : vector<160x125xf32>
    %sub3A_1679 = arith.subf %min3A_1676, %max3A_1678 : vector<160x125xf32>
    %max3A_1680 = arith.constant 0.000000e+00 : f32
    %max3A_1681 = vector.broadcast %max3A_1680 : f32 to vector<160x125xf32>
    %max3A_1682 = arith.maximumf %sub3A_1679, %max3A_1681 : vector<160x125xf32>
    %min3A_1683 = vector.broadcast %get3A_1671 : f32 to vector<160x125xf32>
    %min3A_1684 = arith.minimumf %min3A_1683, %add3A_31 : vector<160x125xf32>
    %max3A_1685 = vector.broadcast %get3A_1663 : f32 to vector<160x125xf32>
    %max3A_1686 = arith.maximumf %max3A_1685, %sub3A_24 : vector<160x125xf32>
    %sub3A_1687 = arith.subf %min3A_1684, %max3A_1686 : vector<160x125xf32>
    %max3A_1688 = arith.constant 0.000000e+00 : f32
    %max3A_1689 = vector.broadcast %max3A_1688 : f32 to vector<160x125xf32>
    %max3A_1690 = arith.maximumf %sub3A_1687, %max3A_1689 : vector<160x125xf32>
    %mul3A_1691 = arith.mulf %max3A_1682, %max3A_1690 : vector<160x125xf32>
    %add3A_1692 = vector.broadcast %mul3A_1674 : f32 to vector<160x125xf32>
    %add3A_1693 = arith.addf %add3A_1692, %mul3A : vector<160x125xf32>
    %sub3A_1694 = arith.subf %add3A_1693, %mul3A_1691 : vector<160x125xf32>
    %max3A_1695 = arith.constant 1.000000e-10 : f32
    %max3A_1696 = vector.broadcast %max3A_1695 : f32 to vector<160x125xf32>
    %max3A_1697 = arith.maximumf %sub3A_1694, %max3A_1696 : vector<160x125xf32>
    %div3A_1698 = arith.divf %mul3A_1691, %max3A_1697 : vector<160x125xf32>
    %gt3A_1699 = arith.cmpf ogt, %div3A_1698, %select_n3A_1649 : vector<160x125xf32>
    %jit3A_1700 = arith.constant 30 : i32
    %broadcast_in_dim3A_1701 = vector.broadcast %jit3A_1700 : i32 to vector<160x125xi32>
    %select_n3A_1702 = arith.select %gt3A_1699, %broadcast_in_dim3A_1701, %select_n3A_1648 : vector<160x125xi1>, vector<160x125xi32>
    %select_n3A_1703 = arith.select %gt3A_1699, %div3A_1698, %select_n3A_1649 : vector<160x125xi1>, vector<160x125xf32>
    %swap3A_1704 = arith.constant 30 : index
    %swap3A_1705 = arith.constant 0 : index
    %swap3A_1706 = arith.constant 0 : index
    %swap3A_1707 = vector.load %arg7[%swap3A_1704, %swap3A_1705, %swap3A_1706] : memref<32x160x125xf32, #tpu.memory_space<vmem>>, vector<1x160x125xf32>
    %swap3A_1708 = vector.shape_cast %swap3A_1707 : vector<1x160x125xf32> to vector<160x125xf32>
    %swap3A_1709 = vector.shape_cast %div3A_1698 : vector<160x125xf32> to vector<1x160x125xf32>
    tpu.vector_store %arg7[%swap3A_1704, %swap3A_1705, %swap3A_1706], %swap3A_1709 {strides = array<i32>} : memref<32x160x125xf32, #tpu.memory_space<vmem>>, vector<1x160x125xf32>,
    %get3A_1710 = arith.constant 0 : index
    %get3A_1711 = arith.constant 0 : index
    %get3A_1712 = arith.constant 31 : index
    %get3A_1713 = memref.load %arg2[%get3A_1710, %get3A_1711, %get3A_1712] : memref<1x4x32xf32, #tpu.memory_space<smem>>
    %get3A_1714 = arith.constant 0 : index
    %get3A_1715 = arith.constant 1 : index
    %get3A_1716 = arith.constant 31 : index
    %get3A_1717 = memref.load %arg2[%get3A_1714, %get3A_1715, %get3A_1716] : memref<1x4x32xf32, #tpu.memory_space<smem>>
    %get3A_1718 = arith.constant 0 : index
    %get3A_1719 = arith.constant 2 : index
    %get3A_1720 = arith.constant 31 : index
    %get3A_1721 = memref.load %arg2[%get3A_1718, %get3A_1719, %get3A_1720] : memref<1x4x32xf32, #tpu.memory_space<smem>>
    %get3A_1722 = arith.constant 0 : index
    %get3A_1723 = arith.constant 3 : index
    %get3A_1724 = arith.constant 31 : index
    %get3A_1725 = memref.load %arg2[%get3A_1722, %get3A_1723, %get3A_1724] : memref<1x4x32xf32, #tpu.memory_space<smem>>
    %sub3A_1726 = arith.subf %get3A_1721, %get3A_1713 : f32
    %sub3A_1727 = arith.subf %get3A_1725, %get3A_1717 : f32
    %mul3A_1728 = arith.mulf %sub3A_1726, %sub3A_1727 : f32
    %min3A_1729 = vector.broadcast %get3A_1721 : f32 to vector<160x125xf32>
    %min3A_1730 = arith.minimumf %min3A_1729, %add3A : vector<160x125xf32>
    %max3A_1731 = vector.broadcast %get3A_1713 : f32 to vector<160x125xf32>
    %max3A_1732 = arith.maximumf %max3A_1731, %sub3A : vector<160x125xf32>
    %sub3A_1733 = arith.subf %min3A_1730, %max3A_1732 : vector<160x125xf32>
    %max3A_1734 = arith.constant 0.000000e+00 : f32
    %max3A_1735 = vector.broadcast %max3A_1734 : f32 to vector<160x125xf32>
    %max3A_1736 = arith.maximumf %sub3A_1733, %max3A_1735 : vector<160x125xf32>
    %min3A_1737 = vector.broadcast %get3A_1725 : f32 to vector<160x125xf32>
    %min3A_1738 = arith.minimumf %min3A_1737, %add3A_31 : vector<160x125xf32>
    %max3A_1739 = vector.broadcast %get3A_1717 : f32 to vector<160x125xf32>
    %max3A_1740 = arith.maximumf %max3A_1739, %sub3A_24 : vector<160x125xf32>
    %sub3A_1741 = arith.subf %min3A_1738, %max3A_1740 : vector<160x125xf32>
    %max3A_1742 = arith.constant 0.000000e+00 : f32
    %max3A_1743 = vector.broadcast %max3A_1742 : f32 to vector<160x125xf32>
    %max3A_1744 = arith.maximumf %sub3A_1741, %max3A_1743 : vector<160x125xf32>
    %mul3A_1745 = arith.mulf %max3A_1736, %max3A_1744 : vector<160x125xf32>
    %add3A_1746 = vector.broadcast %mul3A_1728 : f32 to vector<160x125xf32>
    %add3A_1747 = arith.addf %add3A_1746, %mul3A : vector<160x125xf32>
    %sub3A_1748 = arith.subf %add3A_1747, %mul3A_1745 : vector<160x125xf32>
    %max3A_1749 = arith.constant 1.000000e-10 : f32
    %max3A_1750 = vector.broadcast %max3A_1749 : f32 to vector<160x125xf32>
    %max3A_1751 = arith.maximumf %sub3A_1748, %max3A_1750 : vector<160x125xf32>
    %div3A_1752 = arith.divf %mul3A_1745, %max3A_1751 : vector<160x125xf32>
    %gt3A_1753 = arith.cmpf ogt, %div3A_1752, %select_n3A_1703 : vector<160x125xf32>
    %jit3A_1754 = arith.constant 31 : i32
    %broadcast_in_dim3A_1755 = vector.broadcast %jit3A_1754 : i32 to vector<160x125xi32>
    %select_n3A_1756 = arith.select %gt3A_1753, %broadcast_in_dim3A_1755, %select_n3A_1702 : vector<160x125xi1>, vector<160x125xi32>
    %select_n3A_1757 = arith.select %gt3A_1753, %div3A_1752, %select_n3A_1703 : vector<160x125xi1>, vector<160x125xf32>
    %swap3A_1758 = arith.constant 31 : index
    %swap3A_1759 = arith.constant 0 : index
    %swap3A_1760 = arith.constant 0 : index
    %swap3A_1761 = vector.load %arg7[%swap3A_1758, %swap3A_1759, %swap3A_1760] : memref<32x160x125xf32, #tpu.memory_space<vmem>>, vector<1x160x125xf32>
    %swap3A_1762 = vector.shape_cast %swap3A_1761 : vector<1x160x125xf32> to vector<160x125xf32>
    %swap3A_1763 = vector.shape_cast %div3A_1752 : vector<160x125xf32> to vector<1x160x125xf32>
    tpu.vector_store %arg7[%swap3A_1758, %swap3A_1759, %swap3A_1760], %swap3A_1763 {strides = array<i32>} : memref<32x160x125xf32, #tpu.memory_space<vmem>>, vector<1x160x125xf32>,
    %get3A_1764 = arith.constant 0 : index
    %get3A_1765 = arith.constant 0 : index
    %get3A_1766 = arith.constant 0 : index
    %get3A_1767 = vector.load %arg7[%get3A_1764, %get3A_1765, %get3A_1766] : memref<32x160x125xf32, #tpu.memory_space<vmem>>, vector<32x160x125xf32>
    %reduce_max3A = arith.constant dense<0xFF800000> : vector<32xf32>
    %reduce_max3A_1768 = vector.multi_reduction <maximumf>, %get3A_1767, %reduce_max3A [1, 2] : vector<32x160x125xf32> to vector<32xf32>
    %broadcast_in_dim3A_1769 = vector.shape_cast %reduce_max3A_1768 : vector<32xf32> to vector<32x1x1xf32>
    %eq3A = vector.broadcast %broadcast_in_dim3A_1769 : vector<32x1x1xf32> to vector<32x160x125xf32>
    %eq3A_1770 = arith.cmpf oeq, %get3A_1767, %eq3A : vector<32x160x125xf32>
    %broadcast_in_dim3A_1771 = vector.shape_cast %add3A_38 : vector<160x125xi32> to vector<1x160x125xi32>
    %jit3A_1772 = arith.constant 20000 : i32
    %broadcast_in_dim3A_1773 = vector.shape_cast %broadcast_in_dim3A_1771 : vector<1x160x125xi32> to vector<1x160x125xi32>
    %broadcast_in_dim3A_1774 = vector.broadcast %broadcast_in_dim3A_1773 : vector<1x160x125xi32> to vector<32x160x125xi32>
    %broadcast_in_dim3A_1775 = vector.broadcast %jit3A_1772 : i32 to vector<32x160x125xi32>
    %select_n3A_1776 = arith.select %eq3A_1770, %broadcast_in_dim3A_1774, %broadcast_in_dim3A_1775 : vector<32x160x125xi1>, vector<32x160x125xi32>
    %reduce_min3A = arith.constant dense<2147483647> : vector<32xi32>
    %reduce_min3A_1777 = vector.multi_reduction <minsi>, %select_n3A_1776, %reduce_min3A [1, 2] : vector<32x160x125xi32> to vector<32xi32>
    %broadcast_in_dim3A_1778 = vector.shape_cast %reduce_min3A_1777 : vector<32xi32> to vector<32x1x1xi32>
    %iota3A_1779 = tpu.iota {dimensions = array<i32: 0>} : vector<32x1x1xi32>
    %broadcast_in_dim3A_1780 = vector.shape_cast %add3A_38 : vector<160x125xi32> to vector<1x160x125xi32>
    %eq3A_1781 = vector.broadcast %broadcast_in_dim3A_1780 : vector<1x160x125xi32> to vector<32x160x125xi32>
    %eq3A_1782 = vector.broadcast %broadcast_in_dim3A_1778 : vector<32x1x1xi32> to vector<32x160x125xi32>
    %eq3A_1783 = arith.cmpi eq, %eq3A_1781, %eq3A_1782 : vector<32x160x125xi32>
    %jit3A_1784 = arith.constant -1 : i32
    %broadcast_in_dim3A_1785 = vector.shape_cast %iota3A_1779 : vector<32x1x1xi32> to vector<32x1x1xi32>
    %broadcast_in_dim3A_1786 = vector.broadcast %broadcast_in_dim3A_1785 : vector<32x1x1xi32> to vector<32x160x125xi32>
    %broadcast_in_dim3A_1787 = vector.broadcast %jit3A_1784 : i32 to vector<32x160x125xi32>
    %select_n3A_1788 = arith.select %eq3A_1783, %broadcast_in_dim3A_1786, %broadcast_in_dim3A_1787 : vector<32x160x125xi1>, vector<32x160x125xi32>
    %reduce_max3A_1789 = arith.constant dense<-2147483648> : vector<160x125xi32>
    %reduce_max3A_1790 = vector.multi_reduction <maxsi>, %select_n3A_1788, %reduce_max3A_1789 [0] : vector<32x160x125xi32> to vector<160x125xi32>
    %ge3A = arith.constant 0 : i32
    %ge3A_1791 = vector.broadcast %ge3A : i32 to vector<160x125xi32>
    %ge3A_1792 = arith.cmpi sge, %reduce_max3A_1790, %ge3A_1791 : vector<160x125xi32>
    %select_n3A_1793 = arith.select %ge3A_1792, %reduce_max3A_1790, %select_n3A_1756 : vector<160x125xi1>, vector<160x125xi32>
    %ge3A_1794 = arith.constant 0 : i32
    %ge3A_1795 = vector.broadcast %ge3A_1794 : i32 to vector<160x125xi32>
    %ge3A_1796 = arith.cmpi sge, %reduce_max3A_1790, %ge3A_1795 : vector<160x125xi32>
    %jit3A_1797 = arith.constant 1.000000e+00 : f32
    %broadcast_in_dim3A_1798 = vector.broadcast %jit3A_1797 : f32 to vector<160x125xf32>
    %select_n3A_1799 = arith.select %ge3A_1796, %broadcast_in_dim3A_1798, %select_n3A_1757 : vector<160x125xi1>, vector<160x125xf32>
    %broadcast_in_dim3A_1800 = arith.constant 0 : i32
    %broadcast_in_dim3A_1801 = vector.broadcast %broadcast_in_dim3A_1800 : i32 to vector<160x125xi32>
    %broadcast_in_dim3A_1802 = arith.constant 0.000000e+00 : f32
    %broadcast_in_dim3A_1803 = vector.broadcast %broadcast_in_dim3A_1802 : f32 to vector<160x125xf32>
    %broadcast_in_dim3A_1804 = arith.constant 0.000000e+00 : f32
    %broadcast_in_dim3A_1805 = vector.broadcast %broadcast_in_dim3A_1804 : f32 to vector<160x125xf32>
    %broadcast_in_dim3A_1806 = arith.constant 0.000000e+00 : f32
    %broadcast_in_dim3A_1807 = vector.broadcast %broadcast_in_dim3A_1806 : f32 to vector<160x125xf32>
    %broadcast_in_dim3A_1808 = arith.constant 0.000000e+00 : f32
    %broadcast_in_dim3A_1809 = vector.broadcast %broadcast_in_dim3A_1808 : f32 to vector<160x125xf32>
    %eq3A_1810 = arith.constant 0 : i32
    %eq3A_1811 = vector.broadcast %eq3A_1810 : i32 to vector<160x125xi32>
    %eq3A_1812 = arith.cmpi eq, %select_n3A_1793, %eq3A_1811 : vector<160x125xi32>
    %get3A_1813 = arith.constant 0 : index
    %get3A_1814 = arith.constant 0 : index
    %get3A_1815 = arith.constant 0 : index
    %get3A_1816 = memref.load %arg3[%get3A_1813, %get3A_1814, %get3A_1815] : memref<1x1x32xi32, #tpu.memory_space<smem>>
    %broadcast_in_dim3A_1817 = vector.broadcast %get3A_1816 : i32 to vector<160x125xi32>
    %select_n3A_1818 = arith.select %eq3A_1812, %broadcast_in_dim3A_1817, %broadcast_in_dim3A_1801 : vector<160x125xi1>, vector<160x125xi32>
    %get3A_1819 = arith.constant 0 : index
    %get3A_1820 = arith.constant 0 : index
    %get3A_1821 = arith.constant 0 : index
    %get3A_1822 = memref.load %arg2[%get3A_1819, %get3A_1820, %get3A_1821] : memref<1x4x32xf32, #tpu.memory_space<smem>>
    %broadcast_in_dim3A_1823 = vector.broadcast %get3A_1822 : f32 to vector<160x125xf32>
    %select_n3A_1824 = arith.select %eq3A_1812, %broadcast_in_dim3A_1823, %broadcast_in_dim3A_1803 : vector<160x125xi1>, vector<160x125xf32>
    %get3A_1825 = arith.constant 0 : index
    %get3A_1826 = arith.constant 1 : index
    %get3A_1827 = arith.constant 0 : index
    %get3A_1828 = memref.load %arg2[%get3A_1825, %get3A_1826, %get3A_1827] : memref<1x4x32xf32, #tpu.memory_space<smem>>
    %broadcast_in_dim3A_1829 = vector.broadcast %get3A_1828 : f32 to vector<160x125xf32>
    %select_n3A_1830 = arith.select %eq3A_1812, %broadcast_in_dim3A_1829, %broadcast_in_dim3A_1805 : vector<160x125xi1>, vector<160x125xf32>
    %get3A_1831 = arith.constant 0 : index
    %get3A_1832 = arith.constant 2 : index
    %get3A_1833 = arith.constant 0 : index
    %get3A_1834 = memref.load %arg2[%get3A_1831, %get3A_1832, %get3A_1833] : memref<1x4x32xf32, #tpu.memory_space<smem>>
    %broadcast_in_dim3A_1835 = vector.broadcast %get3A_1834 : f32 to vector<160x125xf32>
    %select_n3A_1836 = arith.select %eq3A_1812, %broadcast_in_dim3A_1835, %broadcast_in_dim3A_1807 : vector<160x125xi1>, vector<160x125xf32>
    %get3A_1837 = arith.constant 0 : index
    %get3A_1838 = arith.constant 3 : index
    %get3A_1839 = arith.constant 0 : index
    %get3A_1840 = memref.load %arg2[%get3A_1837, %get3A_1838, %get3A_1839] : memref<1x4x32xf32, #tpu.memory_space<smem>>
    %broadcast_in_dim3A_1841 = vector.broadcast %get3A_1840 : f32 to vector<160x125xf32>
    %select_n3A_1842 = arith.select %eq3A_1812, %broadcast_in_dim3A_1841, %broadcast_in_dim3A_1809 : vector<160x125xi1>, vector<160x125xf32>
    %eq3A_1843 = arith.constant 1 : i32
    %eq3A_1844 = vector.broadcast %eq3A_1843 : i32 to vector<160x125xi32>
    %eq3A_1845 = arith.cmpi eq, %select_n3A_1793, %eq3A_1844 : vector<160x125xi32>
    %get3A_1846 = arith.constant 0 : index
    %get3A_1847 = arith.constant 0 : index
    %get3A_1848 = arith.constant 1 : index
    %get3A_1849 = memref.load %arg3[%get3A_1846, %get3A_1847, %get3A_1848] : memref<1x1x32xi32, #tpu.memory_space<smem>>
    %broadcast_in_dim3A_1850 = vector.broadcast %get3A_1849 : i32 to vector<160x125xi32>
    %select_n3A_1851 = arith.select %eq3A_1845, %broadcast_in_dim3A_1850, %select_n3A_1818 : vector<160x125xi1>, vector<160x125xi32>
    %get3A_1852 = arith.constant 0 : index
    %get3A_1853 = arith.constant 0 : index
    %get3A_1854 = arith.constant 1 : index
    %get3A_1855 = memref.load %arg2[%get3A_1852, %get3A_1853, %get3A_1854] : memref<1x4x32xf32, #tpu.memory_space<smem>>
    %broadcast_in_dim3A_1856 = vector.broadcast %get3A_1855 : f32 to vector<160x125xf32>
    %select_n3A_1857 = arith.select %eq3A_1845, %broadcast_in_dim3A_1856, %select_n3A_1824 : vector<160x125xi1>, vector<160x125xf32>
    %get3A_1858 = arith.constant 0 : index
    %get3A_1859 = arith.constant 1 : index
    %get3A_1860 = arith.constant 1 : index
    %get3A_1861 = memref.load %arg2[%get3A_1858, %get3A_1859, %get3A_1860] : memref<1x4x32xf32, #tpu.memory_space<smem>>
    %broadcast_in_dim3A_1862 = vector.broadcast %get3A_1861 : f32 to vector<160x125xf32>
    %select_n3A_1863 = arith.select %eq3A_1845, %broadcast_in_dim3A_1862, %select_n3A_1830 : vector<160x125xi1>, vector<160x125xf32>
    %get3A_1864 = arith.constant 0 : index
    %get3A_1865 = arith.constant 2 : index
    %get3A_1866 = arith.constant 1 : index
    %get3A_1867 = memref.load %arg2[%get3A_1864, %get3A_1865, %get3A_1866] : memref<1x4x32xf32, #tpu.memory_space<smem>>
    %broadcast_in_dim3A_1868 = vector.broadcast %get3A_1867 : f32 to vector<160x125xf32>
    %select_n3A_1869 = arith.select %eq3A_1845, %broadcast_in_dim3A_1868, %select_n3A_1836 : vector<160x125xi1>, vector<160x125xf32>
    %get3A_1870 = arith.constant 0 : index
    %get3A_1871 = arith.constant 3 : index
    %get3A_1872 = arith.constant 1 : index
    %get3A_1873 = memref.load %arg2[%get3A_1870, %get3A_1871, %get3A_1872] : memref<1x4x32xf32, #tpu.memory_space<smem>>
    %broadcast_in_dim3A_1874 = vector.broadcast %get3A_1873 : f32 to vector<160x125xf32>
    %select_n3A_1875 = arith.select %eq3A_1845, %broadcast_in_dim3A_1874, %select_n3A_1842 : vector<160x125xi1>, vector<160x125xf32>
    %eq3A_1876 = arith.constant 2 : i32
    %eq3A_1877 = vector.broadcast %eq3A_1876 : i32 to vector<160x125xi32>
    %eq3A_1878 = arith.cmpi eq, %select_n3A_1793, %eq3A_1877 : vector<160x125xi32>
    %get3A_1879 = arith.constant 0 : index
    %get3A_1880 = arith.constant 0 : index
    %get3A_1881 = arith.constant 2 : index
    %get3A_1882 = memref.load %arg3[%get3A_1879, %get3A_1880, %get3A_1881] : memref<1x1x32xi32, #tpu.memory_space<smem>>
    %broadcast_in_dim3A_1883 = vector.broadcast %get3A_1882 : i32 to vector<160x125xi32>
    %select_n3A_1884 = arith.select %eq3A_1878, %broadcast_in_dim3A_1883, %select_n3A_1851 : vector<160x125xi1>, vector<160x125xi32>
    %get3A_1885 = arith.constant 0 : index
    %get3A_1886 = arith.constant 0 : index
    %get3A_1887 = arith.constant 2 : index
    %get3A_1888 = memref.load %arg2[%get3A_1885, %get3A_1886, %get3A_1887] : memref<1x4x32xf32, #tpu.memory_space<smem>>
    %broadcast_in_dim3A_1889 = vector.broadcast %get3A_1888 : f32 to vector<160x125xf32>
    %select_n3A_1890 = arith.select %eq3A_1878, %broadcast_in_dim3A_1889, %select_n3A_1857 : vector<160x125xi1>, vector<160x125xf32>
    %get3A_1891 = arith.constant 0 : index
    %get3A_1892 = arith.constant 1 : index
    %get3A_1893 = arith.constant 2 : index
    %get3A_1894 = memref.load %arg2[%get3A_1891, %get3A_1892, %get3A_1893] : memref<1x4x32xf32, #tpu.memory_space<smem>>
    %broadcast_in_dim3A_1895 = vector.broadcast %get3A_1894 : f32 to vector<160x125xf32>
    %select_n3A_1896 = arith.select %eq3A_1878, %broadcast_in_dim3A_1895, %select_n3A_1863 : vector<160x125xi1>, vector<160x125xf32>
    %get3A_1897 = arith.constant 0 : index
    %get3A_1898 = arith.constant 2 : index
    %get3A_1899 = arith.constant 2 : index
    %get3A_1900 = memref.load %arg2[%get3A_1897, %get3A_1898, %get3A_1899] : memref<1x4x32xf32, #tpu.memory_space<smem>>
    %broadcast_in_dim3A_1901 = vector.broadcast %get3A_1900 : f32 to vector<160x125xf32>
    %select_n3A_1902 = arith.select %eq3A_1878, %broadcast_in_dim3A_1901, %select_n3A_1869 : vector<160x125xi1>, vector<160x125xf32>
    %get3A_1903 = arith.constant 0 : index
    %get3A_1904 = arith.constant 3 : index
    %get3A_1905 = arith.constant 2 : index
    %get3A_1906 = memref.load %arg2[%get3A_1903, %get3A_1904, %get3A_1905] : memref<1x4x32xf32, #tpu.memory_space<smem>>
    %broadcast_in_dim3A_1907 = vector.broadcast %get3A_1906 : f32 to vector<160x125xf32>
    %select_n3A_1908 = arith.select %eq3A_1878, %broadcast_in_dim3A_1907, %select_n3A_1875 : vector<160x125xi1>, vector<160x125xf32>
    %eq3A_1909 = arith.constant 3 : i32
    %eq3A_1910 = vector.broadcast %eq3A_1909 : i32 to vector<160x125xi32>
    %eq3A_1911 = arith.cmpi eq, %select_n3A_1793, %eq3A_1910 : vector<160x125xi32>
    %get3A_1912 = arith.constant 0 : index
    %get3A_1913 = arith.constant 0 : index
    %get3A_1914 = arith.constant 3 : index
    %get3A_1915 = memref.load %arg3[%get3A_1912, %get3A_1913, %get3A_1914] : memref<1x1x32xi32, #tpu.memory_space<smem>>
    %broadcast_in_dim3A_1916 = vector.broadcast %get3A_1915 : i32 to vector<160x125xi32>
    %select_n3A_1917 = arith.select %eq3A_1911, %broadcast_in_dim3A_1916, %select_n3A_1884 : vector<160x125xi1>, vector<160x125xi32>
    %get3A_1918 = arith.constant 0 : index
    %get3A_1919 = arith.constant 0 : index
    %get3A_1920 = arith.constant 3 : index
    %get3A_1921 = memref.load %arg2[%get3A_1918, %get3A_1919, %get3A_1920] : memref<1x4x32xf32, #tpu.memory_space<smem>>
    %broadcast_in_dim3A_1922 = vector.broadcast %get3A_1921 : f32 to vector<160x125xf32>
    %select_n3A_1923 = arith.select %eq3A_1911, %broadcast_in_dim3A_1922, %select_n3A_1890 : vector<160x125xi1>, vector<160x125xf32>
    %get3A_1924 = arith.constant 0 : index
    %get3A_1925 = arith.constant 1 : index
    %get3A_1926 = arith.constant 3 : index
    %get3A_1927 = memref.load %arg2[%get3A_1924, %get3A_1925, %get3A_1926] : memref<1x4x32xf32, #tpu.memory_space<smem>>
    %broadcast_in_dim3A_1928 = vector.broadcast %get3A_1927 : f32 to vector<160x125xf32>
    %select_n3A_1929 = arith.select %eq3A_1911, %broadcast_in_dim3A_1928, %select_n3A_1896 : vector<160x125xi1>, vector<160x125xf32>
    %get3A_1930 = arith.constant 0 : index
    %get3A_1931 = arith.constant 2 : index
    %get3A_1932 = arith.constant 3 : index
    %get3A_1933 = memref.load %arg2[%get3A_1930, %get3A_1931, %get3A_1932] : memref<1x4x32xf32, #tpu.memory_space<smem>>
    %broadcast_in_dim3A_1934 = vector.broadcast %get3A_1933 : f32 to vector<160x125xf32>
    %select_n3A_1935 = arith.select %eq3A_1911, %broadcast_in_dim3A_1934, %select_n3A_1902 : vector<160x125xi1>, vector<160x125xf32>
    %get3A_1936 = arith.constant 0 : index
    %get3A_1937 = arith.constant 3 : index
    %get3A_1938 = arith.constant 3 : index
    %get3A_1939 = memref.load %arg2[%get3A_1936, %get3A_1937, %get3A_1938] : memref<1x4x32xf32, #tpu.memory_space<smem>>
    %broadcast_in_dim3A_1940 = vector.broadcast %get3A_1939 : f32 to vector<160x125xf32>
    %select_n3A_1941 = arith.select %eq3A_1911, %broadcast_in_dim3A_1940, %select_n3A_1908 : vector<160x125xi1>, vector<160x125xf32>
    %eq3A_1942 = arith.constant 4 : i32
    %eq3A_1943 = vector.broadcast %eq3A_1942 : i32 to vector<160x125xi32>
    %eq3A_1944 = arith.cmpi eq, %select_n3A_1793, %eq3A_1943 : vector<160x125xi32>
    %get3A_1945 = arith.constant 0 : index
    %get3A_1946 = arith.constant 0 : index
    %get3A_1947 = arith.constant 4 : index
    %get3A_1948 = memref.load %arg3[%get3A_1945, %get3A_1946, %get3A_1947] : memref<1x1x32xi32, #tpu.memory_space<smem>>
    %broadcast_in_dim3A_1949 = vector.broadcast %get3A_1948 : i32 to vector<160x125xi32>
    %select_n3A_1950 = arith.select %eq3A_1944, %broadcast_in_dim3A_1949, %select_n3A_1917 : vector<160x125xi1>, vector<160x125xi32>
    %get3A_1951 = arith.constant 0 : index
    %get3A_1952 = arith.constant 0 : index
    %get3A_1953 = arith.constant 4 : index
    %get3A_1954 = memref.load %arg2[%get3A_1951, %get3A_1952, %get3A_1953] : memref<1x4x32xf32, #tpu.memory_space<smem>>
    %broadcast_in_dim3A_1955 = vector.broadcast %get3A_1954 : f32 to vector<160x125xf32>
    %select_n3A_1956 = arith.select %eq3A_1944, %broadcast_in_dim3A_1955, %select_n3A_1923 : vector<160x125xi1>, vector<160x125xf32>
    %get3A_1957 = arith.constant 0 : index
    %get3A_1958 = arith.constant 1 : index
    %get3A_1959 = arith.constant 4 : index
    %get3A_1960 = memref.load %arg2[%get3A_1957, %get3A_1958, %get3A_1959] : memref<1x4x32xf32, #tpu.memory_space<smem>>
    %broadcast_in_dim3A_1961 = vector.broadcast %get3A_1960 : f32 to vector<160x125xf32>
    %select_n3A_1962 = arith.select %eq3A_1944, %broadcast_in_dim3A_1961, %select_n3A_1929 : vector<160x125xi1>, vector<160x125xf32>
    %get3A_1963 = arith.constant 0 : index
    %get3A_1964 = arith.constant 2 : index
    %get3A_1965 = arith.constant 4 : index
    %get3A_1966 = memref.load %arg2[%get3A_1963, %get3A_1964, %get3A_1965] : memref<1x4x32xf32, #tpu.memory_space<smem>>
    %broadcast_in_dim3A_1967 = vector.broadcast %get3A_1966 : f32 to vector<160x125xf32>
    %select_n3A_1968 = arith.select %eq3A_1944, %broadcast_in_dim3A_1967, %select_n3A_1935 : vector<160x125xi1>, vector<160x125xf32>
    %get3A_1969 = arith.constant 0 : index
    %get3A_1970 = arith.constant 3 : index
    %get3A_1971 = arith.constant 4 : index
    %get3A_1972 = memref.load %arg2[%get3A_1969, %get3A_1970, %get3A_1971] : memref<1x4x32xf32, #tpu.memory_space<smem>>
    %broadcast_in_dim3A_1973 = vector.broadcast %get3A_1972 : f32 to vector<160x125xf32>
    %select_n3A_1974 = arith.select %eq3A_1944, %broadcast_in_dim3A_1973, %select_n3A_1941 : vector<160x125xi1>, vector<160x125xf32>
    %eq3A_1975 = arith.constant 5 : i32
    %eq3A_1976 = vector.broadcast %eq3A_1975 : i32 to vector<160x125xi32>
    %eq3A_1977 = arith.cmpi eq, %select_n3A_1793, %eq3A_1976 : vector<160x125xi32>
    %get3A_1978 = arith.constant 0 : index
    %get3A_1979 = arith.constant 0 : index
    %get3A_1980 = arith.constant 5 : index
    %get3A_1981 = memref.load %arg3[%get3A_1978, %get3A_1979, %get3A_1980] : memref<1x1x32xi32, #tpu.memory_space<smem>>
    %broadcast_in_dim3A_1982 = vector.broadcast %get3A_1981 : i32 to vector<160x125xi32>
    %select_n3A_1983 = arith.select %eq3A_1977, %broadcast_in_dim3A_1982, %select_n3A_1950 : vector<160x125xi1>, vector<160x125xi32>
    %get3A_1984 = arith.constant 0 : index
    %get3A_1985 = arith.constant 0 : index
    %get3A_1986 = arith.constant 5 : index
    %get3A_1987 = memref.load %arg2[%get3A_1984, %get3A_1985, %get3A_1986] : memref<1x4x32xf32, #tpu.memory_space<smem>>
    %broadcast_in_dim3A_1988 = vector.broadcast %get3A_1987 : f32 to vector<160x125xf32>
    %select_n3A_1989 = arith.select %eq3A_1977, %broadcast_in_dim3A_1988, %select_n3A_1956 : vector<160x125xi1>, vector<160x125xf32>
    %get3A_1990 = arith.constant 0 : index
    %get3A_1991 = arith.constant 1 : index
    %get3A_1992 = arith.constant 5 : index
    %get3A_1993 = memref.load %arg2[%get3A_1990, %get3A_1991, %get3A_1992] : memref<1x4x32xf32, #tpu.memory_space<smem>>
    %broadcast_in_dim3A_1994 = vector.broadcast %get3A_1993 : f32 to vector<160x125xf32>
    %select_n3A_1995 = arith.select %eq3A_1977, %broadcast_in_dim3A_1994, %select_n3A_1962 : vector<160x125xi1>, vector<160x125xf32>
    %get3A_1996 = arith.constant 0 : index
    %get3A_1997 = arith.constant 2 : index
    %get3A_1998 = arith.constant 5 : index
    %get3A_1999 = memref.load %arg2[%get3A_1996, %get3A_1997, %get3A_1998] : memref<1x4x32xf32, #tpu.memory_space<smem>>
    %broadcast_in_dim3A_2000 = vector.broadcast %get3A_1999 : f32 to vector<160x125xf32>
    %select_n3A_2001 = arith.select %eq3A_1977, %broadcast_in_dim3A_2000, %select_n3A_1968 : vector<160x125xi1>, vector<160x125xf32>
    %get3A_2002 = arith.constant 0 : index
    %get3A_2003 = arith.constant 3 : index
    %get3A_2004 = arith.constant 5 : index
    %get3A_2005 = memref.load %arg2[%get3A_2002, %get3A_2003, %get3A_2004] : memref<1x4x32xf32, #tpu.memory_space<smem>>
    %broadcast_in_dim3A_2006 = vector.broadcast %get3A_2005 : f32 to vector<160x125xf32>
    %select_n3A_2007 = arith.select %eq3A_1977, %broadcast_in_dim3A_2006, %select_n3A_1974 : vector<160x125xi1>, vector<160x125xf32>
    %eq3A_2008 = arith.constant 6 : i32
    %eq3A_2009 = vector.broadcast %eq3A_2008 : i32 to vector<160x125xi32>
    %eq3A_2010 = arith.cmpi eq, %select_n3A_1793, %eq3A_2009 : vector<160x125xi32>
    %get3A_2011 = arith.constant 0 : index
    %get3A_2012 = arith.constant 0 : index
    %get3A_2013 = arith.constant 6 : index
    %get3A_2014 = memref.load %arg3[%get3A_2011, %get3A_2012, %get3A_2013] : memref<1x1x32xi32, #tpu.memory_space<smem>>
    %broadcast_in_dim3A_2015 = vector.broadcast %get3A_2014 : i32 to vector<160x125xi32>
    %select_n3A_2016 = arith.select %eq3A_2010, %broadcast_in_dim3A_2015, %select_n3A_1983 : vector<160x125xi1>, vector<160x125xi32>
    %get3A_2017 = arith.constant 0 : index
    %get3A_2018 = arith.constant 0 : index
    %get3A_2019 = arith.constant 6 : index
    %get3A_2020 = memref.load %arg2[%get3A_2017, %get3A_2018, %get3A_2019] : memref<1x4x32xf32, #tpu.memory_space<smem>>
    %broadcast_in_dim3A_2021 = vector.broadcast %get3A_2020 : f32 to vector<160x125xf32>
    %select_n3A_2022 = arith.select %eq3A_2010, %broadcast_in_dim3A_2021, %select_n3A_1989 : vector<160x125xi1>, vector<160x125xf32>
    %get3A_2023 = arith.constant 0 : index
    %get3A_2024 = arith.constant 1 : index
    %get3A_2025 = arith.constant 6 : index
    %get3A_2026 = memref.load %arg2[%get3A_2023, %get3A_2024, %get3A_2025] : memref<1x4x32xf32, #tpu.memory_space<smem>>
    %broadcast_in_dim3A_2027 = vector.broadcast %get3A_2026 : f32 to vector<160x125xf32>
    %select_n3A_2028 = arith.select %eq3A_2010, %broadcast_in_dim3A_2027, %select_n3A_1995 : vector<160x125xi1>, vector<160x125xf32>
    %get3A_2029 = arith.constant 0 : index
    %get3A_2030 = arith.constant 2 : index
    %get3A_2031 = arith.constant 6 : index
    %get3A_2032 = memref.load %arg2[%get3A_2029, %get3A_2030, %get3A_2031] : memref<1x4x32xf32, #tpu.memory_space<smem>>
    %broadcast_in_dim3A_2033 = vector.broadcast %get3A_2032 : f32 to vector<160x125xf32>
    %select_n3A_2034 = arith.select %eq3A_2010, %broadcast_in_dim3A_2033, %select_n3A_2001 : vector<160x125xi1>, vector<160x125xf32>
    %get3A_2035 = arith.constant 0 : index
    %get3A_2036 = arith.constant 3 : index
    %get3A_2037 = arith.constant 6 : index
    %get3A_2038 = memref.load %arg2[%get3A_2035, %get3A_2036, %get3A_2037] : memref<1x4x32xf32, #tpu.memory_space<smem>>
    %broadcast_in_dim3A_2039 = vector.broadcast %get3A_2038 : f32 to vector<160x125xf32>
    %select_n3A_2040 = arith.select %eq3A_2010, %broadcast_in_dim3A_2039, %select_n3A_2007 : vector<160x125xi1>, vector<160x125xf32>
    %eq3A_2041 = arith.constant 7 : i32
    %eq3A_2042 = vector.broadcast %eq3A_2041 : i32 to vector<160x125xi32>
    %eq3A_2043 = arith.cmpi eq, %select_n3A_1793, %eq3A_2042 : vector<160x125xi32>
    %get3A_2044 = arith.constant 0 : index
    %get3A_2045 = arith.constant 0 : index
    %get3A_2046 = arith.constant 7 : index
    %get3A_2047 = memref.load %arg3[%get3A_2044, %get3A_2045, %get3A_2046] : memref<1x1x32xi32, #tpu.memory_space<smem>>
    %broadcast_in_dim3A_2048 = vector.broadcast %get3A_2047 : i32 to vector<160x125xi32>
    %select_n3A_2049 = arith.select %eq3A_2043, %broadcast_in_dim3A_2048, %select_n3A_2016 : vector<160x125xi1>, vector<160x125xi32>
    %get3A_2050 = arith.constant 0 : index
    %get3A_2051 = arith.constant 0 : index
    %get3A_2052 = arith.constant 7 : index
    %get3A_2053 = memref.load %arg2[%get3A_2050, %get3A_2051, %get3A_2052] : memref<1x4x32xf32, #tpu.memory_space<smem>>
    %broadcast_in_dim3A_2054 = vector.broadcast %get3A_2053 : f32 to vector<160x125xf32>
    %select_n3A_2055 = arith.select %eq3A_2043, %broadcast_in_dim3A_2054, %select_n3A_2022 : vector<160x125xi1>, vector<160x125xf32>
    %get3A_2056 = arith.constant 0 : index
    %get3A_2057 = arith.constant 1 : index
    %get3A_2058 = arith.constant 7 : index
    %get3A_2059 = memref.load %arg2[%get3A_2056, %get3A_2057, %get3A_2058] : memref<1x4x32xf32, #tpu.memory_space<smem>>
    %broadcast_in_dim3A_2060 = vector.broadcast %get3A_2059 : f32 to vector<160x125xf32>
    %select_n3A_2061 = arith.select %eq3A_2043, %broadcast_in_dim3A_2060, %select_n3A_2028 : vector<160x125xi1>, vector<160x125xf32>
    %get3A_2062 = arith.constant 0 : index
    %get3A_2063 = arith.constant 2 : index
    %get3A_2064 = arith.constant 7 : index
    %get3A_2065 = memref.load %arg2[%get3A_2062, %get3A_2063, %get3A_2064] : memref<1x4x32xf32, #tpu.memory_space<smem>>
    %broadcast_in_dim3A_2066 = vector.broadcast %get3A_2065 : f32 to vector<160x125xf32>
    %select_n3A_2067 = arith.select %eq3A_2043, %broadcast_in_dim3A_2066, %select_n3A_2034 : vector<160x125xi1>, vector<160x125xf32>
    %get3A_2068 = arith.constant 0 : index
    %get3A_2069 = arith.constant 3 : index
    %get3A_2070 = arith.constant 7 : index
    %get3A_2071 = memref.load %arg2[%get3A_2068, %get3A_2069, %get3A_2070] : memref<1x4x32xf32, #tpu.memory_space<smem>>
    %broadcast_in_dim3A_2072 = vector.broadcast %get3A_2071 : f32 to vector<160x125xf32>
    %select_n3A_2073 = arith.select %eq3A_2043, %broadcast_in_dim3A_2072, %select_n3A_2040 : vector<160x125xi1>, vector<160x125xf32>
    %eq3A_2074 = arith.constant 8 : i32
    %eq3A_2075 = vector.broadcast %eq3A_2074 : i32 to vector<160x125xi32>
    %eq3A_2076 = arith.cmpi eq, %select_n3A_1793, %eq3A_2075 : vector<160x125xi32>
    %get3A_2077 = arith.constant 0 : index
    %get3A_2078 = arith.constant 0 : index
    %get3A_2079 = arith.constant 8 : index
    %get3A_2080 = memref.load %arg3[%get3A_2077, %get3A_2078, %get3A_2079] : memref<1x1x32xi32, #tpu.memory_space<smem>>
    %broadcast_in_dim3A_2081 = vector.broadcast %get3A_2080 : i32 to vector<160x125xi32>
    %select_n3A_2082 = arith.select %eq3A_2076, %broadcast_in_dim3A_2081, %select_n3A_2049 : vector<160x125xi1>, vector<160x125xi32>
    %get3A_2083 = arith.constant 0 : index
    %get3A_2084 = arith.constant 0 : index
    %get3A_2085 = arith.constant 8 : index
    %get3A_2086 = memref.load %arg2[%get3A_2083, %get3A_2084, %get3A_2085] : memref<1x4x32xf32, #tpu.memory_space<smem>>
    %broadcast_in_dim3A_2087 = vector.broadcast %get3A_2086 : f32 to vector<160x125xf32>
    %select_n3A_2088 = arith.select %eq3A_2076, %broadcast_in_dim3A_2087, %select_n3A_2055 : vector<160x125xi1>, vector<160x125xf32>
    %get3A_2089 = arith.constant 0 : index
    %get3A_2090 = arith.constant 1 : index
    %get3A_2091 = arith.constant 8 : index
    %get3A_2092 = memref.load %arg2[%get3A_2089, %get3A_2090, %get3A_2091] : memref<1x4x32xf32, #tpu.memory_space<smem>>
    %broadcast_in_dim3A_2093 = vector.broadcast %get3A_2092 : f32 to vector<160x125xf32>
    %select_n3A_2094 = arith.select %eq3A_2076, %broadcast_in_dim3A_2093, %select_n3A_2061 : vector<160x125xi1>, vector<160x125xf32>
    %get3A_2095 = arith.constant 0 : index
    %get3A_2096 = arith.constant 2 : index
    %get3A_2097 = arith.constant 8 : index
    %get3A_2098 = memref.load %arg2[%get3A_2095, %get3A_2096, %get3A_2097] : memref<1x4x32xf32, #tpu.memory_space<smem>>
    %broadcast_in_dim3A_2099 = vector.broadcast %get3A_2098 : f32 to vector<160x125xf32>
    %select_n3A_2100 = arith.select %eq3A_2076, %broadcast_in_dim3A_2099, %select_n3A_2067 : vector<160x125xi1>, vector<160x125xf32>
    %get3A_2101 = arith.constant 0 : index
    %get3A_2102 = arith.constant 3 : index
    %get3A_2103 = arith.constant 8 : index
    %get3A_2104 = memref.load %arg2[%get3A_2101, %get3A_2102, %get3A_2103] : memref<1x4x32xf32, #tpu.memory_space<smem>>
    %broadcast_in_dim3A_2105 = vector.broadcast %get3A_2104 : f32 to vector<160x125xf32>
    %select_n3A_2106 = arith.select %eq3A_2076, %broadcast_in_dim3A_2105, %select_n3A_2073 : vector<160x125xi1>, vector<160x125xf32>
    %eq3A_2107 = arith.constant 9 : i32
    %eq3A_2108 = vector.broadcast %eq3A_2107 : i32 to vector<160x125xi32>
    %eq3A_2109 = arith.cmpi eq, %select_n3A_1793, %eq3A_2108 : vector<160x125xi32>
    %get3A_2110 = arith.constant 0 : index
    %get3A_2111 = arith.constant 0 : index
    %get3A_2112 = arith.constant 9 : index
    %get3A_2113 = memref.load %arg3[%get3A_2110, %get3A_2111, %get3A_2112] : memref<1x1x32xi32, #tpu.memory_space<smem>>
    %broadcast_in_dim3A_2114 = vector.broadcast %get3A_2113 : i32 to vector<160x125xi32>
    %select_n3A_2115 = arith.select %eq3A_2109, %broadcast_in_dim3A_2114, %select_n3A_2082 : vector<160x125xi1>, vector<160x125xi32>
    %get3A_2116 = arith.constant 0 : index
    %get3A_2117 = arith.constant 0 : index
    %get3A_2118 = arith.constant 9 : index
    %get3A_2119 = memref.load %arg2[%get3A_2116, %get3A_2117, %get3A_2118] : memref<1x4x32xf32, #tpu.memory_space<smem>>
    %broadcast_in_dim3A_2120 = vector.broadcast %get3A_2119 : f32 to vector<160x125xf32>
    %select_n3A_2121 = arith.select %eq3A_2109, %broadcast_in_dim3A_2120, %select_n3A_2088 : vector<160x125xi1>, vector<160x125xf32>
    %get3A_2122 = arith.constant 0 : index
    %get3A_2123 = arith.constant 1 : index
    %get3A_2124 = arith.constant 9 : index
    %get3A_2125 = memref.load %arg2[%get3A_2122, %get3A_2123, %get3A_2124] : memref<1x4x32xf32, #tpu.memory_space<smem>>
    %broadcast_in_dim3A_2126 = vector.broadcast %get3A_2125 : f32 to vector<160x125xf32>
    %select_n3A_2127 = arith.select %eq3A_2109, %broadcast_in_dim3A_2126, %select_n3A_2094 : vector<160x125xi1>, vector<160x125xf32>
    %get3A_2128 = arith.constant 0 : index
    %get3A_2129 = arith.constant 2 : index
    %get3A_2130 = arith.constant 9 : index
    %get3A_2131 = memref.load %arg2[%get3A_2128, %get3A_2129, %get3A_2130] : memref<1x4x32xf32, #tpu.memory_space<smem>>
    %broadcast_in_dim3A_2132 = vector.broadcast %get3A_2131 : f32 to vector<160x125xf32>
    %select_n3A_2133 = arith.select %eq3A_2109, %broadcast_in_dim3A_2132, %select_n3A_2100 : vector<160x125xi1>, vector<160x125xf32>
    %get3A_2134 = arith.constant 0 : index
    %get3A_2135 = arith.constant 3 : index
    %get3A_2136 = arith.constant 9 : index
    %get3A_2137 = memref.load %arg2[%get3A_2134, %get3A_2135, %get3A_2136] : memref<1x4x32xf32, #tpu.memory_space<smem>>
    %broadcast_in_dim3A_2138 = vector.broadcast %get3A_2137 : f32 to vector<160x125xf32>
    %select_n3A_2139 = arith.select %eq3A_2109, %broadcast_in_dim3A_2138, %select_n3A_2106 : vector<160x125xi1>, vector<160x125xf32>
    %eq3A_2140 = arith.constant 10 : i32
    %eq3A_2141 = vector.broadcast %eq3A_2140 : i32 to vector<160x125xi32>
    %eq3A_2142 = arith.cmpi eq, %select_n3A_1793, %eq3A_2141 : vector<160x125xi32>
    %get3A_2143 = arith.constant 0 : index
    %get3A_2144 = arith.constant 0 : index
    %get3A_2145 = arith.constant 10 : index
    %get3A_2146 = memref.load %arg3[%get3A_2143, %get3A_2144, %get3A_2145] : memref<1x1x32xi32, #tpu.memory_space<smem>>
    %broadcast_in_dim3A_2147 = vector.broadcast %get3A_2146 : i32 to vector<160x125xi32>
    %select_n3A_2148 = arith.select %eq3A_2142, %broadcast_in_dim3A_2147, %select_n3A_2115 : vector<160x125xi1>, vector<160x125xi32>
    %get3A_2149 = arith.constant 0 : index
    %get3A_2150 = arith.constant 0 : index
    %get3A_2151 = arith.constant 10 : index
    %get3A_2152 = memref.load %arg2[%get3A_2149, %get3A_2150, %get3A_2151] : memref<1x4x32xf32, #tpu.memory_space<smem>>
    %broadcast_in_dim3A_2153 = vector.broadcast %get3A_2152 : f32 to vector<160x125xf32>
    %select_n3A_2154 = arith.select %eq3A_2142, %broadcast_in_dim3A_2153, %select_n3A_2121 : vector<160x125xi1>, vector<160x125xf32>
    %get3A_2155 = arith.constant 0 : index
    %get3A_2156 = arith.constant 1 : index
    %get3A_2157 = arith.constant 10 : index
    %get3A_2158 = memref.load %arg2[%get3A_2155, %get3A_2156, %get3A_2157] : memref<1x4x32xf32, #tpu.memory_space<smem>>
    %broadcast_in_dim3A_2159 = vector.broadcast %get3A_2158 : f32 to vector<160x125xf32>
    %select_n3A_2160 = arith.select %eq3A_2142, %broadcast_in_dim3A_2159, %select_n3A_2127 : vector<160x125xi1>, vector<160x125xf32>
    %get3A_2161 = arith.constant 0 : index
    %get3A_2162 = arith.constant 2 : index
    %get3A_2163 = arith.constant 10 : index
    %get3A_2164 = memref.load %arg2[%get3A_2161, %get3A_2162, %get3A_2163] : memref<1x4x32xf32, #tpu.memory_space<smem>>
    %broadcast_in_dim3A_2165 = vector.broadcast %get3A_2164 : f32 to vector<160x125xf32>
    %select_n3A_2166 = arith.select %eq3A_2142, %broadcast_in_dim3A_2165, %select_n3A_2133 : vector<160x125xi1>, vector<160x125xf32>
    %get3A_2167 = arith.constant 0 : index
    %get3A_2168 = arith.constant 3 : index
    %get3A_2169 = arith.constant 10 : index
    %get3A_2170 = memref.load %arg2[%get3A_2167, %get3A_2168, %get3A_2169] : memref<1x4x32xf32, #tpu.memory_space<smem>>
    %broadcast_in_dim3A_2171 = vector.broadcast %get3A_2170 : f32 to vector<160x125xf32>
    %select_n3A_2172 = arith.select %eq3A_2142, %broadcast_in_dim3A_2171, %select_n3A_2139 : vector<160x125xi1>, vector<160x125xf32>
    %eq3A_2173 = arith.constant 11 : i32
    %eq3A_2174 = vector.broadcast %eq3A_2173 : i32 to vector<160x125xi32>
    %eq3A_2175 = arith.cmpi eq, %select_n3A_1793, %eq3A_2174 : vector<160x125xi32>
    %get3A_2176 = arith.constant 0 : index
    %get3A_2177 = arith.constant 0 : index
    %get3A_2178 = arith.constant 11 : index
    %get3A_2179 = memref.load %arg3[%get3A_2176, %get3A_2177, %get3A_2178] : memref<1x1x32xi32, #tpu.memory_space<smem>>
    %broadcast_in_dim3A_2180 = vector.broadcast %get3A_2179 : i32 to vector<160x125xi32>
    %select_n3A_2181 = arith.select %eq3A_2175, %broadcast_in_dim3A_2180, %select_n3A_2148 : vector<160x125xi1>, vector<160x125xi32>
    %get3A_2182 = arith.constant 0 : index
    %get3A_2183 = arith.constant 0 : index
    %get3A_2184 = arith.constant 11 : index
    %get3A_2185 = memref.load %arg2[%get3A_2182, %get3A_2183, %get3A_2184] : memref<1x4x32xf32, #tpu.memory_space<smem>>
    %broadcast_in_dim3A_2186 = vector.broadcast %get3A_2185 : f32 to vector<160x125xf32>
    %select_n3A_2187 = arith.select %eq3A_2175, %broadcast_in_dim3A_2186, %select_n3A_2154 : vector<160x125xi1>, vector<160x125xf32>
    %get3A_2188 = arith.constant 0 : index
    %get3A_2189 = arith.constant 1 : index
    %get3A_2190 = arith.constant 11 : index
    %get3A_2191 = memref.load %arg2[%get3A_2188, %get3A_2189, %get3A_2190] : memref<1x4x32xf32, #tpu.memory_space<smem>>
    %broadcast_in_dim3A_2192 = vector.broadcast %get3A_2191 : f32 to vector<160x125xf32>
    %select_n3A_2193 = arith.select %eq3A_2175, %broadcast_in_dim3A_2192, %select_n3A_2160 : vector<160x125xi1>, vector<160x125xf32>
    %get3A_2194 = arith.constant 0 : index
    %get3A_2195 = arith.constant 2 : index
    %get3A_2196 = arith.constant 11 : index
    %get3A_2197 = memref.load %arg2[%get3A_2194, %get3A_2195, %get3A_2196] : memref<1x4x32xf32, #tpu.memory_space<smem>>
    %broadcast_in_dim3A_2198 = vector.broadcast %get3A_2197 : f32 to vector<160x125xf32>
    %select_n3A_2199 = arith.select %eq3A_2175, %broadcast_in_dim3A_2198, %select_n3A_2166 : vector<160x125xi1>, vector<160x125xf32>
    %get3A_2200 = arith.constant 0 : index
    %get3A_2201 = arith.constant 3 : index
    %get3A_2202 = arith.constant 11 : index
    %get3A_2203 = memref.load %arg2[%get3A_2200, %get3A_2201, %get3A_2202] : memref<1x4x32xf32, #tpu.memory_space<smem>>
    %broadcast_in_dim3A_2204 = vector.broadcast %get3A_2203 : f32 to vector<160x125xf32>
    %select_n3A_2205 = arith.select %eq3A_2175, %broadcast_in_dim3A_2204, %select_n3A_2172 : vector<160x125xi1>, vector<160x125xf32>
    %eq3A_2206 = arith.constant 12 : i32
    %eq3A_2207 = vector.broadcast %eq3A_2206 : i32 to vector<160x125xi32>
    %eq3A_2208 = arith.cmpi eq, %select_n3A_1793, %eq3A_2207 : vector<160x125xi32>
    %get3A_2209 = arith.constant 0 : index
    %get3A_2210 = arith.constant 0 : index
    %get3A_2211 = arith.constant 12 : index
    %get3A_2212 = memref.load %arg3[%get3A_2209, %get3A_2210, %get3A_2211] : memref<1x1x32xi32, #tpu.memory_space<smem>>
    %broadcast_in_dim3A_2213 = vector.broadcast %get3A_2212 : i32 to vector<160x125xi32>
    %select_n3A_2214 = arith.select %eq3A_2208, %broadcast_in_dim3A_2213, %select_n3A_2181 : vector<160x125xi1>, vector<160x125xi32>
    %get3A_2215 = arith.constant 0 : index
    %get3A_2216 = arith.constant 0 : index
    %get3A_2217 = arith.constant 12 : index
    %get3A_2218 = memref.load %arg2[%get3A_2215, %get3A_2216, %get3A_2217] : memref<1x4x32xf32, #tpu.memory_space<smem>>
    %broadcast_in_dim3A_2219 = vector.broadcast %get3A_2218 : f32 to vector<160x125xf32>
    %select_n3A_2220 = arith.select %eq3A_2208, %broadcast_in_dim3A_2219, %select_n3A_2187 : vector<160x125xi1>, vector<160x125xf32>
    %get3A_2221 = arith.constant 0 : index
    %get3A_2222 = arith.constant 1 : index
    %get3A_2223 = arith.constant 12 : index
    %get3A_2224 = memref.load %arg2[%get3A_2221, %get3A_2222, %get3A_2223] : memref<1x4x32xf32, #tpu.memory_space<smem>>
    %broadcast_in_dim3A_2225 = vector.broadcast %get3A_2224 : f32 to vector<160x125xf32>
    %select_n3A_2226 = arith.select %eq3A_2208, %broadcast_in_dim3A_2225, %select_n3A_2193 : vector<160x125xi1>, vector<160x125xf32>
    %get3A_2227 = arith.constant 0 : index
    %get3A_2228 = arith.constant 2 : index
    %get3A_2229 = arith.constant 12 : index
    %get3A_2230 = memref.load %arg2[%get3A_2227, %get3A_2228, %get3A_2229] : memref<1x4x32xf32, #tpu.memory_space<smem>>
    %broadcast_in_dim3A_2231 = vector.broadcast %get3A_2230 : f32 to vector<160x125xf32>
    %select_n3A_2232 = arith.select %eq3A_2208, %broadcast_in_dim3A_2231, %select_n3A_2199 : vector<160x125xi1>, vector<160x125xf32>
    %get3A_2233 = arith.constant 0 : index
    %get3A_2234 = arith.constant 3 : index
    %get3A_2235 = arith.constant 12 : index
    %get3A_2236 = memref.load %arg2[%get3A_2233, %get3A_2234, %get3A_2235] : memref<1x4x32xf32, #tpu.memory_space<smem>>
    %broadcast_in_dim3A_2237 = vector.broadcast %get3A_2236 : f32 to vector<160x125xf32>
    %select_n3A_2238 = arith.select %eq3A_2208, %broadcast_in_dim3A_2237, %select_n3A_2205 : vector<160x125xi1>, vector<160x125xf32>
    %eq3A_2239 = arith.constant 13 : i32
    %eq3A_2240 = vector.broadcast %eq3A_2239 : i32 to vector<160x125xi32>
    %eq3A_2241 = arith.cmpi eq, %select_n3A_1793, %eq3A_2240 : vector<160x125xi32>
    %get3A_2242 = arith.constant 0 : index
    %get3A_2243 = arith.constant 0 : index
    %get3A_2244 = arith.constant 13 : index
    %get3A_2245 = memref.load %arg3[%get3A_2242, %get3A_2243, %get3A_2244] : memref<1x1x32xi32, #tpu.memory_space<smem>>
    %broadcast_in_dim3A_2246 = vector.broadcast %get3A_2245 : i32 to vector<160x125xi32>
    %select_n3A_2247 = arith.select %eq3A_2241, %broadcast_in_dim3A_2246, %select_n3A_2214 : vector<160x125xi1>, vector<160x125xi32>
    %get3A_2248 = arith.constant 0 : index
    %get3A_2249 = arith.constant 0 : index
    %get3A_2250 = arith.constant 13 : index
    %get3A_2251 = memref.load %arg2[%get3A_2248, %get3A_2249, %get3A_2250] : memref<1x4x32xf32, #tpu.memory_space<smem>>
    %broadcast_in_dim3A_2252 = vector.broadcast %get3A_2251 : f32 to vector<160x125xf32>
    %select_n3A_2253 = arith.select %eq3A_2241, %broadcast_in_dim3A_2252, %select_n3A_2220 : vector<160x125xi1>, vector<160x125xf32>
    %get3A_2254 = arith.constant 0 : index
    %get3A_2255 = arith.constant 1 : index
    %get3A_2256 = arith.constant 13 : index
    %get3A_2257 = memref.load %arg2[%get3A_2254, %get3A_2255, %get3A_2256] : memref<1x4x32xf32, #tpu.memory_space<smem>>
    %broadcast_in_dim3A_2258 = vector.broadcast %get3A_2257 : f32 to vector<160x125xf32>
    %select_n3A_2259 = arith.select %eq3A_2241, %broadcast_in_dim3A_2258, %select_n3A_2226 : vector<160x125xi1>, vector<160x125xf32>
    %get3A_2260 = arith.constant 0 : index
    %get3A_2261 = arith.constant 2 : index
    %get3A_2262 = arith.constant 13 : index
    %get3A_2263 = memref.load %arg2[%get3A_2260, %get3A_2261, %get3A_2262] : memref<1x4x32xf32, #tpu.memory_space<smem>>
    %broadcast_in_dim3A_2264 = vector.broadcast %get3A_2263 : f32 to vector<160x125xf32>
    %select_n3A_2265 = arith.select %eq3A_2241, %broadcast_in_dim3A_2264, %select_n3A_2232 : vector<160x125xi1>, vector<160x125xf32>
    %get3A_2266 = arith.constant 0 : index
    %get3A_2267 = arith.constant 3 : index
    %get3A_2268 = arith.constant 13 : index
    %get3A_2269 = memref.load %arg2[%get3A_2266, %get3A_2267, %get3A_2268] : memref<1x4x32xf32, #tpu.memory_space<smem>>
    %broadcast_in_dim3A_2270 = vector.broadcast %get3A_2269 : f32 to vector<160x125xf32>
    %select_n3A_2271 = arith.select %eq3A_2241, %broadcast_in_dim3A_2270, %select_n3A_2238 : vector<160x125xi1>, vector<160x125xf32>
    %eq3A_2272 = arith.constant 14 : i32
    %eq3A_2273 = vector.broadcast %eq3A_2272 : i32 to vector<160x125xi32>
    %eq3A_2274 = arith.cmpi eq, %select_n3A_1793, %eq3A_2273 : vector<160x125xi32>
    %get3A_2275 = arith.constant 0 : index
    %get3A_2276 = arith.constant 0 : index
    %get3A_2277 = arith.constant 14 : index
    %get3A_2278 = memref.load %arg3[%get3A_2275, %get3A_2276, %get3A_2277] : memref<1x1x32xi32, #tpu.memory_space<smem>>
    %broadcast_in_dim3A_2279 = vector.broadcast %get3A_2278 : i32 to vector<160x125xi32>
    %select_n3A_2280 = arith.select %eq3A_2274, %broadcast_in_dim3A_2279, %select_n3A_2247 : vector<160x125xi1>, vector<160x125xi32>
    %get3A_2281 = arith.constant 0 : index
    %get3A_2282 = arith.constant 0 : index
    %get3A_2283 = arith.constant 14 : index
    %get3A_2284 = memref.load %arg2[%get3A_2281, %get3A_2282, %get3A_2283] : memref<1x4x32xf32, #tpu.memory_space<smem>>
    %broadcast_in_dim3A_2285 = vector.broadcast %get3A_2284 : f32 to vector<160x125xf32>
    %select_n3A_2286 = arith.select %eq3A_2274, %broadcast_in_dim3A_2285, %select_n3A_2253 : vector<160x125xi1>, vector<160x125xf32>
    %get3A_2287 = arith.constant 0 : index
    %get3A_2288 = arith.constant 1 : index
    %get3A_2289 = arith.constant 14 : index
    %get3A_2290 = memref.load %arg2[%get3A_2287, %get3A_2288, %get3A_2289] : memref<1x4x32xf32, #tpu.memory_space<smem>>
    %broadcast_in_dim3A_2291 = vector.broadcast %get3A_2290 : f32 to vector<160x125xf32>
    %select_n3A_2292 = arith.select %eq3A_2274, %broadcast_in_dim3A_2291, %select_n3A_2259 : vector<160x125xi1>, vector<160x125xf32>
    %get3A_2293 = arith.constant 0 : index
    %get3A_2294 = arith.constant 2 : index
    %get3A_2295 = arith.constant 14 : index
    %get3A_2296 = memref.load %arg2[%get3A_2293, %get3A_2294, %get3A_2295] : memref<1x4x32xf32, #tpu.memory_space<smem>>
    %broadcast_in_dim3A_2297 = vector.broadcast %get3A_2296 : f32 to vector<160x125xf32>
    %select_n3A_2298 = arith.select %eq3A_2274, %broadcast_in_dim3A_2297, %select_n3A_2265 : vector<160x125xi1>, vector<160x125xf32>
    %get3A_2299 = arith.constant 0 : index
    %get3A_2300 = arith.constant 3 : index
    %get3A_2301 = arith.constant 14 : index
    %get3A_2302 = memref.load %arg2[%get3A_2299, %get3A_2300, %get3A_2301] : memref<1x4x32xf32, #tpu.memory_space<smem>>
    %broadcast_in_dim3A_2303 = vector.broadcast %get3A_2302 : f32 to vector<160x125xf32>
    %select_n3A_2304 = arith.select %eq3A_2274, %broadcast_in_dim3A_2303, %select_n3A_2271 : vector<160x125xi1>, vector<160x125xf32>
    %eq3A_2305 = arith.constant 15 : i32
    %eq3A_2306 = vector.broadcast %eq3A_2305 : i32 to vector<160x125xi32>
    %eq3A_2307 = arith.cmpi eq, %select_n3A_1793, %eq3A_2306 : vector<160x125xi32>
    %get3A_2308 = arith.constant 0 : index
    %get3A_2309 = arith.constant 0 : index
    %get3A_2310 = arith.constant 15 : index
    %get3A_2311 = memref.load %arg3[%get3A_2308, %get3A_2309, %get3A_2310] : memref<1x1x32xi32, #tpu.memory_space<smem>>
    %broadcast_in_dim3A_2312 = vector.broadcast %get3A_2311 : i32 to vector<160x125xi32>
    %select_n3A_2313 = arith.select %eq3A_2307, %broadcast_in_dim3A_2312, %select_n3A_2280 : vector<160x125xi1>, vector<160x125xi32>
    %get3A_2314 = arith.constant 0 : index
    %get3A_2315 = arith.constant 0 : index
    %get3A_2316 = arith.constant 15 : index
    %get3A_2317 = memref.load %arg2[%get3A_2314, %get3A_2315, %get3A_2316] : memref<1x4x32xf32, #tpu.memory_space<smem>>
    %broadcast_in_dim3A_2318 = vector.broadcast %get3A_2317 : f32 to vector<160x125xf32>
    %select_n3A_2319 = arith.select %eq3A_2307, %broadcast_in_dim3A_2318, %select_n3A_2286 : vector<160x125xi1>, vector<160x125xf32>
    %get3A_2320 = arith.constant 0 : index
    %get3A_2321 = arith.constant 1 : index
    %get3A_2322 = arith.constant 15 : index
    %get3A_2323 = memref.load %arg2[%get3A_2320, %get3A_2321, %get3A_2322] : memref<1x4x32xf32, #tpu.memory_space<smem>>
    %broadcast_in_dim3A_2324 = vector.broadcast %get3A_2323 : f32 to vector<160x125xf32>
    %select_n3A_2325 = arith.select %eq3A_2307, %broadcast_in_dim3A_2324, %select_n3A_2292 : vector<160x125xi1>, vector<160x125xf32>
    %get3A_2326 = arith.constant 0 : index
    %get3A_2327 = arith.constant 2 : index
    %get3A_2328 = arith.constant 15 : index
    %get3A_2329 = memref.load %arg2[%get3A_2326, %get3A_2327, %get3A_2328] : memref<1x4x32xf32, #tpu.memory_space<smem>>
    %broadcast_in_dim3A_2330 = vector.broadcast %get3A_2329 : f32 to vector<160x125xf32>
    %select_n3A_2331 = arith.select %eq3A_2307, %broadcast_in_dim3A_2330, %select_n3A_2298 : vector<160x125xi1>, vector<160x125xf32>
    %get3A_2332 = arith.constant 0 : index
    %get3A_2333 = arith.constant 3 : index
    %get3A_2334 = arith.constant 15 : index
    %get3A_2335 = memref.load %arg2[%get3A_2332, %get3A_2333, %get3A_2334] : memref<1x4x32xf32, #tpu.memory_space<smem>>
    %broadcast_in_dim3A_2336 = vector.broadcast %get3A_2335 : f32 to vector<160x125xf32>
    %select_n3A_2337 = arith.select %eq3A_2307, %broadcast_in_dim3A_2336, %select_n3A_2304 : vector<160x125xi1>, vector<160x125xf32>
    %eq3A_2338 = arith.constant 16 : i32
    %eq3A_2339 = vector.broadcast %eq3A_2338 : i32 to vector<160x125xi32>
    %eq3A_2340 = arith.cmpi eq, %select_n3A_1793, %eq3A_2339 : vector<160x125xi32>
    %get3A_2341 = arith.constant 0 : index
    %get3A_2342 = arith.constant 0 : index
    %get3A_2343 = arith.constant 16 : index
    %get3A_2344 = memref.load %arg3[%get3A_2341, %get3A_2342, %get3A_2343] : memref<1x1x32xi32, #tpu.memory_space<smem>>
    %broadcast_in_dim3A_2345 = vector.broadcast %get3A_2344 : i32 to vector<160x125xi32>
    %select_n3A_2346 = arith.select %eq3A_2340, %broadcast_in_dim3A_2345, %select_n3A_2313 : vector<160x125xi1>, vector<160x125xi32>
    %get3A_2347 = arith.constant 0 : index
    %get3A_2348 = arith.constant 0 : index
    %get3A_2349 = arith.constant 16 : index
    %get3A_2350 = memref.load %arg2[%get3A_2347, %get3A_2348, %get3A_2349] : memref<1x4x32xf32, #tpu.memory_space<smem>>
    %broadcast_in_dim3A_2351 = vector.broadcast %get3A_2350 : f32 to vector<160x125xf32>
    %select_n3A_2352 = arith.select %eq3A_2340, %broadcast_in_dim3A_2351, %select_n3A_2319 : vector<160x125xi1>, vector<160x125xf32>
    %get3A_2353 = arith.constant 0 : index
    %get3A_2354 = arith.constant 1 : index
    %get3A_2355 = arith.constant 16 : index
    %get3A_2356 = memref.load %arg2[%get3A_2353, %get3A_2354, %get3A_2355] : memref<1x4x32xf32, #tpu.memory_space<smem>>
    %broadcast_in_dim3A_2357 = vector.broadcast %get3A_2356 : f32 to vector<160x125xf32>
    %select_n3A_2358 = arith.select %eq3A_2340, %broadcast_in_dim3A_2357, %select_n3A_2325 : vector<160x125xi1>, vector<160x125xf32>
    %get3A_2359 = arith.constant 0 : index
    %get3A_2360 = arith.constant 2 : index
    %get3A_2361 = arith.constant 16 : index
    %get3A_2362 = memref.load %arg2[%get3A_2359, %get3A_2360, %get3A_2361] : memref<1x4x32xf32, #tpu.memory_space<smem>>
    %broadcast_in_dim3A_2363 = vector.broadcast %get3A_2362 : f32 to vector<160x125xf32>
    %select_n3A_2364 = arith.select %eq3A_2340, %broadcast_in_dim3A_2363, %select_n3A_2331 : vector<160x125xi1>, vector<160x125xf32>
    %get3A_2365 = arith.constant 0 : index
    %get3A_2366 = arith.constant 3 : index
    %get3A_2367 = arith.constant 16 : index
    %get3A_2368 = memref.load %arg2[%get3A_2365, %get3A_2366, %get3A_2367] : memref<1x4x32xf32, #tpu.memory_space<smem>>
    %broadcast_in_dim3A_2369 = vector.broadcast %get3A_2368 : f32 to vector<160x125xf32>
    %select_n3A_2370 = arith.select %eq3A_2340, %broadcast_in_dim3A_2369, %select_n3A_2337 : vector<160x125xi1>, vector<160x125xf32>
    %eq3A_2371 = arith.constant 17 : i32
    %eq3A_2372 = vector.broadcast %eq3A_2371 : i32 to vector<160x125xi32>
    %eq3A_2373 = arith.cmpi eq, %select_n3A_1793, %eq3A_2372 : vector<160x125xi32>
    %get3A_2374 = arith.constant 0 : index
    %get3A_2375 = arith.constant 0 : index
    %get3A_2376 = arith.constant 17 : index
    %get3A_2377 = memref.load %arg3[%get3A_2374, %get3A_2375, %get3A_2376] : memref<1x1x32xi32, #tpu.memory_space<smem>>
    %broadcast_in_dim3A_2378 = vector.broadcast %get3A_2377 : i32 to vector<160x125xi32>
    %select_n3A_2379 = arith.select %eq3A_2373, %broadcast_in_dim3A_2378, %select_n3A_2346 : vector<160x125xi1>, vector<160x125xi32>
    %get3A_2380 = arith.constant 0 : index
    %get3A_2381 = arith.constant 0 : index
    %get3A_2382 = arith.constant 17 : index
    %get3A_2383 = memref.load %arg2[%get3A_2380, %get3A_2381, %get3A_2382] : memref<1x4x32xf32, #tpu.memory_space<smem>>
    %broadcast_in_dim3A_2384 = vector.broadcast %get3A_2383 : f32 to vector<160x125xf32>
    %select_n3A_2385 = arith.select %eq3A_2373, %broadcast_in_dim3A_2384, %select_n3A_2352 : vector<160x125xi1>, vector<160x125xf32>
    %get3A_2386 = arith.constant 0 : index
    %get3A_2387 = arith.constant 1 : index
    %get3A_2388 = arith.constant 17 : index
    %get3A_2389 = memref.load %arg2[%get3A_2386, %get3A_2387, %get3A_2388] : memref<1x4x32xf32, #tpu.memory_space<smem>>
    %broadcast_in_dim3A_2390 = vector.broadcast %get3A_2389 : f32 to vector<160x125xf32>
    %select_n3A_2391 = arith.select %eq3A_2373, %broadcast_in_dim3A_2390, %select_n3A_2358 : vector<160x125xi1>, vector<160x125xf32>
    %get3A_2392 = arith.constant 0 : index
    %get3A_2393 = arith.constant 2 : index
    %get3A_2394 = arith.constant 17 : index
    %get3A_2395 = memref.load %arg2[%get3A_2392, %get3A_2393, %get3A_2394] : memref<1x4x32xf32, #tpu.memory_space<smem>>
    %broadcast_in_dim3A_2396 = vector.broadcast %get3A_2395 : f32 to vector<160x125xf32>
    %select_n3A_2397 = arith.select %eq3A_2373, %broadcast_in_dim3A_2396, %select_n3A_2364 : vector<160x125xi1>, vector<160x125xf32>
    %get3A_2398 = arith.constant 0 : index
    %get3A_2399 = arith.constant 3 : index
    %get3A_2400 = arith.constant 17 : index
    %get3A_2401 = memref.load %arg2[%get3A_2398, %get3A_2399, %get3A_2400] : memref<1x4x32xf32, #tpu.memory_space<smem>>
    %broadcast_in_dim3A_2402 = vector.broadcast %get3A_2401 : f32 to vector<160x125xf32>
    %select_n3A_2403 = arith.select %eq3A_2373, %broadcast_in_dim3A_2402, %select_n3A_2370 : vector<160x125xi1>, vector<160x125xf32>
    %eq3A_2404 = arith.constant 18 : i32
    %eq3A_2405 = vector.broadcast %eq3A_2404 : i32 to vector<160x125xi32>
    %eq3A_2406 = arith.cmpi eq, %select_n3A_1793, %eq3A_2405 : vector<160x125xi32>
    %get3A_2407 = arith.constant 0 : index
    %get3A_2408 = arith.constant 0 : index
    %get3A_2409 = arith.constant 18 : index
    %get3A_2410 = memref.load %arg3[%get3A_2407, %get3A_2408, %get3A_2409] : memref<1x1x32xi32, #tpu.memory_space<smem>>
    %broadcast_in_dim3A_2411 = vector.broadcast %get3A_2410 : i32 to vector<160x125xi32>
    %select_n3A_2412 = arith.select %eq3A_2406, %broadcast_in_dim3A_2411, %select_n3A_2379 : vector<160x125xi1>, vector<160x125xi32>
    %get3A_2413 = arith.constant 0 : index
    %get3A_2414 = arith.constant 0 : index
    %get3A_2415 = arith.constant 18 : index
    %get3A_2416 = memref.load %arg2[%get3A_2413, %get3A_2414, %get3A_2415] : memref<1x4x32xf32, #tpu.memory_space<smem>>
    %broadcast_in_dim3A_2417 = vector.broadcast %get3A_2416 : f32 to vector<160x125xf32>
    %select_n3A_2418 = arith.select %eq3A_2406, %broadcast_in_dim3A_2417, %select_n3A_2385 : vector<160x125xi1>, vector<160x125xf32>
    %get3A_2419 = arith.constant 0 : index
    %get3A_2420 = arith.constant 1 : index
    %get3A_2421 = arith.constant 18 : index
    %get3A_2422 = memref.load %arg2[%get3A_2419, %get3A_2420, %get3A_2421] : memref<1x4x32xf32, #tpu.memory_space<smem>>
    %broadcast_in_dim3A_2423 = vector.broadcast %get3A_2422 : f32 to vector<160x125xf32>
    %select_n3A_2424 = arith.select %eq3A_2406, %broadcast_in_dim3A_2423, %select_n3A_2391 : vector<160x125xi1>, vector<160x125xf32>
    %get3A_2425 = arith.constant 0 : index
    %get3A_2426 = arith.constant 2 : index
    %get3A_2427 = arith.constant 18 : index
    %get3A_2428 = memref.load %arg2[%get3A_2425, %get3A_2426, %get3A_2427] : memref<1x4x32xf32, #tpu.memory_space<smem>>
    %broadcast_in_dim3A_2429 = vector.broadcast %get3A_2428 : f32 to vector<160x125xf32>
    %select_n3A_2430 = arith.select %eq3A_2406, %broadcast_in_dim3A_2429, %select_n3A_2397 : vector<160x125xi1>, vector<160x125xf32>
    %get3A_2431 = arith.constant 0 : index
    %get3A_2432 = arith.constant 3 : index
    %get3A_2433 = arith.constant 18 : index
    %get3A_2434 = memref.load %arg2[%get3A_2431, %get3A_2432, %get3A_2433] : memref<1x4x32xf32, #tpu.memory_space<smem>>
    %broadcast_in_dim3A_2435 = vector.broadcast %get3A_2434 : f32 to vector<160x125xf32>
    %select_n3A_2436 = arith.select %eq3A_2406, %broadcast_in_dim3A_2435, %select_n3A_2403 : vector<160x125xi1>, vector<160x125xf32>
    %eq3A_2437 = arith.constant 19 : i32
    %eq3A_2438 = vector.broadcast %eq3A_2437 : i32 to vector<160x125xi32>
    %eq3A_2439 = arith.cmpi eq, %select_n3A_1793, %eq3A_2438 : vector<160x125xi32>
    %get3A_2440 = arith.constant 0 : index
    %get3A_2441 = arith.constant 0 : index
    %get3A_2442 = arith.constant 19 : index
    %get3A_2443 = memref.load %arg3[%get3A_2440, %get3A_2441, %get3A_2442] : memref<1x1x32xi32, #tpu.memory_space<smem>>
    %broadcast_in_dim3A_2444 = vector.broadcast %get3A_2443 : i32 to vector<160x125xi32>
    %select_n3A_2445 = arith.select %eq3A_2439, %broadcast_in_dim3A_2444, %select_n3A_2412 : vector<160x125xi1>, vector<160x125xi32>
    %get3A_2446 = arith.constant 0 : index
    %get3A_2447 = arith.constant 0 : index
    %get3A_2448 = arith.constant 19 : index
    %get3A_2449 = memref.load %arg2[%get3A_2446, %get3A_2447, %get3A_2448] : memref<1x4x32xf32, #tpu.memory_space<smem>>
    %broadcast_in_dim3A_2450 = vector.broadcast %get3A_2449 : f32 to vector<160x125xf32>
    %select_n3A_2451 = arith.select %eq3A_2439, %broadcast_in_dim3A_2450, %select_n3A_2418 : vector<160x125xi1>, vector<160x125xf32>
    %get3A_2452 = arith.constant 0 : index
    %get3A_2453 = arith.constant 1 : index
    %get3A_2454 = arith.constant 19 : index
    %get3A_2455 = memref.load %arg2[%get3A_2452, %get3A_2453, %get3A_2454] : memref<1x4x32xf32, #tpu.memory_space<smem>>
    %broadcast_in_dim3A_2456 = vector.broadcast %get3A_2455 : f32 to vector<160x125xf32>
    %select_n3A_2457 = arith.select %eq3A_2439, %broadcast_in_dim3A_2456, %select_n3A_2424 : vector<160x125xi1>, vector<160x125xf32>
    %get3A_2458 = arith.constant 0 : index
    %get3A_2459 = arith.constant 2 : index
    %get3A_2460 = arith.constant 19 : index
    %get3A_2461 = memref.load %arg2[%get3A_2458, %get3A_2459, %get3A_2460] : memref<1x4x32xf32, #tpu.memory_space<smem>>
    %broadcast_in_dim3A_2462 = vector.broadcast %get3A_2461 : f32 to vector<160x125xf32>
    %select_n3A_2463 = arith.select %eq3A_2439, %broadcast_in_dim3A_2462, %select_n3A_2430 : vector<160x125xi1>, vector<160x125xf32>
    %get3A_2464 = arith.constant 0 : index
    %get3A_2465 = arith.constant 3 : index
    %get3A_2466 = arith.constant 19 : index
    %get3A_2467 = memref.load %arg2[%get3A_2464, %get3A_2465, %get3A_2466] : memref<1x4x32xf32, #tpu.memory_space<smem>>
    %broadcast_in_dim3A_2468 = vector.broadcast %get3A_2467 : f32 to vector<160x125xf32>
    %select_n3A_2469 = arith.select %eq3A_2439, %broadcast_in_dim3A_2468, %select_n3A_2436 : vector<160x125xi1>, vector<160x125xf32>
    %eq3A_2470 = arith.constant 20 : i32
    %eq3A_2471 = vector.broadcast %eq3A_2470 : i32 to vector<160x125xi32>
    %eq3A_2472 = arith.cmpi eq, %select_n3A_1793, %eq3A_2471 : vector<160x125xi32>
    %get3A_2473 = arith.constant 0 : index
    %get3A_2474 = arith.constant 0 : index
    %get3A_2475 = arith.constant 20 : index
    %get3A_2476 = memref.load %arg3[%get3A_2473, %get3A_2474, %get3A_2475] : memref<1x1x32xi32, #tpu.memory_space<smem>>
    %broadcast_in_dim3A_2477 = vector.broadcast %get3A_2476 : i32 to vector<160x125xi32>
    %select_n3A_2478 = arith.select %eq3A_2472, %broadcast_in_dim3A_2477, %select_n3A_2445 : vector<160x125xi1>, vector<160x125xi32>
    %get3A_2479 = arith.constant 0 : index
    %get3A_2480 = arith.constant 0 : index
    %get3A_2481 = arith.constant 20 : index
    %get3A_2482 = memref.load %arg2[%get3A_2479, %get3A_2480, %get3A_2481] : memref<1x4x32xf32, #tpu.memory_space<smem>>
    %broadcast_in_dim3A_2483 = vector.broadcast %get3A_2482 : f32 to vector<160x125xf32>
    %select_n3A_2484 = arith.select %eq3A_2472, %broadcast_in_dim3A_2483, %select_n3A_2451 : vector<160x125xi1>, vector<160x125xf32>
    %get3A_2485 = arith.constant 0 : index
    %get3A_2486 = arith.constant 1 : index
    %get3A_2487 = arith.constant 20 : index
    %get3A_2488 = memref.load %arg2[%get3A_2485, %get3A_2486, %get3A_2487] : memref<1x4x32xf32, #tpu.memory_space<smem>>
    %broadcast_in_dim3A_2489 = vector.broadcast %get3A_2488 : f32 to vector<160x125xf32>
    %select_n3A_2490 = arith.select %eq3A_2472, %broadcast_in_dim3A_2489, %select_n3A_2457 : vector<160x125xi1>, vector<160x125xf32>
    %get3A_2491 = arith.constant 0 : index
    %get3A_2492 = arith.constant 2 : index
    %get3A_2493 = arith.constant 20 : index
    %get3A_2494 = memref.load %arg2[%get3A_2491, %get3A_2492, %get3A_2493] : memref<1x4x32xf32, #tpu.memory_space<smem>>
    %broadcast_in_dim3A_2495 = vector.broadcast %get3A_2494 : f32 to vector<160x125xf32>
    %select_n3A_2496 = arith.select %eq3A_2472, %broadcast_in_dim3A_2495, %select_n3A_2463 : vector<160x125xi1>, vector<160x125xf32>
    %get3A_2497 = arith.constant 0 : index
    %get3A_2498 = arith.constant 3 : index
    %get3A_2499 = arith.constant 20 : index
    %get3A_2500 = memref.load %arg2[%get3A_2497, %get3A_2498, %get3A_2499] : memref<1x4x32xf32, #tpu.memory_space<smem>>
    %broadcast_in_dim3A_2501 = vector.broadcast %get3A_2500 : f32 to vector<160x125xf32>
    %select_n3A_2502 = arith.select %eq3A_2472, %broadcast_in_dim3A_2501, %select_n3A_2469 : vector<160x125xi1>, vector<160x125xf32>
    %eq3A_2503 = arith.constant 21 : i32
    %eq3A_2504 = vector.broadcast %eq3A_2503 : i32 to vector<160x125xi32>
    %eq3A_2505 = arith.cmpi eq, %select_n3A_1793, %eq3A_2504 : vector<160x125xi32>
    %get3A_2506 = arith.constant 0 : index
    %get3A_2507 = arith.constant 0 : index
    %get3A_2508 = arith.constant 21 : index
    %get3A_2509 = memref.load %arg3[%get3A_2506, %get3A_2507, %get3A_2508] : memref<1x1x32xi32, #tpu.memory_space<smem>>
    %broadcast_in_dim3A_2510 = vector.broadcast %get3A_2509 : i32 to vector<160x125xi32>
    %select_n3A_2511 = arith.select %eq3A_2505, %broadcast_in_dim3A_2510, %select_n3A_2478 : vector<160x125xi1>, vector<160x125xi32>
    %get3A_2512 = arith.constant 0 : index
    %get3A_2513 = arith.constant 0 : index
    %get3A_2514 = arith.constant 21 : index
    %get3A_2515 = memref.load %arg2[%get3A_2512, %get3A_2513, %get3A_2514] : memref<1x4x32xf32, #tpu.memory_space<smem>>
    %broadcast_in_dim3A_2516 = vector.broadcast %get3A_2515 : f32 to vector<160x125xf32>
    %select_n3A_2517 = arith.select %eq3A_2505, %broadcast_in_dim3A_2516, %select_n3A_2484 : vector<160x125xi1>, vector<160x125xf32>
    %get3A_2518 = arith.constant 0 : index
    %get3A_2519 = arith.constant 1 : index
    %get3A_2520 = arith.constant 21 : index
    %get3A_2521 = memref.load %arg2[%get3A_2518, %get3A_2519, %get3A_2520] : memref<1x4x32xf32, #tpu.memory_space<smem>>
    %broadcast_in_dim3A_2522 = vector.broadcast %get3A_2521 : f32 to vector<160x125xf32>
    %select_n3A_2523 = arith.select %eq3A_2505, %broadcast_in_dim3A_2522, %select_n3A_2490 : vector<160x125xi1>, vector<160x125xf32>
    %get3A_2524 = arith.constant 0 : index
    %get3A_2525 = arith.constant 2 : index
    %get3A_2526 = arith.constant 21 : index
    %get3A_2527 = memref.load %arg2[%get3A_2524, %get3A_2525, %get3A_2526] : memref<1x4x32xf32, #tpu.memory_space<smem>>
    %broadcast_in_dim3A_2528 = vector.broadcast %get3A_2527 : f32 to vector<160x125xf32>
    %select_n3A_2529 = arith.select %eq3A_2505, %broadcast_in_dim3A_2528, %select_n3A_2496 : vector<160x125xi1>, vector<160x125xf32>
    %get3A_2530 = arith.constant 0 : index
    %get3A_2531 = arith.constant 3 : index
    %get3A_2532 = arith.constant 21 : index
    %get3A_2533 = memref.load %arg2[%get3A_2530, %get3A_2531, %get3A_2532] : memref<1x4x32xf32, #tpu.memory_space<smem>>
    %broadcast_in_dim3A_2534 = vector.broadcast %get3A_2533 : f32 to vector<160x125xf32>
    %select_n3A_2535 = arith.select %eq3A_2505, %broadcast_in_dim3A_2534, %select_n3A_2502 : vector<160x125xi1>, vector<160x125xf32>
    %eq3A_2536 = arith.constant 22 : i32
    %eq3A_2537 = vector.broadcast %eq3A_2536 : i32 to vector<160x125xi32>
    %eq3A_2538 = arith.cmpi eq, %select_n3A_1793, %eq3A_2537 : vector<160x125xi32>
    %get3A_2539 = arith.constant 0 : index
    %get3A_2540 = arith.constant 0 : index
    %get3A_2541 = arith.constant 22 : index
    %get3A_2542 = memref.load %arg3[%get3A_2539, %get3A_2540, %get3A_2541] : memref<1x1x32xi32, #tpu.memory_space<smem>>
    %broadcast_in_dim3A_2543 = vector.broadcast %get3A_2542 : i32 to vector<160x125xi32>
    %select_n3A_2544 = arith.select %eq3A_2538, %broadcast_in_dim3A_2543, %select_n3A_2511 : vector<160x125xi1>, vector<160x125xi32>
    %get3A_2545 = arith.constant 0 : index
    %get3A_2546 = arith.constant 0 : index
    %get3A_2547 = arith.constant 22 : index
    %get3A_2548 = memref.load %arg2[%get3A_2545, %get3A_2546, %get3A_2547] : memref<1x4x32xf32, #tpu.memory_space<smem>>
    %broadcast_in_dim3A_2549 = vector.broadcast %get3A_2548 : f32 to vector<160x125xf32>
    %select_n3A_2550 = arith.select %eq3A_2538, %broadcast_in_dim3A_2549, %select_n3A_2517 : vector<160x125xi1>, vector<160x125xf32>
    %get3A_2551 = arith.constant 0 : index
    %get3A_2552 = arith.constant 1 : index
    %get3A_2553 = arith.constant 22 : index
    %get3A_2554 = memref.load %arg2[%get3A_2551, %get3A_2552, %get3A_2553] : memref<1x4x32xf32, #tpu.memory_space<smem>>
    %broadcast_in_dim3A_2555 = vector.broadcast %get3A_2554 : f32 to vector<160x125xf32>
    %select_n3A_2556 = arith.select %eq3A_2538, %broadcast_in_dim3A_2555, %select_n3A_2523 : vector<160x125xi1>, vector<160x125xf32>
    %get3A_2557 = arith.constant 0 : index
    %get3A_2558 = arith.constant 2 : index
    %get3A_2559 = arith.constant 22 : index
    %get3A_2560 = memref.load %arg2[%get3A_2557, %get3A_2558, %get3A_2559] : memref<1x4x32xf32, #tpu.memory_space<smem>>
    %broadcast_in_dim3A_2561 = vector.broadcast %get3A_2560 : f32 to vector<160x125xf32>
    %select_n3A_2562 = arith.select %eq3A_2538, %broadcast_in_dim3A_2561, %select_n3A_2529 : vector<160x125xi1>, vector<160x125xf32>
    %get3A_2563 = arith.constant 0 : index
    %get3A_2564 = arith.constant 3 : index
    %get3A_2565 = arith.constant 22 : index
    %get3A_2566 = memref.load %arg2[%get3A_2563, %get3A_2564, %get3A_2565] : memref<1x4x32xf32, #tpu.memory_space<smem>>
    %broadcast_in_dim3A_2567 = vector.broadcast %get3A_2566 : f32 to vector<160x125xf32>
    %select_n3A_2568 = arith.select %eq3A_2538, %broadcast_in_dim3A_2567, %select_n3A_2535 : vector<160x125xi1>, vector<160x125xf32>
    %eq3A_2569 = arith.constant 23 : i32
    %eq3A_2570 = vector.broadcast %eq3A_2569 : i32 to vector<160x125xi32>
    %eq3A_2571 = arith.cmpi eq, %select_n3A_1793, %eq3A_2570 : vector<160x125xi32>
    %get3A_2572 = arith.constant 0 : index
    %get3A_2573 = arith.constant 0 : index
    %get3A_2574 = arith.constant 23 : index
    %get3A_2575 = memref.load %arg3[%get3A_2572, %get3A_2573, %get3A_2574] : memref<1x1x32xi32, #tpu.memory_space<smem>>
    %broadcast_in_dim3A_2576 = vector.broadcast %get3A_2575 : i32 to vector<160x125xi32>
    %select_n3A_2577 = arith.select %eq3A_2571, %broadcast_in_dim3A_2576, %select_n3A_2544 : vector<160x125xi1>, vector<160x125xi32>
    %get3A_2578 = arith.constant 0 : index
    %get3A_2579 = arith.constant 0 : index
    %get3A_2580 = arith.constant 23 : index
    %get3A_2581 = memref.load %arg2[%get3A_2578, %get3A_2579, %get3A_2580] : memref<1x4x32xf32, #tpu.memory_space<smem>>
    %broadcast_in_dim3A_2582 = vector.broadcast %get3A_2581 : f32 to vector<160x125xf32>
    %select_n3A_2583 = arith.select %eq3A_2571, %broadcast_in_dim3A_2582, %select_n3A_2550 : vector<160x125xi1>, vector<160x125xf32>
    %get3A_2584 = arith.constant 0 : index
    %get3A_2585 = arith.constant 1 : index
    %get3A_2586 = arith.constant 23 : index
    %get3A_2587 = memref.load %arg2[%get3A_2584, %get3A_2585, %get3A_2586] : memref<1x4x32xf32, #tpu.memory_space<smem>>
    %broadcast_in_dim3A_2588 = vector.broadcast %get3A_2587 : f32 to vector<160x125xf32>
    %select_n3A_2589 = arith.select %eq3A_2571, %broadcast_in_dim3A_2588, %select_n3A_2556 : vector<160x125xi1>, vector<160x125xf32>
    %get3A_2590 = arith.constant 0 : index
    %get3A_2591 = arith.constant 2 : index
    %get3A_2592 = arith.constant 23 : index
    %get3A_2593 = memref.load %arg2[%get3A_2590, %get3A_2591, %get3A_2592] : memref<1x4x32xf32, #tpu.memory_space<smem>>
    %broadcast_in_dim3A_2594 = vector.broadcast %get3A_2593 : f32 to vector<160x125xf32>
    %select_n3A_2595 = arith.select %eq3A_2571, %broadcast_in_dim3A_2594, %select_n3A_2562 : vector<160x125xi1>, vector<160x125xf32>
    %get3A_2596 = arith.constant 0 : index
    %get3A_2597 = arith.constant 3 : index
    %get3A_2598 = arith.constant 23 : index
    %get3A_2599 = memref.load %arg2[%get3A_2596, %get3A_2597, %get3A_2598] : memref<1x4x32xf32, #tpu.memory_space<smem>>
    %broadcast_in_dim3A_2600 = vector.broadcast %get3A_2599 : f32 to vector<160x125xf32>
    %select_n3A_2601 = arith.select %eq3A_2571, %broadcast_in_dim3A_2600, %select_n3A_2568 : vector<160x125xi1>, vector<160x125xf32>
    %eq3A_2602 = arith.constant 24 : i32
    %eq3A_2603 = vector.broadcast %eq3A_2602 : i32 to vector<160x125xi32>
    %eq3A_2604 = arith.cmpi eq, %select_n3A_1793, %eq3A_2603 : vector<160x125xi32>
    %get3A_2605 = arith.constant 0 : index
    %get3A_2606 = arith.constant 0 : index
    %get3A_2607 = arith.constant 24 : index
    %get3A_2608 = memref.load %arg3[%get3A_2605, %get3A_2606, %get3A_2607] : memref<1x1x32xi32, #tpu.memory_space<smem>>
    %broadcast_in_dim3A_2609 = vector.broadcast %get3A_2608 : i32 to vector<160x125xi32>
    %select_n3A_2610 = arith.select %eq3A_2604, %broadcast_in_dim3A_2609, %select_n3A_2577 : vector<160x125xi1>, vector<160x125xi32>
    %get3A_2611 = arith.constant 0 : index
    %get3A_2612 = arith.constant 0 : index
    %get3A_2613 = arith.constant 24 : index
    %get3A_2614 = memref.load %arg2[%get3A_2611, %get3A_2612, %get3A_2613] : memref<1x4x32xf32, #tpu.memory_space<smem>>
    %broadcast_in_dim3A_2615 = vector.broadcast %get3A_2614 : f32 to vector<160x125xf32>
    %select_n3A_2616 = arith.select %eq3A_2604, %broadcast_in_dim3A_2615, %select_n3A_2583 : vector<160x125xi1>, vector<160x125xf32>
    %get3A_2617 = arith.constant 0 : index
    %get3A_2618 = arith.constant 1 : index
    %get3A_2619 = arith.constant 24 : index
    %get3A_2620 = memref.load %arg2[%get3A_2617, %get3A_2618, %get3A_2619] : memref<1x4x32xf32, #tpu.memory_space<smem>>
    %broadcast_in_dim3A_2621 = vector.broadcast %get3A_2620 : f32 to vector<160x125xf32>
    %select_n3A_2622 = arith.select %eq3A_2604, %broadcast_in_dim3A_2621, %select_n3A_2589 : vector<160x125xi1>, vector<160x125xf32>
    %get3A_2623 = arith.constant 0 : index
    %get3A_2624 = arith.constant 2 : index
    %get3A_2625 = arith.constant 24 : index
    %get3A_2626 = memref.load %arg2[%get3A_2623, %get3A_2624, %get3A_2625] : memref<1x4x32xf32, #tpu.memory_space<smem>>
    %broadcast_in_dim3A_2627 = vector.broadcast %get3A_2626 : f32 to vector<160x125xf32>
    %select_n3A_2628 = arith.select %eq3A_2604, %broadcast_in_dim3A_2627, %select_n3A_2595 : vector<160x125xi1>, vector<160x125xf32>
    %get3A_2629 = arith.constant 0 : index
    %get3A_2630 = arith.constant 3 : index
    %get3A_2631 = arith.constant 24 : index
    %get3A_2632 = memref.load %arg2[%get3A_2629, %get3A_2630, %get3A_2631] : memref<1x4x32xf32, #tpu.memory_space<smem>>
    %broadcast_in_dim3A_2633 = vector.broadcast %get3A_2632 : f32 to vector<160x125xf32>
    %select_n3A_2634 = arith.select %eq3A_2604, %broadcast_in_dim3A_2633, %select_n3A_2601 : vector<160x125xi1>, vector<160x125xf32>
    %eq3A_2635 = arith.constant 25 : i32
    %eq3A_2636 = vector.broadcast %eq3A_2635 : i32 to vector<160x125xi32>
    %eq3A_2637 = arith.cmpi eq, %select_n3A_1793, %eq3A_2636 : vector<160x125xi32>
    %get3A_2638 = arith.constant 0 : index
    %get3A_2639 = arith.constant 0 : index
    %get3A_2640 = arith.constant 25 : index
    %get3A_2641 = memref.load %arg3[%get3A_2638, %get3A_2639, %get3A_2640] : memref<1x1x32xi32, #tpu.memory_space<smem>>
    %broadcast_in_dim3A_2642 = vector.broadcast %get3A_2641 : i32 to vector<160x125xi32>
    %select_n3A_2643 = arith.select %eq3A_2637, %broadcast_in_dim3A_2642, %select_n3A_2610 : vector<160x125xi1>, vector<160x125xi32>
    %get3A_2644 = arith.constant 0 : index
    %get3A_2645 = arith.constant 0 : index
    %get3A_2646 = arith.constant 25 : index
    %get3A_2647 = memref.load %arg2[%get3A_2644, %get3A_2645, %get3A_2646] : memref<1x4x32xf32, #tpu.memory_space<smem>>
    %broadcast_in_dim3A_2648 = vector.broadcast %get3A_2647 : f32 to vector<160x125xf32>
    %select_n3A_2649 = arith.select %eq3A_2637, %broadcast_in_dim3A_2648, %select_n3A_2616 : vector<160x125xi1>, vector<160x125xf32>
    %get3A_2650 = arith.constant 0 : index
    %get3A_2651 = arith.constant 1 : index
    %get3A_2652 = arith.constant 25 : index
    %get3A_2653 = memref.load %arg2[%get3A_2650, %get3A_2651, %get3A_2652] : memref<1x4x32xf32, #tpu.memory_space<smem>>
    %broadcast_in_dim3A_2654 = vector.broadcast %get3A_2653 : f32 to vector<160x125xf32>
    %select_n3A_2655 = arith.select %eq3A_2637, %broadcast_in_dim3A_2654, %select_n3A_2622 : vector<160x125xi1>, vector<160x125xf32>
    %get3A_2656 = arith.constant 0 : index
    %get3A_2657 = arith.constant 2 : index
    %get3A_2658 = arith.constant 25 : index
    %get3A_2659 = memref.load %arg2[%get3A_2656, %get3A_2657, %get3A_2658] : memref<1x4x32xf32, #tpu.memory_space<smem>>
    %broadcast_in_dim3A_2660 = vector.broadcast %get3A_2659 : f32 to vector<160x125xf32>
    %select_n3A_2661 = arith.select %eq3A_2637, %broadcast_in_dim3A_2660, %select_n3A_2628 : vector<160x125xi1>, vector<160x125xf32>
    %get3A_2662 = arith.constant 0 : index
    %get3A_2663 = arith.constant 3 : index
    %get3A_2664 = arith.constant 25 : index
    %get3A_2665 = memref.load %arg2[%get3A_2662, %get3A_2663, %get3A_2664] : memref<1x4x32xf32, #tpu.memory_space<smem>>
    %broadcast_in_dim3A_2666 = vector.broadcast %get3A_2665 : f32 to vector<160x125xf32>
    %select_n3A_2667 = arith.select %eq3A_2637, %broadcast_in_dim3A_2666, %select_n3A_2634 : vector<160x125xi1>, vector<160x125xf32>
    %eq3A_2668 = arith.constant 26 : i32
    %eq3A_2669 = vector.broadcast %eq3A_2668 : i32 to vector<160x125xi32>
    %eq3A_2670 = arith.cmpi eq, %select_n3A_1793, %eq3A_2669 : vector<160x125xi32>
    %get3A_2671 = arith.constant 0 : index
    %get3A_2672 = arith.constant 0 : index
    %get3A_2673 = arith.constant 26 : index
    %get3A_2674 = memref.load %arg3[%get3A_2671, %get3A_2672, %get3A_2673] : memref<1x1x32xi32, #tpu.memory_space<smem>>
    %broadcast_in_dim3A_2675 = vector.broadcast %get3A_2674 : i32 to vector<160x125xi32>
    %select_n3A_2676 = arith.select %eq3A_2670, %broadcast_in_dim3A_2675, %select_n3A_2643 : vector<160x125xi1>, vector<160x125xi32>
    %get3A_2677 = arith.constant 0 : index
    %get3A_2678 = arith.constant 0 : index
    %get3A_2679 = arith.constant 26 : index
    %get3A_2680 = memref.load %arg2[%get3A_2677, %get3A_2678, %get3A_2679] : memref<1x4x32xf32, #tpu.memory_space<smem>>
    %broadcast_in_dim3A_2681 = vector.broadcast %get3A_2680 : f32 to vector<160x125xf32>
    %select_n3A_2682 = arith.select %eq3A_2670, %broadcast_in_dim3A_2681, %select_n3A_2649 : vector<160x125xi1>, vector<160x125xf32>
    %get3A_2683 = arith.constant 0 : index
    %get3A_2684 = arith.constant 1 : index
    %get3A_2685 = arith.constant 26 : index
    %get3A_2686 = memref.load %arg2[%get3A_2683, %get3A_2684, %get3A_2685] : memref<1x4x32xf32, #tpu.memory_space<smem>>
    %broadcast_in_dim3A_2687 = vector.broadcast %get3A_2686 : f32 to vector<160x125xf32>
    %select_n3A_2688 = arith.select %eq3A_2670, %broadcast_in_dim3A_2687, %select_n3A_2655 : vector<160x125xi1>, vector<160x125xf32>
    %get3A_2689 = arith.constant 0 : index
    %get3A_2690 = arith.constant 2 : index
    %get3A_2691 = arith.constant 26 : index
    %get3A_2692 = memref.load %arg2[%get3A_2689, %get3A_2690, %get3A_2691] : memref<1x4x32xf32, #tpu.memory_space<smem>>
    %broadcast_in_dim3A_2693 = vector.broadcast %get3A_2692 : f32 to vector<160x125xf32>
    %select_n3A_2694 = arith.select %eq3A_2670, %broadcast_in_dim3A_2693, %select_n3A_2661 : vector<160x125xi1>, vector<160x125xf32>
    %get3A_2695 = arith.constant 0 : index
    %get3A_2696 = arith.constant 3 : index
    %get3A_2697 = arith.constant 26 : index
    %get3A_2698 = memref.load %arg2[%get3A_2695, %get3A_2696, %get3A_2697] : memref<1x4x32xf32, #tpu.memory_space<smem>>
    %broadcast_in_dim3A_2699 = vector.broadcast %get3A_2698 : f32 to vector<160x125xf32>
    %select_n3A_2700 = arith.select %eq3A_2670, %broadcast_in_dim3A_2699, %select_n3A_2667 : vector<160x125xi1>, vector<160x125xf32>
    %eq3A_2701 = arith.constant 27 : i32
    %eq3A_2702 = vector.broadcast %eq3A_2701 : i32 to vector<160x125xi32>
    %eq3A_2703 = arith.cmpi eq, %select_n3A_1793, %eq3A_2702 : vector<160x125xi32>
    %get3A_2704 = arith.constant 0 : index
    %get3A_2705 = arith.constant 0 : index
    %get3A_2706 = arith.constant 27 : index
    %get3A_2707 = memref.load %arg3[%get3A_2704, %get3A_2705, %get3A_2706] : memref<1x1x32xi32, #tpu.memory_space<smem>>
    %broadcast_in_dim3A_2708 = vector.broadcast %get3A_2707 : i32 to vector<160x125xi32>
    %select_n3A_2709 = arith.select %eq3A_2703, %broadcast_in_dim3A_2708, %select_n3A_2676 : vector<160x125xi1>, vector<160x125xi32>
    %get3A_2710 = arith.constant 0 : index
    %get3A_2711 = arith.constant 0 : index
    %get3A_2712 = arith.constant 27 : index
    %get3A_2713 = memref.load %arg2[%get3A_2710, %get3A_2711, %get3A_2712] : memref<1x4x32xf32, #tpu.memory_space<smem>>
    %broadcast_in_dim3A_2714 = vector.broadcast %get3A_2713 : f32 to vector<160x125xf32>
    %select_n3A_2715 = arith.select %eq3A_2703, %broadcast_in_dim3A_2714, %select_n3A_2682 : vector<160x125xi1>, vector<160x125xf32>
    %get3A_2716 = arith.constant 0 : index
    %get3A_2717 = arith.constant 1 : index
    %get3A_2718 = arith.constant 27 : index
    %get3A_2719 = memref.load %arg2[%get3A_2716, %get3A_2717, %get3A_2718] : memref<1x4x32xf32, #tpu.memory_space<smem>>
    %broadcast_in_dim3A_2720 = vector.broadcast %get3A_2719 : f32 to vector<160x125xf32>
    %select_n3A_2721 = arith.select %eq3A_2703, %broadcast_in_dim3A_2720, %select_n3A_2688 : vector<160x125xi1>, vector<160x125xf32>
    %get3A_2722 = arith.constant 0 : index
    %get3A_2723 = arith.constant 2 : index
    %get3A_2724 = arith.constant 27 : index
    %get3A_2725 = memref.load %arg2[%get3A_2722, %get3A_2723, %get3A_2724] : memref<1x4x32xf32, #tpu.memory_space<smem>>
    %broadcast_in_dim3A_2726 = vector.broadcast %get3A_2725 : f32 to vector<160x125xf32>
    %select_n3A_2727 = arith.select %eq3A_2703, %broadcast_in_dim3A_2726, %select_n3A_2694 : vector<160x125xi1>, vector<160x125xf32>
    %get3A_2728 = arith.constant 0 : index
    %get3A_2729 = arith.constant 3 : index
    %get3A_2730 = arith.constant 27 : index
    %get3A_2731 = memref.load %arg2[%get3A_2728, %get3A_2729, %get3A_2730] : memref<1x4x32xf32, #tpu.memory_space<smem>>
    %broadcast_in_dim3A_2732 = vector.broadcast %get3A_2731 : f32 to vector<160x125xf32>
    %select_n3A_2733 = arith.select %eq3A_2703, %broadcast_in_dim3A_2732, %select_n3A_2700 : vector<160x125xi1>, vector<160x125xf32>
    %eq3A_2734 = arith.constant 28 : i32
    %eq3A_2735 = vector.broadcast %eq3A_2734 : i32 to vector<160x125xi32>
    %eq3A_2736 = arith.cmpi eq, %select_n3A_1793, %eq3A_2735 : vector<160x125xi32>
    %get3A_2737 = arith.constant 0 : index
    %get3A_2738 = arith.constant 0 : index
    %get3A_2739 = arith.constant 28 : index
    %get3A_2740 = memref.load %arg3[%get3A_2737, %get3A_2738, %get3A_2739] : memref<1x1x32xi32, #tpu.memory_space<smem>>
    %broadcast_in_dim3A_2741 = vector.broadcast %get3A_2740 : i32 to vector<160x125xi32>
    %select_n3A_2742 = arith.select %eq3A_2736, %broadcast_in_dim3A_2741, %select_n3A_2709 : vector<160x125xi1>, vector<160x125xi32>
    %get3A_2743 = arith.constant 0 : index
    %get3A_2744 = arith.constant 0 : index
    %get3A_2745 = arith.constant 28 : index
    %get3A_2746 = memref.load %arg2[%get3A_2743, %get3A_2744, %get3A_2745] : memref<1x4x32xf32, #tpu.memory_space<smem>>
    %broadcast_in_dim3A_2747 = vector.broadcast %get3A_2746 : f32 to vector<160x125xf32>
    %select_n3A_2748 = arith.select %eq3A_2736, %broadcast_in_dim3A_2747, %select_n3A_2715 : vector<160x125xi1>, vector<160x125xf32>
    %get3A_2749 = arith.constant 0 : index
    %get3A_2750 = arith.constant 1 : index
    %get3A_2751 = arith.constant 28 : index
    %get3A_2752 = memref.load %arg2[%get3A_2749, %get3A_2750, %get3A_2751] : memref<1x4x32xf32, #tpu.memory_space<smem>>
    %broadcast_in_dim3A_2753 = vector.broadcast %get3A_2752 : f32 to vector<160x125xf32>
    %select_n3A_2754 = arith.select %eq3A_2736, %broadcast_in_dim3A_2753, %select_n3A_2721 : vector<160x125xi1>, vector<160x125xf32>
    %get3A_2755 = arith.constant 0 : index
    %get3A_2756 = arith.constant 2 : index
    %get3A_2757 = arith.constant 28 : index
    %get3A_2758 = memref.load %arg2[%get3A_2755, %get3A_2756, %get3A_2757] : memref<1x4x32xf32, #tpu.memory_space<smem>>
    %broadcast_in_dim3A_2759 = vector.broadcast %get3A_2758 : f32 to vector<160x125xf32>
    %select_n3A_2760 = arith.select %eq3A_2736, %broadcast_in_dim3A_2759, %select_n3A_2727 : vector<160x125xi1>, vector<160x125xf32>
    %get3A_2761 = arith.constant 0 : index
    %get3A_2762 = arith.constant 3 : index
    %get3A_2763 = arith.constant 28 : index
    %get3A_2764 = memref.load %arg2[%get3A_2761, %get3A_2762, %get3A_2763] : memref<1x4x32xf32, #tpu.memory_space<smem>>
    %broadcast_in_dim3A_2765 = vector.broadcast %get3A_2764 : f32 to vector<160x125xf32>
    %select_n3A_2766 = arith.select %eq3A_2736, %broadcast_in_dim3A_2765, %select_n3A_2733 : vector<160x125xi1>, vector<160x125xf32>
    %eq3A_2767 = arith.constant 29 : i32
    %eq3A_2768 = vector.broadcast %eq3A_2767 : i32 to vector<160x125xi32>
    %eq3A_2769 = arith.cmpi eq, %select_n3A_1793, %eq3A_2768 : vector<160x125xi32>
    %get3A_2770 = arith.constant 0 : index
    %get3A_2771 = arith.constant 0 : index
    %get3A_2772 = arith.constant 29 : index
    %get3A_2773 = memref.load %arg3[%get3A_2770, %get3A_2771, %get3A_2772] : memref<1x1x32xi32, #tpu.memory_space<smem>>
    %broadcast_in_dim3A_2774 = vector.broadcast %get3A_2773 : i32 to vector<160x125xi32>
    %select_n3A_2775 = arith.select %eq3A_2769, %broadcast_in_dim3A_2774, %select_n3A_2742 : vector<160x125xi1>, vector<160x125xi32>
    %get3A_2776 = arith.constant 0 : index
    %get3A_2777 = arith.constant 0 : index
    %get3A_2778 = arith.constant 29 : index
    %get3A_2779 = memref.load %arg2[%get3A_2776, %get3A_2777, %get3A_2778] : memref<1x4x32xf32, #tpu.memory_space<smem>>
    %broadcast_in_dim3A_2780 = vector.broadcast %get3A_2779 : f32 to vector<160x125xf32>
    %select_n3A_2781 = arith.select %eq3A_2769, %broadcast_in_dim3A_2780, %select_n3A_2748 : vector<160x125xi1>, vector<160x125xf32>
    %get3A_2782 = arith.constant 0 : index
    %get3A_2783 = arith.constant 1 : index
    %get3A_2784 = arith.constant 29 : index
    %get3A_2785 = memref.load %arg2[%get3A_2782, %get3A_2783, %get3A_2784] : memref<1x4x32xf32, #tpu.memory_space<smem>>
    %broadcast_in_dim3A_2786 = vector.broadcast %get3A_2785 : f32 to vector<160x125xf32>
    %select_n3A_2787 = arith.select %eq3A_2769, %broadcast_in_dim3A_2786, %select_n3A_2754 : vector<160x125xi1>, vector<160x125xf32>
    %get3A_2788 = arith.constant 0 : index
    %get3A_2789 = arith.constant 2 : index
    %get3A_2790 = arith.constant 29 : index
    %get3A_2791 = memref.load %arg2[%get3A_2788, %get3A_2789, %get3A_2790] : memref<1x4x32xf32, #tpu.memory_space<smem>>
    %broadcast_in_dim3A_2792 = vector.broadcast %get3A_2791 : f32 to vector<160x125xf32>
    %select_n3A_2793 = arith.select %eq3A_2769, %broadcast_in_dim3A_2792, %select_n3A_2760 : vector<160x125xi1>, vector<160x125xf32>
    %get3A_2794 = arith.constant 0 : index
    %get3A_2795 = arith.constant 3 : index
    %get3A_2796 = arith.constant 29 : index
    %get3A_2797 = memref.load %arg2[%get3A_2794, %get3A_2795, %get3A_2796] : memref<1x4x32xf32, #tpu.memory_space<smem>>
    %broadcast_in_dim3A_2798 = vector.broadcast %get3A_2797 : f32 to vector<160x125xf32>
    %select_n3A_2799 = arith.select %eq3A_2769, %broadcast_in_dim3A_2798, %select_n3A_2766 : vector<160x125xi1>, vector<160x125xf32>
    %eq3A_2800 = arith.constant 30 : i32
    %eq3A_2801 = vector.broadcast %eq3A_2800 : i32 to vector<160x125xi32>
    %eq3A_2802 = arith.cmpi eq, %select_n3A_1793, %eq3A_2801 : vector<160x125xi32>
    %get3A_2803 = arith.constant 0 : index
    %get3A_2804 = arith.constant 0 : index
    %get3A_2805 = arith.constant 30 : index
    %get3A_2806 = memref.load %arg3[%get3A_2803, %get3A_2804, %get3A_2805] : memref<1x1x32xi32, #tpu.memory_space<smem>>
    %broadcast_in_dim3A_2807 = vector.broadcast %get3A_2806 : i32 to vector<160x125xi32>
    %select_n3A_2808 = arith.select %eq3A_2802, %broadcast_in_dim3A_2807, %select_n3A_2775 : vector<160x125xi1>, vector<160x125xi32>
    %get3A_2809 = arith.constant 0 : index
    %get3A_2810 = arith.constant 0 : index
    %get3A_2811 = arith.constant 30 : index
    %get3A_2812 = memref.load %arg2[%get3A_2809, %get3A_2810, %get3A_2811] : memref<1x4x32xf32, #tpu.memory_space<smem>>
    %broadcast_in_dim3A_2813 = vector.broadcast %get3A_2812 : f32 to vector<160x125xf32>
    %select_n3A_2814 = arith.select %eq3A_2802, %broadcast_in_dim3A_2813, %select_n3A_2781 : vector<160x125xi1>, vector<160x125xf32>
    %get3A_2815 = arith.constant 0 : index
    %get3A_2816 = arith.constant 1 : index
    %get3A_2817 = arith.constant 30 : index
    %get3A_2818 = memref.load %arg2[%get3A_2815, %get3A_2816, %get3A_2817] : memref<1x4x32xf32, #tpu.memory_space<smem>>
    %broadcast_in_dim3A_2819 = vector.broadcast %get3A_2818 : f32 to vector<160x125xf32>
    %select_n3A_2820 = arith.select %eq3A_2802, %broadcast_in_dim3A_2819, %select_n3A_2787 : vector<160x125xi1>, vector<160x125xf32>
    %get3A_2821 = arith.constant 0 : index
    %get3A_2822 = arith.constant 2 : index
    %get3A_2823 = arith.constant 30 : index
    %get3A_2824 = memref.load %arg2[%get3A_2821, %get3A_2822, %get3A_2823] : memref<1x4x32xf32, #tpu.memory_space<smem>>
    %broadcast_in_dim3A_2825 = vector.broadcast %get3A_2824 : f32 to vector<160x125xf32>
    %select_n3A_2826 = arith.select %eq3A_2802, %broadcast_in_dim3A_2825, %select_n3A_2793 : vector<160x125xi1>, vector<160x125xf32>
    %get3A_2827 = arith.constant 0 : index
    %get3A_2828 = arith.constant 3 : index
    %get3A_2829 = arith.constant 30 : index
    %get3A_2830 = memref.load %arg2[%get3A_2827, %get3A_2828, %get3A_2829] : memref<1x4x32xf32, #tpu.memory_space<smem>>
    %broadcast_in_dim3A_2831 = vector.broadcast %get3A_2830 : f32 to vector<160x125xf32>
    %select_n3A_2832 = arith.select %eq3A_2802, %broadcast_in_dim3A_2831, %select_n3A_2799 : vector<160x125xi1>, vector<160x125xf32>
    %eq3A_2833 = arith.constant 31 : i32
    %eq3A_2834 = vector.broadcast %eq3A_2833 : i32 to vector<160x125xi32>
    %eq3A_2835 = arith.cmpi eq, %select_n3A_1793, %eq3A_2834 : vector<160x125xi32>
    %get3A_2836 = arith.constant 0 : index
    %get3A_2837 = arith.constant 0 : index
    %get3A_2838 = arith.constant 31 : index
    %get3A_2839 = memref.load %arg3[%get3A_2836, %get3A_2837, %get3A_2838] : memref<1x1x32xi32, #tpu.memory_space<smem>>
    %broadcast_in_dim3A_2840 = vector.broadcast %get3A_2839 : i32 to vector<160x125xi32>
    %select_n3A_2841 = arith.select %eq3A_2835, %broadcast_in_dim3A_2840, %select_n3A_2808 : vector<160x125xi1>, vector<160x125xi32>
    %get3A_2842 = arith.constant 0 : index
    %get3A_2843 = arith.constant 0 : index
    %get3A_2844 = arith.constant 31 : index
    %get3A_2845 = memref.load %arg2[%get3A_2842, %get3A_2843, %get3A_2844] : memref<1x4x32xf32, #tpu.memory_space<smem>>
    %broadcast_in_dim3A_2846 = vector.broadcast %get3A_2845 : f32 to vector<160x125xf32>
    %select_n3A_2847 = arith.select %eq3A_2835, %broadcast_in_dim3A_2846, %select_n3A_2814 : vector<160x125xi1>, vector<160x125xf32>
    %get3A_2848 = arith.constant 0 : index
    %get3A_2849 = arith.constant 1 : index
    %get3A_2850 = arith.constant 31 : index
    %get3A_2851 = memref.load %arg2[%get3A_2848, %get3A_2849, %get3A_2850] : memref<1x4x32xf32, #tpu.memory_space<smem>>
    %broadcast_in_dim3A_2852 = vector.broadcast %get3A_2851 : f32 to vector<160x125xf32>
    %select_n3A_2853 = arith.select %eq3A_2835, %broadcast_in_dim3A_2852, %select_n3A_2820 : vector<160x125xi1>, vector<160x125xf32>
    %get3A_2854 = arith.constant 0 : index
    %get3A_2855 = arith.constant 2 : index
    %get3A_2856 = arith.constant 31 : index
    %get3A_2857 = memref.load %arg2[%get3A_2854, %get3A_2855, %get3A_2856] : memref<1x4x32xf32, #tpu.memory_space<smem>>
    %broadcast_in_dim3A_2858 = vector.broadcast %get3A_2857 : f32 to vector<160x125xf32>
    %select_n3A_2859 = arith.select %eq3A_2835, %broadcast_in_dim3A_2858, %select_n3A_2826 : vector<160x125xi1>, vector<160x125xf32>
    %get3A_2860 = arith.constant 0 : index
    %get3A_2861 = arith.constant 3 : index
    %get3A_2862 = arith.constant 31 : index
    %get3A_2863 = memref.load %arg2[%get3A_2860, %get3A_2861, %get3A_2862] : memref<1x4x32xf32, #tpu.memory_space<smem>>
    %broadcast_in_dim3A_2864 = vector.broadcast %get3A_2863 : f32 to vector<160x125xf32>
    %select_n3A_2865 = arith.select %eq3A_2835, %broadcast_in_dim3A_2864, %select_n3A_2832 : vector<160x125xi1>, vector<160x125xf32>
    %lt3A = arith.constant 5.000000e-01 : f32
    %lt3A_2866 = vector.broadcast %lt3A : f32 to vector<160x125xf32>
    %lt3A_2867 = arith.cmpf olt, %select_n3A_1799, %lt3A_2866 : vector<160x125xf32>
    %jit3A_2868 = arith.constant 0 : i32
    %broadcast_in_dim3A_2869 = vector.broadcast %jit3A_2868 : i32 to vector<160x125xi32>
    %select_n3A_2870 = arith.select %lt3A_2867, %broadcast_in_dim3A_2869, %select_n3A_2841 : vector<160x125xi1>, vector<160x125xi32>
    %swap3A_2871 = arith.constant 0 : index
    %swap3A_2872 = arith.constant 0 : index
    %swap3A_2873 = arith.constant 0 : index
    %swap3A_2874 = vector.load %arg5[%swap3A_2871, %swap3A_2872, %swap3A_2873] : memref<1x160x125xi32, #tpu.memory_space<vmem>>, vector<1x160x125xi32>
    %swap3A_2875 = vector.shape_cast %swap3A_2874 : vector<1x160x125xi32> to vector<160x125xi32>
    %swap3A_2876 = vector.shape_cast %select_n3A_2870 : vector<160x125xi32> to vector<1x160x125xi32>
    tpu.vector_store %arg5[%swap3A_2871, %swap3A_2872, %swap3A_2873], %swap3A_2876 {strides = array<i32>} : memref<1x160x125xi32, #tpu.memory_space<vmem>>, vector<1x160x125xi32>,
    %ne3A = arith.constant 0 : i32
    %ne3A_2877 = vector.broadcast %ne3A : i32 to vector<160x125xi32>
    %ne3A_2878 = arith.cmpi ne, %select_n3A_2870, %ne3A_2877 : vector<160x125xi32>
    %convert_element_type3A = arith.extui %ne3A_2878 : vector<160x125xi1> to vector<160x125xi32>
    %convert_element_type3A_2879 = arith.sitofp %convert_element_type3A : vector<160x125xi32> to vector<160x125xf32>
    %reduce_sum3A = vector.shape_cast %convert_element_type3A_2879 : vector<160x125xf32> to vector<1x160x125xf32>
    %reduce_sum3A_2880 = arith.constant dense<0.000000e+00> : vector<1xf32>
    %reduce_sum3A_2881 = vector.multi_reduction <add>, %reduce_sum3A, %reduce_sum3A_2880 [1, 2] : vector<1x160x125xf32> to vector<1xf32>
    %reduce_sum3A_2882 = vector.shape_cast %reduce_sum3A_2881 : vector<1xf32> to vector<1x1x1xf32>
    %reduce_sum3A_2883 = vector.extract %reduce_sum3A_2882[0, 0, 0] : f32 from vector<1x1x1xf32>
    %add3A_2884 = arith.addf %select_n3A_2847, %select_n3A_2859 : vector<160x125xf32>
    %div3A_2885 = arith.constant 2.000000e+00 : f32
    %div3A_2886 = vector.broadcast %div3A_2885 : f32 to vector<160x125xf32>
    %div3A_2887 = arith.divf %add3A_2884, %div3A_2886 : vector<160x125xf32>
    %add3A_2888 = arith.addf %select_n3A_2853, %select_n3A_2865 : vector<160x125xf32>
    %div3A_2889 = arith.constant 2.000000e+00 : f32
    %div3A_2890 = vector.broadcast %div3A_2889 : f32 to vector<160x125xf32>
    %div3A_2891 = arith.divf %add3A_2888, %div3A_2890 : vector<160x125xf32>
    %sub3A_2892 = arith.subf %select_n3A_2859, %select_n3A_2847 : vector<160x125xf32>
    %sub3A_2893 = arith.subf %select_n3A_2865, %select_n3A_2853 : vector<160x125xf32>
    %sub3A_2894 = arith.subf %div3A_2887, %get3A_3 : vector<160x125xf32>
    %div3A_2895 = arith.constant 1.000000e+01 : f32
    %div3A_2896 = vector.broadcast %div3A_2895 : f32 to vector<160x125xf32>
    %div3A_2897 = arith.divf %get3A_13, %div3A_2896 : vector<160x125xf32>
    %div3A_2898 = arith.divf %sub3A_2894, %div3A_2897 : vector<160x125xf32>
    %sub3A_2899 = arith.subf %div3A_2891, %get3A_8 : vector<160x125xf32>
    %div3A_2900 = arith.constant 1.000000e+01 : f32
    %div3A_2901 = vector.broadcast %div3A_2900 : f32 to vector<160x125xf32>
    %div3A_2902 = arith.divf %get3A_18, %div3A_2901 : vector<160x125xf32>
    %div3A_2903 = arith.divf %sub3A_2899, %div3A_2902 : vector<160x125xf32>
    %div3A_2904 = arith.divf %sub3A_2892, %get3A_13 : vector<160x125xf32>
    %max3A_2905 = arith.constant 9.99999993E-9 : f32
    %max3A_2906 = vector.broadcast %max3A_2905 : f32 to vector<160x125xf32>
    %max3A_2907 = arith.maximumf %div3A_2904, %max3A_2906 : vector<160x125xf32>
    %log3A = math.log %max3A_2907 : vector<160x125xf32>
    %mul3A_2908 = arith.constant 5.000000e+00 : f32
    %mul3A_2909 = vector.broadcast %mul3A_2908 : f32 to vector<160x125xf32>
    %mul3A_2910 = arith.mulf %log3A, %mul3A_2909 : vector<160x125xf32>
    %div3A_2911 = arith.divf %sub3A_2893, %get3A_18 : vector<160x125xf32>
    %max3A_2912 = arith.constant 9.99999993E-9 : f32
    %max3A_2913 = vector.broadcast %max3A_2912 : f32 to vector<160x125xf32>
    %max3A_2914 = arith.maximumf %div3A_2911, %max3A_2913 : vector<160x125xf32>
    %log3A_2915 = math.log %max3A_2914 : vector<160x125xf32>
    %mul3A_2916 = arith.constant 5.000000e+00 : f32
    %mul3A_2917 = vector.broadcast %mul3A_2916 : f32 to vector<160x125xf32>
    %mul3A_2918 = arith.mulf %log3A_2915, %mul3A_2917 : vector<160x125xf32>
    %broadcast_in_dim3A_2919 = arith.constant 0.000000e+00 : f32
    %broadcast_in_dim3A_2920 = vector.broadcast %broadcast_in_dim3A_2919 : f32 to vector<160x125xf32>
    %get3A_2921 = arith.constant 0 : index
    %get3A_2922 = arith.constant 0 : index
    %get3A_2923 = arith.constant 0 : index
    %get3A_2924 = arith.constant 0 : index
    %get3A_2925 = vector.load %arg4[%get3A_2921, %get3A_2922, %get3A_2923, %get3A_2924] : memref<1x4x160x125xf32, #tpu.memory_space<vmem>>, vector<1x1x160x125xf32>
    %get3A_2926 = vector.shape_cast %get3A_2925 : vector<1x1x160x125xf32> to vector<160x125xf32>
    %sub3A_2927 = arith.subf %get3A_2926, %div3A_2898 : vector<160x125xf32>
    %abs3A = math.absf %sub3A_2927 : vector<160x125xf32>
    %lt3A_2928 = arith.constant 1.000000e+00 : f32
    %lt3A_2929 = vector.broadcast %lt3A_2928 : f32 to vector<160x125xf32>
    %lt3A_2930 = arith.cmpf olt, %abs3A, %lt3A_2929 : vector<160x125xf32>
    %mul3A_2931 = arith.constant 5.000000e-01 : f32
    %mul3A_2932 = vector.broadcast %mul3A_2931 : f32 to vector<160x125xf32>
    %mul3A_2933 = arith.mulf %mul3A_2932, %abs3A : vector<160x125xf32>
    %mul3A_2934 = arith.mulf %mul3A_2933, %abs3A : vector<160x125xf32>
    %sub3A_2935 = arith.constant 5.000000e-01 : f32
    %sub3A_2936 = vector.broadcast %sub3A_2935 : f32 to vector<160x125xf32>
    %sub3A_2937 = arith.subf %abs3A, %sub3A_2936 : vector<160x125xf32>
    %select_n3A_2938 = arith.select %lt3A_2930, %mul3A_2934, %sub3A_2937 : vector<160x125xi1>, vector<160x125xf32>
    %add3A_2939 = arith.addf %broadcast_in_dim3A_2920, %select_n3A_2938 : vector<160x125xf32>
    %get3A_2940 = arith.constant 0 : index
    %get3A_2941 = arith.constant 1 : index
    %get3A_2942 = arith.constant 0 : index
    %get3A_2943 = arith.constant 0 : index
    %get3A_2944 = vector.load %arg4[%get3A_2940, %get3A_2941, %get3A_2942, %get3A_2943] : memref<1x4x160x125xf32, #tpu.memory_space<vmem>>, vector<1x1x160x125xf32>
    %get3A_2945 = vector.shape_cast %get3A_2944 : vector<1x1x160x125xf32> to vector<160x125xf32>
    %sub3A_2946 = arith.subf %get3A_2945, %div3A_2903 : vector<160x125xf32>
    %abs3A_2947 = math.absf %sub3A_2946 : vector<160x125xf32>
    %lt3A_2948 = arith.constant 1.000000e+00 : f32
    %lt3A_2949 = vector.broadcast %lt3A_2948 : f32 to vector<160x125xf32>
    %lt3A_2950 = arith.cmpf olt, %abs3A_2947, %lt3A_2949 : vector<160x125xf32>
    %mul3A_2951 = arith.constant 5.000000e-01 : f32
    %mul3A_2952 = vector.broadcast %mul3A_2951 : f32 to vector<160x125xf32>
    %mul3A_2953 = arith.mulf %mul3A_2952, %abs3A_2947 : vector<160x125xf32>
    %mul3A_2954 = arith.mulf %mul3A_2953, %abs3A_2947 : vector<160x125xf32>
    %sub3A_2955 = arith.constant 5.000000e-01 : f32
    %sub3A_2956 = vector.broadcast %sub3A_2955 : f32 to vector<160x125xf32>
    %sub3A_2957 = arith.subf %abs3A_2947, %sub3A_2956 : vector<160x125xf32>
    %select_n3A_2958 = arith.select %lt3A_2950, %mul3A_2954, %sub3A_2957 : vector<160x125xi1>, vector<160x125xf32>
    %add3A_2959 = arith.addf %add3A_2939, %select_n3A_2958 : vector<160x125xf32>
    %get3A_2960 = arith.constant 0 : index
    %get3A_2961 = arith.constant 2 : index
    %get3A_2962 = arith.constant 0 : index
    %get3A_2963 = arith.constant 0 : index
    %get3A_2964 = vector.load %arg4[%get3A_2960, %get3A_2961, %get3A_2962, %get3A_2963] : memref<1x4x160x125xf32, #tpu.memory_space<vmem>>, vector<1x1x160x125xf32>
    %get3A_2965 = vector.shape_cast %get3A_2964 : vector<1x1x160x125xf32> to vector<160x125xf32>
    %sub3A_2966 = arith.subf %get3A_2965, %mul3A_2910 : vector<160x125xf32>
    %abs3A_2967 = math.absf %sub3A_2966 : vector<160x125xf32>
    %lt3A_2968 = arith.constant 1.000000e+00 : f32
    %lt3A_2969 = vector.broadcast %lt3A_2968 : f32 to vector<160x125xf32>
    %lt3A_2970 = arith.cmpf olt, %abs3A_2967, %lt3A_2969 : vector<160x125xf32>
    %mul3A_2971 = arith.constant 5.000000e-01 : f32
    %mul3A_2972 = vector.broadcast %mul3A_2971 : f32 to vector<160x125xf32>
    %mul3A_2973 = arith.mulf %mul3A_2972, %abs3A_2967 : vector<160x125xf32>
    %mul3A_2974 = arith.mulf %mul3A_2973, %abs3A_2967 : vector<160x125xf32>
    %sub3A_2975 = arith.constant 5.000000e-01 : f32
    %sub3A_2976 = vector.broadcast %sub3A_2975 : f32 to vector<160x125xf32>
    %sub3A_2977 = arith.subf %abs3A_2967, %sub3A_2976 : vector<160x125xf32>
    %select_n3A_2978 = arith.select %lt3A_2970, %mul3A_2974, %sub3A_2977 : vector<160x125xi1>, vector<160x125xf32>
    %add3A_2979 = arith.addf %add3A_2959, %select_n3A_2978 : vector<160x125xf32>
    %get3A_2980 = arith.constant 0 : index
    %get3A_2981 = arith.constant 3 : index
    %get3A_2982 = arith.constant 0 : index
    %get3A_2983 = arith.constant 0 : index
    %get3A_2984 = vector.load %arg4[%get3A_2980, %get3A_2981, %get3A_2982, %get3A_2983] : memref<1x4x160x125xf32, #tpu.memory_space<vmem>>, vector<1x1x160x125xf32>
    %get3A_2985 = vector.shape_cast %get3A_2984 : vector<1x1x160x125xf32> to vector<160x125xf32>
    %sub3A_2986 = arith.subf %get3A_2985, %mul3A_2918 : vector<160x125xf32>
    %abs3A_2987 = math.absf %sub3A_2986 : vector<160x125xf32>
    %lt3A_2988 = arith.constant 1.000000e+00 : f32
    %lt3A_2989 = vector.broadcast %lt3A_2988 : f32 to vector<160x125xf32>
    %lt3A_2990 = arith.cmpf olt, %abs3A_2987, %lt3A_2989 : vector<160x125xf32>
    %mul3A_2991 = arith.constant 5.000000e-01 : f32
    %mul3A_2992 = vector.broadcast %mul3A_2991 : f32 to vector<160x125xf32>
    %mul3A_2993 = arith.mulf %mul3A_2992, %abs3A_2987 : vector<160x125xf32>
    %mul3A_2994 = arith.mulf %mul3A_2993, %abs3A_2987 : vector<160x125xf32>
    %sub3A_2995 = arith.constant 5.000000e-01 : f32
    %sub3A_2996 = vector.broadcast %sub3A_2995 : f32 to vector<160x125xf32>
    %sub3A_2997 = arith.subf %abs3A_2987, %sub3A_2996 : vector<160x125xf32>
    %select_n3A_2998 = arith.select %lt3A_2990, %mul3A_2994, %sub3A_2997 : vector<160x125xi1>, vector<160x125xf32>
    %add3A_2999 = arith.addf %add3A_2979, %select_n3A_2998 : vector<160x125xf32>
    %jit3A_3000 = arith.constant 0.000000e+00 : f32
    %broadcast_in_dim3A_3001 = vector.broadcast %jit3A_3000 : f32 to vector<160x125xf32>
    %select_n3A_3002 = arith.select %ne3A_2878, %add3A_2999, %broadcast_in_dim3A_3001 : vector<160x125xi1>, vector<160x125xf32>
    %reduce_sum3A_3003 = vector.shape_cast %select_n3A_3002 : vector<160x125xf32> to vector<1x160x125xf32>
    %reduce_sum3A_3004 = arith.constant dense<0.000000e+00> : vector<1xf32>
    %reduce_sum3A_3005 = vector.multi_reduction <add>, %reduce_sum3A_3003, %reduce_sum3A_3004 [1, 2] : vector<1x160x125xf32> to vector<1xf32>
    %reduce_sum3A_3006 = vector.shape_cast %reduce_sum3A_3005 : vector<1xf32> to vector<1x1x1xf32>
    %reduce_sum3A_3007 = vector.extract %reduce_sum3A_3006[0, 0, 0] : f32 from vector<1x1x1xf32>
    %iota3A_3008 = tpu.iota {dimensions = array<i32: 1>} : vector<1x128xi32>
    %eq3A_3009 = arith.constant 0 : i32
    %eq3A_3010 = vector.broadcast %eq3A_3009 : i32 to vector<1x128xi32>
    %eq3A_3011 = arith.cmpi eq, %iota3A_3008, %eq3A_3010 : vector<1x128xi32>
    %eq3A_3012 = arith.constant 1 : i32
    %eq3A_3013 = vector.broadcast %eq3A_3012 : i32 to vector<1x128xi32>
    %eq3A_3014 = arith.cmpi eq, %iota3A_3008, %eq3A_3013 : vector<1x128xi32>
    %jit3A_3015 = arith.constant 0.000000e+00 : f32
    %broadcast_in_dim3A_3016 = vector.broadcast %reduce_sum3A_3007 : f32 to vector<1x128xf32>
    %broadcast_in_dim3A_3017 = vector.broadcast %jit3A_3015 : f32 to vector<1x128xf32>
    %select_n3A_3018 = arith.select %eq3A_3014, %broadcast_in_dim3A_3016, %broadcast_in_dim3A_3017 : vector<1x128xi1>, vector<1x128xf32>
    %broadcast_in_dim3A_3019 = vector.broadcast %reduce_sum3A_2883 : f32 to vector<1x128xf32>
    %select_n3A_3020 = arith.select %eq3A_3011, %broadcast_in_dim3A_3019, %select_n3A_3018 : vector<1x128xi1>, vector<1x128xf32>
    %swap3A_3021 = arith.constant 0 : index
    %swap3A_3022 = arith.constant 0 : index
    %swap3A_3023 = arith.constant 0 : index
    %swap3A_3024 = vector.load %arg6[%swap3A_3021, %swap3A_3022, %swap3A_3023] : memref<1x1x128xf32, #tpu.memory_space<vmem>>, vector<1x1x128xf32>
    %swap3A_3025 = vector.shape_cast %swap3A_3024 : vector<1x1x128xf32> to vector<1x128xf32>
    %swap3A_3026 = vector.shape_cast %select_n3A_3020 : vector<1x128xf32> to vector<1x1x128xf32>
    tpu.vector_store %arg6[%swap3A_3021, %swap3A_3022, %swap3A_3023], %swap3A_3026 {strides = array<i32>} : memref<1x1x128xf32, #tpu.memory_space<vmem>>, vector<1x1x128xf32>,
    return
  }
  func.func @transform_0(%arg0: i32) -> (i32, i32, i32) {
    %c0_i32 = arith.constant 0 : i32
    %c0_i32_0 = arith.constant 0 : i32
    %c0_i32_1 = arith.constant 0 : i32
    %c0_i32_2 = arith.constant 0 : i32
    return %c0_i32, %c0_i32_0, %c0_i32_1 : i32, i32, i32
  }
  func.func @transform_1(%arg0: i32) -> (i32, i32, i32) {
    %c0_i32 = arith.constant 0 : i32
    %c0_i32_0 = arith.constant 0 : i32
    %c0_i32_1 = arith.constant 0 : i32
    return %arg0, %c0_i32, %c0_i32_0 : i32, i32, i32
  }
  func.func @transform_2(%arg0: i32) -> (i32, i32, i32) {
    %c0_i32 = arith.constant 0 : i32
    %c0_i32_0 = arith.constant 0 : i32
    %c0_i32_1 = arith.constant 0 : i32
    return %arg0, %c0_i32, %c0_i32_0 : i32, i32, i32
  }
  func.func @transform_3(%arg0: i32) -> (i32, i32, i32, i32) {
    %c0_i32 = arith.constant 0 : i32
    %c0_i32_0 = arith.constant 0 : i32
    %c0_i32_1 = arith.constant 0 : i32
    %c0_i32_2 = arith.constant 0 : i32
    return %arg0, %c0_i32, %c0_i32_0, %c0_i32_1 : i32, i32, i32, i32
  }
  func.func @transform_4(%arg0: i32) -> (i32, i32, i32) {
    %c0_i32 = arith.constant 0 : i32
    %c0_i32_0 = arith.constant 0 : i32
    %c0_i32_1 = arith.constant 0 : i32
    return %arg0, %c0_i32, %c0_i32_0 : i32, i32, i32
  }
  func.func @transform_5(%arg0: i32) -> (i32, i32, i32) {
    %c0_i32 = arith.constant 0 : i32
    %c0_i32_0 = arith.constant 0 : i32
    %c0_i32_1 = arith.constant 0 : i32
    return %arg0, %c0_i32, %c0_i32_0 : i32, i32, i32
  }
}

module attributes {stable_mosaic.version = 14 : i64} {
  func.func @_ce_kernel(%arg0: i32, %arg1: memref<1x20000x81xf32, #tpu.memory_space<vmem>>, %arg2: memref<1x800x25xi32, #tpu.memory_space<vmem>>, %arg3: memref<1x800x25xf32, #tpu.memory_space<vmem>>, %arg4: memref<1x1x128xf32, #tpu.memory_space<vmem>>) attributes {dimension_semantics = [#tpu.dimension_semantics<arbitrary>], iteration_bounds = array<i64: 16>, scalar_prefetch = 0 : i64, scratch_operands = 0 : i64, tpu.core_type = #tpu.core_type<tc>, window_params = [{transform_indices = @transform_0, window_bounds = array<i64: 1, 20000, 81>}, {transform_indices = @transform_1, window_bounds = array<i64: 1, 800, 25>}, {transform_indices = @transform_2, window_bounds = array<i64: 1, 800, 25>}, {transform_indices = @transform_3, window_bounds = array<i64: 1, 1, 128>}]} {
    %iota3A = tpu.iota {dimensions = array<i32: 1>} : vector<800x81xi32>
    %get3A = arith.constant 0 : index
    %get3A_0 = arith.constant 0 : index
    %get3A_1 = arith.constant 0 : index
    %get3A_2 = vector.load %arg1[%get3A, %get3A_0, %get3A_1] : memref<1x20000x81xf32, #tpu.memory_space<vmem>>, vector<1x800x81xf32>
    %get3A_3 = vector.shape_cast %get3A_2 : vector<1x800x81xf32> to vector<800x81xf32>
    %get3A_4 = arith.constant 0 : index
    %get3A_5 = arith.constant 0 : index
    %get3A_6 = arith.constant 0 : index
    %get3A_7 = vector.load %arg2[%get3A_4, %get3A_5, %get3A_6] : memref<1x800x25xi32, #tpu.memory_space<vmem>>, vector<1x800x1xi32>
    %get3A_8 = vector.shape_cast %get3A_7 : vector<1x800x1xi32> to vector<800x1xi32>
    %exp3A = math.exp %get3A_3 : vector<800x81xf32>
    %reduce_sum3A = arith.constant dense<0.000000e+00> : vector<800xf32>
    %reduce_sum3A_9 = vector.multi_reduction <add>, %exp3A, %reduce_sum3A [1] : vector<800x81xf32> to vector<800xf32>
    %broadcast_in_dim3A = vector.shape_cast %reduce_sum3A_9 : vector<800xf32> to vector<800x1xf32>
    %eq3A = vector.broadcast %get3A_8 : vector<800x1xi32> to vector<800x81xi32>
    %eq3A_10 = arith.cmpi eq, %iota3A, %eq3A : vector<800x81xi32>
    %jit3A = arith.constant 0.000000e+00 : f32
    %broadcast_in_dim3A_11 = vector.broadcast %jit3A : f32 to vector<800x81xf32>
    %select_n3A = arith.select %eq3A_10, %get3A_3, %broadcast_in_dim3A_11 : vector<800x81xi1>, vector<800x81xf32>
    %reduce_sum3A_12 = arith.constant dense<0.000000e+00> : vector<800xf32>
    %reduce_sum3A_13 = vector.multi_reduction <add>, %select_n3A, %reduce_sum3A_12 [1] : vector<800x81xf32> to vector<800xf32>
    %broadcast_in_dim3A_14 = vector.shape_cast %reduce_sum3A_13 : vector<800xf32> to vector<800x1xf32>
    %log3A = math.log %broadcast_in_dim3A : vector<800x1xf32>
    %sub3A = arith.subf %log3A, %broadcast_in_dim3A_14 : vector<800x1xf32>
    %ne3A = arith.constant 0 : i32
    %ne3A_15 = vector.broadcast %ne3A : i32 to vector<800x1xi32>
    %ne3A_16 = arith.cmpi ne, %get3A_8, %ne3A_15 : vector<800x1xi32>
    %jit3A_17 = arith.constant 0.000000e+00 : f32
    %broadcast_in_dim3A_18 = vector.broadcast %jit3A_17 : f32 to vector<800x1xf32>
    %select_n3A_19 = arith.select %ne3A_16, %broadcast_in_dim3A_18, %sub3A : vector<800x1xi1>, vector<800x1xf32>
    %swap3A = arith.constant 0 : index
    %swap3A_20 = arith.constant 0 : index
    %swap3A_21 = arith.constant 0 : index
    %swap3A_22 = vector.load %arg3[%swap3A, %swap3A_20, %swap3A_21] : memref<1x800x25xf32, #tpu.memory_space<vmem>>, vector<1x800x1xf32>
    %swap3A_23 = vector.shape_cast %swap3A_22 : vector<1x800x1xf32> to vector<800x1xf32>
    %swap3A_24 = vector.shape_cast %select_n3A_19 : vector<800x1xf32> to vector<1x800x1xf32>
    tpu.vector_store %arg3[%swap3A, %swap3A_20, %swap3A_21], %swap3A_24 {strides = array<i32>} : memref<1x800x25xf32, #tpu.memory_space<vmem>>, vector<1x800x1xf32>,
    %jit3A_25 = arith.constant 0.000000e+00 : f32
    %broadcast_in_dim3A_26 = vector.broadcast %jit3A_25 : f32 to vector<800x1xf32>
    %select_n3A_27 = arith.select %ne3A_16, %sub3A, %broadcast_in_dim3A_26 : vector<800x1xi1>, vector<800x1xf32>
    %reduce_sum3A_28 = vector.shape_cast %select_n3A_27 : vector<800x1xf32> to vector<1x800x1xf32>
    %reduce_sum3A_29 = arith.constant dense<0.000000e+00> : vector<1xf32>
    %reduce_sum3A_30 = vector.multi_reduction <add>, %reduce_sum3A_28, %reduce_sum3A_29 [1, 2] : vector<1x800x1xf32> to vector<1xf32>
    %reduce_sum3A_31 = vector.shape_cast %reduce_sum3A_30 : vector<1xf32> to vector<1x1x1xf32>
    %reduce_sum3A_32 = vector.extract %reduce_sum3A_31[0, 0, 0] : f32 from vector<1x1x1xf32>
    %add3A = arith.constant 0.000000e+00 : f32
    %add3A_33 = arith.addf %add3A, %reduce_sum3A_32 : f32
    %get3A_34 = arith.constant 0 : index
    %get3A_35 = arith.constant 800 : index
    %get3A_36 = arith.constant 0 : index
    %get3A_37 = vector.load %arg1[%get3A_34, %get3A_35, %get3A_36] : memref<1x20000x81xf32, #tpu.memory_space<vmem>>, vector<1x800x81xf32>
    %get3A_38 = vector.shape_cast %get3A_37 : vector<1x800x81xf32> to vector<800x81xf32>
    %get3A_39 = arith.constant 0 : index
    %get3A_40 = arith.constant 0 : index
    %get3A_41 = arith.constant 1 : index
    %get3A_42 = vector.load %arg2[%get3A_39, %get3A_40, %get3A_41] : memref<1x800x25xi32, #tpu.memory_space<vmem>>, vector<1x800x1xi32>
    %get3A_43 = vector.shape_cast %get3A_42 : vector<1x800x1xi32> to vector<800x1xi32>
    %exp3A_44 = math.exp %get3A_38 : vector<800x81xf32>
    %reduce_sum3A_45 = arith.constant dense<0.000000e+00> : vector<800xf32>
    %reduce_sum3A_46 = vector.multi_reduction <add>, %exp3A_44, %reduce_sum3A_45 [1] : vector<800x81xf32> to vector<800xf32>
    %broadcast_in_dim3A_47 = vector.shape_cast %reduce_sum3A_46 : vector<800xf32> to vector<800x1xf32>
    %eq3A_48 = vector.broadcast %get3A_43 : vector<800x1xi32> to vector<800x81xi32>
    %eq3A_49 = arith.cmpi eq, %iota3A, %eq3A_48 : vector<800x81xi32>
    %jit3A_50 = arith.constant 0.000000e+00 : f32
    %broadcast_in_dim3A_51 = vector.broadcast %jit3A_50 : f32 to vector<800x81xf32>
    %select_n3A_52 = arith.select %eq3A_49, %get3A_38, %broadcast_in_dim3A_51 : vector<800x81xi1>, vector<800x81xf32>
    %reduce_sum3A_53 = arith.constant dense<0.000000e+00> : vector<800xf32>
    %reduce_sum3A_54 = vector.multi_reduction <add>, %select_n3A_52, %reduce_sum3A_53 [1] : vector<800x81xf32> to vector<800xf32>
    %broadcast_in_dim3A_55 = vector.shape_cast %reduce_sum3A_54 : vector<800xf32> to vector<800x1xf32>
    %log3A_56 = math.log %broadcast_in_dim3A_47 : vector<800x1xf32>
    %sub3A_57 = arith.subf %log3A_56, %broadcast_in_dim3A_55 : vector<800x1xf32>
    %ne3A_58 = arith.constant 0 : i32
    %ne3A_59 = vector.broadcast %ne3A_58 : i32 to vector<800x1xi32>
    %ne3A_60 = arith.cmpi ne, %get3A_43, %ne3A_59 : vector<800x1xi32>
    %jit3A_61 = arith.constant 0.000000e+00 : f32
    %broadcast_in_dim3A_62 = vector.broadcast %jit3A_61 : f32 to vector<800x1xf32>
    %select_n3A_63 = arith.select %ne3A_60, %broadcast_in_dim3A_62, %sub3A_57 : vector<800x1xi1>, vector<800x1xf32>
    %swap3A_64 = arith.constant 0 : index
    %swap3A_65 = arith.constant 0 : index
    %swap3A_66 = arith.constant 1 : index
    %swap3A_67 = vector.load %arg3[%swap3A_64, %swap3A_65, %swap3A_66] : memref<1x800x25xf32, #tpu.memory_space<vmem>>, vector<1x800x1xf32>
    %swap3A_68 = vector.shape_cast %swap3A_67 : vector<1x800x1xf32> to vector<800x1xf32>
    %swap3A_69 = vector.shape_cast %select_n3A_63 : vector<800x1xf32> to vector<1x800x1xf32>
    tpu.vector_store %arg3[%swap3A_64, %swap3A_65, %swap3A_66], %swap3A_69 {strides = array<i32>} : memref<1x800x25xf32, #tpu.memory_space<vmem>>, vector<1x800x1xf32>,
    %jit3A_70 = arith.constant 0.000000e+00 : f32
    %broadcast_in_dim3A_71 = vector.broadcast %jit3A_70 : f32 to vector<800x1xf32>
    %select_n3A_72 = arith.select %ne3A_60, %sub3A_57, %broadcast_in_dim3A_71 : vector<800x1xi1>, vector<800x1xf32>
    %reduce_sum3A_73 = vector.shape_cast %select_n3A_72 : vector<800x1xf32> to vector<1x800x1xf32>
    %reduce_sum3A_74 = arith.constant dense<0.000000e+00> : vector<1xf32>
    %reduce_sum3A_75 = vector.multi_reduction <add>, %reduce_sum3A_73, %reduce_sum3A_74 [1, 2] : vector<1x800x1xf32> to vector<1xf32>
    %reduce_sum3A_76 = vector.shape_cast %reduce_sum3A_75 : vector<1xf32> to vector<1x1x1xf32>
    %reduce_sum3A_77 = vector.extract %reduce_sum3A_76[0, 0, 0] : f32 from vector<1x1x1xf32>
    %add3A_78 = arith.addf %add3A_33, %reduce_sum3A_77 : f32
    %get3A_79 = arith.constant 0 : index
    %get3A_80 = arith.constant 1600 : index
    %get3A_81 = arith.constant 0 : index
    %get3A_82 = vector.load %arg1[%get3A_79, %get3A_80, %get3A_81] : memref<1x20000x81xf32, #tpu.memory_space<vmem>>, vector<1x800x81xf32>
    %get3A_83 = vector.shape_cast %get3A_82 : vector<1x800x81xf32> to vector<800x81xf32>
    %get3A_84 = arith.constant 0 : index
    %get3A_85 = arith.constant 0 : index
    %get3A_86 = arith.constant 2 : index
    %get3A_87 = vector.load %arg2[%get3A_84, %get3A_85, %get3A_86] : memref<1x800x25xi32, #tpu.memory_space<vmem>>, vector<1x800x1xi32>
    %get3A_88 = vector.shape_cast %get3A_87 : vector<1x800x1xi32> to vector<800x1xi32>
    %exp3A_89 = math.exp %get3A_83 : vector<800x81xf32>
    %reduce_sum3A_90 = arith.constant dense<0.000000e+00> : vector<800xf32>
    %reduce_sum3A_91 = vector.multi_reduction <add>, %exp3A_89, %reduce_sum3A_90 [1] : vector<800x81xf32> to vector<800xf32>
    %broadcast_in_dim3A_92 = vector.shape_cast %reduce_sum3A_91 : vector<800xf32> to vector<800x1xf32>
    %eq3A_93 = vector.broadcast %get3A_88 : vector<800x1xi32> to vector<800x81xi32>
    %eq3A_94 = arith.cmpi eq, %iota3A, %eq3A_93 : vector<800x81xi32>
    %jit3A_95 = arith.constant 0.000000e+00 : f32
    %broadcast_in_dim3A_96 = vector.broadcast %jit3A_95 : f32 to vector<800x81xf32>
    %select_n3A_97 = arith.select %eq3A_94, %get3A_83, %broadcast_in_dim3A_96 : vector<800x81xi1>, vector<800x81xf32>
    %reduce_sum3A_98 = arith.constant dense<0.000000e+00> : vector<800xf32>
    %reduce_sum3A_99 = vector.multi_reduction <add>, %select_n3A_97, %reduce_sum3A_98 [1] : vector<800x81xf32> to vector<800xf32>
    %broadcast_in_dim3A_100 = vector.shape_cast %reduce_sum3A_99 : vector<800xf32> to vector<800x1xf32>
    %log3A_101 = math.log %broadcast_in_dim3A_92 : vector<800x1xf32>
    %sub3A_102 = arith.subf %log3A_101, %broadcast_in_dim3A_100 : vector<800x1xf32>
    %ne3A_103 = arith.constant 0 : i32
    %ne3A_104 = vector.broadcast %ne3A_103 : i32 to vector<800x1xi32>
    %ne3A_105 = arith.cmpi ne, %get3A_88, %ne3A_104 : vector<800x1xi32>
    %jit3A_106 = arith.constant 0.000000e+00 : f32
    %broadcast_in_dim3A_107 = vector.broadcast %jit3A_106 : f32 to vector<800x1xf32>
    %select_n3A_108 = arith.select %ne3A_105, %broadcast_in_dim3A_107, %sub3A_102 : vector<800x1xi1>, vector<800x1xf32>
    %swap3A_109 = arith.constant 0 : index
    %swap3A_110 = arith.constant 0 : index
    %swap3A_111 = arith.constant 2 : index
    %swap3A_112 = vector.load %arg3[%swap3A_109, %swap3A_110, %swap3A_111] : memref<1x800x25xf32, #tpu.memory_space<vmem>>, vector<1x800x1xf32>
    %swap3A_113 = vector.shape_cast %swap3A_112 : vector<1x800x1xf32> to vector<800x1xf32>
    %swap3A_114 = vector.shape_cast %select_n3A_108 : vector<800x1xf32> to vector<1x800x1xf32>
    tpu.vector_store %arg3[%swap3A_109, %swap3A_110, %swap3A_111], %swap3A_114 {strides = array<i32>} : memref<1x800x25xf32, #tpu.memory_space<vmem>>, vector<1x800x1xf32>,
    %jit3A_115 = arith.constant 0.000000e+00 : f32
    %broadcast_in_dim3A_116 = vector.broadcast %jit3A_115 : f32 to vector<800x1xf32>
    %select_n3A_117 = arith.select %ne3A_105, %sub3A_102, %broadcast_in_dim3A_116 : vector<800x1xi1>, vector<800x1xf32>
    %reduce_sum3A_118 = vector.shape_cast %select_n3A_117 : vector<800x1xf32> to vector<1x800x1xf32>
    %reduce_sum3A_119 = arith.constant dense<0.000000e+00> : vector<1xf32>
    %reduce_sum3A_120 = vector.multi_reduction <add>, %reduce_sum3A_118, %reduce_sum3A_119 [1, 2] : vector<1x800x1xf32> to vector<1xf32>
    %reduce_sum3A_121 = vector.shape_cast %reduce_sum3A_120 : vector<1xf32> to vector<1x1x1xf32>
    %reduce_sum3A_122 = vector.extract %reduce_sum3A_121[0, 0, 0] : f32 from vector<1x1x1xf32>
    %add3A_123 = arith.addf %add3A_78, %reduce_sum3A_122 : f32
    %get3A_124 = arith.constant 0 : index
    %get3A_125 = arith.constant 2400 : index
    %get3A_126 = arith.constant 0 : index
    %get3A_127 = vector.load %arg1[%get3A_124, %get3A_125, %get3A_126] : memref<1x20000x81xf32, #tpu.memory_space<vmem>>, vector<1x800x81xf32>
    %get3A_128 = vector.shape_cast %get3A_127 : vector<1x800x81xf32> to vector<800x81xf32>
    %get3A_129 = arith.constant 0 : index
    %get3A_130 = arith.constant 0 : index
    %get3A_131 = arith.constant 3 : index
    %get3A_132 = vector.load %arg2[%get3A_129, %get3A_130, %get3A_131] : memref<1x800x25xi32, #tpu.memory_space<vmem>>, vector<1x800x1xi32>
    %get3A_133 = vector.shape_cast %get3A_132 : vector<1x800x1xi32> to vector<800x1xi32>
    %exp3A_134 = math.exp %get3A_128 : vector<800x81xf32>
    %reduce_sum3A_135 = arith.constant dense<0.000000e+00> : vector<800xf32>
    %reduce_sum3A_136 = vector.multi_reduction <add>, %exp3A_134, %reduce_sum3A_135 [1] : vector<800x81xf32> to vector<800xf32>
    %broadcast_in_dim3A_137 = vector.shape_cast %reduce_sum3A_136 : vector<800xf32> to vector<800x1xf32>
    %eq3A_138 = vector.broadcast %get3A_133 : vector<800x1xi32> to vector<800x81xi32>
    %eq3A_139 = arith.cmpi eq, %iota3A, %eq3A_138 : vector<800x81xi32>
    %jit3A_140 = arith.constant 0.000000e+00 : f32
    %broadcast_in_dim3A_141 = vector.broadcast %jit3A_140 : f32 to vector<800x81xf32>
    %select_n3A_142 = arith.select %eq3A_139, %get3A_128, %broadcast_in_dim3A_141 : vector<800x81xi1>, vector<800x81xf32>
    %reduce_sum3A_143 = arith.constant dense<0.000000e+00> : vector<800xf32>
    %reduce_sum3A_144 = vector.multi_reduction <add>, %select_n3A_142, %reduce_sum3A_143 [1] : vector<800x81xf32> to vector<800xf32>
    %broadcast_in_dim3A_145 = vector.shape_cast %reduce_sum3A_144 : vector<800xf32> to vector<800x1xf32>
    %log3A_146 = math.log %broadcast_in_dim3A_137 : vector<800x1xf32>
    %sub3A_147 = arith.subf %log3A_146, %broadcast_in_dim3A_145 : vector<800x1xf32>
    %ne3A_148 = arith.constant 0 : i32
    %ne3A_149 = vector.broadcast %ne3A_148 : i32 to vector<800x1xi32>
    %ne3A_150 = arith.cmpi ne, %get3A_133, %ne3A_149 : vector<800x1xi32>
    %jit3A_151 = arith.constant 0.000000e+00 : f32
    %broadcast_in_dim3A_152 = vector.broadcast %jit3A_151 : f32 to vector<800x1xf32>
    %select_n3A_153 = arith.select %ne3A_150, %broadcast_in_dim3A_152, %sub3A_147 : vector<800x1xi1>, vector<800x1xf32>
    %swap3A_154 = arith.constant 0 : index
    %swap3A_155 = arith.constant 0 : index
    %swap3A_156 = arith.constant 3 : index
    %swap3A_157 = vector.load %arg3[%swap3A_154, %swap3A_155, %swap3A_156] : memref<1x800x25xf32, #tpu.memory_space<vmem>>, vector<1x800x1xf32>
    %swap3A_158 = vector.shape_cast %swap3A_157 : vector<1x800x1xf32> to vector<800x1xf32>
    %swap3A_159 = vector.shape_cast %select_n3A_153 : vector<800x1xf32> to vector<1x800x1xf32>
    tpu.vector_store %arg3[%swap3A_154, %swap3A_155, %swap3A_156], %swap3A_159 {strides = array<i32>} : memref<1x800x25xf32, #tpu.memory_space<vmem>>, vector<1x800x1xf32>,
    %jit3A_160 = arith.constant 0.000000e+00 : f32
    %broadcast_in_dim3A_161 = vector.broadcast %jit3A_160 : f32 to vector<800x1xf32>
    %select_n3A_162 = arith.select %ne3A_150, %sub3A_147, %broadcast_in_dim3A_161 : vector<800x1xi1>, vector<800x1xf32>
    %reduce_sum3A_163 = vector.shape_cast %select_n3A_162 : vector<800x1xf32> to vector<1x800x1xf32>
    %reduce_sum3A_164 = arith.constant dense<0.000000e+00> : vector<1xf32>
    %reduce_sum3A_165 = vector.multi_reduction <add>, %reduce_sum3A_163, %reduce_sum3A_164 [1, 2] : vector<1x800x1xf32> to vector<1xf32>
    %reduce_sum3A_166 = vector.shape_cast %reduce_sum3A_165 : vector<1xf32> to vector<1x1x1xf32>
    %reduce_sum3A_167 = vector.extract %reduce_sum3A_166[0, 0, 0] : f32 from vector<1x1x1xf32>
    %add3A_168 = arith.addf %add3A_123, %reduce_sum3A_167 : f32
    %get3A_169 = arith.constant 0 : index
    %get3A_170 = arith.constant 3200 : index
    %get3A_171 = arith.constant 0 : index
    %get3A_172 = vector.load %arg1[%get3A_169, %get3A_170, %get3A_171] : memref<1x20000x81xf32, #tpu.memory_space<vmem>>, vector<1x800x81xf32>
    %get3A_173 = vector.shape_cast %get3A_172 : vector<1x800x81xf32> to vector<800x81xf32>
    %get3A_174 = arith.constant 0 : index
    %get3A_175 = arith.constant 0 : index
    %get3A_176 = arith.constant 4 : index
    %get3A_177 = vector.load %arg2[%get3A_174, %get3A_175, %get3A_176] : memref<1x800x25xi32, #tpu.memory_space<vmem>>, vector<1x800x1xi32>
    %get3A_178 = vector.shape_cast %get3A_177 : vector<1x800x1xi32> to vector<800x1xi32>
    %exp3A_179 = math.exp %get3A_173 : vector<800x81xf32>
    %reduce_sum3A_180 = arith.constant dense<0.000000e+00> : vector<800xf32>
    %reduce_sum3A_181 = vector.multi_reduction <add>, %exp3A_179, %reduce_sum3A_180 [1] : vector<800x81xf32> to vector<800xf32>
    %broadcast_in_dim3A_182 = vector.shape_cast %reduce_sum3A_181 : vector<800xf32> to vector<800x1xf32>
    %eq3A_183 = vector.broadcast %get3A_178 : vector<800x1xi32> to vector<800x81xi32>
    %eq3A_184 = arith.cmpi eq, %iota3A, %eq3A_183 : vector<800x81xi32>
    %jit3A_185 = arith.constant 0.000000e+00 : f32
    %broadcast_in_dim3A_186 = vector.broadcast %jit3A_185 : f32 to vector<800x81xf32>
    %select_n3A_187 = arith.select %eq3A_184, %get3A_173, %broadcast_in_dim3A_186 : vector<800x81xi1>, vector<800x81xf32>
    %reduce_sum3A_188 = arith.constant dense<0.000000e+00> : vector<800xf32>
    %reduce_sum3A_189 = vector.multi_reduction <add>, %select_n3A_187, %reduce_sum3A_188 [1] : vector<800x81xf32> to vector<800xf32>
    %broadcast_in_dim3A_190 = vector.shape_cast %reduce_sum3A_189 : vector<800xf32> to vector<800x1xf32>
    %log3A_191 = math.log %broadcast_in_dim3A_182 : vector<800x1xf32>
    %sub3A_192 = arith.subf %log3A_191, %broadcast_in_dim3A_190 : vector<800x1xf32>
    %ne3A_193 = arith.constant 0 : i32
    %ne3A_194 = vector.broadcast %ne3A_193 : i32 to vector<800x1xi32>
    %ne3A_195 = arith.cmpi ne, %get3A_178, %ne3A_194 : vector<800x1xi32>
    %jit3A_196 = arith.constant 0.000000e+00 : f32
    %broadcast_in_dim3A_197 = vector.broadcast %jit3A_196 : f32 to vector<800x1xf32>
    %select_n3A_198 = arith.select %ne3A_195, %broadcast_in_dim3A_197, %sub3A_192 : vector<800x1xi1>, vector<800x1xf32>
    %swap3A_199 = arith.constant 0 : index
    %swap3A_200 = arith.constant 0 : index
    %swap3A_201 = arith.constant 4 : index
    %swap3A_202 = vector.load %arg3[%swap3A_199, %swap3A_200, %swap3A_201] : memref<1x800x25xf32, #tpu.memory_space<vmem>>, vector<1x800x1xf32>
    %swap3A_203 = vector.shape_cast %swap3A_202 : vector<1x800x1xf32> to vector<800x1xf32>
    %swap3A_204 = vector.shape_cast %select_n3A_198 : vector<800x1xf32> to vector<1x800x1xf32>
    tpu.vector_store %arg3[%swap3A_199, %swap3A_200, %swap3A_201], %swap3A_204 {strides = array<i32>} : memref<1x800x25xf32, #tpu.memory_space<vmem>>, vector<1x800x1xf32>,
    %jit3A_205 = arith.constant 0.000000e+00 : f32
    %broadcast_in_dim3A_206 = vector.broadcast %jit3A_205 : f32 to vector<800x1xf32>
    %select_n3A_207 = arith.select %ne3A_195, %sub3A_192, %broadcast_in_dim3A_206 : vector<800x1xi1>, vector<800x1xf32>
    %reduce_sum3A_208 = vector.shape_cast %select_n3A_207 : vector<800x1xf32> to vector<1x800x1xf32>
    %reduce_sum3A_209 = arith.constant dense<0.000000e+00> : vector<1xf32>
    %reduce_sum3A_210 = vector.multi_reduction <add>, %reduce_sum3A_208, %reduce_sum3A_209 [1, 2] : vector<1x800x1xf32> to vector<1xf32>
    %reduce_sum3A_211 = vector.shape_cast %reduce_sum3A_210 : vector<1xf32> to vector<1x1x1xf32>
    %reduce_sum3A_212 = vector.extract %reduce_sum3A_211[0, 0, 0] : f32 from vector<1x1x1xf32>
    %add3A_213 = arith.addf %add3A_168, %reduce_sum3A_212 : f32
    %get3A_214 = arith.constant 0 : index
    %get3A_215 = arith.constant 4000 : index
    %get3A_216 = arith.constant 0 : index
    %get3A_217 = vector.load %arg1[%get3A_214, %get3A_215, %get3A_216] : memref<1x20000x81xf32, #tpu.memory_space<vmem>>, vector<1x800x81xf32>
    %get3A_218 = vector.shape_cast %get3A_217 : vector<1x800x81xf32> to vector<800x81xf32>
    %get3A_219 = arith.constant 0 : index
    %get3A_220 = arith.constant 0 : index
    %get3A_221 = arith.constant 5 : index
    %get3A_222 = vector.load %arg2[%get3A_219, %get3A_220, %get3A_221] : memref<1x800x25xi32, #tpu.memory_space<vmem>>, vector<1x800x1xi32>
    %get3A_223 = vector.shape_cast %get3A_222 : vector<1x800x1xi32> to vector<800x1xi32>
    %exp3A_224 = math.exp %get3A_218 : vector<800x81xf32>
    %reduce_sum3A_225 = arith.constant dense<0.000000e+00> : vector<800xf32>
    %reduce_sum3A_226 = vector.multi_reduction <add>, %exp3A_224, %reduce_sum3A_225 [1] : vector<800x81xf32> to vector<800xf32>
    %broadcast_in_dim3A_227 = vector.shape_cast %reduce_sum3A_226 : vector<800xf32> to vector<800x1xf32>
    %eq3A_228 = vector.broadcast %get3A_223 : vector<800x1xi32> to vector<800x81xi32>
    %eq3A_229 = arith.cmpi eq, %iota3A, %eq3A_228 : vector<800x81xi32>
    %jit3A_230 = arith.constant 0.000000e+00 : f32
    %broadcast_in_dim3A_231 = vector.broadcast %jit3A_230 : f32 to vector<800x81xf32>
    %select_n3A_232 = arith.select %eq3A_229, %get3A_218, %broadcast_in_dim3A_231 : vector<800x81xi1>, vector<800x81xf32>
    %reduce_sum3A_233 = arith.constant dense<0.000000e+00> : vector<800xf32>
    %reduce_sum3A_234 = vector.multi_reduction <add>, %select_n3A_232, %reduce_sum3A_233 [1] : vector<800x81xf32> to vector<800xf32>
    %broadcast_in_dim3A_235 = vector.shape_cast %reduce_sum3A_234 : vector<800xf32> to vector<800x1xf32>
    %log3A_236 = math.log %broadcast_in_dim3A_227 : vector<800x1xf32>
    %sub3A_237 = arith.subf %log3A_236, %broadcast_in_dim3A_235 : vector<800x1xf32>
    %ne3A_238 = arith.constant 0 : i32
    %ne3A_239 = vector.broadcast %ne3A_238 : i32 to vector<800x1xi32>
    %ne3A_240 = arith.cmpi ne, %get3A_223, %ne3A_239 : vector<800x1xi32>
    %jit3A_241 = arith.constant 0.000000e+00 : f32
    %broadcast_in_dim3A_242 = vector.broadcast %jit3A_241 : f32 to vector<800x1xf32>
    %select_n3A_243 = arith.select %ne3A_240, %broadcast_in_dim3A_242, %sub3A_237 : vector<800x1xi1>, vector<800x1xf32>
    %swap3A_244 = arith.constant 0 : index
    %swap3A_245 = arith.constant 0 : index
    %swap3A_246 = arith.constant 5 : index
    %swap3A_247 = vector.load %arg3[%swap3A_244, %swap3A_245, %swap3A_246] : memref<1x800x25xf32, #tpu.memory_space<vmem>>, vector<1x800x1xf32>
    %swap3A_248 = vector.shape_cast %swap3A_247 : vector<1x800x1xf32> to vector<800x1xf32>
    %swap3A_249 = vector.shape_cast %select_n3A_243 : vector<800x1xf32> to vector<1x800x1xf32>
    tpu.vector_store %arg3[%swap3A_244, %swap3A_245, %swap3A_246], %swap3A_249 {strides = array<i32>} : memref<1x800x25xf32, #tpu.memory_space<vmem>>, vector<1x800x1xf32>,
    %jit3A_250 = arith.constant 0.000000e+00 : f32
    %broadcast_in_dim3A_251 = vector.broadcast %jit3A_250 : f32 to vector<800x1xf32>
    %select_n3A_252 = arith.select %ne3A_240, %sub3A_237, %broadcast_in_dim3A_251 : vector<800x1xi1>, vector<800x1xf32>
    %reduce_sum3A_253 = vector.shape_cast %select_n3A_252 : vector<800x1xf32> to vector<1x800x1xf32>
    %reduce_sum3A_254 = arith.constant dense<0.000000e+00> : vector<1xf32>
    %reduce_sum3A_255 = vector.multi_reduction <add>, %reduce_sum3A_253, %reduce_sum3A_254 [1, 2] : vector<1x800x1xf32> to vector<1xf32>
    %reduce_sum3A_256 = vector.shape_cast %reduce_sum3A_255 : vector<1xf32> to vector<1x1x1xf32>
    %reduce_sum3A_257 = vector.extract %reduce_sum3A_256[0, 0, 0] : f32 from vector<1x1x1xf32>
    %add3A_258 = arith.addf %add3A_213, %reduce_sum3A_257 : f32
    %get3A_259 = arith.constant 0 : index
    %get3A_260 = arith.constant 4800 : index
    %get3A_261 = arith.constant 0 : index
    %get3A_262 = vector.load %arg1[%get3A_259, %get3A_260, %get3A_261] : memref<1x20000x81xf32, #tpu.memory_space<vmem>>, vector<1x800x81xf32>
    %get3A_263 = vector.shape_cast %get3A_262 : vector<1x800x81xf32> to vector<800x81xf32>
    %get3A_264 = arith.constant 0 : index
    %get3A_265 = arith.constant 0 : index
    %get3A_266 = arith.constant 6 : index
    %get3A_267 = vector.load %arg2[%get3A_264, %get3A_265, %get3A_266] : memref<1x800x25xi32, #tpu.memory_space<vmem>>, vector<1x800x1xi32>
    %get3A_268 = vector.shape_cast %get3A_267 : vector<1x800x1xi32> to vector<800x1xi32>
    %exp3A_269 = math.exp %get3A_263 : vector<800x81xf32>
    %reduce_sum3A_270 = arith.constant dense<0.000000e+00> : vector<800xf32>
    %reduce_sum3A_271 = vector.multi_reduction <add>, %exp3A_269, %reduce_sum3A_270 [1] : vector<800x81xf32> to vector<800xf32>
    %broadcast_in_dim3A_272 = vector.shape_cast %reduce_sum3A_271 : vector<800xf32> to vector<800x1xf32>
    %eq3A_273 = vector.broadcast %get3A_268 : vector<800x1xi32> to vector<800x81xi32>
    %eq3A_274 = arith.cmpi eq, %iota3A, %eq3A_273 : vector<800x81xi32>
    %jit3A_275 = arith.constant 0.000000e+00 : f32
    %broadcast_in_dim3A_276 = vector.broadcast %jit3A_275 : f32 to vector<800x81xf32>
    %select_n3A_277 = arith.select %eq3A_274, %get3A_263, %broadcast_in_dim3A_276 : vector<800x81xi1>, vector<800x81xf32>
    %reduce_sum3A_278 = arith.constant dense<0.000000e+00> : vector<800xf32>
    %reduce_sum3A_279 = vector.multi_reduction <add>, %select_n3A_277, %reduce_sum3A_278 [1] : vector<800x81xf32> to vector<800xf32>
    %broadcast_in_dim3A_280 = vector.shape_cast %reduce_sum3A_279 : vector<800xf32> to vector<800x1xf32>
    %log3A_281 = math.log %broadcast_in_dim3A_272 : vector<800x1xf32>
    %sub3A_282 = arith.subf %log3A_281, %broadcast_in_dim3A_280 : vector<800x1xf32>
    %ne3A_283 = arith.constant 0 : i32
    %ne3A_284 = vector.broadcast %ne3A_283 : i32 to vector<800x1xi32>
    %ne3A_285 = arith.cmpi ne, %get3A_268, %ne3A_284 : vector<800x1xi32>
    %jit3A_286 = arith.constant 0.000000e+00 : f32
    %broadcast_in_dim3A_287 = vector.broadcast %jit3A_286 : f32 to vector<800x1xf32>
    %select_n3A_288 = arith.select %ne3A_285, %broadcast_in_dim3A_287, %sub3A_282 : vector<800x1xi1>, vector<800x1xf32>
    %swap3A_289 = arith.constant 0 : index
    %swap3A_290 = arith.constant 0 : index
    %swap3A_291 = arith.constant 6 : index
    %swap3A_292 = vector.load %arg3[%swap3A_289, %swap3A_290, %swap3A_291] : memref<1x800x25xf32, #tpu.memory_space<vmem>>, vector<1x800x1xf32>
    %swap3A_293 = vector.shape_cast %swap3A_292 : vector<1x800x1xf32> to vector<800x1xf32>
    %swap3A_294 = vector.shape_cast %select_n3A_288 : vector<800x1xf32> to vector<1x800x1xf32>
    tpu.vector_store %arg3[%swap3A_289, %swap3A_290, %swap3A_291], %swap3A_294 {strides = array<i32>} : memref<1x800x25xf32, #tpu.memory_space<vmem>>, vector<1x800x1xf32>,
    %jit3A_295 = arith.constant 0.000000e+00 : f32
    %broadcast_in_dim3A_296 = vector.broadcast %jit3A_295 : f32 to vector<800x1xf32>
    %select_n3A_297 = arith.select %ne3A_285, %sub3A_282, %broadcast_in_dim3A_296 : vector<800x1xi1>, vector<800x1xf32>
    %reduce_sum3A_298 = vector.shape_cast %select_n3A_297 : vector<800x1xf32> to vector<1x800x1xf32>
    %reduce_sum3A_299 = arith.constant dense<0.000000e+00> : vector<1xf32>
    %reduce_sum3A_300 = vector.multi_reduction <add>, %reduce_sum3A_298, %reduce_sum3A_299 [1, 2] : vector<1x800x1xf32> to vector<1xf32>
    %reduce_sum3A_301 = vector.shape_cast %reduce_sum3A_300 : vector<1xf32> to vector<1x1x1xf32>
    %reduce_sum3A_302 = vector.extract %reduce_sum3A_301[0, 0, 0] : f32 from vector<1x1x1xf32>
    %add3A_303 = arith.addf %add3A_258, %reduce_sum3A_302 : f32
    %get3A_304 = arith.constant 0 : index
    %get3A_305 = arith.constant 5600 : index
    %get3A_306 = arith.constant 0 : index
    %get3A_307 = vector.load %arg1[%get3A_304, %get3A_305, %get3A_306] : memref<1x20000x81xf32, #tpu.memory_space<vmem>>, vector<1x800x81xf32>
    %get3A_308 = vector.shape_cast %get3A_307 : vector<1x800x81xf32> to vector<800x81xf32>
    %get3A_309 = arith.constant 0 : index
    %get3A_310 = arith.constant 0 : index
    %get3A_311 = arith.constant 7 : index
    %get3A_312 = vector.load %arg2[%get3A_309, %get3A_310, %get3A_311] : memref<1x800x25xi32, #tpu.memory_space<vmem>>, vector<1x800x1xi32>
    %get3A_313 = vector.shape_cast %get3A_312 : vector<1x800x1xi32> to vector<800x1xi32>
    %exp3A_314 = math.exp %get3A_308 : vector<800x81xf32>
    %reduce_sum3A_315 = arith.constant dense<0.000000e+00> : vector<800xf32>
    %reduce_sum3A_316 = vector.multi_reduction <add>, %exp3A_314, %reduce_sum3A_315 [1] : vector<800x81xf32> to vector<800xf32>
    %broadcast_in_dim3A_317 = vector.shape_cast %reduce_sum3A_316 : vector<800xf32> to vector<800x1xf32>
    %eq3A_318 = vector.broadcast %get3A_313 : vector<800x1xi32> to vector<800x81xi32>
    %eq3A_319 = arith.cmpi eq, %iota3A, %eq3A_318 : vector<800x81xi32>
    %jit3A_320 = arith.constant 0.000000e+00 : f32
    %broadcast_in_dim3A_321 = vector.broadcast %jit3A_320 : f32 to vector<800x81xf32>
    %select_n3A_322 = arith.select %eq3A_319, %get3A_308, %broadcast_in_dim3A_321 : vector<800x81xi1>, vector<800x81xf32>
    %reduce_sum3A_323 = arith.constant dense<0.000000e+00> : vector<800xf32>
    %reduce_sum3A_324 = vector.multi_reduction <add>, %select_n3A_322, %reduce_sum3A_323 [1] : vector<800x81xf32> to vector<800xf32>
    %broadcast_in_dim3A_325 = vector.shape_cast %reduce_sum3A_324 : vector<800xf32> to vector<800x1xf32>
    %log3A_326 = math.log %broadcast_in_dim3A_317 : vector<800x1xf32>
    %sub3A_327 = arith.subf %log3A_326, %broadcast_in_dim3A_325 : vector<800x1xf32>
    %ne3A_328 = arith.constant 0 : i32
    %ne3A_329 = vector.broadcast %ne3A_328 : i32 to vector<800x1xi32>
    %ne3A_330 = arith.cmpi ne, %get3A_313, %ne3A_329 : vector<800x1xi32>
    %jit3A_331 = arith.constant 0.000000e+00 : f32
    %broadcast_in_dim3A_332 = vector.broadcast %jit3A_331 : f32 to vector<800x1xf32>
    %select_n3A_333 = arith.select %ne3A_330, %broadcast_in_dim3A_332, %sub3A_327 : vector<800x1xi1>, vector<800x1xf32>
    %swap3A_334 = arith.constant 0 : index
    %swap3A_335 = arith.constant 0 : index
    %swap3A_336 = arith.constant 7 : index
    %swap3A_337 = vector.load %arg3[%swap3A_334, %swap3A_335, %swap3A_336] : memref<1x800x25xf32, #tpu.memory_space<vmem>>, vector<1x800x1xf32>
    %swap3A_338 = vector.shape_cast %swap3A_337 : vector<1x800x1xf32> to vector<800x1xf32>
    %swap3A_339 = vector.shape_cast %select_n3A_333 : vector<800x1xf32> to vector<1x800x1xf32>
    tpu.vector_store %arg3[%swap3A_334, %swap3A_335, %swap3A_336], %swap3A_339 {strides = array<i32>} : memref<1x800x25xf32, #tpu.memory_space<vmem>>, vector<1x800x1xf32>,
    %jit3A_340 = arith.constant 0.000000e+00 : f32
    %broadcast_in_dim3A_341 = vector.broadcast %jit3A_340 : f32 to vector<800x1xf32>
    %select_n3A_342 = arith.select %ne3A_330, %sub3A_327, %broadcast_in_dim3A_341 : vector<800x1xi1>, vector<800x1xf32>
    %reduce_sum3A_343 = vector.shape_cast %select_n3A_342 : vector<800x1xf32> to vector<1x800x1xf32>
    %reduce_sum3A_344 = arith.constant dense<0.000000e+00> : vector<1xf32>
    %reduce_sum3A_345 = vector.multi_reduction <add>, %reduce_sum3A_343, %reduce_sum3A_344 [1, 2] : vector<1x800x1xf32> to vector<1xf32>
    %reduce_sum3A_346 = vector.shape_cast %reduce_sum3A_345 : vector<1xf32> to vector<1x1x1xf32>
    %reduce_sum3A_347 = vector.extract %reduce_sum3A_346[0, 0, 0] : f32 from vector<1x1x1xf32>
    %add3A_348 = arith.addf %add3A_303, %reduce_sum3A_347 : f32
    %get3A_349 = arith.constant 0 : index
    %get3A_350 = arith.constant 6400 : index
    %get3A_351 = arith.constant 0 : index
    %get3A_352 = vector.load %arg1[%get3A_349, %get3A_350, %get3A_351] : memref<1x20000x81xf32, #tpu.memory_space<vmem>>, vector<1x800x81xf32>
    %get3A_353 = vector.shape_cast %get3A_352 : vector<1x800x81xf32> to vector<800x81xf32>
    %get3A_354 = arith.constant 0 : index
    %get3A_355 = arith.constant 0 : index
    %get3A_356 = arith.constant 8 : index
    %get3A_357 = vector.load %arg2[%get3A_354, %get3A_355, %get3A_356] : memref<1x800x25xi32, #tpu.memory_space<vmem>>, vector<1x800x1xi32>
    %get3A_358 = vector.shape_cast %get3A_357 : vector<1x800x1xi32> to vector<800x1xi32>
    %exp3A_359 = math.exp %get3A_353 : vector<800x81xf32>
    %reduce_sum3A_360 = arith.constant dense<0.000000e+00> : vector<800xf32>
    %reduce_sum3A_361 = vector.multi_reduction <add>, %exp3A_359, %reduce_sum3A_360 [1] : vector<800x81xf32> to vector<800xf32>
    %broadcast_in_dim3A_362 = vector.shape_cast %reduce_sum3A_361 : vector<800xf32> to vector<800x1xf32>
    %eq3A_363 = vector.broadcast %get3A_358 : vector<800x1xi32> to vector<800x81xi32>
    %eq3A_364 = arith.cmpi eq, %iota3A, %eq3A_363 : vector<800x81xi32>
    %jit3A_365 = arith.constant 0.000000e+00 : f32
    %broadcast_in_dim3A_366 = vector.broadcast %jit3A_365 : f32 to vector<800x81xf32>
    %select_n3A_367 = arith.select %eq3A_364, %get3A_353, %broadcast_in_dim3A_366 : vector<800x81xi1>, vector<800x81xf32>
    %reduce_sum3A_368 = arith.constant dense<0.000000e+00> : vector<800xf32>
    %reduce_sum3A_369 = vector.multi_reduction <add>, %select_n3A_367, %reduce_sum3A_368 [1] : vector<800x81xf32> to vector<800xf32>
    %broadcast_in_dim3A_370 = vector.shape_cast %reduce_sum3A_369 : vector<800xf32> to vector<800x1xf32>
    %log3A_371 = math.log %broadcast_in_dim3A_362 : vector<800x1xf32>
    %sub3A_372 = arith.subf %log3A_371, %broadcast_in_dim3A_370 : vector<800x1xf32>
    %ne3A_373 = arith.constant 0 : i32
    %ne3A_374 = vector.broadcast %ne3A_373 : i32 to vector<800x1xi32>
    %ne3A_375 = arith.cmpi ne, %get3A_358, %ne3A_374 : vector<800x1xi32>
    %jit3A_376 = arith.constant 0.000000e+00 : f32
    %broadcast_in_dim3A_377 = vector.broadcast %jit3A_376 : f32 to vector<800x1xf32>
    %select_n3A_378 = arith.select %ne3A_375, %broadcast_in_dim3A_377, %sub3A_372 : vector<800x1xi1>, vector<800x1xf32>
    %swap3A_379 = arith.constant 0 : index
    %swap3A_380 = arith.constant 0 : index
    %swap3A_381 = arith.constant 8 : index
    %swap3A_382 = vector.load %arg3[%swap3A_379, %swap3A_380, %swap3A_381] : memref<1x800x25xf32, #tpu.memory_space<vmem>>, vector<1x800x1xf32>
    %swap3A_383 = vector.shape_cast %swap3A_382 : vector<1x800x1xf32> to vector<800x1xf32>
    %swap3A_384 = vector.shape_cast %select_n3A_378 : vector<800x1xf32> to vector<1x800x1xf32>
    tpu.vector_store %arg3[%swap3A_379, %swap3A_380, %swap3A_381], %swap3A_384 {strides = array<i32>} : memref<1x800x25xf32, #tpu.memory_space<vmem>>, vector<1x800x1xf32>,
    %jit3A_385 = arith.constant 0.000000e+00 : f32
    %broadcast_in_dim3A_386 = vector.broadcast %jit3A_385 : f32 to vector<800x1xf32>
    %select_n3A_387 = arith.select %ne3A_375, %sub3A_372, %broadcast_in_dim3A_386 : vector<800x1xi1>, vector<800x1xf32>
    %reduce_sum3A_388 = vector.shape_cast %select_n3A_387 : vector<800x1xf32> to vector<1x800x1xf32>
    %reduce_sum3A_389 = arith.constant dense<0.000000e+00> : vector<1xf32>
    %reduce_sum3A_390 = vector.multi_reduction <add>, %reduce_sum3A_388, %reduce_sum3A_389 [1, 2] : vector<1x800x1xf32> to vector<1xf32>
    %reduce_sum3A_391 = vector.shape_cast %reduce_sum3A_390 : vector<1xf32> to vector<1x1x1xf32>
    %reduce_sum3A_392 = vector.extract %reduce_sum3A_391[0, 0, 0] : f32 from vector<1x1x1xf32>
    %add3A_393 = arith.addf %add3A_348, %reduce_sum3A_392 : f32
    %get3A_394 = arith.constant 0 : index
    %get3A_395 = arith.constant 7200 : index
    %get3A_396 = arith.constant 0 : index
    %get3A_397 = vector.load %arg1[%get3A_394, %get3A_395, %get3A_396] : memref<1x20000x81xf32, #tpu.memory_space<vmem>>, vector<1x800x81xf32>
    %get3A_398 = vector.shape_cast %get3A_397 : vector<1x800x81xf32> to vector<800x81xf32>
    %get3A_399 = arith.constant 0 : index
    %get3A_400 = arith.constant 0 : index
    %get3A_401 = arith.constant 9 : index
    %get3A_402 = vector.load %arg2[%get3A_399, %get3A_400, %get3A_401] : memref<1x800x25xi32, #tpu.memory_space<vmem>>, vector<1x800x1xi32>
    %get3A_403 = vector.shape_cast %get3A_402 : vector<1x800x1xi32> to vector<800x1xi32>
    %exp3A_404 = math.exp %get3A_398 : vector<800x81xf32>
    %reduce_sum3A_405 = arith.constant dense<0.000000e+00> : vector<800xf32>
    %reduce_sum3A_406 = vector.multi_reduction <add>, %exp3A_404, %reduce_sum3A_405 [1] : vector<800x81xf32> to vector<800xf32>
    %broadcast_in_dim3A_407 = vector.shape_cast %reduce_sum3A_406 : vector<800xf32> to vector<800x1xf32>
    %eq3A_408 = vector.broadcast %get3A_403 : vector<800x1xi32> to vector<800x81xi32>
    %eq3A_409 = arith.cmpi eq, %iota3A, %eq3A_408 : vector<800x81xi32>
    %jit3A_410 = arith.constant 0.000000e+00 : f32
    %broadcast_in_dim3A_411 = vector.broadcast %jit3A_410 : f32 to vector<800x81xf32>
    %select_n3A_412 = arith.select %eq3A_409, %get3A_398, %broadcast_in_dim3A_411 : vector<800x81xi1>, vector<800x81xf32>
    %reduce_sum3A_413 = arith.constant dense<0.000000e+00> : vector<800xf32>
    %reduce_sum3A_414 = vector.multi_reduction <add>, %select_n3A_412, %reduce_sum3A_413 [1] : vector<800x81xf32> to vector<800xf32>
    %broadcast_in_dim3A_415 = vector.shape_cast %reduce_sum3A_414 : vector<800xf32> to vector<800x1xf32>
    %log3A_416 = math.log %broadcast_in_dim3A_407 : vector<800x1xf32>
    %sub3A_417 = arith.subf %log3A_416, %broadcast_in_dim3A_415 : vector<800x1xf32>
    %ne3A_418 = arith.constant 0 : i32
    %ne3A_419 = vector.broadcast %ne3A_418 : i32 to vector<800x1xi32>
    %ne3A_420 = arith.cmpi ne, %get3A_403, %ne3A_419 : vector<800x1xi32>
    %jit3A_421 = arith.constant 0.000000e+00 : f32
    %broadcast_in_dim3A_422 = vector.broadcast %jit3A_421 : f32 to vector<800x1xf32>
    %select_n3A_423 = arith.select %ne3A_420, %broadcast_in_dim3A_422, %sub3A_417 : vector<800x1xi1>, vector<800x1xf32>
    %swap3A_424 = arith.constant 0 : index
    %swap3A_425 = arith.constant 0 : index
    %swap3A_426 = arith.constant 9 : index
    %swap3A_427 = vector.load %arg3[%swap3A_424, %swap3A_425, %swap3A_426] : memref<1x800x25xf32, #tpu.memory_space<vmem>>, vector<1x800x1xf32>
    %swap3A_428 = vector.shape_cast %swap3A_427 : vector<1x800x1xf32> to vector<800x1xf32>
    %swap3A_429 = vector.shape_cast %select_n3A_423 : vector<800x1xf32> to vector<1x800x1xf32>
    tpu.vector_store %arg3[%swap3A_424, %swap3A_425, %swap3A_426], %swap3A_429 {strides = array<i32>} : memref<1x800x25xf32, #tpu.memory_space<vmem>>, vector<1x800x1xf32>,
    %jit3A_430 = arith.constant 0.000000e+00 : f32
    %broadcast_in_dim3A_431 = vector.broadcast %jit3A_430 : f32 to vector<800x1xf32>
    %select_n3A_432 = arith.select %ne3A_420, %sub3A_417, %broadcast_in_dim3A_431 : vector<800x1xi1>, vector<800x1xf32>
    %reduce_sum3A_433 = vector.shape_cast %select_n3A_432 : vector<800x1xf32> to vector<1x800x1xf32>
    %reduce_sum3A_434 = arith.constant dense<0.000000e+00> : vector<1xf32>
    %reduce_sum3A_435 = vector.multi_reduction <add>, %reduce_sum3A_433, %reduce_sum3A_434 [1, 2] : vector<1x800x1xf32> to vector<1xf32>
    %reduce_sum3A_436 = vector.shape_cast %reduce_sum3A_435 : vector<1xf32> to vector<1x1x1xf32>
    %reduce_sum3A_437 = vector.extract %reduce_sum3A_436[0, 0, 0] : f32 from vector<1x1x1xf32>
    %add3A_438 = arith.addf %add3A_393, %reduce_sum3A_437 : f32
    %get3A_439 = arith.constant 0 : index
    %get3A_440 = arith.constant 8000 : index
    %get3A_441 = arith.constant 0 : index
    %get3A_442 = vector.load %arg1[%get3A_439, %get3A_440, %get3A_441] : memref<1x20000x81xf32, #tpu.memory_space<vmem>>, vector<1x800x81xf32>
    %get3A_443 = vector.shape_cast %get3A_442 : vector<1x800x81xf32> to vector<800x81xf32>
    %get3A_444 = arith.constant 0 : index
    %get3A_445 = arith.constant 0 : index
    %get3A_446 = arith.constant 10 : index
    %get3A_447 = vector.load %arg2[%get3A_444, %get3A_445, %get3A_446] : memref<1x800x25xi32, #tpu.memory_space<vmem>>, vector<1x800x1xi32>
    %get3A_448 = vector.shape_cast %get3A_447 : vector<1x800x1xi32> to vector<800x1xi32>
    %exp3A_449 = math.exp %get3A_443 : vector<800x81xf32>
    %reduce_sum3A_450 = arith.constant dense<0.000000e+00> : vector<800xf32>
    %reduce_sum3A_451 = vector.multi_reduction <add>, %exp3A_449, %reduce_sum3A_450 [1] : vector<800x81xf32> to vector<800xf32>
    %broadcast_in_dim3A_452 = vector.shape_cast %reduce_sum3A_451 : vector<800xf32> to vector<800x1xf32>
    %eq3A_453 = vector.broadcast %get3A_448 : vector<800x1xi32> to vector<800x81xi32>
    %eq3A_454 = arith.cmpi eq, %iota3A, %eq3A_453 : vector<800x81xi32>
    %jit3A_455 = arith.constant 0.000000e+00 : f32
    %broadcast_in_dim3A_456 = vector.broadcast %jit3A_455 : f32 to vector<800x81xf32>
    %select_n3A_457 = arith.select %eq3A_454, %get3A_443, %broadcast_in_dim3A_456 : vector<800x81xi1>, vector<800x81xf32>
    %reduce_sum3A_458 = arith.constant dense<0.000000e+00> : vector<800xf32>
    %reduce_sum3A_459 = vector.multi_reduction <add>, %select_n3A_457, %reduce_sum3A_458 [1] : vector<800x81xf32> to vector<800xf32>
    %broadcast_in_dim3A_460 = vector.shape_cast %reduce_sum3A_459 : vector<800xf32> to vector<800x1xf32>
    %log3A_461 = math.log %broadcast_in_dim3A_452 : vector<800x1xf32>
    %sub3A_462 = arith.subf %log3A_461, %broadcast_in_dim3A_460 : vector<800x1xf32>
    %ne3A_463 = arith.constant 0 : i32
    %ne3A_464 = vector.broadcast %ne3A_463 : i32 to vector<800x1xi32>
    %ne3A_465 = arith.cmpi ne, %get3A_448, %ne3A_464 : vector<800x1xi32>
    %jit3A_466 = arith.constant 0.000000e+00 : f32
    %broadcast_in_dim3A_467 = vector.broadcast %jit3A_466 : f32 to vector<800x1xf32>
    %select_n3A_468 = arith.select %ne3A_465, %broadcast_in_dim3A_467, %sub3A_462 : vector<800x1xi1>, vector<800x1xf32>
    %swap3A_469 = arith.constant 0 : index
    %swap3A_470 = arith.constant 0 : index
    %swap3A_471 = arith.constant 10 : index
    %swap3A_472 = vector.load %arg3[%swap3A_469, %swap3A_470, %swap3A_471] : memref<1x800x25xf32, #tpu.memory_space<vmem>>, vector<1x800x1xf32>
    %swap3A_473 = vector.shape_cast %swap3A_472 : vector<1x800x1xf32> to vector<800x1xf32>
    %swap3A_474 = vector.shape_cast %select_n3A_468 : vector<800x1xf32> to vector<1x800x1xf32>
    tpu.vector_store %arg3[%swap3A_469, %swap3A_470, %swap3A_471], %swap3A_474 {strides = array<i32>} : memref<1x800x25xf32, #tpu.memory_space<vmem>>, vector<1x800x1xf32>,
    %jit3A_475 = arith.constant 0.000000e+00 : f32
    %broadcast_in_dim3A_476 = vector.broadcast %jit3A_475 : f32 to vector<800x1xf32>
    %select_n3A_477 = arith.select %ne3A_465, %sub3A_462, %broadcast_in_dim3A_476 : vector<800x1xi1>, vector<800x1xf32>
    %reduce_sum3A_478 = vector.shape_cast %select_n3A_477 : vector<800x1xf32> to vector<1x800x1xf32>
    %reduce_sum3A_479 = arith.constant dense<0.000000e+00> : vector<1xf32>
    %reduce_sum3A_480 = vector.multi_reduction <add>, %reduce_sum3A_478, %reduce_sum3A_479 [1, 2] : vector<1x800x1xf32> to vector<1xf32>
    %reduce_sum3A_481 = vector.shape_cast %reduce_sum3A_480 : vector<1xf32> to vector<1x1x1xf32>
    %reduce_sum3A_482 = vector.extract %reduce_sum3A_481[0, 0, 0] : f32 from vector<1x1x1xf32>
    %add3A_483 = arith.addf %add3A_438, %reduce_sum3A_482 : f32
    %get3A_484 = arith.constant 0 : index
    %get3A_485 = arith.constant 8800 : index
    %get3A_486 = arith.constant 0 : index
    %get3A_487 = vector.load %arg1[%get3A_484, %get3A_485, %get3A_486] : memref<1x20000x81xf32, #tpu.memory_space<vmem>>, vector<1x800x81xf32>
    %get3A_488 = vector.shape_cast %get3A_487 : vector<1x800x81xf32> to vector<800x81xf32>
    %get3A_489 = arith.constant 0 : index
    %get3A_490 = arith.constant 0 : index
    %get3A_491 = arith.constant 11 : index
    %get3A_492 = vector.load %arg2[%get3A_489, %get3A_490, %get3A_491] : memref<1x800x25xi32, #tpu.memory_space<vmem>>, vector<1x800x1xi32>
    %get3A_493 = vector.shape_cast %get3A_492 : vector<1x800x1xi32> to vector<800x1xi32>
    %exp3A_494 = math.exp %get3A_488 : vector<800x81xf32>
    %reduce_sum3A_495 = arith.constant dense<0.000000e+00> : vector<800xf32>
    %reduce_sum3A_496 = vector.multi_reduction <add>, %exp3A_494, %reduce_sum3A_495 [1] : vector<800x81xf32> to vector<800xf32>
    %broadcast_in_dim3A_497 = vector.shape_cast %reduce_sum3A_496 : vector<800xf32> to vector<800x1xf32>
    %eq3A_498 = vector.broadcast %get3A_493 : vector<800x1xi32> to vector<800x81xi32>
    %eq3A_499 = arith.cmpi eq, %iota3A, %eq3A_498 : vector<800x81xi32>
    %jit3A_500 = arith.constant 0.000000e+00 : f32
    %broadcast_in_dim3A_501 = vector.broadcast %jit3A_500 : f32 to vector<800x81xf32>
    %select_n3A_502 = arith.select %eq3A_499, %get3A_488, %broadcast_in_dim3A_501 : vector<800x81xi1>, vector<800x81xf32>
    %reduce_sum3A_503 = arith.constant dense<0.000000e+00> : vector<800xf32>
    %reduce_sum3A_504 = vector.multi_reduction <add>, %select_n3A_502, %reduce_sum3A_503 [1] : vector<800x81xf32> to vector<800xf32>
    %broadcast_in_dim3A_505 = vector.shape_cast %reduce_sum3A_504 : vector<800xf32> to vector<800x1xf32>
    %log3A_506 = math.log %broadcast_in_dim3A_497 : vector<800x1xf32>
    %sub3A_507 = arith.subf %log3A_506, %broadcast_in_dim3A_505 : vector<800x1xf32>
    %ne3A_508 = arith.constant 0 : i32
    %ne3A_509 = vector.broadcast %ne3A_508 : i32 to vector<800x1xi32>
    %ne3A_510 = arith.cmpi ne, %get3A_493, %ne3A_509 : vector<800x1xi32>
    %jit3A_511 = arith.constant 0.000000e+00 : f32
    %broadcast_in_dim3A_512 = vector.broadcast %jit3A_511 : f32 to vector<800x1xf32>
    %select_n3A_513 = arith.select %ne3A_510, %broadcast_in_dim3A_512, %sub3A_507 : vector<800x1xi1>, vector<800x1xf32>
    %swap3A_514 = arith.constant 0 : index
    %swap3A_515 = arith.constant 0 : index
    %swap3A_516 = arith.constant 11 : index
    %swap3A_517 = vector.load %arg3[%swap3A_514, %swap3A_515, %swap3A_516] : memref<1x800x25xf32, #tpu.memory_space<vmem>>, vector<1x800x1xf32>
    %swap3A_518 = vector.shape_cast %swap3A_517 : vector<1x800x1xf32> to vector<800x1xf32>
    %swap3A_519 = vector.shape_cast %select_n3A_513 : vector<800x1xf32> to vector<1x800x1xf32>
    tpu.vector_store %arg3[%swap3A_514, %swap3A_515, %swap3A_516], %swap3A_519 {strides = array<i32>} : memref<1x800x25xf32, #tpu.memory_space<vmem>>, vector<1x800x1xf32>,
    %jit3A_520 = arith.constant 0.000000e+00 : f32
    %broadcast_in_dim3A_521 = vector.broadcast %jit3A_520 : f32 to vector<800x1xf32>
    %select_n3A_522 = arith.select %ne3A_510, %sub3A_507, %broadcast_in_dim3A_521 : vector<800x1xi1>, vector<800x1xf32>
    %reduce_sum3A_523 = vector.shape_cast %select_n3A_522 : vector<800x1xf32> to vector<1x800x1xf32>
    %reduce_sum3A_524 = arith.constant dense<0.000000e+00> : vector<1xf32>
    %reduce_sum3A_525 = vector.multi_reduction <add>, %reduce_sum3A_523, %reduce_sum3A_524 [1, 2] : vector<1x800x1xf32> to vector<1xf32>
    %reduce_sum3A_526 = vector.shape_cast %reduce_sum3A_525 : vector<1xf32> to vector<1x1x1xf32>
    %reduce_sum3A_527 = vector.extract %reduce_sum3A_526[0, 0, 0] : f32 from vector<1x1x1xf32>
    %add3A_528 = arith.addf %add3A_483, %reduce_sum3A_527 : f32
    %get3A_529 = arith.constant 0 : index
    %get3A_530 = arith.constant 9600 : index
    %get3A_531 = arith.constant 0 : index
    %get3A_532 = vector.load %arg1[%get3A_529, %get3A_530, %get3A_531] : memref<1x20000x81xf32, #tpu.memory_space<vmem>>, vector<1x800x81xf32>
    %get3A_533 = vector.shape_cast %get3A_532 : vector<1x800x81xf32> to vector<800x81xf32>
    %get3A_534 = arith.constant 0 : index
    %get3A_535 = arith.constant 0 : index
    %get3A_536 = arith.constant 12 : index
    %get3A_537 = vector.load %arg2[%get3A_534, %get3A_535, %get3A_536] : memref<1x800x25xi32, #tpu.memory_space<vmem>>, vector<1x800x1xi32>
    %get3A_538 = vector.shape_cast %get3A_537 : vector<1x800x1xi32> to vector<800x1xi32>
    %exp3A_539 = math.exp %get3A_533 : vector<800x81xf32>
    %reduce_sum3A_540 = arith.constant dense<0.000000e+00> : vector<800xf32>
    %reduce_sum3A_541 = vector.multi_reduction <add>, %exp3A_539, %reduce_sum3A_540 [1] : vector<800x81xf32> to vector<800xf32>
    %broadcast_in_dim3A_542 = vector.shape_cast %reduce_sum3A_541 : vector<800xf32> to vector<800x1xf32>
    %eq3A_543 = vector.broadcast %get3A_538 : vector<800x1xi32> to vector<800x81xi32>
    %eq3A_544 = arith.cmpi eq, %iota3A, %eq3A_543 : vector<800x81xi32>
    %jit3A_545 = arith.constant 0.000000e+00 : f32
    %broadcast_in_dim3A_546 = vector.broadcast %jit3A_545 : f32 to vector<800x81xf32>
    %select_n3A_547 = arith.select %eq3A_544, %get3A_533, %broadcast_in_dim3A_546 : vector<800x81xi1>, vector<800x81xf32>
    %reduce_sum3A_548 = arith.constant dense<0.000000e+00> : vector<800xf32>
    %reduce_sum3A_549 = vector.multi_reduction <add>, %select_n3A_547, %reduce_sum3A_548 [1] : vector<800x81xf32> to vector<800xf32>
    %broadcast_in_dim3A_550 = vector.shape_cast %reduce_sum3A_549 : vector<800xf32> to vector<800x1xf32>
    %log3A_551 = math.log %broadcast_in_dim3A_542 : vector<800x1xf32>
    %sub3A_552 = arith.subf %log3A_551, %broadcast_in_dim3A_550 : vector<800x1xf32>
    %ne3A_553 = arith.constant 0 : i32
    %ne3A_554 = vector.broadcast %ne3A_553 : i32 to vector<800x1xi32>
    %ne3A_555 = arith.cmpi ne, %get3A_538, %ne3A_554 : vector<800x1xi32>
    %jit3A_556 = arith.constant 0.000000e+00 : f32
    %broadcast_in_dim3A_557 = vector.broadcast %jit3A_556 : f32 to vector<800x1xf32>
    %select_n3A_558 = arith.select %ne3A_555, %broadcast_in_dim3A_557, %sub3A_552 : vector<800x1xi1>, vector<800x1xf32>
    %swap3A_559 = arith.constant 0 : index
    %swap3A_560 = arith.constant 0 : index
    %swap3A_561 = arith.constant 12 : index
    %swap3A_562 = vector.load %arg3[%swap3A_559, %swap3A_560, %swap3A_561] : memref<1x800x25xf32, #tpu.memory_space<vmem>>, vector<1x800x1xf32>
    %swap3A_563 = vector.shape_cast %swap3A_562 : vector<1x800x1xf32> to vector<800x1xf32>
    %swap3A_564 = vector.shape_cast %select_n3A_558 : vector<800x1xf32> to vector<1x800x1xf32>
    tpu.vector_store %arg3[%swap3A_559, %swap3A_560, %swap3A_561], %swap3A_564 {strides = array<i32>} : memref<1x800x25xf32, #tpu.memory_space<vmem>>, vector<1x800x1xf32>,
    %jit3A_565 = arith.constant 0.000000e+00 : f32
    %broadcast_in_dim3A_566 = vector.broadcast %jit3A_565 : f32 to vector<800x1xf32>
    %select_n3A_567 = arith.select %ne3A_555, %sub3A_552, %broadcast_in_dim3A_566 : vector<800x1xi1>, vector<800x1xf32>
    %reduce_sum3A_568 = vector.shape_cast %select_n3A_567 : vector<800x1xf32> to vector<1x800x1xf32>
    %reduce_sum3A_569 = arith.constant dense<0.000000e+00> : vector<1xf32>
    %reduce_sum3A_570 = vector.multi_reduction <add>, %reduce_sum3A_568, %reduce_sum3A_569 [1, 2] : vector<1x800x1xf32> to vector<1xf32>
    %reduce_sum3A_571 = vector.shape_cast %reduce_sum3A_570 : vector<1xf32> to vector<1x1x1xf32>
    %reduce_sum3A_572 = vector.extract %reduce_sum3A_571[0, 0, 0] : f32 from vector<1x1x1xf32>
    %add3A_573 = arith.addf %add3A_528, %reduce_sum3A_572 : f32
    %get3A_574 = arith.constant 0 : index
    %get3A_575 = arith.constant 10400 : index
    %get3A_576 = arith.constant 0 : index
    %get3A_577 = vector.load %arg1[%get3A_574, %get3A_575, %get3A_576] : memref<1x20000x81xf32, #tpu.memory_space<vmem>>, vector<1x800x81xf32>
    %get3A_578 = vector.shape_cast %get3A_577 : vector<1x800x81xf32> to vector<800x81xf32>
    %get3A_579 = arith.constant 0 : index
    %get3A_580 = arith.constant 0 : index
    %get3A_581 = arith.constant 13 : index
    %get3A_582 = vector.load %arg2[%get3A_579, %get3A_580, %get3A_581] : memref<1x800x25xi32, #tpu.memory_space<vmem>>, vector<1x800x1xi32>
    %get3A_583 = vector.shape_cast %get3A_582 : vector<1x800x1xi32> to vector<800x1xi32>
    %exp3A_584 = math.exp %get3A_578 : vector<800x81xf32>
    %reduce_sum3A_585 = arith.constant dense<0.000000e+00> : vector<800xf32>
    %reduce_sum3A_586 = vector.multi_reduction <add>, %exp3A_584, %reduce_sum3A_585 [1] : vector<800x81xf32> to vector<800xf32>
    %broadcast_in_dim3A_587 = vector.shape_cast %reduce_sum3A_586 : vector<800xf32> to vector<800x1xf32>
    %eq3A_588 = vector.broadcast %get3A_583 : vector<800x1xi32> to vector<800x81xi32>
    %eq3A_589 = arith.cmpi eq, %iota3A, %eq3A_588 : vector<800x81xi32>
    %jit3A_590 = arith.constant 0.000000e+00 : f32
    %broadcast_in_dim3A_591 = vector.broadcast %jit3A_590 : f32 to vector<800x81xf32>
    %select_n3A_592 = arith.select %eq3A_589, %get3A_578, %broadcast_in_dim3A_591 : vector<800x81xi1>, vector<800x81xf32>
    %reduce_sum3A_593 = arith.constant dense<0.000000e+00> : vector<800xf32>
    %reduce_sum3A_594 = vector.multi_reduction <add>, %select_n3A_592, %reduce_sum3A_593 [1] : vector<800x81xf32> to vector<800xf32>
    %broadcast_in_dim3A_595 = vector.shape_cast %reduce_sum3A_594 : vector<800xf32> to vector<800x1xf32>
    %log3A_596 = math.log %broadcast_in_dim3A_587 : vector<800x1xf32>
    %sub3A_597 = arith.subf %log3A_596, %broadcast_in_dim3A_595 : vector<800x1xf32>
    %ne3A_598 = arith.constant 0 : i32
    %ne3A_599 = vector.broadcast %ne3A_598 : i32 to vector<800x1xi32>
    %ne3A_600 = arith.cmpi ne, %get3A_583, %ne3A_599 : vector<800x1xi32>
    %jit3A_601 = arith.constant 0.000000e+00 : f32
    %broadcast_in_dim3A_602 = vector.broadcast %jit3A_601 : f32 to vector<800x1xf32>
    %select_n3A_603 = arith.select %ne3A_600, %broadcast_in_dim3A_602, %sub3A_597 : vector<800x1xi1>, vector<800x1xf32>
    %swap3A_604 = arith.constant 0 : index
    %swap3A_605 = arith.constant 0 : index
    %swap3A_606 = arith.constant 13 : index
    %swap3A_607 = vector.load %arg3[%swap3A_604, %swap3A_605, %swap3A_606] : memref<1x800x25xf32, #tpu.memory_space<vmem>>, vector<1x800x1xf32>
    %swap3A_608 = vector.shape_cast %swap3A_607 : vector<1x800x1xf32> to vector<800x1xf32>
    %swap3A_609 = vector.shape_cast %select_n3A_603 : vector<800x1xf32> to vector<1x800x1xf32>
    tpu.vector_store %arg3[%swap3A_604, %swap3A_605, %swap3A_606], %swap3A_609 {strides = array<i32>} : memref<1x800x25xf32, #tpu.memory_space<vmem>>, vector<1x800x1xf32>,
    %jit3A_610 = arith.constant 0.000000e+00 : f32
    %broadcast_in_dim3A_611 = vector.broadcast %jit3A_610 : f32 to vector<800x1xf32>
    %select_n3A_612 = arith.select %ne3A_600, %sub3A_597, %broadcast_in_dim3A_611 : vector<800x1xi1>, vector<800x1xf32>
    %reduce_sum3A_613 = vector.shape_cast %select_n3A_612 : vector<800x1xf32> to vector<1x800x1xf32>
    %reduce_sum3A_614 = arith.constant dense<0.000000e+00> : vector<1xf32>
    %reduce_sum3A_615 = vector.multi_reduction <add>, %reduce_sum3A_613, %reduce_sum3A_614 [1, 2] : vector<1x800x1xf32> to vector<1xf32>
    %reduce_sum3A_616 = vector.shape_cast %reduce_sum3A_615 : vector<1xf32> to vector<1x1x1xf32>
    %reduce_sum3A_617 = vector.extract %reduce_sum3A_616[0, 0, 0] : f32 from vector<1x1x1xf32>
    %add3A_618 = arith.addf %add3A_573, %reduce_sum3A_617 : f32
    %get3A_619 = arith.constant 0 : index
    %get3A_620 = arith.constant 11200 : index
    %get3A_621 = arith.constant 0 : index
    %get3A_622 = vector.load %arg1[%get3A_619, %get3A_620, %get3A_621] : memref<1x20000x81xf32, #tpu.memory_space<vmem>>, vector<1x800x81xf32>
    %get3A_623 = vector.shape_cast %get3A_622 : vector<1x800x81xf32> to vector<800x81xf32>
    %get3A_624 = arith.constant 0 : index
    %get3A_625 = arith.constant 0 : index
    %get3A_626 = arith.constant 14 : index
    %get3A_627 = vector.load %arg2[%get3A_624, %get3A_625, %get3A_626] : memref<1x800x25xi32, #tpu.memory_space<vmem>>, vector<1x800x1xi32>
    %get3A_628 = vector.shape_cast %get3A_627 : vector<1x800x1xi32> to vector<800x1xi32>
    %exp3A_629 = math.exp %get3A_623 : vector<800x81xf32>
    %reduce_sum3A_630 = arith.constant dense<0.000000e+00> : vector<800xf32>
    %reduce_sum3A_631 = vector.multi_reduction <add>, %exp3A_629, %reduce_sum3A_630 [1] : vector<800x81xf32> to vector<800xf32>
    %broadcast_in_dim3A_632 = vector.shape_cast %reduce_sum3A_631 : vector<800xf32> to vector<800x1xf32>
    %eq3A_633 = vector.broadcast %get3A_628 : vector<800x1xi32> to vector<800x81xi32>
    %eq3A_634 = arith.cmpi eq, %iota3A, %eq3A_633 : vector<800x81xi32>
    %jit3A_635 = arith.constant 0.000000e+00 : f32
    %broadcast_in_dim3A_636 = vector.broadcast %jit3A_635 : f32 to vector<800x81xf32>
    %select_n3A_637 = arith.select %eq3A_634, %get3A_623, %broadcast_in_dim3A_636 : vector<800x81xi1>, vector<800x81xf32>
    %reduce_sum3A_638 = arith.constant dense<0.000000e+00> : vector<800xf32>
    %reduce_sum3A_639 = vector.multi_reduction <add>, %select_n3A_637, %reduce_sum3A_638 [1] : vector<800x81xf32> to vector<800xf32>
    %broadcast_in_dim3A_640 = vector.shape_cast %reduce_sum3A_639 : vector<800xf32> to vector<800x1xf32>
    %log3A_641 = math.log %broadcast_in_dim3A_632 : vector<800x1xf32>
    %sub3A_642 = arith.subf %log3A_641, %broadcast_in_dim3A_640 : vector<800x1xf32>
    %ne3A_643 = arith.constant 0 : i32
    %ne3A_644 = vector.broadcast %ne3A_643 : i32 to vector<800x1xi32>
    %ne3A_645 = arith.cmpi ne, %get3A_628, %ne3A_644 : vector<800x1xi32>
    %jit3A_646 = arith.constant 0.000000e+00 : f32
    %broadcast_in_dim3A_647 = vector.broadcast %jit3A_646 : f32 to vector<800x1xf32>
    %select_n3A_648 = arith.select %ne3A_645, %broadcast_in_dim3A_647, %sub3A_642 : vector<800x1xi1>, vector<800x1xf32>
    %swap3A_649 = arith.constant 0 : index
    %swap3A_650 = arith.constant 0 : index
    %swap3A_651 = arith.constant 14 : index
    %swap3A_652 = vector.load %arg3[%swap3A_649, %swap3A_650, %swap3A_651] : memref<1x800x25xf32, #tpu.memory_space<vmem>>, vector<1x800x1xf32>
    %swap3A_653 = vector.shape_cast %swap3A_652 : vector<1x800x1xf32> to vector<800x1xf32>
    %swap3A_654 = vector.shape_cast %select_n3A_648 : vector<800x1xf32> to vector<1x800x1xf32>
    tpu.vector_store %arg3[%swap3A_649, %swap3A_650, %swap3A_651], %swap3A_654 {strides = array<i32>} : memref<1x800x25xf32, #tpu.memory_space<vmem>>, vector<1x800x1xf32>,
    %jit3A_655 = arith.constant 0.000000e+00 : f32
    %broadcast_in_dim3A_656 = vector.broadcast %jit3A_655 : f32 to vector<800x1xf32>
    %select_n3A_657 = arith.select %ne3A_645, %sub3A_642, %broadcast_in_dim3A_656 : vector<800x1xi1>, vector<800x1xf32>
    %reduce_sum3A_658 = vector.shape_cast %select_n3A_657 : vector<800x1xf32> to vector<1x800x1xf32>
    %reduce_sum3A_659 = arith.constant dense<0.000000e+00> : vector<1xf32>
    %reduce_sum3A_660 = vector.multi_reduction <add>, %reduce_sum3A_658, %reduce_sum3A_659 [1, 2] : vector<1x800x1xf32> to vector<1xf32>
    %reduce_sum3A_661 = vector.shape_cast %reduce_sum3A_660 : vector<1xf32> to vector<1x1x1xf32>
    %reduce_sum3A_662 = vector.extract %reduce_sum3A_661[0, 0, 0] : f32 from vector<1x1x1xf32>
    %add3A_663 = arith.addf %add3A_618, %reduce_sum3A_662 : f32
    %get3A_664 = arith.constant 0 : index
    %get3A_665 = arith.constant 12000 : index
    %get3A_666 = arith.constant 0 : index
    %get3A_667 = vector.load %arg1[%get3A_664, %get3A_665, %get3A_666] : memref<1x20000x81xf32, #tpu.memory_space<vmem>>, vector<1x800x81xf32>
    %get3A_668 = vector.shape_cast %get3A_667 : vector<1x800x81xf32> to vector<800x81xf32>
    %get3A_669 = arith.constant 0 : index
    %get3A_670 = arith.constant 0 : index
    %get3A_671 = arith.constant 15 : index
    %get3A_672 = vector.load %arg2[%get3A_669, %get3A_670, %get3A_671] : memref<1x800x25xi32, #tpu.memory_space<vmem>>, vector<1x800x1xi32>
    %get3A_673 = vector.shape_cast %get3A_672 : vector<1x800x1xi32> to vector<800x1xi32>
    %exp3A_674 = math.exp %get3A_668 : vector<800x81xf32>
    %reduce_sum3A_675 = arith.constant dense<0.000000e+00> : vector<800xf32>
    %reduce_sum3A_676 = vector.multi_reduction <add>, %exp3A_674, %reduce_sum3A_675 [1] : vector<800x81xf32> to vector<800xf32>
    %broadcast_in_dim3A_677 = vector.shape_cast %reduce_sum3A_676 : vector<800xf32> to vector<800x1xf32>
    %eq3A_678 = vector.broadcast %get3A_673 : vector<800x1xi32> to vector<800x81xi32>
    %eq3A_679 = arith.cmpi eq, %iota3A, %eq3A_678 : vector<800x81xi32>
    %jit3A_680 = arith.constant 0.000000e+00 : f32
    %broadcast_in_dim3A_681 = vector.broadcast %jit3A_680 : f32 to vector<800x81xf32>
    %select_n3A_682 = arith.select %eq3A_679, %get3A_668, %broadcast_in_dim3A_681 : vector<800x81xi1>, vector<800x81xf32>
    %reduce_sum3A_683 = arith.constant dense<0.000000e+00> : vector<800xf32>
    %reduce_sum3A_684 = vector.multi_reduction <add>, %select_n3A_682, %reduce_sum3A_683 [1] : vector<800x81xf32> to vector<800xf32>
    %broadcast_in_dim3A_685 = vector.shape_cast %reduce_sum3A_684 : vector<800xf32> to vector<800x1xf32>
    %log3A_686 = math.log %broadcast_in_dim3A_677 : vector<800x1xf32>
    %sub3A_687 = arith.subf %log3A_686, %broadcast_in_dim3A_685 : vector<800x1xf32>
    %ne3A_688 = arith.constant 0 : i32
    %ne3A_689 = vector.broadcast %ne3A_688 : i32 to vector<800x1xi32>
    %ne3A_690 = arith.cmpi ne, %get3A_673, %ne3A_689 : vector<800x1xi32>
    %jit3A_691 = arith.constant 0.000000e+00 : f32
    %broadcast_in_dim3A_692 = vector.broadcast %jit3A_691 : f32 to vector<800x1xf32>
    %select_n3A_693 = arith.select %ne3A_690, %broadcast_in_dim3A_692, %sub3A_687 : vector<800x1xi1>, vector<800x1xf32>
    %swap3A_694 = arith.constant 0 : index
    %swap3A_695 = arith.constant 0 : index
    %swap3A_696 = arith.constant 15 : index
    %swap3A_697 = vector.load %arg3[%swap3A_694, %swap3A_695, %swap3A_696] : memref<1x800x25xf32, #tpu.memory_space<vmem>>, vector<1x800x1xf32>
    %swap3A_698 = vector.shape_cast %swap3A_697 : vector<1x800x1xf32> to vector<800x1xf32>
    %swap3A_699 = vector.shape_cast %select_n3A_693 : vector<800x1xf32> to vector<1x800x1xf32>
    tpu.vector_store %arg3[%swap3A_694, %swap3A_695, %swap3A_696], %swap3A_699 {strides = array<i32>} : memref<1x800x25xf32, #tpu.memory_space<vmem>>, vector<1x800x1xf32>,
    %jit3A_700 = arith.constant 0.000000e+00 : f32
    %broadcast_in_dim3A_701 = vector.broadcast %jit3A_700 : f32 to vector<800x1xf32>
    %select_n3A_702 = arith.select %ne3A_690, %sub3A_687, %broadcast_in_dim3A_701 : vector<800x1xi1>, vector<800x1xf32>
    %reduce_sum3A_703 = vector.shape_cast %select_n3A_702 : vector<800x1xf32> to vector<1x800x1xf32>
    %reduce_sum3A_704 = arith.constant dense<0.000000e+00> : vector<1xf32>
    %reduce_sum3A_705 = vector.multi_reduction <add>, %reduce_sum3A_703, %reduce_sum3A_704 [1, 2] : vector<1x800x1xf32> to vector<1xf32>
    %reduce_sum3A_706 = vector.shape_cast %reduce_sum3A_705 : vector<1xf32> to vector<1x1x1xf32>
    %reduce_sum3A_707 = vector.extract %reduce_sum3A_706[0, 0, 0] : f32 from vector<1x1x1xf32>
    %add3A_708 = arith.addf %add3A_663, %reduce_sum3A_707 : f32
    %get3A_709 = arith.constant 0 : index
    %get3A_710 = arith.constant 12800 : index
    %get3A_711 = arith.constant 0 : index
    %get3A_712 = vector.load %arg1[%get3A_709, %get3A_710, %get3A_711] : memref<1x20000x81xf32, #tpu.memory_space<vmem>>, vector<1x800x81xf32>
    %get3A_713 = vector.shape_cast %get3A_712 : vector<1x800x81xf32> to vector<800x81xf32>
    %get3A_714 = arith.constant 0 : index
    %get3A_715 = arith.constant 0 : index
    %get3A_716 = arith.constant 16 : index
    %get3A_717 = vector.load %arg2[%get3A_714, %get3A_715, %get3A_716] : memref<1x800x25xi32, #tpu.memory_space<vmem>>, vector<1x800x1xi32>
    %get3A_718 = vector.shape_cast %get3A_717 : vector<1x800x1xi32> to vector<800x1xi32>
    %exp3A_719 = math.exp %get3A_713 : vector<800x81xf32>
    %reduce_sum3A_720 = arith.constant dense<0.000000e+00> : vector<800xf32>
    %reduce_sum3A_721 = vector.multi_reduction <add>, %exp3A_719, %reduce_sum3A_720 [1] : vector<800x81xf32> to vector<800xf32>
    %broadcast_in_dim3A_722 = vector.shape_cast %reduce_sum3A_721 : vector<800xf32> to vector<800x1xf32>
    %eq3A_723 = vector.broadcast %get3A_718 : vector<800x1xi32> to vector<800x81xi32>
    %eq3A_724 = arith.cmpi eq, %iota3A, %eq3A_723 : vector<800x81xi32>
    %jit3A_725 = arith.constant 0.000000e+00 : f32
    %broadcast_in_dim3A_726 = vector.broadcast %jit3A_725 : f32 to vector<800x81xf32>
    %select_n3A_727 = arith.select %eq3A_724, %get3A_713, %broadcast_in_dim3A_726 : vector<800x81xi1>, vector<800x81xf32>
    %reduce_sum3A_728 = arith.constant dense<0.000000e+00> : vector<800xf32>
    %reduce_sum3A_729 = vector.multi_reduction <add>, %select_n3A_727, %reduce_sum3A_728 [1] : vector<800x81xf32> to vector<800xf32>
    %broadcast_in_dim3A_730 = vector.shape_cast %reduce_sum3A_729 : vector<800xf32> to vector<800x1xf32>
    %log3A_731 = math.log %broadcast_in_dim3A_722 : vector<800x1xf32>
    %sub3A_732 = arith.subf %log3A_731, %broadcast_in_dim3A_730 : vector<800x1xf32>
    %ne3A_733 = arith.constant 0 : i32
    %ne3A_734 = vector.broadcast %ne3A_733 : i32 to vector<800x1xi32>
    %ne3A_735 = arith.cmpi ne, %get3A_718, %ne3A_734 : vector<800x1xi32>
    %jit3A_736 = arith.constant 0.000000e+00 : f32
    %broadcast_in_dim3A_737 = vector.broadcast %jit3A_736 : f32 to vector<800x1xf32>
    %select_n3A_738 = arith.select %ne3A_735, %broadcast_in_dim3A_737, %sub3A_732 : vector<800x1xi1>, vector<800x1xf32>
    %swap3A_739 = arith.constant 0 : index
    %swap3A_740 = arith.constant 0 : index
    %swap3A_741 = arith.constant 16 : index
    %swap3A_742 = vector.load %arg3[%swap3A_739, %swap3A_740, %swap3A_741] : memref<1x800x25xf32, #tpu.memory_space<vmem>>, vector<1x800x1xf32>
    %swap3A_743 = vector.shape_cast %swap3A_742 : vector<1x800x1xf32> to vector<800x1xf32>
    %swap3A_744 = vector.shape_cast %select_n3A_738 : vector<800x1xf32> to vector<1x800x1xf32>
    tpu.vector_store %arg3[%swap3A_739, %swap3A_740, %swap3A_741], %swap3A_744 {strides = array<i32>} : memref<1x800x25xf32, #tpu.memory_space<vmem>>, vector<1x800x1xf32>,
    %jit3A_745 = arith.constant 0.000000e+00 : f32
    %broadcast_in_dim3A_746 = vector.broadcast %jit3A_745 : f32 to vector<800x1xf32>
    %select_n3A_747 = arith.select %ne3A_735, %sub3A_732, %broadcast_in_dim3A_746 : vector<800x1xi1>, vector<800x1xf32>
    %reduce_sum3A_748 = vector.shape_cast %select_n3A_747 : vector<800x1xf32> to vector<1x800x1xf32>
    %reduce_sum3A_749 = arith.constant dense<0.000000e+00> : vector<1xf32>
    %reduce_sum3A_750 = vector.multi_reduction <add>, %reduce_sum3A_748, %reduce_sum3A_749 [1, 2] : vector<1x800x1xf32> to vector<1xf32>
    %reduce_sum3A_751 = vector.shape_cast %reduce_sum3A_750 : vector<1xf32> to vector<1x1x1xf32>
    %reduce_sum3A_752 = vector.extract %reduce_sum3A_751[0, 0, 0] : f32 from vector<1x1x1xf32>
    %add3A_753 = arith.addf %add3A_708, %reduce_sum3A_752 : f32
    %get3A_754 = arith.constant 0 : index
    %get3A_755 = arith.constant 13600 : index
    %get3A_756 = arith.constant 0 : index
    %get3A_757 = vector.load %arg1[%get3A_754, %get3A_755, %get3A_756] : memref<1x20000x81xf32, #tpu.memory_space<vmem>>, vector<1x800x81xf32>
    %get3A_758 = vector.shape_cast %get3A_757 : vector<1x800x81xf32> to vector<800x81xf32>
    %get3A_759 = arith.constant 0 : index
    %get3A_760 = arith.constant 0 : index
    %get3A_761 = arith.constant 17 : index
    %get3A_762 = vector.load %arg2[%get3A_759, %get3A_760, %get3A_761] : memref<1x800x25xi32, #tpu.memory_space<vmem>>, vector<1x800x1xi32>
    %get3A_763 = vector.shape_cast %get3A_762 : vector<1x800x1xi32> to vector<800x1xi32>
    %exp3A_764 = math.exp %get3A_758 : vector<800x81xf32>
    %reduce_sum3A_765 = arith.constant dense<0.000000e+00> : vector<800xf32>
    %reduce_sum3A_766 = vector.multi_reduction <add>, %exp3A_764, %reduce_sum3A_765 [1] : vector<800x81xf32> to vector<800xf32>
    %broadcast_in_dim3A_767 = vector.shape_cast %reduce_sum3A_766 : vector<800xf32> to vector<800x1xf32>
    %eq3A_768 = vector.broadcast %get3A_763 : vector<800x1xi32> to vector<800x81xi32>
    %eq3A_769 = arith.cmpi eq, %iota3A, %eq3A_768 : vector<800x81xi32>
    %jit3A_770 = arith.constant 0.000000e+00 : f32
    %broadcast_in_dim3A_771 = vector.broadcast %jit3A_770 : f32 to vector<800x81xf32>
    %select_n3A_772 = arith.select %eq3A_769, %get3A_758, %broadcast_in_dim3A_771 : vector<800x81xi1>, vector<800x81xf32>
    %reduce_sum3A_773 = arith.constant dense<0.000000e+00> : vector<800xf32>
    %reduce_sum3A_774 = vector.multi_reduction <add>, %select_n3A_772, %reduce_sum3A_773 [1] : vector<800x81xf32> to vector<800xf32>
    %broadcast_in_dim3A_775 = vector.shape_cast %reduce_sum3A_774 : vector<800xf32> to vector<800x1xf32>
    %log3A_776 = math.log %broadcast_in_dim3A_767 : vector<800x1xf32>
    %sub3A_777 = arith.subf %log3A_776, %broadcast_in_dim3A_775 : vector<800x1xf32>
    %ne3A_778 = arith.constant 0 : i32
    %ne3A_779 = vector.broadcast %ne3A_778 : i32 to vector<800x1xi32>
    %ne3A_780 = arith.cmpi ne, %get3A_763, %ne3A_779 : vector<800x1xi32>
    %jit3A_781 = arith.constant 0.000000e+00 : f32
    %broadcast_in_dim3A_782 = vector.broadcast %jit3A_781 : f32 to vector<800x1xf32>
    %select_n3A_783 = arith.select %ne3A_780, %broadcast_in_dim3A_782, %sub3A_777 : vector<800x1xi1>, vector<800x1xf32>
    %swap3A_784 = arith.constant 0 : index
    %swap3A_785 = arith.constant 0 : index
    %swap3A_786 = arith.constant 17 : index
    %swap3A_787 = vector.load %arg3[%swap3A_784, %swap3A_785, %swap3A_786] : memref<1x800x25xf32, #tpu.memory_space<vmem>>, vector<1x800x1xf32>
    %swap3A_788 = vector.shape_cast %swap3A_787 : vector<1x800x1xf32> to vector<800x1xf32>
    %swap3A_789 = vector.shape_cast %select_n3A_783 : vector<800x1xf32> to vector<1x800x1xf32>
    tpu.vector_store %arg3[%swap3A_784, %swap3A_785, %swap3A_786], %swap3A_789 {strides = array<i32>} : memref<1x800x25xf32, #tpu.memory_space<vmem>>, vector<1x800x1xf32>,
    %jit3A_790 = arith.constant 0.000000e+00 : f32
    %broadcast_in_dim3A_791 = vector.broadcast %jit3A_790 : f32 to vector<800x1xf32>
    %select_n3A_792 = arith.select %ne3A_780, %sub3A_777, %broadcast_in_dim3A_791 : vector<800x1xi1>, vector<800x1xf32>
    %reduce_sum3A_793 = vector.shape_cast %select_n3A_792 : vector<800x1xf32> to vector<1x800x1xf32>
    %reduce_sum3A_794 = arith.constant dense<0.000000e+00> : vector<1xf32>
    %reduce_sum3A_795 = vector.multi_reduction <add>, %reduce_sum3A_793, %reduce_sum3A_794 [1, 2] : vector<1x800x1xf32> to vector<1xf32>
    %reduce_sum3A_796 = vector.shape_cast %reduce_sum3A_795 : vector<1xf32> to vector<1x1x1xf32>
    %reduce_sum3A_797 = vector.extract %reduce_sum3A_796[0, 0, 0] : f32 from vector<1x1x1xf32>
    %add3A_798 = arith.addf %add3A_753, %reduce_sum3A_797 : f32
    %get3A_799 = arith.constant 0 : index
    %get3A_800 = arith.constant 14400 : index
    %get3A_801 = arith.constant 0 : index
    %get3A_802 = vector.load %arg1[%get3A_799, %get3A_800, %get3A_801] : memref<1x20000x81xf32, #tpu.memory_space<vmem>>, vector<1x800x81xf32>
    %get3A_803 = vector.shape_cast %get3A_802 : vector<1x800x81xf32> to vector<800x81xf32>
    %get3A_804 = arith.constant 0 : index
    %get3A_805 = arith.constant 0 : index
    %get3A_806 = arith.constant 18 : index
    %get3A_807 = vector.load %arg2[%get3A_804, %get3A_805, %get3A_806] : memref<1x800x25xi32, #tpu.memory_space<vmem>>, vector<1x800x1xi32>
    %get3A_808 = vector.shape_cast %get3A_807 : vector<1x800x1xi32> to vector<800x1xi32>
    %exp3A_809 = math.exp %get3A_803 : vector<800x81xf32>
    %reduce_sum3A_810 = arith.constant dense<0.000000e+00> : vector<800xf32>
    %reduce_sum3A_811 = vector.multi_reduction <add>, %exp3A_809, %reduce_sum3A_810 [1] : vector<800x81xf32> to vector<800xf32>
    %broadcast_in_dim3A_812 = vector.shape_cast %reduce_sum3A_811 : vector<800xf32> to vector<800x1xf32>
    %eq3A_813 = vector.broadcast %get3A_808 : vector<800x1xi32> to vector<800x81xi32>
    %eq3A_814 = arith.cmpi eq, %iota3A, %eq3A_813 : vector<800x81xi32>
    %jit3A_815 = arith.constant 0.000000e+00 : f32
    %broadcast_in_dim3A_816 = vector.broadcast %jit3A_815 : f32 to vector<800x81xf32>
    %select_n3A_817 = arith.select %eq3A_814, %get3A_803, %broadcast_in_dim3A_816 : vector<800x81xi1>, vector<800x81xf32>
    %reduce_sum3A_818 = arith.constant dense<0.000000e+00> : vector<800xf32>
    %reduce_sum3A_819 = vector.multi_reduction <add>, %select_n3A_817, %reduce_sum3A_818 [1] : vector<800x81xf32> to vector<800xf32>
    %broadcast_in_dim3A_820 = vector.shape_cast %reduce_sum3A_819 : vector<800xf32> to vector<800x1xf32>
    %log3A_821 = math.log %broadcast_in_dim3A_812 : vector<800x1xf32>
    %sub3A_822 = arith.subf %log3A_821, %broadcast_in_dim3A_820 : vector<800x1xf32>
    %ne3A_823 = arith.constant 0 : i32
    %ne3A_824 = vector.broadcast %ne3A_823 : i32 to vector<800x1xi32>
    %ne3A_825 = arith.cmpi ne, %get3A_808, %ne3A_824 : vector<800x1xi32>
    %jit3A_826 = arith.constant 0.000000e+00 : f32
    %broadcast_in_dim3A_827 = vector.broadcast %jit3A_826 : f32 to vector<800x1xf32>
    %select_n3A_828 = arith.select %ne3A_825, %broadcast_in_dim3A_827, %sub3A_822 : vector<800x1xi1>, vector<800x1xf32>
    %swap3A_829 = arith.constant 0 : index
    %swap3A_830 = arith.constant 0 : index
    %swap3A_831 = arith.constant 18 : index
    %swap3A_832 = vector.load %arg3[%swap3A_829, %swap3A_830, %swap3A_831] : memref<1x800x25xf32, #tpu.memory_space<vmem>>, vector<1x800x1xf32>
    %swap3A_833 = vector.shape_cast %swap3A_832 : vector<1x800x1xf32> to vector<800x1xf32>
    %swap3A_834 = vector.shape_cast %select_n3A_828 : vector<800x1xf32> to vector<1x800x1xf32>
    tpu.vector_store %arg3[%swap3A_829, %swap3A_830, %swap3A_831], %swap3A_834 {strides = array<i32>} : memref<1x800x25xf32, #tpu.memory_space<vmem>>, vector<1x800x1xf32>,
    %jit3A_835 = arith.constant 0.000000e+00 : f32
    %broadcast_in_dim3A_836 = vector.broadcast %jit3A_835 : f32 to vector<800x1xf32>
    %select_n3A_837 = arith.select %ne3A_825, %sub3A_822, %broadcast_in_dim3A_836 : vector<800x1xi1>, vector<800x1xf32>
    %reduce_sum3A_838 = vector.shape_cast %select_n3A_837 : vector<800x1xf32> to vector<1x800x1xf32>
    %reduce_sum3A_839 = arith.constant dense<0.000000e+00> : vector<1xf32>
    %reduce_sum3A_840 = vector.multi_reduction <add>, %reduce_sum3A_838, %reduce_sum3A_839 [1, 2] : vector<1x800x1xf32> to vector<1xf32>
    %reduce_sum3A_841 = vector.shape_cast %reduce_sum3A_840 : vector<1xf32> to vector<1x1x1xf32>
    %reduce_sum3A_842 = vector.extract %reduce_sum3A_841[0, 0, 0] : f32 from vector<1x1x1xf32>
    %add3A_843 = arith.addf %add3A_798, %reduce_sum3A_842 : f32
    %get3A_844 = arith.constant 0 : index
    %get3A_845 = arith.constant 15200 : index
    %get3A_846 = arith.constant 0 : index
    %get3A_847 = vector.load %arg1[%get3A_844, %get3A_845, %get3A_846] : memref<1x20000x81xf32, #tpu.memory_space<vmem>>, vector<1x800x81xf32>
    %get3A_848 = vector.shape_cast %get3A_847 : vector<1x800x81xf32> to vector<800x81xf32>
    %get3A_849 = arith.constant 0 : index
    %get3A_850 = arith.constant 0 : index
    %get3A_851 = arith.constant 19 : index
    %get3A_852 = vector.load %arg2[%get3A_849, %get3A_850, %get3A_851] : memref<1x800x25xi32, #tpu.memory_space<vmem>>, vector<1x800x1xi32>
    %get3A_853 = vector.shape_cast %get3A_852 : vector<1x800x1xi32> to vector<800x1xi32>
    %exp3A_854 = math.exp %get3A_848 : vector<800x81xf32>
    %reduce_sum3A_855 = arith.constant dense<0.000000e+00> : vector<800xf32>
    %reduce_sum3A_856 = vector.multi_reduction <add>, %exp3A_854, %reduce_sum3A_855 [1] : vector<800x81xf32> to vector<800xf32>
    %broadcast_in_dim3A_857 = vector.shape_cast %reduce_sum3A_856 : vector<800xf32> to vector<800x1xf32>
    %eq3A_858 = vector.broadcast %get3A_853 : vector<800x1xi32> to vector<800x81xi32>
    %eq3A_859 = arith.cmpi eq, %iota3A, %eq3A_858 : vector<800x81xi32>
    %jit3A_860 = arith.constant 0.000000e+00 : f32
    %broadcast_in_dim3A_861 = vector.broadcast %jit3A_860 : f32 to vector<800x81xf32>
    %select_n3A_862 = arith.select %eq3A_859, %get3A_848, %broadcast_in_dim3A_861 : vector<800x81xi1>, vector<800x81xf32>
    %reduce_sum3A_863 = arith.constant dense<0.000000e+00> : vector<800xf32>
    %reduce_sum3A_864 = vector.multi_reduction <add>, %select_n3A_862, %reduce_sum3A_863 [1] : vector<800x81xf32> to vector<800xf32>
    %broadcast_in_dim3A_865 = vector.shape_cast %reduce_sum3A_864 : vector<800xf32> to vector<800x1xf32>
    %log3A_866 = math.log %broadcast_in_dim3A_857 : vector<800x1xf32>
    %sub3A_867 = arith.subf %log3A_866, %broadcast_in_dim3A_865 : vector<800x1xf32>
    %ne3A_868 = arith.constant 0 : i32
    %ne3A_869 = vector.broadcast %ne3A_868 : i32 to vector<800x1xi32>
    %ne3A_870 = arith.cmpi ne, %get3A_853, %ne3A_869 : vector<800x1xi32>
    %jit3A_871 = arith.constant 0.000000e+00 : f32
    %broadcast_in_dim3A_872 = vector.broadcast %jit3A_871 : f32 to vector<800x1xf32>
    %select_n3A_873 = arith.select %ne3A_870, %broadcast_in_dim3A_872, %sub3A_867 : vector<800x1xi1>, vector<800x1xf32>
    %swap3A_874 = arith.constant 0 : index
    %swap3A_875 = arith.constant 0 : index
    %swap3A_876 = arith.constant 19 : index
    %swap3A_877 = vector.load %arg3[%swap3A_874, %swap3A_875, %swap3A_876] : memref<1x800x25xf32, #tpu.memory_space<vmem>>, vector<1x800x1xf32>
    %swap3A_878 = vector.shape_cast %swap3A_877 : vector<1x800x1xf32> to vector<800x1xf32>
    %swap3A_879 = vector.shape_cast %select_n3A_873 : vector<800x1xf32> to vector<1x800x1xf32>
    tpu.vector_store %arg3[%swap3A_874, %swap3A_875, %swap3A_876], %swap3A_879 {strides = array<i32>} : memref<1x800x25xf32, #tpu.memory_space<vmem>>, vector<1x800x1xf32>,
    %jit3A_880 = arith.constant 0.000000e+00 : f32
    %broadcast_in_dim3A_881 = vector.broadcast %jit3A_880 : f32 to vector<800x1xf32>
    %select_n3A_882 = arith.select %ne3A_870, %sub3A_867, %broadcast_in_dim3A_881 : vector<800x1xi1>, vector<800x1xf32>
    %reduce_sum3A_883 = vector.shape_cast %select_n3A_882 : vector<800x1xf32> to vector<1x800x1xf32>
    %reduce_sum3A_884 = arith.constant dense<0.000000e+00> : vector<1xf32>
    %reduce_sum3A_885 = vector.multi_reduction <add>, %reduce_sum3A_883, %reduce_sum3A_884 [1, 2] : vector<1x800x1xf32> to vector<1xf32>
    %reduce_sum3A_886 = vector.shape_cast %reduce_sum3A_885 : vector<1xf32> to vector<1x1x1xf32>
    %reduce_sum3A_887 = vector.extract %reduce_sum3A_886[0, 0, 0] : f32 from vector<1x1x1xf32>
    %add3A_888 = arith.addf %add3A_843, %reduce_sum3A_887 : f32
    %get3A_889 = arith.constant 0 : index
    %get3A_890 = arith.constant 16000 : index
    %get3A_891 = arith.constant 0 : index
    %get3A_892 = vector.load %arg1[%get3A_889, %get3A_890, %get3A_891] : memref<1x20000x81xf32, #tpu.memory_space<vmem>>, vector<1x800x81xf32>
    %get3A_893 = vector.shape_cast %get3A_892 : vector<1x800x81xf32> to vector<800x81xf32>
    %get3A_894 = arith.constant 0 : index
    %get3A_895 = arith.constant 0 : index
    %get3A_896 = arith.constant 20 : index
    %get3A_897 = vector.load %arg2[%get3A_894, %get3A_895, %get3A_896] : memref<1x800x25xi32, #tpu.memory_space<vmem>>, vector<1x800x1xi32>
    %get3A_898 = vector.shape_cast %get3A_897 : vector<1x800x1xi32> to vector<800x1xi32>
    %exp3A_899 = math.exp %get3A_893 : vector<800x81xf32>
    %reduce_sum3A_900 = arith.constant dense<0.000000e+00> : vector<800xf32>
    %reduce_sum3A_901 = vector.multi_reduction <add>, %exp3A_899, %reduce_sum3A_900 [1] : vector<800x81xf32> to vector<800xf32>
    %broadcast_in_dim3A_902 = vector.shape_cast %reduce_sum3A_901 : vector<800xf32> to vector<800x1xf32>
    %eq3A_903 = vector.broadcast %get3A_898 : vector<800x1xi32> to vector<800x81xi32>
    %eq3A_904 = arith.cmpi eq, %iota3A, %eq3A_903 : vector<800x81xi32>
    %jit3A_905 = arith.constant 0.000000e+00 : f32
    %broadcast_in_dim3A_906 = vector.broadcast %jit3A_905 : f32 to vector<800x81xf32>
    %select_n3A_907 = arith.select %eq3A_904, %get3A_893, %broadcast_in_dim3A_906 : vector<800x81xi1>, vector<800x81xf32>
    %reduce_sum3A_908 = arith.constant dense<0.000000e+00> : vector<800xf32>
    %reduce_sum3A_909 = vector.multi_reduction <add>, %select_n3A_907, %reduce_sum3A_908 [1] : vector<800x81xf32> to vector<800xf32>
    %broadcast_in_dim3A_910 = vector.shape_cast %reduce_sum3A_909 : vector<800xf32> to vector<800x1xf32>
    %log3A_911 = math.log %broadcast_in_dim3A_902 : vector<800x1xf32>
    %sub3A_912 = arith.subf %log3A_911, %broadcast_in_dim3A_910 : vector<800x1xf32>
    %ne3A_913 = arith.constant 0 : i32
    %ne3A_914 = vector.broadcast %ne3A_913 : i32 to vector<800x1xi32>
    %ne3A_915 = arith.cmpi ne, %get3A_898, %ne3A_914 : vector<800x1xi32>
    %jit3A_916 = arith.constant 0.000000e+00 : f32
    %broadcast_in_dim3A_917 = vector.broadcast %jit3A_916 : f32 to vector<800x1xf32>
    %select_n3A_918 = arith.select %ne3A_915, %broadcast_in_dim3A_917, %sub3A_912 : vector<800x1xi1>, vector<800x1xf32>
    %swap3A_919 = arith.constant 0 : index
    %swap3A_920 = arith.constant 0 : index
    %swap3A_921 = arith.constant 20 : index
    %swap3A_922 = vector.load %arg3[%swap3A_919, %swap3A_920, %swap3A_921] : memref<1x800x25xf32, #tpu.memory_space<vmem>>, vector<1x800x1xf32>
    %swap3A_923 = vector.shape_cast %swap3A_922 : vector<1x800x1xf32> to vector<800x1xf32>
    %swap3A_924 = vector.shape_cast %select_n3A_918 : vector<800x1xf32> to vector<1x800x1xf32>
    tpu.vector_store %arg3[%swap3A_919, %swap3A_920, %swap3A_921], %swap3A_924 {strides = array<i32>} : memref<1x800x25xf32, #tpu.memory_space<vmem>>, vector<1x800x1xf32>,
    %jit3A_925 = arith.constant 0.000000e+00 : f32
    %broadcast_in_dim3A_926 = vector.broadcast %jit3A_925 : f32 to vector<800x1xf32>
    %select_n3A_927 = arith.select %ne3A_915, %sub3A_912, %broadcast_in_dim3A_926 : vector<800x1xi1>, vector<800x1xf32>
    %reduce_sum3A_928 = vector.shape_cast %select_n3A_927 : vector<800x1xf32> to vector<1x800x1xf32>
    %reduce_sum3A_929 = arith.constant dense<0.000000e+00> : vector<1xf32>
    %reduce_sum3A_930 = vector.multi_reduction <add>, %reduce_sum3A_928, %reduce_sum3A_929 [1, 2] : vector<1x800x1xf32> to vector<1xf32>
    %reduce_sum3A_931 = vector.shape_cast %reduce_sum3A_930 : vector<1xf32> to vector<1x1x1xf32>
    %reduce_sum3A_932 = vector.extract %reduce_sum3A_931[0, 0, 0] : f32 from vector<1x1x1xf32>
    %add3A_933 = arith.addf %add3A_888, %reduce_sum3A_932 : f32
    %get3A_934 = arith.constant 0 : index
    %get3A_935 = arith.constant 16800 : index
    %get3A_936 = arith.constant 0 : index
    %get3A_937 = vector.load %arg1[%get3A_934, %get3A_935, %get3A_936] : memref<1x20000x81xf32, #tpu.memory_space<vmem>>, vector<1x800x81xf32>
    %get3A_938 = vector.shape_cast %get3A_937 : vector<1x800x81xf32> to vector<800x81xf32>
    %get3A_939 = arith.constant 0 : index
    %get3A_940 = arith.constant 0 : index
    %get3A_941 = arith.constant 21 : index
    %get3A_942 = vector.load %arg2[%get3A_939, %get3A_940, %get3A_941] : memref<1x800x25xi32, #tpu.memory_space<vmem>>, vector<1x800x1xi32>
    %get3A_943 = vector.shape_cast %get3A_942 : vector<1x800x1xi32> to vector<800x1xi32>
    %exp3A_944 = math.exp %get3A_938 : vector<800x81xf32>
    %reduce_sum3A_945 = arith.constant dense<0.000000e+00> : vector<800xf32>
    %reduce_sum3A_946 = vector.multi_reduction <add>, %exp3A_944, %reduce_sum3A_945 [1] : vector<800x81xf32> to vector<800xf32>
    %broadcast_in_dim3A_947 = vector.shape_cast %reduce_sum3A_946 : vector<800xf32> to vector<800x1xf32>
    %eq3A_948 = vector.broadcast %get3A_943 : vector<800x1xi32> to vector<800x81xi32>
    %eq3A_949 = arith.cmpi eq, %iota3A, %eq3A_948 : vector<800x81xi32>
    %jit3A_950 = arith.constant 0.000000e+00 : f32
    %broadcast_in_dim3A_951 = vector.broadcast %jit3A_950 : f32 to vector<800x81xf32>
    %select_n3A_952 = arith.select %eq3A_949, %get3A_938, %broadcast_in_dim3A_951 : vector<800x81xi1>, vector<800x81xf32>
    %reduce_sum3A_953 = arith.constant dense<0.000000e+00> : vector<800xf32>
    %reduce_sum3A_954 = vector.multi_reduction <add>, %select_n3A_952, %reduce_sum3A_953 [1] : vector<800x81xf32> to vector<800xf32>
    %broadcast_in_dim3A_955 = vector.shape_cast %reduce_sum3A_954 : vector<800xf32> to vector<800x1xf32>
    %log3A_956 = math.log %broadcast_in_dim3A_947 : vector<800x1xf32>
    %sub3A_957 = arith.subf %log3A_956, %broadcast_in_dim3A_955 : vector<800x1xf32>
    %ne3A_958 = arith.constant 0 : i32
    %ne3A_959 = vector.broadcast %ne3A_958 : i32 to vector<800x1xi32>
    %ne3A_960 = arith.cmpi ne, %get3A_943, %ne3A_959 : vector<800x1xi32>
    %jit3A_961 = arith.constant 0.000000e+00 : f32
    %broadcast_in_dim3A_962 = vector.broadcast %jit3A_961 : f32 to vector<800x1xf32>
    %select_n3A_963 = arith.select %ne3A_960, %broadcast_in_dim3A_962, %sub3A_957 : vector<800x1xi1>, vector<800x1xf32>
    %swap3A_964 = arith.constant 0 : index
    %swap3A_965 = arith.constant 0 : index
    %swap3A_966 = arith.constant 21 : index
    %swap3A_967 = vector.load %arg3[%swap3A_964, %swap3A_965, %swap3A_966] : memref<1x800x25xf32, #tpu.memory_space<vmem>>, vector<1x800x1xf32>
    %swap3A_968 = vector.shape_cast %swap3A_967 : vector<1x800x1xf32> to vector<800x1xf32>
    %swap3A_969 = vector.shape_cast %select_n3A_963 : vector<800x1xf32> to vector<1x800x1xf32>
    tpu.vector_store %arg3[%swap3A_964, %swap3A_965, %swap3A_966], %swap3A_969 {strides = array<i32>} : memref<1x800x25xf32, #tpu.memory_space<vmem>>, vector<1x800x1xf32>,
    %jit3A_970 = arith.constant 0.000000e+00 : f32
    %broadcast_in_dim3A_971 = vector.broadcast %jit3A_970 : f32 to vector<800x1xf32>
    %select_n3A_972 = arith.select %ne3A_960, %sub3A_957, %broadcast_in_dim3A_971 : vector<800x1xi1>, vector<800x1xf32>
    %reduce_sum3A_973 = vector.shape_cast %select_n3A_972 : vector<800x1xf32> to vector<1x800x1xf32>
    %reduce_sum3A_974 = arith.constant dense<0.000000e+00> : vector<1xf32>
    %reduce_sum3A_975 = vector.multi_reduction <add>, %reduce_sum3A_973, %reduce_sum3A_974 [1, 2] : vector<1x800x1xf32> to vector<1xf32>
    %reduce_sum3A_976 = vector.shape_cast %reduce_sum3A_975 : vector<1xf32> to vector<1x1x1xf32>
    %reduce_sum3A_977 = vector.extract %reduce_sum3A_976[0, 0, 0] : f32 from vector<1x1x1xf32>
    %add3A_978 = arith.addf %add3A_933, %reduce_sum3A_977 : f32
    %get3A_979 = arith.constant 0 : index
    %get3A_980 = arith.constant 17600 : index
    %get3A_981 = arith.constant 0 : index
    %get3A_982 = vector.load %arg1[%get3A_979, %get3A_980, %get3A_981] : memref<1x20000x81xf32, #tpu.memory_space<vmem>>, vector<1x800x81xf32>
    %get3A_983 = vector.shape_cast %get3A_982 : vector<1x800x81xf32> to vector<800x81xf32>
    %get3A_984 = arith.constant 0 : index
    %get3A_985 = arith.constant 0 : index
    %get3A_986 = arith.constant 22 : index
    %get3A_987 = vector.load %arg2[%get3A_984, %get3A_985, %get3A_986] : memref<1x800x25xi32, #tpu.memory_space<vmem>>, vector<1x800x1xi32>
    %get3A_988 = vector.shape_cast %get3A_987 : vector<1x800x1xi32> to vector<800x1xi32>
    %exp3A_989 = math.exp %get3A_983 : vector<800x81xf32>
    %reduce_sum3A_990 = arith.constant dense<0.000000e+00> : vector<800xf32>
    %reduce_sum3A_991 = vector.multi_reduction <add>, %exp3A_989, %reduce_sum3A_990 [1] : vector<800x81xf32> to vector<800xf32>
    %broadcast_in_dim3A_992 = vector.shape_cast %reduce_sum3A_991 : vector<800xf32> to vector<800x1xf32>
    %eq3A_993 = vector.broadcast %get3A_988 : vector<800x1xi32> to vector<800x81xi32>
    %eq3A_994 = arith.cmpi eq, %iota3A, %eq3A_993 : vector<800x81xi32>
    %jit3A_995 = arith.constant 0.000000e+00 : f32
    %broadcast_in_dim3A_996 = vector.broadcast %jit3A_995 : f32 to vector<800x81xf32>
    %select_n3A_997 = arith.select %eq3A_994, %get3A_983, %broadcast_in_dim3A_996 : vector<800x81xi1>, vector<800x81xf32>
    %reduce_sum3A_998 = arith.constant dense<0.000000e+00> : vector<800xf32>
    %reduce_sum3A_999 = vector.multi_reduction <add>, %select_n3A_997, %reduce_sum3A_998 [1] : vector<800x81xf32> to vector<800xf32>
    %broadcast_in_dim3A_1000 = vector.shape_cast %reduce_sum3A_999 : vector<800xf32> to vector<800x1xf32>
    %log3A_1001 = math.log %broadcast_in_dim3A_992 : vector<800x1xf32>
    %sub3A_1002 = arith.subf %log3A_1001, %broadcast_in_dim3A_1000 : vector<800x1xf32>
    %ne3A_1003 = arith.constant 0 : i32
    %ne3A_1004 = vector.broadcast %ne3A_1003 : i32 to vector<800x1xi32>
    %ne3A_1005 = arith.cmpi ne, %get3A_988, %ne3A_1004 : vector<800x1xi32>
    %jit3A_1006 = arith.constant 0.000000e+00 : f32
    %broadcast_in_dim3A_1007 = vector.broadcast %jit3A_1006 : f32 to vector<800x1xf32>
    %select_n3A_1008 = arith.select %ne3A_1005, %broadcast_in_dim3A_1007, %sub3A_1002 : vector<800x1xi1>, vector<800x1xf32>
    %swap3A_1009 = arith.constant 0 : index
    %swap3A_1010 = arith.constant 0 : index
    %swap3A_1011 = arith.constant 22 : index
    %swap3A_1012 = vector.load %arg3[%swap3A_1009, %swap3A_1010, %swap3A_1011] : memref<1x800x25xf32, #tpu.memory_space<vmem>>, vector<1x800x1xf32>
    %swap3A_1013 = vector.shape_cast %swap3A_1012 : vector<1x800x1xf32> to vector<800x1xf32>
    %swap3A_1014 = vector.shape_cast %select_n3A_1008 : vector<800x1xf32> to vector<1x800x1xf32>
    tpu.vector_store %arg3[%swap3A_1009, %swap3A_1010, %swap3A_1011], %swap3A_1014 {strides = array<i32>} : memref<1x800x25xf32, #tpu.memory_space<vmem>>, vector<1x800x1xf32>,
    %jit3A_1015 = arith.constant 0.000000e+00 : f32
    %broadcast_in_dim3A_1016 = vector.broadcast %jit3A_1015 : f32 to vector<800x1xf32>
    %select_n3A_1017 = arith.select %ne3A_1005, %sub3A_1002, %broadcast_in_dim3A_1016 : vector<800x1xi1>, vector<800x1xf32>
    %reduce_sum3A_1018 = vector.shape_cast %select_n3A_1017 : vector<800x1xf32> to vector<1x800x1xf32>
    %reduce_sum3A_1019 = arith.constant dense<0.000000e+00> : vector<1xf32>
    %reduce_sum3A_1020 = vector.multi_reduction <add>, %reduce_sum3A_1018, %reduce_sum3A_1019 [1, 2] : vector<1x800x1xf32> to vector<1xf32>
    %reduce_sum3A_1021 = vector.shape_cast %reduce_sum3A_1020 : vector<1xf32> to vector<1x1x1xf32>
    %reduce_sum3A_1022 = vector.extract %reduce_sum3A_1021[0, 0, 0] : f32 from vector<1x1x1xf32>
    %add3A_1023 = arith.addf %add3A_978, %reduce_sum3A_1022 : f32
    %get3A_1024 = arith.constant 0 : index
    %get3A_1025 = arith.constant 18400 : index
    %get3A_1026 = arith.constant 0 : index
    %get3A_1027 = vector.load %arg1[%get3A_1024, %get3A_1025, %get3A_1026] : memref<1x20000x81xf32, #tpu.memory_space<vmem>>, vector<1x800x81xf32>
    %get3A_1028 = vector.shape_cast %get3A_1027 : vector<1x800x81xf32> to vector<800x81xf32>
    %get3A_1029 = arith.constant 0 : index
    %get3A_1030 = arith.constant 0 : index
    %get3A_1031 = arith.constant 23 : index
    %get3A_1032 = vector.load %arg2[%get3A_1029, %get3A_1030, %get3A_1031] : memref<1x800x25xi32, #tpu.memory_space<vmem>>, vector<1x800x1xi32>
    %get3A_1033 = vector.shape_cast %get3A_1032 : vector<1x800x1xi32> to vector<800x1xi32>
    %exp3A_1034 = math.exp %get3A_1028 : vector<800x81xf32>
    %reduce_sum3A_1035 = arith.constant dense<0.000000e+00> : vector<800xf32>
    %reduce_sum3A_1036 = vector.multi_reduction <add>, %exp3A_1034, %reduce_sum3A_1035 [1] : vector<800x81xf32> to vector<800xf32>
    %broadcast_in_dim3A_1037 = vector.shape_cast %reduce_sum3A_1036 : vector<800xf32> to vector<800x1xf32>
    %eq3A_1038 = vector.broadcast %get3A_1033 : vector<800x1xi32> to vector<800x81xi32>
    %eq3A_1039 = arith.cmpi eq, %iota3A, %eq3A_1038 : vector<800x81xi32>
    %jit3A_1040 = arith.constant 0.000000e+00 : f32
    %broadcast_in_dim3A_1041 = vector.broadcast %jit3A_1040 : f32 to vector<800x81xf32>
    %select_n3A_1042 = arith.select %eq3A_1039, %get3A_1028, %broadcast_in_dim3A_1041 : vector<800x81xi1>, vector<800x81xf32>
    %reduce_sum3A_1043 = arith.constant dense<0.000000e+00> : vector<800xf32>
    %reduce_sum3A_1044 = vector.multi_reduction <add>, %select_n3A_1042, %reduce_sum3A_1043 [1] : vector<800x81xf32> to vector<800xf32>
    %broadcast_in_dim3A_1045 = vector.shape_cast %reduce_sum3A_1044 : vector<800xf32> to vector<800x1xf32>
    %log3A_1046 = math.log %broadcast_in_dim3A_1037 : vector<800x1xf32>
    %sub3A_1047 = arith.subf %log3A_1046, %broadcast_in_dim3A_1045 : vector<800x1xf32>
    %ne3A_1048 = arith.constant 0 : i32
    %ne3A_1049 = vector.broadcast %ne3A_1048 : i32 to vector<800x1xi32>
    %ne3A_1050 = arith.cmpi ne, %get3A_1033, %ne3A_1049 : vector<800x1xi32>
    %jit3A_1051 = arith.constant 0.000000e+00 : f32
    %broadcast_in_dim3A_1052 = vector.broadcast %jit3A_1051 : f32 to vector<800x1xf32>
    %select_n3A_1053 = arith.select %ne3A_1050, %broadcast_in_dim3A_1052, %sub3A_1047 : vector<800x1xi1>, vector<800x1xf32>
    %swap3A_1054 = arith.constant 0 : index
    %swap3A_1055 = arith.constant 0 : index
    %swap3A_1056 = arith.constant 23 : index
    %swap3A_1057 = vector.load %arg3[%swap3A_1054, %swap3A_1055, %swap3A_1056] : memref<1x800x25xf32, #tpu.memory_space<vmem>>, vector<1x800x1xf32>
    %swap3A_1058 = vector.shape_cast %swap3A_1057 : vector<1x800x1xf32> to vector<800x1xf32>
    %swap3A_1059 = vector.shape_cast %select_n3A_1053 : vector<800x1xf32> to vector<1x800x1xf32>
    tpu.vector_store %arg3[%swap3A_1054, %swap3A_1055, %swap3A_1056], %swap3A_1059 {strides = array<i32>} : memref<1x800x25xf32, #tpu.memory_space<vmem>>, vector<1x800x1xf32>,
    %jit3A_1060 = arith.constant 0.000000e+00 : f32
    %broadcast_in_dim3A_1061 = vector.broadcast %jit3A_1060 : f32 to vector<800x1xf32>
    %select_n3A_1062 = arith.select %ne3A_1050, %sub3A_1047, %broadcast_in_dim3A_1061 : vector<800x1xi1>, vector<800x1xf32>
    %reduce_sum3A_1063 = vector.shape_cast %select_n3A_1062 : vector<800x1xf32> to vector<1x800x1xf32>
    %reduce_sum3A_1064 = arith.constant dense<0.000000e+00> : vector<1xf32>
    %reduce_sum3A_1065 = vector.multi_reduction <add>, %reduce_sum3A_1063, %reduce_sum3A_1064 [1, 2] : vector<1x800x1xf32> to vector<1xf32>
    %reduce_sum3A_1066 = vector.shape_cast %reduce_sum3A_1065 : vector<1xf32> to vector<1x1x1xf32>
    %reduce_sum3A_1067 = vector.extract %reduce_sum3A_1066[0, 0, 0] : f32 from vector<1x1x1xf32>
    %add3A_1068 = arith.addf %add3A_1023, %reduce_sum3A_1067 : f32
    %get3A_1069 = arith.constant 0 : index
    %get3A_1070 = arith.constant 19200 : index
    %get3A_1071 = arith.constant 0 : index
    %get3A_1072 = vector.load %arg1[%get3A_1069, %get3A_1070, %get3A_1071] : memref<1x20000x81xf32, #tpu.memory_space<vmem>>, vector<1x800x81xf32>
    %get3A_1073 = vector.shape_cast %get3A_1072 : vector<1x800x81xf32> to vector<800x81xf32>
    %get3A_1074 = arith.constant 0 : index
    %get3A_1075 = arith.constant 0 : index
    %get3A_1076 = arith.constant 24 : index
    %get3A_1077 = vector.load %arg2[%get3A_1074, %get3A_1075, %get3A_1076] : memref<1x800x25xi32, #tpu.memory_space<vmem>>, vector<1x800x1xi32>
    %get3A_1078 = vector.shape_cast %get3A_1077 : vector<1x800x1xi32> to vector<800x1xi32>
    %exp3A_1079 = math.exp %get3A_1073 : vector<800x81xf32>
    %reduce_sum3A_1080 = arith.constant dense<0.000000e+00> : vector<800xf32>
    %reduce_sum3A_1081 = vector.multi_reduction <add>, %exp3A_1079, %reduce_sum3A_1080 [1] : vector<800x81xf32> to vector<800xf32>
    %broadcast_in_dim3A_1082 = vector.shape_cast %reduce_sum3A_1081 : vector<800xf32> to vector<800x1xf32>
    %eq3A_1083 = vector.broadcast %get3A_1078 : vector<800x1xi32> to vector<800x81xi32>
    %eq3A_1084 = arith.cmpi eq, %iota3A, %eq3A_1083 : vector<800x81xi32>
    %jit3A_1085 = arith.constant 0.000000e+00 : f32
    %broadcast_in_dim3A_1086 = vector.broadcast %jit3A_1085 : f32 to vector<800x81xf32>
    %select_n3A_1087 = arith.select %eq3A_1084, %get3A_1073, %broadcast_in_dim3A_1086 : vector<800x81xi1>, vector<800x81xf32>
    %reduce_sum3A_1088 = arith.constant dense<0.000000e+00> : vector<800xf32>
    %reduce_sum3A_1089 = vector.multi_reduction <add>, %select_n3A_1087, %reduce_sum3A_1088 [1] : vector<800x81xf32> to vector<800xf32>
    %broadcast_in_dim3A_1090 = vector.shape_cast %reduce_sum3A_1089 : vector<800xf32> to vector<800x1xf32>
    %log3A_1091 = math.log %broadcast_in_dim3A_1082 : vector<800x1xf32>
    %sub3A_1092 = arith.subf %log3A_1091, %broadcast_in_dim3A_1090 : vector<800x1xf32>
    %ne3A_1093 = arith.constant 0 : i32
    %ne3A_1094 = vector.broadcast %ne3A_1093 : i32 to vector<800x1xi32>
    %ne3A_1095 = arith.cmpi ne, %get3A_1078, %ne3A_1094 : vector<800x1xi32>
    %jit3A_1096 = arith.constant 0.000000e+00 : f32
    %broadcast_in_dim3A_1097 = vector.broadcast %jit3A_1096 : f32 to vector<800x1xf32>
    %select_n3A_1098 = arith.select %ne3A_1095, %broadcast_in_dim3A_1097, %sub3A_1092 : vector<800x1xi1>, vector<800x1xf32>
    %swap3A_1099 = arith.constant 0 : index
    %swap3A_1100 = arith.constant 0 : index
    %swap3A_1101 = arith.constant 24 : index
    %swap3A_1102 = vector.load %arg3[%swap3A_1099, %swap3A_1100, %swap3A_1101] : memref<1x800x25xf32, #tpu.memory_space<vmem>>, vector<1x800x1xf32>
    %swap3A_1103 = vector.shape_cast %swap3A_1102 : vector<1x800x1xf32> to vector<800x1xf32>
    %swap3A_1104 = vector.shape_cast %select_n3A_1098 : vector<800x1xf32> to vector<1x800x1xf32>
    tpu.vector_store %arg3[%swap3A_1099, %swap3A_1100, %swap3A_1101], %swap3A_1104 {strides = array<i32>} : memref<1x800x25xf32, #tpu.memory_space<vmem>>, vector<1x800x1xf32>,
    %jit3A_1105 = arith.constant 0.000000e+00 : f32
    %broadcast_in_dim3A_1106 = vector.broadcast %jit3A_1105 : f32 to vector<800x1xf32>
    %select_n3A_1107 = arith.select %ne3A_1095, %sub3A_1092, %broadcast_in_dim3A_1106 : vector<800x1xi1>, vector<800x1xf32>
    %reduce_sum3A_1108 = vector.shape_cast %select_n3A_1107 : vector<800x1xf32> to vector<1x800x1xf32>
    %reduce_sum3A_1109 = arith.constant dense<0.000000e+00> : vector<1xf32>
    %reduce_sum3A_1110 = vector.multi_reduction <add>, %reduce_sum3A_1108, %reduce_sum3A_1109 [1, 2] : vector<1x800x1xf32> to vector<1xf32>
    %reduce_sum3A_1111 = vector.shape_cast %reduce_sum3A_1110 : vector<1xf32> to vector<1x1x1xf32>
    %reduce_sum3A_1112 = vector.extract %reduce_sum3A_1111[0, 0, 0] : f32 from vector<1x1x1xf32>
    %add3A_1113 = arith.addf %add3A_1068, %reduce_sum3A_1112 : f32
    %iota3A_1114 = tpu.iota {dimensions = array<i32: 1>} : vector<1x128xi32>
    %eq3A_1115 = arith.constant 0 : i32
    %eq3A_1116 = vector.broadcast %eq3A_1115 : i32 to vector<1x128xi32>
    %eq3A_1117 = arith.cmpi eq, %iota3A_1114, %eq3A_1116 : vector<1x128xi32>
    %jit3A_1118 = arith.constant 0.000000e+00 : f32
    %broadcast_in_dim3A_1119 = vector.broadcast %add3A_1113 : f32 to vector<1x128xf32>
    %broadcast_in_dim3A_1120 = vector.broadcast %jit3A_1118 : f32 to vector<1x128xf32>
    %select_n3A_1121 = arith.select %eq3A_1117, %broadcast_in_dim3A_1119, %broadcast_in_dim3A_1120 : vector<1x128xi1>, vector<1x128xf32>
    %swap3A_1122 = arith.constant 0 : index
    %swap3A_1123 = arith.constant 0 : index
    %swap3A_1124 = arith.constant 0 : index
    %swap3A_1125 = vector.load %arg4[%swap3A_1122, %swap3A_1123, %swap3A_1124] : memref<1x1x128xf32, #tpu.memory_space<vmem>>, vector<1x1x128xf32>
    %swap3A_1126 = vector.shape_cast %swap3A_1125 : vector<1x1x128xf32> to vector<1x128xf32>
    %swap3A_1127 = vector.shape_cast %select_n3A_1121 : vector<1x128xf32> to vector<1x1x128xf32>
    tpu.vector_store %arg4[%swap3A_1122, %swap3A_1123, %swap3A_1124], %swap3A_1127 {strides = array<i32>} : memref<1x1x128xf32, #tpu.memory_space<vmem>>, vector<1x1x128xf32>,
    return
  }
  func.func @transform_0(%arg0: i32) -> (i32, i32, i32) {
    %c0_i32 = arith.constant 0 : i32
    %c0_i32_0 = arith.constant 0 : i32
    %c0_i32_1 = arith.constant 0 : i32
    return %arg0, %c0_i32, %c0_i32_0 : i32, i32, i32
  }
  func.func @transform_1(%arg0: i32) -> (i32, i32, i32) {
    %c0_i32 = arith.constant 0 : i32
    %c0_i32_0 = arith.constant 0 : i32
    %c0_i32_1 = arith.constant 0 : i32
    return %arg0, %c0_i32, %c0_i32_0 : i32, i32, i32
  }
  func.func @transform_2(%arg0: i32) -> (i32, i32, i32) {
    %c0_i32 = arith.constant 0 : i32
    %c0_i32_0 = arith.constant 0 : i32
    %c0_i32_1 = arith.constant 0 : i32
    return %arg0, %c0_i32, %c0_i32_0 : i32, i32, i32
  }
  func.func @transform_3(%arg0: i32) -> (i32, i32, i32) {
    %c0_i32 = arith.constant 0 : i32
    %c0_i32_0 = arith.constant 0 : i32
    %c0_i32_1 = arith.constant 0 : i32
    return %arg0, %c0_i32, %c0_i32_0 : i32, i32, i32
  }
}

</mosaic_0001>

<sc_bundles>
// kernel: kernel.5.cloned.1.call-start
scs
__scs_entry_jumppad:
0x0: {  	(pc) =	sbr.rel $0x88, $3  }
0x1: {  	(tag) =	ssettag $0x0;
	lr =	simm.s32 $0x1  }
0x2: {  	[smem:$0x3F9C] =	sst lr;
	_ =	strace $0xD0000000  }
0x3: {  	_ = 	snop  }
0x4: {  	_ = 	snop  }
0x5: {  	_ = 	snop  }
0x6: {  	_ = 	snop  }
0x7: {  	_ = 	snop  }
__scs_overlays_trampoline_lowered:
0x8: {  	[smem:$0x3FAB] =	sst s0  }
0x9: {  	[smem:$0x3FAC] =	sst s1  }
0xa: {  	[smem:$0x3FAD] =	sst s2  }
0xb: {  	[smem:$0x3FAE] =	sst s3  }
0xc: {  	[smem:$0x3FAF] =	sst s4  }
0xd: {  	[smem:$0x3FB0] =	sst s5  }
0xe: {  	[smem:$0x3FB1] =	sst s6  }
0xf: {  	[smem:$0x3FB2] =	sst s7  }
0x10: {  	[smem:$0x3FB3] =	sst s8  }
0x11: {  	[smem:$0x3FB4] =	sst s9;
	s0 =	simm.s32 @!p0 $0x0  }
0x12: {  	s1 =	sld [smem:$0x3F9A];
	s0 =	simm.s32 @p0 $0x1  }
0x13: {  	[smem:$0x3FB5] =	sst s0;
	s0 =	simm.s32 @!p1 $0x0  }
0x14: {  	s2 =	sld [smem:$0x3F99];
	s0 =	simm.s32 @p1 $0x1  }
0x15: {  	[smem:$0x3FB6] =	sst s0;
	s0 =	simm.s32 @!p2 $0x0  }
0x16: {  	s3 =	sld [smem:$0x3FDB];
	s0 =	simm.s32 @p2 $0x1  }
0x17: {  	s4 =	simm.s32 $0x1BF5;
	[smem:$0x3FB8] =	sst s0  }
0x18: {  	s0 =	sld [smem:$0x3F9B];
	_ =	swait.ge [sflag:s4], $0x0  }
0x19: {  	s7 =	sld [smem:$0x3F9C]  }
0x1a: {  	s8 =	sadd.s32 $0xFFFFE003, lr  }
0x1b: {  	s9 =	sadd.s32 $0xFFFFFEF7, lr;
	s5 =	simm.s32 $0xFFFFFFFF;
	p2 =	slt.u32 s8, $0xFFFFF086  }
0x1c: {  	p1 =	slt.u32 s9, $0xF7A;
	s5 =	simm.s32 @!p2 $0x0  }
0x1d: {  	s5 =	simm.s32 @p1 $0x1;
	p0 =	seq.s32 s7, s2  }
0x1e: {  	s7 =	smul.u32 @!p0 $0xF7A, s2;
	p2 =	seq.s32 @!p0 s5, $0x0  }
0x1f: {  	s9 =	smul.u32 $0xF7A, s1;
	s8 =	simm.s32 @!p0 $0x1BF5;
	p2 =	por !p2, p0  }
0x20: {  	[sflag:s8] =	ssyncset.s32 @!p0 $0xFFFFF086;
	s6 =	sadd.s32 @!p0 s3, s7;
	s7 =	simm.s32 @!p0 $0x108  }
0x21: {  	s3 =	sadd.s32 s3, s9;
	s6 =	sadd.s32 @!p0 $0x88, s6;
	s7 =	simm.s32 @p2 $0x1082  }
0x22: {  	[simem:s7], [sflag:s8] =	dma.local @!p0 [hbm:s6], $0xF7A  }
0x23: {  	s9 =	sor.u32 $0xD0000000, s2;
	s6 =	simm.s32 $0x108;
	_ =	swait.ge @!p0 [sflag:s8], $0x0  }
0x24: {  	s3 =	sadd.s32 $0x88, s3;
	s6 =	simm.s32 @!p1 $0x1082;
	[sflag:s4] =	ssyncset.s32 $0xFFFFF086  }
0x25: {  	[simem:s6], [sflag:s4] =	dma.local [hbm:s3], $0xF7A  }
0x26: {  	[smem:$0x3F9C] =	sst s1;
	(tag) =	ssettag s2;
	_ =	strace s9  }
0x27: {  	s1 =	sld [smem:$0x3FAC]  }
0x28: {  	s2 =	sld [smem:$0x3FAD]  }
0x29: {  	s4 =	sld [smem:$0x3FAF]  }
0x2a: {  	p0 =	seq.s32 s5, $0x0;
	s5 =	sld [smem:$0x3FB0]  }
0x2b: {  	s6 =	sld [smem:$0x3FB1]  }
0x2c: {  	s7 =	sld [smem:$0x3FB2]  }
0x2d: {  	s3 =	simm.s32 $0x108;
	s8 =	sld [smem:$0x3FB3]  }
0x2e: {  	s3 =	simm.s32 @!p0 $0x1082;
	s9 =	sld [smem:$0x3FB4]  }
0x2f: {  	lr =	sadd.s32 s0, s3;
	s0 =	sld [smem:$0x3FAB]  }
0x30: {  	s3 =	sld [smem:$0x3FAE]  }
0x31: {  	[smem:$0x3FB7] =	sst s10  }
0x32: {  	s10 =	sld [smem:$0x3FB5];
	_ =	sdelay $0x3  }
0x33: {  	p0 =	seq.s32 s10, $0x1;
	s10 =	sld [smem:$0x3FB7];
	_ =	sdelay $0x3  }
0x34: {  	[smem:$0x3FB7] =	sst s10  }
0x35: {  	s10 =	sld [smem:$0x3FB6];
	_ =	sdelay $0x3  }
0x36: {  	p1 =	seq.s32 s10, $0x1;
	s10 =	sld [smem:$0x3FB7];
	_ =	sdelay $0x3  }
0x37: {  	[smem:$0x3FB7] =	sst s10  }
0x38: {  	s10 =	sld [smem:$0x3FB8]  }
0x39: {  	_ = 	snop;
	(pc) =	sbr.ind lr, $3  }
0x3a: {  	_ = 	snop  }
0x3b: {  	_ = 	snop  }
0x3c: {  	p2 =	seq.s32 s10, $0x1;
	s10 =	sld [smem:$0x3FB7]  }
0x3d: {  	_ =	shalt  }
0x3e: {  	_ =	shalt  }
0x3f: {  	_ =	shalt  }
0x40: {  	_ =	shalt  }
0x41: {  	_ =	shalt  }
0x42: {  	_ =	shalt  }
0x43: {  	_ =	shalt  }
0x44: {  	_ =	shalt  }
0x45: {  	_ =	shalt  }
0x46: {  	_ =	shalt  }
0x47: {  	_ =	shalt  }
0x48: {  	_ =	shalt  }
0x49: {  	_ =	shalt  }
0x4a: {  	_ =	shalt  }
0x4b: {  	_ =	shalt  }
0x4c: {  	_ =	shalt  }
0x4d: {  	_ =	shalt  }
0x4e: {  	_ =	shalt  }
0x4f: {  	_ =	shalt  }
0x50: {  	_ =	shalt  }
0x51: {  	_ =	shalt  }
0x52: {  	_ =	shalt  }
0x53: {  	_ =	shalt  }
0x54: {  	_ =	shalt  }
0x55: {  	_ =	shalt  }
0x56: {  	_ =	shalt  }
0x57: {  	_ =	shalt  }
0x58: {  	_ =	shalt  }
0x59: {  	_ =	shalt  }
0x5a: {  	_ =	shalt  }
0x5b: {  	_ =	shalt  }
0x5c: {  	_ =	shalt  }
0x5d: {  	_ =	shalt  }
0x5e: {  	_ =	shalt  }
0x5f: {  	_ =	shalt  }
0x60: {  	_ =	shalt  }
0x61: {  	_ =	shalt  }
0x62: {  	_ =	shalt  }
0x63: {  	_ =	shalt  }
0x64: {  	_ =	shalt  }
0x65: {  	_ =	shalt  }
0x66: {  	_ =	shalt  }
0x67: {  	_ =	shalt  }
0x68: {  	_ =	shalt  }
0x69: {  	_ =	shalt  }
0x6a: {  	_ =	shalt  }
0x6b: {  	_ =	shalt  }
0x6c: {  	_ =	shalt  }
0x6d: {  	_ =	shalt  }
0x6e: {  	_ =	shalt  }
0x6f: {  	_ =	shalt  }
0x70: {  	_ =	shalt  }
0x71: {  	_ =	shalt  }
0x72: {  	_ =	shalt  }
0x73: {  	_ =	shalt  }
0x74: {  	_ =	shalt  }
0x75: {  	_ =	shalt  }
0x76: {  	_ =	shalt  }
0x77: {  	_ =	shalt  }
0x78: {  	_ =	shalt  }
0x79: {  	_ =	shalt  }
0x7a: {  	_ =	shalt  }
0x7b: {  	_ =	shalt  }
0x7c: {  	_ =	shalt  }
0x7d: {  	_ =	shalt  }
0x7e: {  	_ =	shalt  }
0x7f: {  	_ =	shalt  }
0x80: {  	_ =	shalt  }
0x81: {  	_ =	shalt  }
0x82: {  	_ =	shalt  }
0x83: {  	_ =	shalt  }
0x84: {  	_ =	shalt  }
0x85: {  	_ =	shalt  }
0x86: {  	_ =	shalt  }
0x87: {  	_ =	shalt  }
.Lfunc_end0:
.L_simem_size_0:
called_computation_lowered:
.L_overlay_start_0:
0x88: {  	s2 =	sld [smem:$0x3FD9]  }
0x89: {  	s3 =	sld [smem:$0x3FFE];
	_ =	sdelay $0x1  }
0x8a: {  	s1 =	srdreg.scid  }
0x8b: {  	s0 =	sand.u32 $0x1, s1  }
0x8c: {  	s17 =	sshll.u32 s0, $0xA;
	s2 =	sadd.s32 s3, s2  }
0x8d: {  	s3 =	sadd.s32 s2, s17  }
0x8e: {  	[smem:$0x3FC3] =	sst s3  }
0x8f: {  	_ = 	snop  }
0x90: {  	(tm) =	ssettm $0x1  }
0x91: {  	s18 =	sld [smem:$0x3FFB];
	_ =	sdelay $0x3  }
0x92: {  	_ =	strace s18  }
0x93: {  	s3 =	sld [smem:$0x3FFC];
	_ =	sdelay $0x3  }
0x94: {  	_ =	strace s3  }
0x95: {  	s3 =	sld [smem:$0x3FFD];
	_ =	sdelay $0x3  }
0x96: {  	_ =	strace s3  }
0x97: {  	_ =	strace $0x8FFFFFFF  }
0x98: {  	s19 =	sld [smem:$0x3FDB];
	_ =	sdelay $0x1  }
0x99: {  	s4 =	simm.s32 $_scs_section_size  }
0x9a: {  	s5 =	simm.s32 $_size__tile_overlayer_lowered;
	s6 =	simm.s32 $_tile_overlayer_lowered  }
0x9b: {  	s22 =	simm.s32 $0x1BFF;
	s21 =	sshll.u32 s6, $0x1;
	s3 =	sadd.s32 s4, s19  }
0x9c: {  	s7 =	simm.s32 $0x0;
	s20 =	sshll.u32 s5, $0x1;
	s5 =	sadd.s32 s21, s3  }
0x9d: {  	[timem:s7], [sflag:s22] =	dma.local [hbm:s5], s20  }
0x9e: {  	_ =	swait.ge [sflag:s22], s20  }
0x9f: {  	s4 =	ssub.s32 $0x0, s20;
	[sflag:s22] =	ssyncset.done $0x0  }
0xa0: {  	[sflag:s22] =	ssyncadd.s32 s4;
	_ =	sdelay $0x1  }
0xa1: {  	s23 =	simm.s32 $0x1B8B  }
0xa2: {  	_ =	swait.ge [sflag:s23], $0x1  }
0xa3: {  	[sflag:s23] =	ssyncset.done $0x0  }
0xa4: {  	s25 =	simm.s32 $0x1B8E;
	s24 =	sld [smem:$0x3FFE];
	[sflag:s23] =	ssyncadd.s32 $0xFFFFFFFF  }
0xa5: {  	s26 =	simm.s32 $execute0_lowered;
	[smem:$0x3FD2] =	sst s25  }
0xa6: {  	s5 =	sshll.u32 s26, $0x1;
	_ =	strace $0x80000046;
	[dreg:$0x1] =	wrdreg $0xFFFFFFFF  }
0xa7: {  	s28 =	simm.s32 $_size_execute0_lowered;
	s3 =	sadd.s32 s3, s5;
	[dreg:$0x0] =	wrdreg $0x0  }
0xa8: {  	s5 =	sshll.u32 s28, $0x1;
	[dreg:$0x2] =	wrdreg s3  }
0xa9: {  	[dreg:$0x3] =	wrdreg s5  }
0xaa: {  	[dreg:$0x4] =	wrdreg $0xC0  }
0xab: {  	_ =	task [dreg:s7], $0x5FFFF  }
0xac: {  	[dreg:$0x1] =	wrdreg $0xFFFFFFFF  }
0xad: {  	[dreg:$0x0] =	wrdreg $0x60  }
0xae: {  	s2 =	sadd.s32 $0x800, s2;
	[dreg:$0x2] =	wrdreg s24  }
0xaf: {  	[dreg:$0x3] =	wrdreg s2  }
0xb0: {  	[dreg:$0x4] =	wrdreg $0x9  }
0xb1: {  	_ =	task.clear_ibuf [dreg:s7], $0x5FFFF;
	_ =	strace $0x90000046  }
0xb2: {  	s29 =	simm.s32 $0x9;
	_ =	strace $0x80000048  }
0xb3: {  	_ =	swait.ge [sflag:s29], $0x1  }
0xb4: {  	[sflag:s29] =	ssyncadd.s32 $0xFFFFFFFF  }
0xb5: {  	_ =	strace $0x90000048  }
0xb6: {  	_ =	sfence  }
0xb7: {  	s30 =	sld [smem:$0x0];
	_ =	sdelay $0x2  }
0xb8: {  	s31 =	sshll.u32 s1, $0xD;
	s1 =	sshrl.u32 s1, $0x2  }
0xb9: {  	s3 =	sand.u32 $0x4000, s31;
	s1 =	sadd.s32 s1, s30  }
0xba: {  	s0 =	sor.u32 s3, s0;
	s1 =	sshll.u32 s1, $0x11  }
0xbb: {  	s0 =	sor.u32 s1, s0  }
0xbc: {  	s0 =	sadd.s32 $0x8F2B, s0  }
0xbd: {  	[sflag:s0] =	ssyncadd.remote.s32 $0x1  }
0xbe: {  	_ =	sfence.sel $0xFFFF  }
0xbf: {  	[dreg:$0x0] =	wrdreg $0xFFFFFFFF;
	(pc) =	sbr.abs _section_cstart, $3  }
0xc0: {  	[dreg:$0x1] =	wrdreg $0xFFFFFFFF  }
0xc1: {  	_ =	task.clear_ibuf [dreg:s7], $0x2FFFF;
	_ =	strace $0x9FFFFFFF  }
0xc2: {  	(tm) =	ssettm $0x7FFFFFFF  }
0xc3: {  	_ =	shalt  }
tec
execute0_lowered:
.L_overlay_start_1:
0x0: {  	(tag) =	ssettag $0x1  }
0x1: {  	v0 =	vimm.s32 $0xBA98FEDC;
	v1 =	vimm.s32 $0x32107654  }
0x2: {  	s6 =	rddreg [dreg:$0x0];
	v0 =	vunpack.c.l.s4.s8 v0;
	v1 =	vunpack.c.l.s4.s8 v1  }
0x3: {  	s2 =	rddreg [dreg:$0x1];
	v3 =	vimm.s32 $0xFEDCBA98;
	v4 =	vimm.s32 $0x76543210  }
0x4: {  	s0 =	stileid.u32;
	s1 =	rddreg [dreg:$0x2];
	s3 =	simm.s32 $0x0;
	v5 =	vimm.s32 $0xDCFE98BA;
	v0 =	vunpack.c.0.s8.s32 v0;
	v1 =	vunpack.c.0.s8.s32 v1  }
0x5: {  	s5 =	srdreg.scid;
	v6 =	vimm.s32 $0xEFCDAB89;
	v7 =	vimm.s32 $0x67452301;
	s11 =	simm.s32 $0x400;
	s13 =	simm.s32 $0x5080  }
0x6: {  	s15 =	simm.s32 $0x0;
	[smem:$0x7FF] =	sst s3;
	s4 =	sshrl.u32 s0, $0x3;
	v0 =	vcombine.low v1, v0;
	v1 =	vunpack.c.l.s4.s8 v5;
	v5 =	vimm.s32 $0x54761032  }
0x7: {  	v2 =	vmov s0;
	v3 =	vunpack.c.l.s4.s8 v3;
	s30 =	sshll.u32 s0, $0x7;
	s8 =	sand.u32 $0x1, s5;
	s5 =	sadd.s32 $0xA000, s6;
	v5 =	vunpack.c.l.s4.s8 v5  }
0x8: {  	v4 =	vunpack.c.l.s4.s8 v4;
	v6 =	vunpack.c.l.s4.s8 v6;
	v7 =	vunpack.c.l.s4.s8 v7;
	s12 =	sshll.u32 s0, $0x4;
	_ =	strace $0x80000047;
	s7 =	smul.u32 $0x27400, s4  }
0x9: {  	s31 =	sand.u32 $0x380, s30;
	s4 =	sadd.s32 $0x9E00, s6;
	s9 =	ssub.s32 $0x2, s8;
	v3 =	vunpack.c.0.s8.s32 v3;
	v1 =	vunpack.c.0.s8.s32 v1;
	v5 =	vunpack.c.0.s8.s32 v5  }
.Ltmp0:
0xa: {  	s14 =	sor.u32 s0, s8;
	p0 =	sne.s32 s8, $0x0;
	v4 =	vunpack.c.0.s8.s32 v4;
	v6 =	vunpack.c.0.s8.s32 v6;
	v7 =	vunpack.c.0.s8.s32 v7;
	(pc) =	sbr.rel .LBB2_1-.Ltmp0, $4  }
0xb: {  	s8 =	simm.s32 $0x4E80;
	s12 =	sadd.s32 s12, s2;
	s10 =	sshrl.u32 s9, $0x1;
	v3 =	vand.u32 $0xF, v3;
	v1 =	vcombine.low v5, v1;
	v5 =	vlaneseq.u32  }
0xc: {  	p1 =	sne.s32 s14, $0x0;
	s14 =	simm.s32 $0x5100;
	s7 =	sor.u32 s31, s7;
	vm0 =	veq.s32 v2, v5;
	v2 =	vcombine.low v3, v4;
	v3 =	vcombine.low v7, v6  }
0xd: {  	vm1 =	vcmask $0x3F08;
	vm2 =	vmmov $0x1;
	s9 =	ssub.s32 s9, s10;
	s10 =	simm.s32 $0x80;
	s7 =	sshrl.u32 s7, $0x3;
	v4 =	vimm.f32 $0.0e+00  }
0xe: {  	s6 =	sadd.s32 s6, s7;
	s7 =	smax.u32 s9, $0x1;
	s9 =	simm.s32 $0x1;
	v5 =	vand.u32 $0xF, v0;
	v6 =	vand.u32 $0xF, v1;
	v7 =	vand.u32 $0xF, v3  }
.LBB2_11:
.Ltmp1:
0xf: {  	(pc) =	sbr.rel @!p1 .LBB2_12-.Ltmp1, $2  }
0x10: {  	_ =	sdelay $0x1  }
0x11: {  	[bflag:$0x0] =	sbarrier.arrive $0xFFFF;
	_ =	sdelay $0x1  }
.LBB2_13:
0x12: {  	s15 =	sadd.s32 $0x1, s15  }
0x13: {  	p2 =	sne.s32 s15, s7  }
.Ltmp2:
0x14: {  	_ = 	snop;
	(pc) =	sbr.rel @!p2 .LBB2_14-.Ltmp2, $1  }
0x15: {  	_ =	sdelay $0x3  }
.LBB2_1:
.Ltmp3:
0x16: {  	(pc) =	sbr.rel @p0 .LBB2_11-.Ltmp3, $1  }
0x17: {  	_ =	sdelay $0x3  }
0x18: {  	s16 =	simm.s32 $0x0  }
0x19: {  	[tilespmem:s8], [sflag:$0x1] =	stream.linear.gather [hbm4b:s4+s16], $0x200, $0x38;
	[tilespmem:$0x5900] =	vst v63  }
0x1a: {  	_ =	swait.ge [sflag:s9], $0x200  }
0x1b: {  	[sflag:s9] =	ssyncset.done $0x0  }
0x1c: {  	[sflag:s9] =	ssyncadd.s32 $0xFFFFFE00  }
0x1d: {  	[tilespmem:s16], [sflag:$0x1] =	stream.strided.gather [hbm4b:s6+s10], $0x4E80, s11, s10, $0x38;
	[tilespmem:$0x5900] =	vst v63  }
0x1e: {  	_ =	swait.ge [sflag:s9], $0x4E80  }
0x1f: {  	[sflag:s9] =	ssyncset.done $0x0  }
0x20: {  	[sflag:s9] =	ssyncadd.s32 $0xFFFFB180  }
0x21: {  	s17 =	simm.s32 $0xC0;
	v8 =	vld [tilespmem:$0x4E80]  }
0x22: {  	v9 =	vld [tilespmem:s17+$0xFFFFFF40]  }
0x23: {  	v10 =	vld [tilespmem:s17+$0xFFFFFF50]  }
0x24: {  	v11 =	vld [tilespmem:s17+$0xFFFFFF60]  }
0x25: {  	v12 =	vld [tilespmem:s17+$0xFFFFFF70]  }
0x26: {  	v13 =	vimm.f32 $0.0e+00;
	v14 =	vld [tilespmem:s17+$0xFFFFFF80]  }
0x27: {  	v9 =	vmax.f32 v13, v9;
	v13 =	vld [tilespmem:s17+$0xFFFFFF90]  }
0x28: {  	v9 =	vmax.f32 v9, v10;
	v10 =	vld [tilespmem:s17+$0xFFFFFFA0]  }
0x29: {  	s16 =	sand.u32 $0x7FF0, s16;
	v9 =	vmax.f32 v9, v11;
	v11 =	vld [tilespmem:s17+$0xFFFFFFB0]  }
0x2a: {  	v9 =	vmax.f32 v9, v12;
	v12 =	vld [tilespmem:s16+$0x80]  }
0x2b: {  	v9 =	vmax.f32 v9, v14;
	v14 =	vld [tilespmem:s17+$0xFFFFFFD0]  }
0x2c: {  	v9 =	vmax.f32 v9, v13;
	v13 =	vld [tilespmem:s17+$0xFFFFFFE0]  }
0x2d: {  	v9 =	vmax.f32 v9, v10;
	v10 =	vld [tilespmem:s17+$0xFFFFFFF0]  }
0x2e: {  	v8 =	vnsel vm0, $0x0, v8;
	v9 =	vmax.f32 v9, v11;
	v11 =	vld [tilespmem:s17+$0x0]  }
0x2f: {  	v15 =	vperm.xlane v8, v2;
	v9 =	vmax.f32 v9, v12;
	v12 =	vld [tilespmem:s17+$0x10]  }
0x30: {  	v9 =	vmax.f32 v9, v14;
	v14 =	vld [tilespmem:s17+$0x20]  }
0x31: {  	v8 =	vadd.f32 v15, v8;
	v9 =	vmax.f32 v9, v13;
	v13 =	vld [tilespmem:s17+$0x30]  }
0x32: {  	v9 =	vmax.f32 v9, v10;
	v10 =	vld [tilespmem:s16+$0x100]  }
0x33: {  	v15 =	vperm.xlane v8, v0;
	v9 =	vmax.f32 v9, v11;
	v11 =	vld [tilespmem:s17+$0x50]  }
0x34: {  	v9 =	vmax.f32 v9, v12;
	v12 =	vld [tilespmem:s17+$0x60]  }
0x35: {  	v8 =	vadd.f32 v15, v8;
	v9 =	vmax.f32 v9, v14;
	v14 =	vld [tilespmem:s17+$0x70]  }
0x36: {  	v15 =	vld [tilespmem:s17+$0x80];
	v9 =	vmax.f32 v9, v13  }
0x37: {  	v13 =	vperm.xlane v8, v1;
	v9 =	vmax.f32 v9, v10;
	v10 =	vld [tilespmem:s17+$0x90]  }
0x38: {  	v9 =	vmax.f32 v9, v11;
	v11 =	vld [tilespmem:s17+$0xA0]  }
0x39: {  	v8 =	vadd.f32 v13, v8;
	v9 =	vmax.f32 v9, v12;
	v12 =	vld [tilespmem:s17+$0xB0]  }
0x3a: {  	v13 =	vld [tilespmem:s16+$0x180];
	s16 =	simm.s32 $0x250;
	v16 =	vmax.f32 v9, v14  }
0x3b: {  	s18 =	simm.s32 $0x320;
	s17 =	simm.s32 $0x190;
	v9 =	vperm.xlane v8, v3;
	v14 =	vld [tilespmem:s16+$0xFFFFFF40];
	v15 =	vmax.f32 v16, v15  }
.LBB2_3:
0x3c: {  	p2 =	sne.s32 s18, $0x4C90;
	v16 =	vld [tilespmem:s16+$0xFFFFFF50];
	v10 =	vmax.f32 v15, v10  }
0x3d: {  	v15 =	vld [tilespmem:s16+$0xFFFFFF60];
	v10 =	vmax.f32 v10, v11  }
0x3e: {  	v11 =	vld [tilespmem:s16+$0xFFFFFF70];
	v10 =	vmax.f32 v10, v12  }
0x3f: {  	v12 =	vld [tilespmem:s16+$0xFFFFFF80];
	v10 =	vmax.f32 v10, v13  }
0x40: {  	v10 =	vmax.f32 v10, v14;
	v13 =	vld [tilespmem:s16+$0xFFFFFF90]  }
0x41: {  	v10 =	vmax.f32 v10, v16;
	v14 =	vld [tilespmem:s16+$0xFFFFFFA0]  }
0x42: {  	s19 =	sand.u32 $0x7FF0, s17;
	s17 =	smov.u32 s18;
	v10 =	vmax.f32 v10, v15;
	v15 =	vld [tilespmem:s16+$0xFFFFFFB0]  }
0x43: {  	v10 =	vmax.f32 v10, v11;
	v11 =	vld [tilespmem:s19+$0x80]  }
0x44: {  	v10 =	vmax.f32 v10, v12;
	v12 =	vld [tilespmem:s16+$0xFFFFFFD0]  }
0x45: {  	v10 =	vmax.f32 v10, v13;
	v13 =	vld [tilespmem:s16+$0xFFFFFFE0]  }
0x46: {  	v10 =	vmax.f32 v10, v14;
	v14 =	vld [tilespmem:s16+$0xFFFFFFF0]  }
0x47: {  	v10 =	vmax.f32 v10, v15;
	v15 =	vld [tilespmem:s16+$0x0]  }
0x48: {  	v10 =	vmax.f32 v10, v11;
	v11 =	vld [tilespmem:s16+$0x10]  }
0x49: {  	v10 =	vmax.f32 v10, v12;
	v12 =	vld [tilespmem:s16+$0x20]  }
0x4a: {  	v10 =	vmax.f32 v10, v13;
	v13 =	vld [tilespmem:s16+$0x30]  }
0x4b: {  	v10 =	vmax.f32 v10, v14;
	v14 =	vld [tilespmem:s19+$0x100]  }
0x4c: {  	v10 =	vmax.f32 v10, v15;
	v15 =	vld [tilespmem:s16+$0x50]  }
0x4d: {  	v10 =	vmax.f32 v10, v11;
	v16 =	vld [tilespmem:s16+$0x60]  }
0x4e: {  	v10 =	vmax.f32 v10, v12;
	v17 =	vld [tilespmem:s16+$0x70]  }
0x4f: {  	v10 =	vmax.f32 v10, v13;
	v18 =	vld [tilespmem:s16+$0x80]  }
.Ltmp4:
0x50: {  	v11 =	vmax.f32 v10, v14;
	v10 =	vld [tilespmem:s16+$0x90];
	(pc) =	sbr.rel @p2 .LBB2_3-.Ltmp4, $4  }
0x51: {  	v12 =	vmax.f32 v11, v15;
	v11 =	vld [tilespmem:s16+$0xA0]  }
0x52: {  	v13 =	vmax.f32 v12, v16;
	v12 =	vld [tilespmem:s16+$0xB0]  }
0x53: {  	s16 =	sadd.s32 $0x190, s16;
	v15 =	vmax.f32 v13, v17;
	v13 =	vld [tilespmem:s19+$0x180]  }
0x54: {  	s18 =	sadd.s32 $0x190, s18;
	v14 =	vld [tilespmem:s16+$0xFFFFFF40];
	v15 =	vmax.f32 v15, v18  }
0x55: {  	v16 =	vld [tilespmem:s16+$0xFFFFFF50];
	v10 =	vmax.f32 v15, v10  }
0x56: {  	v46 =	vld [tilespmem:s16+$0xFFFFFF60];
	v10 =	vmax.f32 v10, v11  }
0x57: {  	v11 =	vld [tilespmem:s16+$0xFFFFFF70];
	v10 =	vmax.f32 v10, v12  }
0x58: {  	v47 =	vld [tilespmem:s16+$0xFFFFFF80];
	v10 =	vmax.f32 v10, v13  }
0x59: {  	v48 =	vld [tilespmem:s16+$0xFFFFFF90];
	v10 =	vmax.f32 v10, v14  }
0x5a: {  	v49 =	vld [tilespmem:s16+$0xFFFFFFA0];
	v10 =	vmax.f32 v10, v16  }
0x5b: {  	v50 =	vld [tilespmem:s16+$0xFFFFFFB0];
	s17 =	sand.u32 $0x7FF0, s17;
	v10 =	vmax.f32 v10, v46  }
0x5c: {  	v10 =	vmax.f32 v10, v11;
	v11 =	vld [tilespmem:s17+$0x80]  }
0x5d: {  	v51 =	vld [tilespmem:s16+$0xFFFFFFD0];
	v10 =	vmax.f32 v10, v47  }
0x5e: {  	v52 =	vld [tilespmem:s16+$0xFFFFFFE0];
	v10 =	vmax.f32 v10, v48  }
0x5f: {  	v53 =	vld [tilespmem:s16+$0xFFFFFFF0];
	v10 =	vmax.f32 v10, v49  }
0x60: {  	v54 =	vld [tilespmem:s16+$0x0];
	v10 =	vmax.f32 v10, v50  }
0x61: {  	v10 =	vmax.f32 v10, v11;
	v11 =	vld [tilespmem:s16+$0x10]  }
0x62: {  	v55 =	vld [tilespmem:s16+$0x20];
	v10 =	vmax.f32 v10, v51  }
0x63: {  	v56 =	vld [tilespmem:s16+$0x30];
	v10 =	vmax.f32 v10, v52  }
0x64: {  	v57 =	vld [tilespmem:s17+$0x100];
	v10 =	vmax.f32 v10, v53  }
0x65: {  	v58 =	vld [tilespmem:s16+$0x50];
	v10 =	vmax.f32 v10, v54  }
0x66: {  	v10 =	vmax.f32 v10, v11;
	v11 =	vld [tilespmem:s16+$0x60]  }
0x67: {  	v59 =	vld [tilespmem:s16+$0x70];
	v10 =	vmax.f32 v10, v55  }
0x68: {  	v60 =	vld [tilespmem:s16+$0x80];
	v10 =	vmax.f32 v10, v56  }
0x69: {  	v61 =	vld [tilespmem:s16+$0x90];
	v10 =	vmax.f32 v10, v57  }
0x6a: {  	v62 =	vld [tilespmem:s16+$0xA0];
	v10 =	vmax.f32 v10, v58  }
0x6b: {  	v10 =	vmax.f32 v10, v11;
	v11 =	vld [tilespmem:s16+$0xB0]  }
0x6c: {  	v63 =	vld [tilespmem:s17+$0x180];
	v10 =	vmax.f32 v10, v59  }
0x6d: {  	v10 =	vmax.f32 v10, v60  }
0x6e: {  	v10 =	vmax.f32 v10, v61  }
0x6f: {  	v10 =	vmax.f32 v10, v62  }
0x70: {  	v10 =	vmax.f32 v10, v11  }
0x71: {  	v10 =	vmax.f32 v10, v63  }
0x72: {  	v11 =	vperm.xlane v10, v2;
	_ =	sdelay $0x1  }
0x73: {  	v10 =	vmax.f32 v10, v11  }
0x74: {  	v11 =	vperm.xlane v10, v0;
	_ =	sdelay $0x1  }
0x75: {  	v10 =	vmax.f32 v10, v11  }
0x76: {  	v8 =	vadd.f32 v9, v8;
	v9 =	vperm.xlane v10, v1;
	_ =	sdelay $0x1  }
0x77: {  	v8 =	vmul.f32 $3.000000000e+00, v8;
	v9 =	vmax.f32 v10, v9  }
0x78: {  	v10 =	vperm.xlane v9, v3  }
0x79: {  	v8 =	vmin.f32 v8, $2.000000000e+04  }
0x7a: {  	s17 =	simm.s32 $0x0;
	s16 =	simm.s32 $0x0;
	v11 =	vimm.f32 $0.0e+00;
	v10 =	vmax.f32 v9, v10;
	v9 =	vimm.f32 $0.0e+00  }
.LBB2_5:
0x7b: {  	s18 =	simm.s32 $0xC0  }
0x7c: {  	v13 =	vld [tilespmem:s18+$0xFFFFFF40]  }
0x7d: {  	v12 =	vadd.f32 v10, v9  }
0x7e: {  	v14 =	vld [tilespmem:s18+$0xFFFFFF50]  }
0x7f: {  	v12 =	vmul.f32 $5.000000000e-01, v12  }
0x80: {  	v15 =	vld [tilespmem:s18+$0xFFFFFF60]  }
0x81: {  	vm3 =	vge.f32 v13, v12  }
0x82: {  	v16 =	vld [tilespmem:s18+$0xFFFFFF70];
	v13 =	vsel vm3, $0x3F800000, v4  }
0x83: {  	vm3 =	vge.f32 v14, v12;
	v13 =	vadd.f32 v13, v11  }
0x84: {  	v17 =	vld [tilespmem:s18+$0xFFFFFF80];
	v14 =	vsel vm3, $0x3F800000, v4  }
0x85: {  	vm3 =	vge.f32 v15, v12;
	v13 =	vadd.f32 v14, v13  }
0x86: {  	v15 =	vld [tilespmem:s18+$0xFFFFFF90];
	v14 =	vsel vm3, $0x3F800000, v4  }
0x87: {  	vm3 =	vge.f32 v16, v12;
	v13 =	vadd.f32 v14, v13  }
0x88: {  	v16 =	vld [tilespmem:s18+$0xFFFFFFA0];
	v14 =	vsel vm3, $0x3F800000, v4  }
0x89: {  	vm3 =	vge.f32 v17, v12;
	v13 =	vadd.f32 v14, v13  }
0x8a: {  	v17 =	vld [tilespmem:s18+$0xFFFFFFB0];
	v14 =	vsel vm3, $0x3F800000, v4  }
0x8b: {  	s19 =	sand.u32 $0x7FF0, s16;
	vm3 =	vge.f32 v15, v12;
	v13 =	vadd.f32 v14, v13  }
0x8c: {  	v15 =	vld [tilespmem:s19+$0x80];
	v14 =	vsel vm3, $0x3F800000, v4  }
0x8d: {  	vm3 =	vge.f32 v16, v12;
	v13 =	vadd.f32 v14, v13  }
0x8e: {  	v16 =	vld [tilespmem:s18+$0xFFFFFFD0];
	v14 =	vsel vm3, $0x3F800000, v4  }
0x8f: {  	vm3 =	vge.f32 v17, v12;
	v13 =	vadd.f32 v14, v13  }
0x90: {  	v17 =	vld [tilespmem:s18+$0xFFFFFFE0];
	v14 =	vsel vm3, $0x3F800000, v4  }
0x91: {  	vm3 =	vge.f32 v15, v12;
	v13 =	vadd.f32 v14, v13  }
0x92: {  	v15 =	vld [tilespmem:s18+$0xFFFFFFF0];
	v14 =	vsel vm3, $0x3F800000, v4  }
0x93: {  	vm3 =	vge.f32 v16, v12;
	v13 =	vadd.f32 v14, v13  }
0x94: {  	v16 =	vld [tilespmem:s18+$0x0];
	v14 =	vsel vm3, $0x3F800000, v4  }
0x95: {  	vm3 =	vge.f32 v17, v12;
	v13 =	vadd.f32 v14, v13  }
0x96: {  	v17 =	vld [tilespmem:s18+$0x10];
	v14 =	vsel vm3, $0x3F800000, v4  }
0x97: {  	vm3 =	vge.f32 v15, v12;
	v13 =	vadd.f32 v14, v13  }
0x98: {  	v15 =	vld [tilespmem:s18+$0x20];
	v14 =	vsel vm3, $0x3F800000, v4  }
0x99: {  	vm3 =	vge.f32 v16, v12;
	v13 =	vadd.f32 v14, v13  }
0x9a: {  	v16 =	vld [tilespmem:s18+$0x30];
	v14 =	vsel vm3, $0x3F800000, v4  }
0x9b: {  	vm3 =	vge.f32 v17, v12;
	v13 =	vadd.f32 v14, v13  }
0x9c: {  	v17 =	vld [tilespmem:s19+$0x100];
	v14 =	vsel vm3, $0x3F800000, v4  }
0x9d: {  	vm3 =	vge.f32 v15, v12;
	v13 =	vadd.f32 v14, v13  }
0x9e: {  	v15 =	vld [tilespmem:s18+$0x50];
	v14 =	vsel vm3, $0x3F800000, v4  }
0x9f: {  	vm3 =	vge.f32 v16, v12;
	v13 =	vadd.f32 v14, v13  }
0xa0: {  	v16 =	vld [tilespmem:s18+$0x60];
	v14 =	vsel vm3, $0x3F800000, v4  }
0xa1: {  	vm3 =	vge.f32 v17, v12;
	v13 =	vadd.f32 v14, v13  }
0xa2: {  	v17 =	vld [tilespmem:s18+$0x70];
	v14 =	vsel vm3, $0x3F800000, v4  }
0xa3: {  	vm3 =	vge.f32 v15, v12;
	v13 =	vadd.f32 v14, v13  }
0xa4: {  	v15 =	vld [tilespmem:s18+$0x80];
	v14 =	vsel vm3, $0x3F800000, v4  }
0xa5: {  	vm3 =	vge.f32 v16, v12;
	v13 =	vadd.f32 v14, v13  }
0xa6: {  	v16 =	vld [tilespmem:s18+$0x90];
	v14 =	vsel vm3, $0x3F800000, v4  }
0xa7: {  	vm3 =	vge.f32 v17, v12;
	v13 =	vadd.f32 v14, v13  }
0xa8: {  	v17 =	vld [tilespmem:s18+$0xA0];
	v14 =	vsel vm3, $0x3F800000, v4  }
0xa9: {  	vm3 =	vge.f32 v15, v12;
	v14 =	vadd.f32 v14, v13  }
0xaa: {  	v15 =	vsel vm3, $0x3F800000, v4;
	v13 =	vld [tilespmem:s18+$0xB0]  }
0xab: {  	vm3 =	vge.f32 v16, v12;
	v15 =	vadd.f32 v15, v14  }
0xac: {  	v16 =	vsel vm3, $0x3F800000, v4;
	v14 =	vld [tilespmem:s19+$0x180]  }
0xad: {  	s18 =	simm.s32 $0x250;
	vm3 =	vge.f32 v17, v12;
	v16 =	vadd.f32 v16, v15  }
0xae: {  	s20 =	simm.s32 $0x320;
	s19 =	simm.s32 $0x190;
	v17 =	vsel vm3, $0x3F800000, v4;
	v15 =	vld [tilespmem:s18+$0xFFFFFF40]  }
.LBB2_6:
0xaf: {  	p2 =	sne.s32 s20, $0x4C90;
	v16 =	vadd.f32 v17, v16;
	vm3 =	vge.f32 v13, v12  }
0xb0: {  	v13 =	vld [tilespmem:s18+$0xFFFFFF50];
	v17 =	vsel vm3, $0x3F800000, v4  }
0xb1: {  	v16 =	vadd.f32 v17, v16;
	vm3 =	vge.f32 v14, v12  }
0xb2: {  	v14 =	vld [tilespmem:s18+$0xFFFFFF60];
	v17 =	vsel vm3, $0x3F800000, v4  }
0xb3: {  	vm3 =	vge.f32 v15, v12;
	v15 =	vadd.f32 v17, v16  }
0xb4: {  	v16 =	vsel vm3, $0x3F800000, v4;
	v17 =	vld [tilespmem:s18+$0xFFFFFF70]  }
0xb5: {  	v15 =	vadd.f32 v16, v15;
	vm3 =	vge.f32 v13, v12  }
0xb6: {  	v13 =	vsel vm3, $0x3F800000, v4;
	v16 =	vld [tilespmem:s18+$0xFFFFFF80]  }
0xb7: {  	v13 =	vadd.f32 v13, v15;
	vm3 =	vge.f32 v14, v12  }
0xb8: {  	v14 =	vsel vm3, $0x3F800000, v4;
	v15 =	vld [tilespmem:s18+$0xFFFFFF90]  }
0xb9: {  	v13 =	vadd.f32 v14, v13;
	vm3 =	vge.f32 v17, v12  }
0xba: {  	v14 =	vsel vm3, $0x3F800000, v4;
	v17 =	vld [tilespmem:s18+$0xFFFFFFA0]  }
0xbb: {  	v13 =	vadd.f32 v14, v13;
	vm3 =	vge.f32 v16, v12  }
0xbc: {  	v14 =	vsel vm3, $0x3F800000, v4;
	v16 =	vld [tilespmem:s18+$0xFFFFFFB0]  }
0xbd: {  	s21 =	sand.u32 $0x7FF0, s19;
	s19 =	smov.u32 s20;
	v13 =	vadd.f32 v14, v13;
	vm3 =	vge.f32 v15, v12  }
0xbe: {  	v14 =	vsel vm3, $0x3F800000, v4;
	v15 =	vld [tilespmem:s21+$0x80]  }
0xbf: {  	v13 =	vadd.f32 v14, v13;
	vm3 =	vge.f32 v17, v12  }
0xc0: {  	v14 =	vsel vm3, $0x3F800000, v4;
	v17 =	vld [tilespmem:s18+$0xFFFFFFD0]  }
0xc1: {  	v13 =	vadd.f32 v14, v13;
	vm3 =	vge.f32 v16, v12  }
0xc2: {  	v14 =	vsel vm3, $0x3F800000, v4;
	v16 =	vld [tilespmem:s18+$0xFFFFFFE0]  }
0xc3: {  	v13 =	vadd.f32 v14, v13;
	vm3 =	vge.f32 v15, v12  }
0xc4: {  	v14 =	vsel vm3, $0x3F800000, v4;
	v15 =	vld [tilespmem:s18+$0xFFFFFFF0]  }
0xc5: {  	v13 =	vadd.f32 v14, v13;
	vm3 =	vge.f32 v17, v12  }
0xc6: {  	v14 =	vsel vm3, $0x3F800000, v4;
	v17 =	vld [tilespmem:s18+$0x0]  }
0xc7: {  	v13 =	vadd.f32 v14, v13;
	vm3 =	vge.f32 v16, v12  }
0xc8: {  	v14 =	vsel vm3, $0x3F800000, v4;
	v16 =	vld [tilespmem:s18+$0x10]  }
0xc9: {  	v13 =	vadd.f32 v14, v13;
	vm3 =	vge.f32 v15, v12  }
0xca: {  	v14 =	vsel vm3, $0x3F800000, v4;
	v15 =	vld [tilespmem:s18+$0x20]  }
0xcb: {  	v13 =	vadd.f32 v14, v13;
	vm3 =	vge.f32 v17, v12  }
0xcc: {  	v14 =	vsel vm3, $0x3F800000, v4;
	v17 =	vld [tilespmem:s18+$0x30]  }
0xcd: {  	v13 =	vadd.f32 v14, v13;
	vm3 =	vge.f32 v16, v12  }
0xce: {  	v14 =	vsel vm3, $0x3F800000, v4;
	v16 =	vld [tilespmem:s21+$0x100]  }
0xcf: {  	v13 =	vadd.f32 v14, v13;
	vm3 =	vge.f32 v15, v12  }
0xd0: {  	v14 =	vsel vm3, $0x3F800000, v4;
	v15 =	vld [tilespmem:s18+$0x50]  }
0xd1: {  	v13 =	vadd.f32 v14, v13;
	vm3 =	vge.f32 v17, v12  }
0xd2: {  	v14 =	vsel vm3, $0x3F800000, v4;
	v17 =	vld [tilespmem:s18+$0x60]  }
0xd3: {  	v13 =	vadd.f32 v14, v13;
	vm3 =	vge.f32 v16, v12  }
0xd4: {  	v14 =	vsel vm3, $0x3F800000, v4;
	v16 =	vld [tilespmem:s18+$0x70]  }
0xd5: {  	v13 =	vadd.f32 v14, v13;
	vm3 =	vge.f32 v15, v12  }
0xd6: {  	v14 =	vsel vm3, $0x3F800000, v4;
	v15 =	vld [tilespmem:s18+$0x80]  }
0xd7: {  	v13 =	vadd.f32 v14, v13;
	vm3 =	vge.f32 v17, v12  }
0xd8: {  	v14 =	vsel vm3, $0x3F800000, v4;
	v17 =	vld [tilespmem:s18+$0x90]  }
0xd9: {  	v13 =	vadd.f32 v14, v13;
	vm3 =	vge.f32 v16, v12  }
0xda: {  	v14 =	vsel vm3, $0x3F800000, v4;
	v18 =	vld [tilespmem:s18+$0xA0]  }
0xdb: {  	v14 =	vadd.f32 v14, v13;
	vm3 =	vge.f32 v15, v12  }
.Ltmp5:
0xdc: {  	v15 =	vsel vm3, $0x3F800000, v4;
	v13 =	vld [tilespmem:s18+$0xB0];
	(pc) =	sbr.rel @p2 .LBB2_6-.Ltmp5, $4  }
0xdd: {  	v15 =	vadd.f32 v15, v14;
	vm3 =	vge.f32 v17, v12  }
0xde: {  	v16 =	vsel vm3, $0x3F800000, v4;
	v14 =	vld [tilespmem:s21+$0x180]  }
0xdf: {  	s18 =	sadd.s32 $0x190, s18;
	v16 =	vadd.f32 v16, v15;
	vm3 =	vge.f32 v18, v12  }
0xe0: {  	s20 =	sadd.s32 $0x190, s20;
	v15 =	vld [tilespmem:s18+$0xFFFFFF40];
	v17 =	vsel vm3, $0x3F800000, v4  }
0xe1: {  	v16 =	vadd.f32 v17, v16;
	vm3 =	vge.f32 v13, v12  }
0xe2: {  	v58 =	vld [tilespmem:s18+$0xFFFFFF50];
	v59 =	vsel vm3, $0x3F800000, v4  }
0xe3: {  	v16 =	vadd.f32 v59, v16;
	vm3 =	vge.f32 v14, v12  }
0xe4: {  	v60 =	vld [tilespmem:s18+$0xFFFFFF60];
	v61 =	vsel vm3, $0x3F800000, v4  }
0xe5: {  	vm3 =	vge.f32 v15, v12;
	v62 =	vadd.f32 v61, v16  }
0xe6: {  	v20 =	vld [tilespmem:s18+$0xFFFFFF70];
	v63 =	vsel vm3, $0x3F800000, v4  }
0xe7: {  	vm3 =	vge.f32 v58, v12;
	v15 =	vadd.f32 v63, v62  }
0xe8: {  	v21 =	vld [tilespmem:s18+$0xFFFFFF80];
	v13 =	vsel vm3, $0x3F800000, v4  }
0xe9: {  	vm3 =	vge.f32 v60, v12;
	v13 =	vadd.f32 v13, v15  }
0xea: {  	v22 =	vld [tilespmem:s18+$0xFFFFFF90];
	v14 =	vsel vm3, $0x3F800000, v4  }
0xeb: {  	vm3 =	vge.f32 v20, v12;
	v13 =	vadd.f32 v14, v13  }
0xec: {  	v24 =	vld [tilespmem:s18+$0xFFFFFFA0];
	v23 =	vsel vm3, $0x3F800000, v4  }
0xed: {  	vm3 =	vge.f32 v21, v12;
	v13 =	vadd.f32 v23, v13  }
0xee: {  	v26 =	vld [tilespmem:s18+$0xFFFFFFB0];
	v25 =	vsel vm3, $0x3F800000, v4  }
0xef: {  	s19 =	sand.u32 $0x7FF0, s19;
	vm3 =	vge.f32 v22, v12;
	v13 =	vadd.f32 v25, v13  }
0xf0: {  	v28 =	vld [tilespmem:s19+$0x80];
	v27 =	vsel vm3, $0x3F800000, v4  }
0xf1: {  	vm3 =	vge.f32 v24, v12;
	v13 =	vadd.f32 v27, v13  }
0xf2: {  	v30 =	vld [tilespmem:s18+$0xFFFFFFD0];
	v29 =	vsel vm3, $0x3F800000, v4  }
0xf3: {  	vm3 =	vge.f32 v26, v12;
	v13 =	vadd.f32 v29, v13  }
0xf4: {  	v32 =	vld [tilespmem:s18+$0xFFFFFFE0];
	v31 =	vsel vm3, $0x3F800000, v4  }
0xf5: {  	vm3 =	vge.f32 v28, v12;
	v13 =	vadd.f32 v31, v13  }
0xf6: {  	v34 =	vld [tilespmem:s18+$0xFFFFFFF0];
	v33 =	vsel vm3, $0x3F800000, v4  }
0xf7: {  	vm3 =	vge.f32 v30, v12;
	v13 =	vadd.f32 v33, v13  }
0xf8: {  	v36 =	vld [tilespmem:s18+$0x0];
	v35 =	vsel vm3, $0x3F800000, v4  }
0xf9: {  	vm3 =	vge.f32 v32, v12;
	v13 =	vadd.f32 v35, v13  }
0xfa: {  	v38 =	vld [tilespmem:s18+$0x10];
	v37 =	vsel vm3, $0x3F800000, v4  }
0xfb: {  	vm3 =	vge.f32 v34, v12;
	v13 =	vadd.f32 v37, v13  }
0xfc: {  	v40 =	vld [tilespmem:s18+$0x20];
	v39 =	vsel vm3, $0x3F800000, v4  }
0xfd: {  	vm3 =	vge.f32 v36, v12;
	v13 =	vadd.f32 v39, v13  }
0xfe: {  	v42 =	vld [tilespmem:s18+$0x30];
	v41 =	vsel vm3, $0x3F800000, v4  }
0xff: {  	vm3 =	vge.f32 v38, v12;
	v13 =	vadd.f32 v41, v13  }
0x100: {  	v44 =	vld [tilespmem:s19+$0x100];
	v43 =	vsel vm3, $0x3F800000, v4  }
0x101: {  	vm3 =	vge.f32 v40, v12;
	v13 =	vadd.f32 v43, v13  }
0x102: {  	v46 =	vld [tilespmem:s18+$0x50];
	v45 =	vsel vm3, $0x3F800000, v4  }
0x103: {  	vm3 =	vge.f32 v42, v12;
	v13 =	vadd.f32 v45, v13  }
0x104: {  	v48 =	vld [tilespmem:s18+$0x60];
	v47 =	vsel vm3, $0x3F800000, v4  }
0x105: {  	vm3 =	vge.f32 v44, v12;
	v13 =	vadd.f32 v47, v13  }
0x106: {  	v50 =	vld [tilespmem:s18+$0x70];
	v49 =	vsel vm3, $0x3F800000, v4  }
0x107: {  	vm3 =	vge.f32 v46, v12;
	v13 =	vadd.f32 v49, v13  }
0x108: {  	v52 =	vld [tilespmem:s18+$0x80];
	v51 =	vsel vm3, $0x3F800000, v4  }
0x109: {  	vm3 =	vge.f32 v48, v12;
	v13 =	vadd.f32 v51, v13  }
0x10a: {  	v54 =	vld [tilespmem:s18+$0x90];
	v53 =	vsel vm3, $0x3F800000, v4  }
0x10b: {  	vm3 =	vge.f32 v50, v12;
	v13 =	vadd.f32 v53, v13  }
0x10c: {  	v56 =	vld [tilespmem:s18+$0xA0];
	v55 =	vsel vm3, $0x3F800000, v4  }
0x10d: {  	vm3 =	vge.f32 v52, v12;
	v13 =	vadd.f32 v55, v13  }
0x10e: {  	v58 =	vld [tilespmem:s18+$0xB0];
	v57 =	vsel vm3, $0x3F800000, v4  }
0x10f: {  	vm3 =	vge.f32 v54, v12;
	v13 =	vadd.f32 v57, v13  }
0x110: {  	v60 =	vld [tilespmem:s19+$0x180];
	v59 =	vsel vm3, $0x3F800000, v4  }
0x111: {  	vm3 =	vge.f32 v56, v12;
	v13 =	vadd.f32 v59, v13  }
0x112: {  	v61 =	vsel vm3, $0x3F800000, v4  }
0x113: {  	vm3 =	vge.f32 v58, v12;
	v13 =	vadd.f32 v61, v13  }
0x114: {  	v62 =	vsel vm3, $0x3F800000, v4  }
0x115: {  	vm3 =	vge.f32 v60, v12;
	v13 =	vadd.f32 v62, v13  }
0x116: {  	v63 =	vsel vm3, $0x3F800000, v4  }
0x117: {  	v13 =	vadd.f32 v63, v13;
	_ =	sdelay $0x1  }
0x118: {  	v14 =	vperm.xlane v13, v2;
	_ =	sdelay $0x1  }
0x119: {  	v13 =	vadd.f32 v14, v13;
	_ =	sdelay $0x1  }
0x11a: {  	v14 =	vperm.xlane v13, v0;
	_ =	sdelay $0x1  }
0x11b: {  	v13 =	vadd.f32 v14, v13;
	_ =	sdelay $0x1  }
0x11c: {  	v14 =	vperm.xlane v13, v1;
	_ =	sdelay $0x1  }
0x11d: {  	v13 =	vadd.f32 v14, v13  }
0x11e: {  	s17 =	sadd.s32 $0x1, s17  }
0x11f: {  	p2 =	sne.s32 s17, $0x1F;
	v14 =	vperm.xlane v13, v3  }
.Ltmp6:
0x120: {  	_ = 	snop;
	(pc) =	sbr.rel @p2 .LBB2_5-.Ltmp6, $3  }
0x121: {  	v13 =	vadd.f32 v14, v13;
	_ =	sdelay $0x1  }
0x122: {  	vm3 =	vge.f32 v13, v8  }
0x123: {  	v9 =	vsel vm3, v12, v9;
	v10 =	vsel vm3, v10, v12  }
0x124: {  	s16 =	simm.s32 $0xC0  }
0x125: {  	v10 =	vld [tilespmem:s16+$0xFFFFFF40];
	_ =	sdelay $0x1  }
0x126: {  	v11 =	vld [tilespmem:s16+$0xFFFFFF50];
	_ =	sdelay $0x1  }
0x127: {  	v12 =	vld [tilespmem:s16+$0xFFFFFF60]  }
0x128: {  	vm3 =	vgt.f32 v10, v9  }
0x129: {  	v13 =	vimm.f32 $0.0e+00;
	v14 =	vld [tilespmem:s16+$0xFFFFFF70];
	v10 =	vnsel vm3, $0x0, v10  }
0x12a: {  	v15 =	vsel vm3, $0x3F800000, v4;
	vm3 =	vgt.f32 v11, v9;
	v10 =	vadd.f32 v10, v13  }
0x12b: {  	v13 =	vadd.f32 v15, v13;
	v11 =	vnsel vm3, $0x0, v11;
	v15 =	vld [tilespmem:s16+$0xFFFFFF80]  }
0x12c: {  	v16 =	vsel vm3, $0x3F800000, v4;
	vm3 =	vgt.f32 v12, v9;
	v10 =	vadd.f32 v11, v10  }
0x12d: {  	v12 =	vnsel vm3, $0x0, v12;
	v11 =	vadd.f32 v16, v13;
	v13 =	vld [tilespmem:s16+$0xFFFFFF90]  }
0x12e: {  	v16 =	vsel vm3, $0x3F800000, v4;
	vm3 =	vgt.f32 v14, v9;
	v10 =	vadd.f32 v12, v10  }
0x12f: {  	v11 =	vadd.f32 v16, v11;
	v12 =	vnsel vm3, $0x0, v14;
	v14 =	vld [tilespmem:s16+$0xFFFFFFA0]  }
0x130: {  	v16 =	vsel vm3, $0x3F800000, v4;
	vm3 =	vgt.f32 v15, v9;
	v10 =	vadd.f32 v12, v10  }
0x131: {  	s17 =	simm.s32 $0x0;
	v11 =	vadd.f32 v16, v11;
	v12 =	vnsel vm3, $0x0, v15;
	v15 =	vld [tilespmem:s16+$0xFFFFFFB0]  }
0x132: {  	s17 =	sand.u32 $0x7FF0, s17;
	v16 =	vsel vm3, $0x3F800000, v4;
	vm3 =	vgt.f32 v13, v9;
	v10 =	vadd.f32 v12, v10  }
0x133: {  	v11 =	vadd.f32 v16, v11;
	v12 =	vnsel vm3, $0x0, v13;
	v13 =	vld [tilespmem:s17+$0x80]  }
0x134: {  	v16 =	vsel vm3, $0x3F800000, v4;
	vm3 =	vgt.f32 v14, v9;
	v10 =	vadd.f32 v12, v10  }
0x135: {  	v11 =	vadd.f32 v16, v11;
	v12 =	vnsel vm3, $0x0, v14;
	v14 =	vld [tilespmem:s16+$0xFFFFFFD0]  }
0x136: {  	v16 =	vsel vm3, $0x3F800000, v4;
	vm3 =	vgt.f32 v15, v9;
	v10 =	vadd.f32 v12, v10  }
0x137: {  	v11 =	vadd.f32 v16, v11;
	v12 =	vnsel vm3, $0x0, v15;
	v15 =	vld [tilespmem:s16+$0xFFFFFFE0]  }
0x138: {  	v16 =	vsel vm3, $0x3F800000, v4;
	vm3 =	vgt.f32 v13, v9;
	v10 =	vadd.f32 v12, v10  }
0x139: {  	v11 =	vadd.f32 v16, v11;
	v12 =	vnsel vm3, $0x0, v13;
	v13 =	vld [tilespmem:s16+$0xFFFFFFF0]  }
0x13a: {  	v16 =	vsel vm3, $0x3F800000, v4;
	vm3 =	vgt.f32 v14, v9;
	v10 =	vadd.f32 v12, v10  }
0x13b: {  	v11 =	vadd.f32 v16, v11;
	v12 =	vnsel vm3, $0x0, v14;
	v14 =	vld [tilespmem:s16+$0x0]  }
0x13c: {  	v16 =	vsel vm3, $0x3F800000, v4;
	vm3 =	vgt.f32 v15, v9;
	v10 =	vadd.f32 v12, v10  }
0x13d: {  	v11 =	vadd.f32 v16, v11;
	v12 =	vnsel vm3, $0x0, v15;
	v15 =	vld [tilespmem:s16+$0x10]  }
0x13e: {  	v16 =	vsel vm3, $0x3F800000, v4;
	vm3 =	vgt.f32 v13, v9;
	v10 =	vadd.f32 v12, v10  }
0x13f: {  	v11 =	vadd.f32 v16, v11;
	v12 =	vnsel vm3, $0x0, v13;
	v13 =	vld [tilespmem:s16+$0x20]  }
0x140: {  	v16 =	vsel vm3, $0x3F800000, v4;
	vm3 =	vgt.f32 v14, v9;
	v10 =	vadd.f32 v12, v10  }
0x141: {  	v11 =	vadd.f32 v16, v11;
	v12 =	vnsel vm3, $0x0, v14;
	v14 =	vld [tilespmem:s16+$0x30]  }
0x142: {  	v16 =	vsel vm3, $0x3F800000, v4;
	vm3 =	vgt.f32 v15, v9;
	v10 =	vadd.f32 v12, v10  }
0x143: {  	v11 =	vadd.f32 v16, v11;
	v12 =	vnsel vm3, $0x0, v15;
	v15 =	vld [tilespmem:s17+$0x100]  }
0x144: {  	v16 =	vsel vm3, $0x3F800000, v4;
	vm3 =	vgt.f32 v13, v9;
	v10 =	vadd.f32 v12, v10  }
0x145: {  	v11 =	vadd.f32 v16, v11;
	v12 =	vnsel vm3, $0x0, v13;
	v13 =	vld [tilespmem:s16+$0x50]  }
0x146: {  	v16 =	vsel vm3, $0x3F800000, v4;
	vm3 =	vgt.f32 v14, v9;
	v10 =	vadd.f32 v12, v10  }
0x147: {  	v11 =	vadd.f32 v16, v11;
	v12 =	vnsel vm3, $0x0, v14;
	v14 =	vld [tilespmem:s16+$0x60]  }
0x148: {  	v16 =	vsel vm3, $0x3F800000, v4;
	vm3 =	vgt.f32 v15, v9;
	v10 =	vadd.f32 v12, v10  }
0x149: {  	v11 =	vadd.f32 v16, v11;
	v12 =	vnsel vm3, $0x0, v15;
	v15 =	vld [tilespmem:s16+$0x70]  }
0x14a: {  	v16 =	vsel vm3, $0x3F800000, v4;
	vm3 =	vgt.f32 v13, v9;
	v10 =	vadd.f32 v12, v10  }
0x14b: {  	v11 =	vadd.f32 v16, v11;
	v12 =	vnsel vm3, $0x0, v13;
	v13 =	vld [tilespmem:s16+$0x80]  }
0x14c: {  	v16 =	vsel vm3, $0x3F800000, v4;
	vm3 =	vgt.f32 v14, v9;
	v10 =	vadd.f32 v12, v10  }
0x14d: {  	v11 =	vadd.f32 v16, v11;
	v12 =	vnsel vm3, $0x0, v14  }
0x14e: {  	v14 =	vld [tilespmem:s16+$0x90];
	v16 =	vsel vm3, $0x3F800000, v4;
	vm3 =	vgt.f32 v15, v9;
	v10 =	vadd.f32 v12, v10  }
0x14f: {  	v11 =	vadd.f32 v16, v11;
	v12 =	vnsel vm3, $0x0, v15  }
0x150: {  	v15 =	vld [tilespmem:s16+$0xA0];
	v16 =	vsel vm3, $0x3F800000, v4;
	vm3 =	vgt.f32 v13, v9;
	v10 =	vadd.f32 v12, v10  }
0x151: {  	v11 =	vadd.f32 v16, v11;
	v12 =	vnsel vm3, $0x0, v13  }
0x152: {  	v13 =	vsel vm3, $0x3F800000, v4;
	v16 =	vadd.f32 v12, v10;
	v12 =	vld [tilespmem:s16+$0xB0]  }
0x153: {  	vm3 =	vgt.f32 v14, v9;
	v11 =	vadd.f32 v13, v11  }
0x154: {  	v13 =	vnsel vm3, $0x0, v14;
	v14 =	vsel vm3, $0x3F800000, v4;
	v10 =	vld [tilespmem:s17+$0x180]  }
0x155: {  	s16 =	simm.s32 $0x250;
	vm3 =	vgt.f32 v15, v9;
	v13 =	vadd.f32 v13, v16;
	v14 =	vadd.f32 v14, v11  }
0x156: {  	s18 =	simm.s32 $0x320;
	s17 =	simm.s32 $0x190;
	v11 =	vld [tilespmem:s16+$0xFFFFFF40];
	v15 =	vnsel vm3, $0x0, v15;
	v16 =	vsel vm3, $0x3F800000, v4  }
.LBB2_9:
0x157: {  	p2 =	sne.s32 s18, $0x4C90;
	v13 =	vadd.f32 v15, v13;
	v14 =	vadd.f32 v16, v14;
	vm3 =	vgt.f32 v12, v9  }
0x158: {  	v15 =	vld [tilespmem:s16+$0xFFFFFF50];
	v12 =	vnsel vm3, $0x0, v12;
	v16 =	vsel vm3, $0x3F800000, v4  }
0x159: {  	v12 =	vadd.f32 v12, v13;
	v13 =	vadd.f32 v16, v14;
	vm3 =	vgt.f32 v10, v9  }
0x15a: {  	v14 =	vld [tilespmem:s16+$0xFFFFFF60];
	v10 =	vnsel vm3, $0x0, v10;
	v16 =	vsel vm3, $0x3F800000, v4  }
0x15b: {  	vm3 =	vgt.f32 v11, v9;
	v10 =	vadd.f32 v10, v12;
	v12 =	vadd.f32 v16, v13  }
0x15c: {  	v11 =	vnsel vm3, $0x0, v11;
	v13 =	vsel vm3, $0x3F800000, v4;
	v16 =	vld [tilespmem:s16+$0xFFFFFF70]  }
0x15d: {  	v10 =	vadd.f32 v11, v10;
	v11 =	vadd.f32 v13, v12;
	vm3 =	vgt.f32 v15, v9  }
0x15e: {  	v12 =	vnsel vm3, $0x0, v15;
	v13 =	vsel vm3, $0x3F800000, v4;
	v15 =	vld [tilespmem:s16+$0xFFFFFF80]  }
0x15f: {  	v10 =	vadd.f32 v12, v10;
	v11 =	vadd.f32 v13, v11;
	vm3 =	vgt.f32 v14, v9  }
0x160: {  	v12 =	vnsel vm3, $0x0, v14;
	v13 =	vsel vm3, $0x3F800000, v4;
	v14 =	vld [tilespmem:s16+$0xFFFFFF90]  }
0x161: {  	v10 =	vadd.f32 v12, v10;
	v11 =	vadd.f32 v13, v11;
	vm3 =	vgt.f32 v16, v9  }
0x162: {  	v12 =	vnsel vm3, $0x0, v16;
	v13 =	vsel vm3, $0x3F800000, v4;
	v16 =	vld [tilespmem:s16+$0xFFFFFFA0]  }
0x163: {  	v10 =	vadd.f32 v12, v10;
	v11 =	vadd.f32 v13, v11;
	vm3 =	vgt.f32 v15, v9  }
0x164: {  	v12 =	vnsel vm3, $0x0, v15;
	v13 =	vsel vm3, $0x3F800000, v4;
	v15 =	vld [tilespmem:s16+$0xFFFFFFB0]  }
0x165: {  	s19 =	sand.u32 $0x7FF0, s17;
	s17 =	smov.u32 s18;
	v10 =	vadd.f32 v12, v10;
	v11 =	vadd.f32 v13, v11;
	vm3 =	vgt.f32 v14, v9  }
0x166: {  	v12 =	vnsel vm3, $0x0, v14;
	v13 =	vsel vm3, $0x3F800000, v4;
	v14 =	vld [tilespmem:s19+$0x80]  }
0x167: {  	v10 =	vadd.f32 v12, v10;
	v11 =	vadd.f32 v13, v11;
	vm3 =	vgt.f32 v16, v9  }
0x168: {  	v12 =	vnsel vm3, $0x0, v16;
	v13 =	vsel vm3, $0x3F800000, v4;
	v16 =	vld [tilespmem:s16+$0xFFFFFFD0]  }
0x169: {  	v10 =	vadd.f32 v12, v10;
	v11 =	vadd.f32 v13, v11;
	vm3 =	vgt.f32 v15, v9  }
0x16a: {  	v12 =	vnsel vm3, $0x0, v15;
	v13 =	vsel vm3, $0x3F800000, v4;
	v15 =	vld [tilespmem:s16+$0xFFFFFFE0]  }
0x16b: {  	v10 =	vadd.f32 v12, v10;
	v11 =	vadd.f32 v13, v11;
	vm3 =	vgt.f32 v14, v9  }
0x16c: {  	v12 =	vnsel vm3, $0x0, v14;
	v13 =	vsel vm3, $0x3F800000, v4;
	v14 =	vld [tilespmem:s16+$0xFFFFFFF0]  }
0x16d: {  	v10 =	vadd.f32 v12, v10;
	v11 =	vadd.f32 v13, v11;
	vm3 =	vgt.f32 v16, v9  }
0x16e: {  	v12 =	vnsel vm3, $0x0, v16;
	v13 =	vsel vm3, $0x3F800000, v4;
	v16 =	vld [tilespmem:s16+$0x0]  }
0x16f: {  	v10 =	vadd.f32 v12, v10;
	v11 =	vadd.f32 v13, v11;
	vm3 =	vgt.f32 v15, v9  }
0x170: {  	v12 =	vnsel vm3, $0x0, v15;
	v13 =	vsel vm3, $0x3F800000, v4;
	v15 =	vld [tilespmem:s16+$0x10]  }
0x171: {  	v10 =	vadd.f32 v12, v10;
	v11 =	vadd.f32 v13, v11;
	vm3 =	vgt.f32 v14, v9  }
0x172: {  	v12 =	vnsel vm3, $0x0, v14;
	v13 =	vsel vm3, $0x3F800000, v4;
	v14 =	vld [tilespmem:s16+$0x20]  }
0x173: {  	v10 =	vadd.f32 v12, v10;
	v11 =	vadd.f32 v13, v11;
	vm3 =	vgt.f32 v16, v9  }
0x174: {  	v12 =	vnsel vm3, $0x0, v16;
	v13 =	vsel vm3, $0x3F800000, v4;
	v16 =	vld [tilespmem:s16+$0x30]  }
0x175: {  	v10 =	vadd.f32 v12, v10;
	v11 =	vadd.f32 v13, v11;
	vm3 =	vgt.f32 v15, v9  }
0x176: {  	v12 =	vnsel vm3, $0x0, v15;
	v13 =	vsel vm3, $0x3F800000, v4;
	v15 =	vld [tilespmem:s19+$0x100]  }
0x177: {  	v10 =	vadd.f32 v12, v10;
	v11 =	vadd.f32 v13, v11;
	vm3 =	vgt.f32 v14, v9  }
0x178: {  	v12 =	vnsel vm3, $0x0, v14;
	v13 =	vsel vm3, $0x3F800000, v4;
	v14 =	vld [tilespmem:s16+$0x50]  }
0x179: {  	v10 =	vadd.f32 v12, v10;
	v11 =	vadd.f32 v13, v11;
	vm3 =	vgt.f32 v16, v9  }
0x17a: {  	v12 =	vnsel vm3, $0x0, v16;
	v13 =	vsel vm3, $0x3F800000, v4;
	v16 =	vld [tilespmem:s16+$0x60]  }
0x17b: {  	v10 =	vadd.f32 v12, v10;
	v11 =	vadd.f32 v13, v11;
	vm3 =	vgt.f32 v15, v9  }
0x17c: {  	v12 =	vnsel vm3, $0x0, v15;
	v13 =	vsel vm3, $0x3F800000, v4;
	v15 =	vld [tilespmem:s16+$0x70]  }
0x17d: {  	v10 =	vadd.f32 v12, v10;
	v11 =	vadd.f32 v13, v11;
	vm3 =	vgt.f32 v14, v9  }
0x17e: {  	v12 =	vnsel vm3, $0x0, v14;
	v13 =	vsel vm3, $0x3F800000, v4;
	v14 =	vld [tilespmem:s16+$0x80]  }
0x17f: {  	v10 =	vadd.f32 v12, v10;
	v11 =	vadd.f32 v13, v11;
	vm3 =	vgt.f32 v16, v9  }
0x180: {  	v12 =	vnsel vm3, $0x0, v16;
	v13 =	vsel vm3, $0x3F800000, v4;
	v16 =	vld [tilespmem:s16+$0x90]  }
0x181: {  	v10 =	vadd.f32 v12, v10;
	v11 =	vadd.f32 v13, v11;
	vm3 =	vgt.f32 v15, v9  }
0x182: {  	v12 =	vnsel vm3, $0x0, v15;
	v13 =	vsel vm3, $0x3F800000, v4;
	v15 =	vld [tilespmem:s16+$0xA0]  }
0x183: {  	v10 =	vadd.f32 v12, v10;
	v11 =	vadd.f32 v13, v11;
	vm3 =	vgt.f32 v14, v9  }
.Ltmp7:
0x184: {  	v13 =	vnsel vm3, $0x0, v14;
	v14 =	vsel vm3, $0x3F800000, v4;
	v12 =	vld [tilespmem:s16+$0xB0];
	(pc) =	sbr.rel @p2 .LBB2_9-.Ltmp7, $4  }
0x185: {  	v13 =	vadd.f32 v13, v10;
	v11 =	vadd.f32 v14, v11;
	vm3 =	vgt.f32 v16, v9  }
0x186: {  	v14 =	vnsel vm3, $0x0, v16;
	v16 =	vsel vm3, $0x3F800000, v4;
	v10 =	vld [tilespmem:s19+$0x180]  }
0x187: {  	s16 =	sadd.s32 $0x190, s16;
	v13 =	vadd.f32 v14, v13;
	v14 =	vadd.f32 v16, v11;
	vm3 =	vgt.f32 v15, v9  }
0x188: {  	s18 =	sadd.s32 $0x190, s18;
	v11 =	vld [tilespmem:s16+$0xFFFFFF40];
	v15 =	vnsel vm3, $0x0, v15;
	v16 =	vsel vm3, $0x3F800000, v4  }
0x189: {  	v14 =	vadd.f32 v16, v14;
	vm3 =	vgt.f32 v12, v9  }
0x18a: {  	v29 =	vld [tilespmem:s16+$0xFFFFFF50];
	v17 =	vsel vm3, $0x3F800000, v4  }
0x18b: {  	v14 =	vadd.f32 v17, v14;
	vm4 =	vgt.f32 v10, v9  }
0x18c: {  	v30 =	vld [tilespmem:s16+$0xFFFFFF60];
	v18 =	vsel vm4, $0x3F800000, v4  }
0x18d: {  	v13 =	vadd.f32 v15, v13;
	vm5 =	vgt.f32 v11, v9;
	v14 =	vadd.f32 v18, v14  }
0x18e: {  	v32 =	vld [tilespmem:s16+$0xFFFFFF70];
	v12 =	vnsel vm3, $0x0, v12;
	v31 =	vsel vm5, $0x3F800000, v4  }
0x18f: {  	v12 =	vadd.f32 v12, v13;
	vm3 =	vgt.f32 v29, v9;
	v33 =	vadd.f32 v31, v14  }
0x190: {  	v35 =	vld [tilespmem:s16+$0xFFFFFF80];
	v10 =	vnsel vm4, $0x0, v10;
	v34 =	vsel vm3, $0x3F800000, v4  }
0x191: {  	v10 =	vadd.f32 v10, v12;
	vm8 =	vgt.f32 v30, v9;
	v36 =	vadd.f32 v34, v33  }
0x192: {  	v38 =	vld [tilespmem:s16+$0xFFFFFF90];
	v11 =	vnsel vm5, $0x0, v11;
	v37 =	vsel vm8, $0x3F800000, v4  }
0x193: {  	vm9 =	vgt.f32 v32, v9;
	v10 =	vadd.f32 v11, v10;
	v39 =	vadd.f32 v37, v36  }
0x194: {  	v42 =	vld [tilespmem:s16+$0xFFFFFFA0];
	v40 =	vnsel vm3, $0x0, v29;
	v41 =	vsel vm9, $0x3F800000, v4  }
0x195: {  	vm3 =	vgt.f32 v35, v9;
	v10 =	vadd.f32 v40, v10;
	v11 =	vadd.f32 v41, v39  }
0x196: {  	v45 =	vld [tilespmem:s16+$0xFFFFFFB0];
	v43 =	vnsel vm8, $0x0, v30;
	v44 =	vsel vm3, $0x3F800000, v4  }
0x197: {  	s17 =	sand.u32 $0x7FF0, s17;
	vm10 =	vgt.f32 v38, v9;
	v10 =	vadd.f32 v43, v10;
	v11 =	vadd.f32 v44, v11  }
0x198: {  	v48 =	vld [tilespmem:s17+$0x80];
	v46 =	vnsel vm9, $0x0, v32;
	v47 =	vsel vm10, $0x3F800000, v4  }
0x199: {  	vm11 =	vgt.f32 v42, v9;
	v10 =	vadd.f32 v46, v10;
	v11 =	vadd.f32 v47, v11  }
0x19a: {  	v51 =	vld [tilespmem:s16+$0xFFFFFFD0];
	v50 =	vsel vm11, $0x3F800000, v4;
	v49 =	vnsel vm3, $0x0, v35  }
0x19b: {  	vm3 =	vgt.f32 v45, v9;
	v10 =	vadd.f32 v49, v10;
	v11 =	vadd.f32 v50, v11  }
0x19c: {  	v54 =	vld [tilespmem:s16+$0xFFFFFFE0];
	v52 =	vnsel vm10, $0x0, v38;
	v53 =	vsel vm3, $0x3F800000, v4  }
0x19d: {  	vm12 =	vgt.f32 v48, v9;
	v10 =	vadd.f32 v52, v10;
	v11 =	vadd.f32 v53, v11  }
0x19e: {  	v57 =	vld [tilespmem:s16+$0xFFFFFFF0];
	v55 =	vnsel vm11, $0x0, v42;
	v56 =	vsel vm12, $0x3F800000, v4  }
0x19f: {  	vm13 =	vgt.f32 v51, v9;
	v10 =	vadd.f32 v55, v10;
	v11 =	vadd.f32 v56, v11  }
0x1a0: {  	v60 =	vld [tilespmem:s16+$0x0];
	v59 =	vsel vm13, $0x3F800000, v4;
	v58 =	vnsel vm3, $0x0, v45  }
0x1a1: {  	vm3 =	vgt.f32 v54, v9;
	v10 =	vadd.f32 v58, v10;
	v11 =	vadd.f32 v59, v11  }
0x1a2: {  	v63 =	vld [tilespmem:s16+$0x10];
	v61 =	vnsel vm12, $0x0, v48;
	v62 =	vsel vm3, $0x3F800000, v4  }
0x1a3: {  	vm14 =	vgt.f32 v57, v9;
	v10 =	vadd.f32 v61, v10;
	v11 =	vadd.f32 v62, v11  }
0x1a4: {  	v22 =	vld [tilespmem:s16+$0x20];
	v20 =	vnsel vm13, $0x0, v51;
	v21 =	vsel vm14, $0x3F800000, v4  }
0x1a5: {  	vm15 =	vgt.f32 v60, v9;
	v10 =	vadd.f32 v20, v10;
	v11 =	vadd.f32 v21, v11  }
0x1a6: {  	v25 =	vld [tilespmem:s16+$0x30];
	v24 =	vsel vm15, $0x3F800000, v4;
	v23 =	vnsel vm3, $0x0, v54  }
0x1a7: {  	vm3 =	vgt.f32 v63, v9;
	v10 =	vadd.f32 v23, v10;
	v11 =	vadd.f32 v24, v11  }
0x1a8: {  	v28 =	vld [tilespmem:s17+$0x100];
	v26 =	vnsel vm14, $0x0, v57;
	v27 =	vsel vm3, $0x3F800000, v4  }
0x1a9: {  	vm8 =	vgt.f32 v22, v9;
	v10 =	vadd.f32 v26, v10;
	v11 =	vadd.f32 v27, v11  }
0x1aa: {  	v29 =	vnsel vm15, $0x0, v60;
	v31 =	vld [tilespmem:s16+$0x50];
	v30 =	vsel vm8, $0x3F800000, v4  }
0x1ab: {  	vm9 =	vgt.f32 v25, v9;
	v10 =	vadd.f32 v29, v10;
	v11 =	vadd.f32 v30, v11  }
0x1ac: {  	v33 =	vsel vm9, $0x3F800000, v4;
	v34 =	vld [tilespmem:s16+$0x60];
	v32 =	vnsel vm3, $0x0, v63  }
0x1ad: {  	vm3 =	vgt.f32 v28, v9;
	v10 =	vadd.f32 v32, v10;
	v11 =	vadd.f32 v33, v11  }
0x1ae: {  	v35 =	vnsel vm8, $0x0, v22;
	v37 =	vld [tilespmem:s16+$0x70];
	v36 =	vsel vm3, $0x3F800000, v4  }
0x1af: {  	vm10 =	vgt.f32 v31, v9;
	v10 =	vadd.f32 v35, v10;
	v11 =	vadd.f32 v36, v11  }
0x1b0: {  	v38 =	vnsel vm9, $0x0, v25;
	v40 =	vld [tilespmem:s16+$0x80];
	v39 =	vsel vm10, $0x3F800000, v4  }
0x1b1: {  	vm11 =	vgt.f32 v34, v9;
	v10 =	vadd.f32 v38, v10;
	v11 =	vadd.f32 v39, v11  }
0x1b2: {  	v43 =	vld [tilespmem:s16+$0x90];
	v41 =	vnsel vm3, $0x0, v28;
	v42 =	vsel vm11, $0x3F800000, v4  }
0x1b3: {  	vm3 =	vgt.f32 v37, v9;
	v10 =	vadd.f32 v41, v10;
	v11 =	vadd.f32 v42, v11  }
0x1b4: {  	v46 =	vld [tilespmem:s16+$0xA0];
	v44 =	vnsel vm10, $0x0, v31;
	v45 =	vsel vm3, $0x3F800000, v4  }
0x1b5: {  	vm12 =	vgt.f32 v40, v9;
	v10 =	vadd.f32 v44, v10;
	v11 =	vadd.f32 v45, v11  }
0x1b6: {  	v48 =	vsel vm12, $0x3F800000, v4;
	v49 =	vld [tilespmem:s16+$0xB0];
	v47 =	vnsel vm11, $0x0, v34  }
0x1b7: {  	vm13 =	vgt.f32 v43, v9;
	v10 =	vadd.f32 v47, v10;
	v11 =	vadd.f32 v48, v11  }
0x1b8: {  	v51 =	vsel vm13, $0x3F800000, v4;
	v52 =	vld [tilespmem:s17+$0x180];
	v50 =	vnsel vm3, $0x0, v37  }
0x1b9: {  	vm3 =	vgt.f32 v46, v9;
	v10 =	vadd.f32 v50, v10;
	v11 =	vadd.f32 v51, v11  }
0x1ba: {  	v54 =	vsel vm3, $0x3F800000, v4;
	v53 =	vnsel vm12, $0x0, v40  }
0x1bb: {  	vm14 =	vgt.f32 v49, v9;
	v10 =	vadd.f32 v53, v10;
	v11 =	vadd.f32 v54, v11  }
0x1bc: {  	v55 =	vnsel vm13, $0x0, v43;
	v56 =	vsel vm14, $0x3F800000, v4  }
0x1bd: {  	vm15 =	vgt.f32 v52, v9;
	v10 =	vadd.f32 v55, v10;
	v11 =	vadd.f32 v56, v11  }
0x1be: {  	v57 =	vnsel vm3, $0x0, v46;
	v58 =	vsel vm15, $0x3F800000, v4  }
0x1bf: {  	v10 =	vadd.f32 v57, v10;
	v11 =	vadd.f32 v58, v11  }
0x1c0: {  	v59 =	vnsel vm14, $0x0, v49  }
0x1c1: {  	v10 =	vadd.f32 v59, v10;
	v60 =	vperm.xlane v11, v2  }
0x1c2: {  	v61 =	vnsel vm15, $0x0, v52  }
0x1c3: {  	v10 =	vadd.f32 v61, v10;
	v11 =	vadd.f32 v60, v11;
	_ =	sdelay $0x1  }
0x1c4: {  	v13 =	vperm.xlane v10, v2;
	v12 =	vperm.xlane v11, v5;
	_ =	sdelay $0x1  }
0x1c5: {  	v10 =	vadd.f32 v13, v10;
	v11 =	vadd.f32 v12, v11;
	_ =	sdelay $0x1  }
0x1c6: {  	v13 =	vperm.xlane v10, v5;
	v12 =	vperm.xlane v11, v6;
	_ =	sdelay $0x1  }
0x1c7: {  	v10 =	vadd.f32 v13, v10;
	v11 =	vadd.f32 v12, v11;
	_ =	sdelay $0x1  }
0x1c8: {  	v13 =	vperm.xlane v10, v6;
	v12 =	vperm.xlane v11, v7;
	_ =	sdelay $0x1  }
0x1c9: {  	v10 =	vadd.f32 v13, v10;
	v11 =	vadd.f32 v12, v11;
	_ =	sdelay $0x1  }
0x1ca: {  	v62 =	vperm.xlane v10, v7;
	v11 =	vsub.f32 v8, v11;
	_ =	sdelay $0x1  }
0x1cb: {  	v10 =	vadd.f32 v62, v10;
	v63 =	vmul.f32 v11, v9;
	_ =	sdelay $0x1  }
0x1cc: {  	vm3 =	vgt.f32 v8, $0.0e+00;
	v8 =	vadd.f32 v10, v63  }
0x1cd: {  	vm3 =	vmand vm0, vm3  }
0x1ce: {  	v8 =	vnsel vm3, $0x0, v8  }
.Ltmp8:
0x1cf: {  	[tilespmem:$0x5080] =	vst v8;
	(pc) =	sbr.rel .LBB2_11-.Ltmp8, $4  }
0x1d0: {  	[hbm4b:s12+s3] =	stream.linear.scatter [tilespmem:s13], [sflag:$0x1], $0x80, $0x38;
	[tilespmem:$0x5900] =	vst v63  }
0x1d1: {  	_ =	swait.ge [sflag:s9], $0x80  }
0x1d2: {  	[sflag:s9] =	ssyncset.done $0x0  }
0x1d3: {  	[sflag:s9] =	ssyncadd.s32 $0xFFFFFF80  }
.LBB2_12:
0x1d4: {  	[tilespmem:s14], [sflag:$0x1] =	stream.linear.gather [hbm4b:s2+s3], $0x800, $0x38;
	[tilespmem:$0x5900] =	vst v63  }
0x1d5: {  	_ =	swait.ge [sflag:s9], $0x800  }
0x1d6: {  	[sflag:s9] =	ssyncset.done $0x0  }
0x1d7: {  	[sflag:s9] =	ssyncadd.s32 $0xFFFFF800  }
0x1d8: {  	v8 =	vld [tilespmem:$0x5100];
	_ =	sdelay $0x1  }
0x1d9: {  	v9 =	vld [tilespmem:$0x5180];
	_ =	sdelay $0x1  }
0x1da: {  	v10 =	vld [tilespmem:$0x5200]  }
0x1db: {  	v8 =	vadd.f32 $0.0e+00, v8  }
0x1dc: {  	v11 =	vld [tilespmem:$0x5280]  }
0x1dd: {  	v8 =	vadd.f32 v9, v8  }
0x1de: {  	v33 =	vld [tilespmem:$0x5300]  }
0x1df: {  	v8 =	vadd.f32 v10, v8  }
0x1e0: {  	v34 =	vld [tilespmem:$0x5380]  }
0x1e1: {  	v8 =	vadd.f32 v11, v8  }
0x1e2: {  	v35 =	vld [tilespmem:$0x5400]  }
0x1e3: {  	v8 =	vadd.f32 v33, v8  }
0x1e4: {  	v36 =	vld [tilespmem:$0x5480]  }
0x1e5: {  	v8 =	vadd.f32 v34, v8  }
0x1e6: {  	v37 =	vld [tilespmem:$0x5500]  }
0x1e7: {  	v8 =	vadd.f32 v35, v8  }
0x1e8: {  	v38 =	vld [tilespmem:$0x5580]  }
0x1e9: {  	v39 =	vld [tilespmem:$0x5600];
	v8 =	vadd.f32 v36, v8  }
0x1ea: {  	v12 =	vld [tilespmem:$0x4E80]  }
0x1eb: {  	v8 =	vadd.f32 v37, v8  }
0x1ec: {  	v40 =	vld [tilespmem:$0x5680]  }
0x1ed: {  	v8 =	vadd.f32 v38, v8  }
0x1ee: {  	v41 =	vld [tilespmem:$0x5700]  }
0x1ef: {  	v42 =	vperm.xlane v12, v2;
	v8 =	vadd.f32 v39, v8  }
0x1f0: {  	v13 =	vld [tilespmem:$0x5780]  }
0x1f1: {  	v9 =	vadd.f32 v42, v12;
	v8 =	vadd.f32 v40, v8  }
0x1f2: {  	v43 =	vld [tilespmem:$0x5800]  }
0x1f3: {  	v44 =	vperm.xlane v9, v5;
	v8 =	vadd.f32 v41, v8  }
0x1f4: {  	v45 =	vld [tilespmem:$0x5880]  }
0x1f5: {  	v46 =	vld [tilespmem:$0x4F80];
	v9 =	vadd.f32 v44, v9;
	v8 =	vadd.f32 v13, v8;
	_ =	sdelay $0x1  }
0x1f6: {  	v47 =	vperm.xlane v9, v6;
	v8 =	vadd.f32 v43, v8  }
0x1f7: {  	v48 =	vld [tilespmem:$0x4F00]  }
0x1f8: {  	v9 =	vadd.f32 v47, v9;
	v8 =	vadd.f32 v45, v8  }
0x1f9: {  	v49 =	vperm.xlane v46, v2  }
0x1fa: {  	v50 =	vperm.xlane v9, v7;
	v14 =	vperm.xlane v8, v2  }
0x1fb: {  	v10 =	vadd.f32 v49, v46  }
0x1fc: {  	v51 =	vperm.xlane v48, v2;
	v9 =	vadd.f32 v50, v9;
	v8 =	vadd.f32 v14, v8  }
0x1fd: {  	v52 =	vperm.xlane v10, v5  }
0x1fe: {  	v11 =	vadd.f32 v51, v48;
	v54 =	vmul.f32 $4.000000000e+00, v9;
	v53 =	vperm.xlane v8, v5  }
0x1ff: {  	v10 =	vadd.f32 v52, v10  }
0x200: {  	v55 =	vperm.xlane v11, v5;
	v56 =	vmax.f32 v54, $1.000000000e+00;
	v8 =	vadd.f32 v53, v8  }
0x201: {  	v57 =	vperm.xlane v10, v6;
	v9 =	vmax.f32 v9, $1.000000000e+00;
	(erf) = vrcp.f32 v56  }
0x202: {  	(erf) = vrcp.f32 v9;
	v58 =	vperm.xlane v8, v6  }
0x203: {  	v11 =	vadd.f32 v55, v11  }
0x204: {  	v10 =	vadd.f32 v57, v10;
	v8 =	vadd.f32 v58, v8  }
0x205: {  	v59 =	vperm.xlane v11, v6  }
0x206: {  	v60 =	vperm.xlane v10, v7;
	v61 =	vperm.xlane v8, v7  }
0x207: {  	v9 =	vadd.f32 v59, v11  }
0x208: {  	v10 =	vadd.f32 v60, v10;
	v8 =	vadd.f32 v61, v8  }
0x209: {  	v11 =	vperm.xlane v9, v7  }
0x20a: {  	v62 =	vpop (erf);
	v8 =	vadd.f32 v8, v10  }
0x20b: {  	v9 =	vadd.f32 v11, v9;
	v63 =	vpop (erf)  }
0x20c: {  	v8 =	vmul.f32 v8, v63  }
0x20d: {  	v9 =	vmul.f32 v9, v62  }
0x20e: {  	v8 =	vsel vm1, $0x0, v8  }
0x20f: {  	v8 =	vsel vm2, v9, v8  }
.Ltmp9:
0x210: {  	[tilespmem:$0x5080] =	vst v8;
	(pc) =	sbr.rel .LBB2_13-.Ltmp9, $4  }
0x211: {  	[hbm4b:s5+s3] =	stream.linear.scatter [tilespmem:s13], [sflag:$0x1], $0x80, $0x38;
	[tilespmem:$0x5900] =	vst v63  }
0x212: {  	_ =	swait.ge [sflag:s9], $0x80  }
0x213: {  	[sflag:s9] =	ssyncset.done $0x0  }
0x214: {  	[sflag:s9] =	ssyncadd.s32 $0xFFFFFF80  }
.LBB2_14:
0x215: {  	_ =	sfence.sel $0x180000  }
0x216: {  	[bflag:$0x0] =	sbarrier.arrive $0xFFFF  }
0x217: {  	p0 =	sne.s32 s0, $0x0;
	_ =	strace $0x90000047  }
0x218: {  	s0 =	sadd.s32 @!p0 $0x100000, s1;
	[bflag:$0x2] =	sbarrier.arrive $0xFFFF  }
0x219: {  	[sflag:s0] =	ssyncadd.tile.s32 @!p0 $0x1;
	_ =	shalt  }
.Lfunc_end2:
_tile_overlayer_lowered:
.L_overlay_start_2:
0x21a: {  	(tag) =	ssettag $0x2  }
0x21b: {  	s0 =	rddreg [dreg:$0x0];
	s2 =	stileid.u32  }
0x21c: {  	s1 =	rddreg [dreg:$0x1];
	p0 =	sne.s32 s2, $0x0  }
0x21d: {  	s3 =	rddreg [dreg:$0x2];
	[bflag:$0x3] =	sbarrier.arrive $0xFFFF;
	s2 =	simm.s32 @!p0 $0x1C01  }
0x21e: {  	[timem:s3], [sflag:s2] =	dma.local @!p0 [hbm:s0], s1  }
0x21f: {  	s0 =	simm.s32 @!p0 $0x1  }
0x220: {  	_ =	swait.ge @!p0 [sflag:s0], s1  }
0x221: {  	s1 =	ssub.s32 @!p0 $0x0, s1;
	[sflag:s0] =	ssyncset.done @!p0 $0x0  }
0x222: {  	[sflag:s0] =	ssyncadd.s32 @!p0 s1  }
0x223: {  	[bflag:$0x3] =	sbarrier.arrive $0xFFFF  }
0x224: {  	_ =	shalt  }

</sc_bundles>
